<compile_context>
chip_gen: v7x
topology: tpu7x:2x2x1
jax: 0.10.2.dev20260603
libtpu: 0.0.44.dev20260713+nightly
codegen_flags: <defaults>
</compile_context>

<pallas_src>
import functools

import jax
import jax.numpy as jnp
from jax import lax
from jax.experimental import pallas as pl
from jax.experimental.pallas import tpu as pltpu
from jax.experimental.pallas import tpu_sc as plsc

N = 10000
E = 160000
IN_DIM = 256
HID = 512
OUT_DIM = 256
EPS = 0.3

NP_ = 10240
NC = 2
NS = 16
NW = NC * NS
EP_W = 5120
EP = NW * EP_W
NB = 40
BE = 128
DC = 32
NCH = HID // DC
RB = 256

f32 = jnp.float32
i32 = jnp.int32





def _tc_front_body(h_ref, w_ref, b_ref, g_ref, gb_ref, h0_ref, proj_ref):
    acc = jnp.dot(h_ref[...], w_ref[...], preferred_element_type=f32)
    h0 = jnp.maximum(acc + b_ref[...], 0.0)
    h0_ref[...] = h0
    proj_ref[...] = jnp.dot(h0, g_ref[...], preferred_element_type=f32) + gb_ref[...]


def _tc_front(hp, t1_w, t1_b, G, gbias):
    grid = (NP_ // RB,)
    return pl.pallas_call(
        _tc_front_body,
        grid=grid,
        in_specs=[
            pl.BlockSpec((RB, IN_DIM), lambda i: (i, 0)),
            pl.BlockSpec((IN_DIM, HID), lambda i: (0, 0)),
            pl.BlockSpec((1, HID), lambda i: (0, 0)),
            pl.BlockSpec((HID, 128), lambda i: (0, 0)),
            pl.BlockSpec((1, 128), lambda i: (0, 0)),
        ],
        out_specs=[
            pl.BlockSpec((RB, HID), lambda i: (i, 0)),
            pl.BlockSpec((RB, 128), lambda i: (i, 0)),
        ],
        out_shape=[
            jax.ShapeDtypeStruct((NP_, HID), f32),
            jax.ShapeDtypeStruct((NP_, 128), f32),
        ],
    )(hp, t1_w, t1_b, G, gbias)



def _tc_back_body(h0_ref, z2a_ref, z2b_ref, z3a_ref, z3b_ref,
                  wmu_ref, bmu_ref, wls_ref, bls_ref, mu_ref, ls_ref):
    base = EPS * h0_ref[...]
    hm = base + z2a_ref[...] + z2b_ref[...]
    mu_ref[...] = jnp.dot(hm, wmu_ref[...], preferred_element_type=f32) + bmu_ref[...]
    hl = base + z3a_ref[...] + z3b_ref[...]
    ls_ref[...] = jnp.dot(hl, wls_ref[...], preferred_element_type=f32) + bls_ref[...]


def _tc_back(h0, z2a, z2b, z3a, z3b, tmu_w, tmu_b, tls_w, tls_b):
    grid = (NP_ // RB,)
    row = lambda i: (i, 0)
    full = lambda i: (0, 0)
    return pl.pallas_call(
        _tc_back_body,
        grid=grid,
        in_specs=[
            pl.BlockSpec((RB, HID), row),
            pl.BlockSpec((RB, HID), row),
            pl.BlockSpec((RB, HID), row),
            pl.BlockSpec((RB, HID), row),
            pl.BlockSpec((RB, HID), row),
            pl.BlockSpec((HID, OUT_DIM), full),
            pl.BlockSpec((1, OUT_DIM), full),
            pl.BlockSpec((HID, OUT_DIM), full),
            pl.BlockSpec((1, OUT_DIM), full),
        ],
        out_specs=[
            pl.BlockSpec((RB, OUT_DIM), row),
            pl.BlockSpec((RB, OUT_DIM), row),
        ],
        out_shape=[
            jax.ShapeDtypeStruct((NP_, OUT_DIM), f32),
            jax.ShapeDtypeStruct((NP_, OUT_DIM), f32),
        ],
    )(h0, z2a, z2b, z3a, z3b, tmu_w, tmu_b, tls_w, tls_b)



def _sc_body(src3_h, dst3_h,
             q2d_h, q2s_h, q3d_h, q3s_h, h0r_h,
             z2_o, z3_o,
             qd_v, qs_v, dvec_v, hist2_v,
             src2_v, dst2_v, e2_v, e3_v,
             idx0_v, idx1_v, rows0_v, rows1_v,
             st0_v, st1_v, iota_v,
             gsem, ssem,
             a23_s, dg_s):
    ci = lax.axis_index("c")
    si = lax.axis_index("s")
    wid = ci * NS + si

    zv16 = jnp.zeros((16,), f32)

    @pl.loop(0, 5)
    def _(k):
        for m in range(8):
            iota_v[k, pl.ds(m * 16, 16)] = (
                lax.iota(i32, 16) + (k * 128 + m * 16))

    @pl.loop(0, NP_ // 16)
    def _(r):
        dvec_v[pl.ds(r * 16, 16)] = zv16

    @pl.loop(0, NP_ // 16)
    def _(r):
        hist2_v[r] = zv16

    @pl.when(si == 0)
    def _():
        pltpu.sync_copy(hist2_v, dg_s)
    plsc.subcore_barrier()

    ones16 = jnp.ones((16,), f32)
    for half in range(2):
        pltpu.sync_copy(dst3_h.at[si * 2 + half], dst2_v)

        @pl.loop(0, NB)
        def _(b):
            for m in range(8):
                t = dst2_v[b, pl.ds(m * 16, 16)]
                plsc.addupdate_scatter(dvec_v, [t], ones16)

    @pl.loop(0, NP_ // 16)
    def _(r):
        hist2_v[r] = dvec_v[pl.ds(r * 16, 16)]

    @pl.loop(0, 5)
    def _(k):
        pltpu.sync_copy(hist2_v.at[pl.ds(k * 128, 128)],
                        dg_s.at[iota_v.at[k]], add=True)
    plsc.subcore_barrier()

    pltpu.sync_copy(dg_s, hist2_v)

    @pl.loop(0, NP_ // 16)
    def _(r):
        dg = hist2_v[r]
        x = jnp.maximum(dg, 1.0)
        bi = plsc.bitcast(x, i32)
        yi = 1597463007 - lax.shift_right_logical(bi, 1)
        y = plsc.bitcast(yi, f32)
        for _ in range(3):
            y = y * (1.5 - 0.5 * x * y * y)
        dvec_v[pl.ds(r * 16, 16)] = jnp.where(dg > 0.0, y, 0.0)

    pltpu.sync_copy(src3_h.at[wid], src2_v)
    pltpu.sync_copy(dst3_h.at[wid], dst2_v)

    def tanh16(x):
        ax = jnp.abs(x)
        u = jnp.exp(-2.0 * ax)
        th = (1.0 - u) / (1.0 + u)
        return jnp.where(x < 0.0, -th, th)

    for qd_h, qs_h, e_v in ((q2d_h, q2s_h, e2_v), (q3d_h, q3s_h, e3_v)):
        pltpu.sync_copy(qd_h, qd_v)
        pltpu.sync_copy(qs_h, qs_v)

        @pl.loop(0, NB)
        def _(b):
            for m in range(8):
                s = src2_v[b, pl.ds(m * 16, 16)]
                t = dst2_v[b, pl.ds(m * 16, 16)]
                dd = (plsc.load_gather(dvec_v, [s]) *
                      plsc.load_gather(dvec_v, [t]))
                x = (plsc.load_gather(qd_v, [t]) +
                     plsc.load_gather(qs_v, [s]))
                e_v[pl.ds(b * 128 + m * 16, 16)] = tanh16(x) * dd

    rowsb = (rows0_v, rows1_v)
    stb = (st0_v, st1_v)
    idxb = (idx0_v, idx1_v)

    @pl.loop(0, NCH)
    def _(c):
        def gissue(par, b):
            for m in range(8):
                idxb[par][pl.ds(m * 16, 16)] = (
                    src2_v[b, pl.ds(m * 16, 16)] + c * NP_)
            pltpu.async_copy(h0r_h.at[idxb[par]], rowsb[par], gsem[par])

        @pl.loop(0, BE, unroll=4)
        def _(j):
            for k in range(4):
                st0_v[j, pl.ds(k * 16, 16)] = zv16
        for k in range(5):
            pltpu.sync_copy(st0_v, a23_s.at[pl.ds(si * 640 + k * 128, 128)])
        plsc.subcore_barrier()

        gissue(0, 0)
        gissue(1, 1)

        @pl.loop(0, NB, step=2)
        def _(i):
            for par in range(2):
                b = i + par
                pltpu.make_async_copy(
                    h0r_h.at[idxb[par]], rowsb[par], gsem[par]).wait()

                @pl.when(b >= 2)
                def _():
                    pltpu.make_async_copy(
                        stb[par], a23_s.at[dst2_v.at[b - 2]],
                        ssem[par]).wait()

                @pl.loop(0, BE // 16)
                def _(jj):
                    e2g = e2_v[pl.ds(b * BE + jj * 16, 16)]
                    e3g = e3_v[pl.ds(b * BE + jj * 16, 16)]
                    for j16 in range(16):
                        j = jj * 16 + j16
                        e2s = e2g[j16]
                        e3s = e3g[j16]
                        for k in range(2):
                            r = rowsb[par][j, pl.ds(k * 16, 16)]
                            stb[par][j, pl.ds(k * 16, 16)] = r * e2s
                            stb[par][j, pl.ds(32 + k * 16, 16)] = r * e3s

                pltpu.async_copy(stb[par], a23_s.at[dst2_v.at[b]],
                                 ssem[par], add=True)

                @pl.when(b + 2 < NB)
                def _():
                    gissue(par, b + 2)

        for par in range(2):
            b = NB - 2 + par
            pltpu.make_async_copy(
                stb[par], a23_s.at[dst2_v.at[b]], ssem[par]).wait()

        plsc.subcore_barrier()
        for k in range(5):
            r0 = si * 640 + k * 128
            pltpu.sync_copy(a23_s.at[pl.ds(r0, 128), pl.ds(0, DC)],
                            z2_o.at[ci, pl.ds(r0, 128), pl.ds(c * DC, DC)])
            pltpu.sync_copy(a23_s.at[pl.ds(r0, 128), pl.ds(DC, DC)],
                            z3_o.at[ci, pl.ds(r0, 128), pl.ds(c * DC, DC)])
        plsc.subcore_barrier()


def _sc_edge(src3, dst3, q2d, q2s, q3d, q3s, h0r):
    mesh = plsc.VectorSubcoreMesh(core_axis_name="c", subcore_axis_name="s")
    kfn = pl.kernel(
        _sc_body,
        out_type=[
            jax.ShapeDtypeStruct((NC, NP_, HID), f32),
            jax.ShapeDtypeStruct((NC, NP_, HID), f32),
        ],
        mesh=mesh,
        compiler_params=pltpu.CompilerParams(
            needs_layout_passes=False, use_tc_tiling_on_sc=False),
        scratch_types=[
            pltpu.VMEM((NP_,), f32),
            pltpu.VMEM((NP_,), f32),
            pltpu.VMEM((NP_,), f32),
            pltpu.VMEM((NP_ // 16, 16), f32),
            pltpu.VMEM((NB, BE), i32),
            pltpu.VMEM((NB, BE), i32),
            pltpu.VMEM((EP_W,), f32),
            pltpu.VMEM((EP_W,), f32),
            pltpu.VMEM((BE,), i32),
            pltpu.VMEM((BE,), i32),
            pltpu.VMEM((BE, DC), f32),
            pltpu.VMEM((BE, DC), f32),
            pltpu.VMEM((BE, 2 * DC), f32),
            pltpu.VMEM((BE, 2 * DC), f32),
            pltpu.VMEM((5, 128), i32),
            [pltpu.SemaphoreType.DMA, pltpu.SemaphoreType.DMA],
            [pltpu.SemaphoreType.DMA, pltpu.SemaphoreType.DMA],
            pltpu.VMEM_SHARED((NP_, 2 * DC), f32),
            pltpu.VMEM_SHARED((NP_ // 16, 16), f32),
        ],
    )
    return kfn(src3, dst3, q2d, q2s, q3d, q3s, h0r)



def kernel(h, edge_index, t1_w, t1_b, gate2_w, gate2_b, gate3_w, gate3_b,
           tmu_w, tmu_b, tls_w, tls_b):
    hp = jnp.zeros((NP_, IN_DIM), f32).at[:N].set(h)

    G = jnp.zeros((HID, 128), f32)
    G = G.at[:, 0].set(gate2_w[-1, :HID, 0])
    G = G.at[:, 1].set(gate2_w[-1, HID:, 0])
    G = G.at[:, 2].set(gate3_w[-1, :HID, 0])
    G = G.at[:, 3].set(gate3_w[-1, HID:, 0])
    gbias = jnp.zeros((1, 128), f32)
    gbias = gbias.at[0, 0].set(gate2_b[-1, 0])
    gbias = gbias.at[0, 2].set(gate3_b[-1, 0])

    h0, proj = _tc_front(hp, t1_w, t1_b.reshape(1, HID), G, gbias)

    h0r = h0.reshape(NP_, NCH, DC).transpose(1, 0, 2).reshape(NCH * NP_, DC)
    q2d = proj[:, 0]
    q2s = proj[:, 1]
    q3d = proj[:, 2]
    q3s = proj[:, 3]

    src = edge_index[0].astype(i32)
    dst = edge_index[1].astype(i32)
    srcp = jnp.full((EP,), N, i32).at[:E].set(src)
    dstp = jnp.full((EP,), N, i32).at[:E].set(dst)

    z2p, z3p = _sc_edge(
        srcp.reshape(NW, NB, BE),
        dstp.reshape(NW, NB, BE),
        q2d, q2s, q3d, q3s, h0r)

    z2a, z2b = z2p[0], z2p[1]
    z3a, z3b = z3p[0], z3p[1]

    mu, ls = _tc_back(h0, z2a, z2b, z3a, z3b,
                      tmu_w, tmu_b.reshape(1, OUT_DIM),
                      tls_w, tls_b.reshape(1, OUT_DIM))
    return (mu[:N], ls[:N])

# --- scband reference (transcript-rebuilt; emitter-appended) ---
"""Pipeline reference for scband-fagcn-91173565759776 (READ-ONLY COPY).

The authoritative reference and input builder live on the scoring server;
editing this copy changes nothing except your own understanding.
"""

import jax, jax.numpy as jnp
import numpy as np

N = 10000
E = 160000
IN_DIM = 256
HID = 512
OUT_DIM = 256
LAYER_NUM = 2
EPS = 0.3


def setup_inputs(seed: int = 0) -> dict:
    key = jax.random.key(seed)
    ks = jax.random.split(key, 14)
    h = jax.random.normal(ks[0], (N, IN_DIM), dtype=jnp.float32)
    edge_index = jax.random.randint(ks[1], (2, E), 0, N)
    def xav(k, shape):
        fan_in, fan_out = shape[0], shape[-1]
        std = 1.414 * np.sqrt(2.0 / (fan_in + fan_out))
        return jax.random.normal(k, shape, dtype=jnp.float32) * std
    t1_w = xav(ks[2], (IN_DIM, HID))
    t1_b = jnp.zeros((HID,), jnp.float32)
    gate2_w = xav(ks[3], (LAYER_NUM, 2 * HID, 1))
    gate2_b = jnp.zeros((LAYER_NUM, 1), jnp.float32)
    gate3_w = xav(ks[4], (LAYER_NUM, 2 * HID, 1))
    gate3_b = jnp.zeros((LAYER_NUM, 1), jnp.float32)
    tmu_w = xav(ks[5], (HID, OUT_DIM))
    tmu_b = jnp.zeros((OUT_DIM,), jnp.float32)
    tls_w = xav(ks[6], (HID, OUT_DIM))
    tls_b = jnp.zeros((OUT_DIM,), jnp.float32)
    return {"h": h, "edge_index": edge_index, "t1_w": t1_w, "t1_b": t1_b,
            "gate2_w": gate2_w, "gate2_b": gate2_b, "gate3_w": gate3_w,
            "gate3_b": gate3_b, "tmu_w": tmu_w, "tmu_b": tmu_b,
            "tls_w": tls_w, "tls_b": tls_b}


def reference(h, edge_index, t1_w, t1_b, gate2_w, gate2_b, gate3_w, gate3_b,
              tmu_w, tmu_b, tls_w, tls_b):
    src = edge_index[0]
    dst = edge_index[1]
    # node degree normalization d = deg^{-1/2} (FAGCN preprocessing)
    deg = jnp.zeros((N,), jnp.float32).at[dst].add(1.0)
    d = jnp.where(deg > 0, jnp.power(jnp.maximum(deg, 1.0), -0.5), 0.0)

    h0 = jax.nn.relu(h @ t1_w + t1_b)
    raw = h0

    def falayer(hh, Wg, bg):
        # edge_applying: gate over concat(dst_feat, src_feat)
        h2 = jnp.concatenate([hh[dst], hh[src]], axis=1)
        g = jnp.tanh(h2 @ Wg + bg).squeeze(-1)
        e = g * d[dst] * d[src]
        # update_all(u_mul_e, sum): scatter-add messages to dst
        msg = hh[src] * e[:, None]
        z = jax.ops.segment_sum(msg, dst, num_segments=N)
        return z

    h_mu = None
    for i in range(LAYER_NUM):
        h_mu = EPS * raw + falayer(h0, gate2_w[i], gate2_b[i])
    h_ls = None
    for i in range(LAYER_NUM):
        h_ls = EPS * raw + falayer(h0, gate3_w[i], gate3_b[i])

    mu = h_mu @ tmu_w + tmu_b
    logstd = h_ls @ tls_w + tls_b
    return (mu, logstd)

if __name__ == "__main__":
    import jax
    _d = setup_inputs()
    print(jax.jit(kernel)(*tuple(_d.values())))

</pallas_src>

<mosaic_0001>
#map = affine_map<(d0, d1) -> (0, 0, 0)>
#map1 = affine_map<(d0, d1) -> (0)>
#map2 = affine_map<(d0, d1) -> (0, 0)>
module attributes {stable_mosaic.version = 14 : i64} {
  func.func @_sc_body(%arg0: i32, %arg1: i32, %arg2: memref<32x40x128xi32, #tpu.memory_space<hbm>>, %arg3: memref<32x40x128xi32, #tpu.memory_space<hbm>>, %arg4: memref<10240xf32, #tpu.memory_space<hbm>>, %arg5: memref<10240xf32, #tpu.memory_space<hbm>>, %arg6: memref<10240xf32, #tpu.memory_space<hbm>>, %arg7: memref<10240xf32, #tpu.memory_space<hbm>>, %arg8: memref<163840x32xf32, #tpu.memory_space<hbm>>, %arg9: memref<2x10240x512xf32, #tpu.memory_space<hbm>>, %arg10: memref<2x10240x512xf32, #tpu.memory_space<hbm>>, %arg11: memref<10240xf32, #tpu.memory_space<vmem>>, %arg12: memref<10240xf32, #tpu.memory_space<vmem>>, %arg13: memref<10240xf32, #tpu.memory_space<vmem>>, %arg14: memref<640x16xf32, #tpu.memory_space<vmem>>, %arg15: memref<40x128xi32, #tpu.memory_space<vmem>>, %arg16: memref<40x128xi32, #tpu.memory_space<vmem>>, %arg17: memref<5120xf32, #tpu.memory_space<vmem>>, %arg18: memref<5120xf32, #tpu.memory_space<vmem>>, %arg19: memref<128xi32, #tpu.memory_space<vmem>>, %arg20: memref<128xi32, #tpu.memory_space<vmem>>, %arg21: memref<128x32xf32, #tpu.memory_space<vmem>>, %arg22: memref<128x32xf32, #tpu.memory_space<vmem>>, %arg23: memref<128x64xf32, #tpu.memory_space<vmem>>, %arg24: memref<128x64xf32, #tpu.memory_space<vmem>>, %arg25: memref<5x128xi32, #tpu.memory_space<vmem>>, %arg26: memref<!tpu.dma_semaphore, #tpu.memory_space<semaphore_mem>>, %arg27: memref<!tpu.dma_semaphore, #tpu.memory_space<semaphore_mem>>, %arg28: memref<!tpu.dma_semaphore, #tpu.memory_space<semaphore_mem>>, %arg29: memref<!tpu.dma_semaphore, #tpu.memory_space<semaphore_mem>>, %arg30: memref<10240x64xf32, #tpu.memory_space<vmem_shared>>, %arg31: memref<640x16xf32, #tpu.memory_space<vmem_shared>>) attributes {dimension_semantics = [#tpu.dimension_semantics<core_parallel>, #tpu.dimension_semantics<subcore_parallel>], iteration_bounds = array<i64: 2, 16>, scalar_prefetch = 0 : i64, scratch_operands = 21 : i64, tpu.core_type = #tpu.core_type<sc_vector_subcore>, window_params = [{transform_indices = #map}, {transform_indices = #map}, {transform_indices = #map1}, {transform_indices = #map1}, {transform_indices = #map1}, {transform_indices = #map1}, {transform_indices = #map2}, {transform_indices = #map}, {transform_indices = #map}]} {
    %mul3A = arith.constant 16 : i32
    %mul3A_0 = arith.muli %arg0, %mul3A : i32
    %add3A = arith.addi %mul3A_0, %arg1 : i32
    %broadcast_in_dim3A = arith.constant 0.000000e+00 : f32
    %broadcast_in_dim3A_1 = vector.broadcast %broadcast_in_dim3A : f32 to vector<16xf32>
    %scan3A = arith.constant 0 : i32
    %scan3A_2 = arith.constant 5 : i32
    %scan3A_3 = arith.addi %scan3A, %scan3A_2 : i32
    %scan3A_4 = arith.constant 1 : i32
    scf.for %scan3A_69 = %scan3A to %scan3A_3 step %scan3A_4  : i32 {
      %mul3A_70 = arith.constant 1 : i32
      %mul3A_71 = arith.muli %scan3A_69, %mul3A_70 : i32
      %add3A_72 = arith.constant 0 : i32
      %add3A_73 = arith.addi %add3A_72, %mul3A_71 : i32
      %iota3A = tpu.iota {dimensions = array<i32: 0>} : vector<16xi32>
      %mul3A_74 = arith.constant 128 : i32
      %mul3A_75 = arith.muli %add3A_73, %mul3A_74 : i32
      %add3A_76 = arith.constant 0 : i32
      %add3A_77 = arith.addi %mul3A_75, %add3A_76 : i32
      %add3A_78 = vector.broadcast %add3A_77 : i32 to vector<16xi32>
      %add3A_79 = arith.addi %iota3A, %add3A_78 : vector<16xi32>
      %swap3A = arith.index_cast %add3A_73 : i32 to index
      %swap3A_80 = arith.constant 0 : index
      %swap3A_81 = tpu.vector_load %arg25[%swap3A, %swap3A_80] {strides = array<i32>} : memref<5x128xi32, #tpu.memory_space<vmem>>, vector<16xi32>,
      tpu.vector_store %arg25[%swap3A, %swap3A_80], %add3A_79 {strides = array<i32>} : memref<5x128xi32, #tpu.memory_space<vmem>>, vector<16xi32>,
      %iota3A_82 = tpu.iota {dimensions = array<i32: 0>} : vector<16xi32>
      %mul3A_83 = arith.constant 128 : i32
      %mul3A_84 = arith.muli %add3A_73, %mul3A_83 : i32
      %add3A_85 = arith.constant 16 : i32
      %add3A_86 = arith.addi %mul3A_84, %add3A_85 : i32
      %add3A_87 = vector.broadcast %add3A_86 : i32 to vector<16xi32>
      %add3A_88 = arith.addi %iota3A_82, %add3A_87 : vector<16xi32>
      %swap3A_89 = arith.index_cast %add3A_73 : i32 to index
      %swap3A_90 = arith.constant 16 : index
      %swap3A_91 = tpu.vector_load %arg25[%swap3A_89, %swap3A_90] {strides = array<i32>} : memref<5x128xi32, #tpu.memory_space<vmem>>, vector<16xi32>,
      tpu.vector_store %arg25[%swap3A_89, %swap3A_90], %add3A_88 {strides = array<i32>} : memref<5x128xi32, #tpu.memory_space<vmem>>, vector<16xi32>,
      %iota3A_92 = tpu.iota {dimensions = array<i32: 0>} : vector<16xi32>
      %mul3A_93 = arith.constant 128 : i32
      %mul3A_94 = arith.muli %add3A_73, %mul3A_93 : i32
      %add3A_95 = arith.constant 32 : i32
      %add3A_96 = arith.addi %mul3A_94, %add3A_95 : i32
      %add3A_97 = vector.broadcast %add3A_96 : i32 to vector<16xi32>
      %add3A_98 = arith.addi %iota3A_92, %add3A_97 : vector<16xi32>
      %swap3A_99 = arith.index_cast %add3A_73 : i32 to index
      %swap3A_100 = arith.constant 32 : index
      %swap3A_101 = tpu.vector_load %arg25[%swap3A_99, %swap3A_100] {strides = array<i32>} : memref<5x128xi32, #tpu.memory_space<vmem>>, vector<16xi32>,
      tpu.vector_store %arg25[%swap3A_99, %swap3A_100], %add3A_98 {strides = array<i32>} : memref<5x128xi32, #tpu.memory_space<vmem>>, vector<16xi32>,
      %iota3A_102 = tpu.iota {dimensions = array<i32: 0>} : vector<16xi32>
      %mul3A_103 = arith.constant 128 : i32
      %mul3A_104 = arith.muli %add3A_73, %mul3A_103 : i32
      %add3A_105 = arith.constant 48 : i32
      %add3A_106 = arith.addi %mul3A_104, %add3A_105 : i32
      %add3A_107 = vector.broadcast %add3A_106 : i32 to vector<16xi32>
      %add3A_108 = arith.addi %iota3A_102, %add3A_107 : vector<16xi32>
      %swap3A_109 = arith.index_cast %add3A_73 : i32 to index
      %swap3A_110 = arith.constant 48 : index
      %swap3A_111 = tpu.vector_load %arg25[%swap3A_109, %swap3A_110] {strides = array<i32>} : memref<5x128xi32, #tpu.memory_space<vmem>>, vector<16xi32>,
      tpu.vector_store %arg25[%swap3A_109, %swap3A_110], %add3A_108 {strides = array<i32>} : memref<5x128xi32, #tpu.memory_space<vmem>>, vector<16xi32>,
      %iota3A_112 = tpu.iota {dimensions = array<i32: 0>} : vector<16xi32>
      %mul3A_113 = arith.constant 128 : i32
      %mul3A_114 = arith.muli %add3A_73, %mul3A_113 : i32
      %add3A_115 = arith.constant 64 : i32
      %add3A_116 = arith.addi %mul3A_114, %add3A_115 : i32
      %add3A_117 = vector.broadcast %add3A_116 : i32 to vector<16xi32>
      %add3A_118 = arith.addi %iota3A_112, %add3A_117 : vector<16xi32>
      %swap3A_119 = arith.index_cast %add3A_73 : i32 to index
      %swap3A_120 = arith.constant 64 : index
      %swap3A_121 = tpu.vector_load %arg25[%swap3A_119, %swap3A_120] {strides = array<i32>} : memref<5x128xi32, #tpu.memory_space<vmem>>, vector<16xi32>,
      tpu.vector_store %arg25[%swap3A_119, %swap3A_120], %add3A_118 {strides = array<i32>} : memref<5x128xi32, #tpu.memory_space<vmem>>, vector<16xi32>,
      %iota3A_122 = tpu.iota {dimensions = array<i32: 0>} : vector<16xi32>
      %mul3A_123 = arith.constant 128 : i32
      %mul3A_124 = arith.muli %add3A_73, %mul3A_123 : i32
      %add3A_125 = arith.constant 80 : i32
      %add3A_126 = arith.addi %mul3A_124, %add3A_125 : i32
      %add3A_127 = vector.broadcast %add3A_126 : i32 to vector<16xi32>
      %add3A_128 = arith.addi %iota3A_122, %add3A_127 : vector<16xi32>
      %swap3A_129 = arith.index_cast %add3A_73 : i32 to index
      %swap3A_130 = arith.constant 80 : index
      %swap3A_131 = tpu.vector_load %arg25[%swap3A_129, %swap3A_130] {strides = array<i32>} : memref<5x128xi32, #tpu.memory_space<vmem>>, vector<16xi32>,
      tpu.vector_store %arg25[%swap3A_129, %swap3A_130], %add3A_128 {strides = array<i32>} : memref<5x128xi32, #tpu.memory_space<vmem>>, vector<16xi32>,
      %iota3A_132 = tpu.iota {dimensions = array<i32: 0>} : vector<16xi32>
      %mul3A_133 = arith.constant 128 : i32
      %mul3A_134 = arith.muli %add3A_73, %mul3A_133 : i32
      %add3A_135 = arith.constant 96 : i32
      %add3A_136 = arith.addi %mul3A_134, %add3A_135 : i32
      %add3A_137 = vector.broadcast %add3A_136 : i32 to vector<16xi32>
      %add3A_138 = arith.addi %iota3A_132, %add3A_137 : vector<16xi32>
      %swap3A_139 = arith.index_cast %add3A_73 : i32 to index
      %swap3A_140 = arith.constant 96 : index
      %swap3A_141 = tpu.vector_load %arg25[%swap3A_139, %swap3A_140] {strides = array<i32>} : memref<5x128xi32, #tpu.memory_space<vmem>>, vector<16xi32>,
      tpu.vector_store %arg25[%swap3A_139, %swap3A_140], %add3A_138 {strides = array<i32>} : memref<5x128xi32, #tpu.memory_space<vmem>>, vector<16xi32>,
      %iota3A_142 = tpu.iota {dimensions = array<i32: 0>} : vector<16xi32>
      %mul3A_143 = arith.constant 128 : i32
      %mul3A_144 = arith.muli %add3A_73, %mul3A_143 : i32
      %add3A_145 = arith.constant 112 : i32
      %add3A_146 = arith.addi %mul3A_144, %add3A_145 : i32
      %add3A_147 = vector.broadcast %add3A_146 : i32 to vector<16xi32>
      %add3A_148 = arith.addi %iota3A_142, %add3A_147 : vector<16xi32>
      %swap3A_149 = arith.index_cast %add3A_73 : i32 to index
      %swap3A_150 = arith.constant 112 : index
      %swap3A_151 = tpu.vector_load %arg25[%swap3A_149, %swap3A_150] {strides = array<i32>} : memref<5x128xi32, #tpu.memory_space<vmem>>, vector<16xi32>,
      tpu.vector_store %arg25[%swap3A_149, %swap3A_150], %add3A_148 {strides = array<i32>} : memref<5x128xi32, #tpu.memory_space<vmem>>, vector<16xi32>,
    }
    %scan3A_5 = arith.constant 5 : i32
    %scan3A_6 = arith.constant 0 : i32
    %scan3A_7 = arith.constant 640 : i32
    %scan3A_8 = arith.addi %scan3A_6, %scan3A_7 : i32
    %scan3A_9 = arith.constant 1 : i32
    scf.for %scan3A_69 = %scan3A_6 to %scan3A_8 step %scan3A_9  : i32 {
      %mul3A_70 = arith.constant 1 : i32
      %mul3A_71 = arith.muli %scan3A_69, %mul3A_70 : i32
      %add3A_72 = arith.constant 0 : i32
      %add3A_73 = arith.addi %add3A_72, %mul3A_71 : i32
      %mul3A_74 = arith.constant 16 : i32
      %mul3A_75 = arith.muli %add3A_73, %mul3A_74 : i32
      %swap3A = arith.index_cast %mul3A_75 : i32 to index
      %swap3A_76 = tpu.vector_load %arg13[%swap3A] {strides = array<i32>} : memref<10240xf32, #tpu.memory_space<vmem>>, vector<16xf32>,
      tpu.vector_store %arg13[%swap3A], %broadcast_in_dim3A_1 {strides = array<i32>} : memref<10240xf32, #tpu.memory_space<vmem>>, vector<16xf32>,
    }
    %scan3A_10 = arith.constant 640 : i32
    %scan3A_11 = arith.constant 0 : i32
    %scan3A_12 = arith.constant 640 : i32
    %scan3A_13 = arith.addi %scan3A_11, %scan3A_12 : i32
    %scan3A_14 = arith.constant 1 : i32
    scf.for %scan3A_69 = %scan3A_11 to %scan3A_13 step %scan3A_14  : i32 {
      %mul3A_70 = arith.constant 1 : i32
      %mul3A_71 = arith.muli %scan3A_69, %mul3A_70 : i32
      %add3A_72 = arith.constant 0 : i32
      %add3A_73 = arith.addi %add3A_72, %mul3A_71 : i32
      %swap3A = arith.index_cast %add3A_73 : i32 to index
      %swap3A_74 = arith.constant 0 : index
      %swap3A_75 = tpu.vector_load %arg14[%swap3A, %swap3A_74] {strides = array<i32>} : memref<640x16xf32, #tpu.memory_space<vmem>>, vector<16xf32>,
      tpu.vector_store %arg14[%swap3A, %swap3A_74], %broadcast_in_dim3A_1 {strides = array<i32>} : memref<640x16xf32, #tpu.memory_space<vmem>>, vector<16xf32>,
    }
    %scan3A_15 = arith.constant 640 : i32
    %eq3A = arith.constant 0 : i32
    %eq3A_16 = arith.cmpi eq, %arg1, %eq3A : i32
    %convert_element_type3A = arith.extui %eq3A_16 : i1 to i32
    %cond3A = arith.constant 0 : i32
    %cond3A_17 = arith.cmpi ne, %convert_element_type3A, %cond3A : i32
    scf.if %cond3A_17 {
      "tpu.region"() ({
        %run_scoped3A = tpu.sem_alloc : memref<!tpu.dma_semaphore, #tpu.memory_space<semaphore_mem>>
        tpu.enqueue_dma source(%arg14 : memref<640x16xf32, #tpu.memory_space<vmem>>) target(%arg31 : memref<640x16xf32, #tpu.memory_space<vmem_shared>>) target_semaphore(%run_scoped3A : memref<!tpu.dma_semaphore, #tpu.memory_space<semaphore_mem>>)
        tpu.wait_dma2 semaphore(%run_scoped3A : memref<!tpu.dma_semaphore, #tpu.memory_space<semaphore_mem>>) src(%arg14 : memref<640x16xf32, #tpu.memory_space<vmem>>) dst(%arg31 : memref<640x16xf32, #tpu.memory_space<vmem_shared>>)
        tpu.yield
      }) : () -> ()
    } else {
    }
    %barrier3A = arith.constant 0 : index
    tpu.barrier barrier_id(%barrier3A)
    %broadcast_in_dim3A_18 = arith.constant 1.000000e+00 : f32
    %broadcast_in_dim3A_19 = vector.broadcast %broadcast_in_dim3A_18 : f32 to vector<16xf32>
    %mul3A_20 = arith.constant 2 : i32
    %mul3A_21 = arith.muli %arg1, %mul3A_20 : i32
    %add3A_22 = arith.constant 0 : i32
    %add3A_23 = arith.addi %mul3A_21, %add3A_22 : i32
    "tpu.region"() ({
      %run_scoped3A = tpu.sem_alloc : memref<!tpu.dma_semaphore, #tpu.memory_space<semaphore_mem>>
      %dma_start3A = arith.constant 0 : i32
      %dma_start3A_69 = arith.constant 0 : i32
      %dma_start3A_70 = tpu.memref_slice %arg3[%add3A_23, %dma_start3A, %dma_start3A_69] : memref<32x40x128xi32, #tpu.memory_space<hbm>> -> memref<1x40x128xi32, #tpu.memory_space<hbm>>
      %dma_start3A_71 = tpu.memref_squeeze %dma_start3A_70 : memref<1x40x128xi32, #tpu.memory_space<hbm>> -> memref<40x128xi32, #tpu.memory_space<hbm>>
      %dma_start3A_72 = arith.constant 0 : i32
      %dma_start3A_73 = arith.constant 0 : i32
      %dma_start3A_74 = tpu.memref_slice %arg3[%add3A_23, %dma_start3A_72, %dma_start3A_73] : memref<32x40x128xi32, #tpu.memory_space<hbm>> -> memref<1x40x128xi32, #tpu.memory_space<hbm>>
      %dma_start3A_75 = tpu.memref_squeeze %dma_start3A_74 : memref<1x40x128xi32, #tpu.memory_space<hbm>> -> memref<40x128xi32, #tpu.memory_space<hbm>>
      tpu.enqueue_dma source(%dma_start3A_75 : memref<40x128xi32, #tpu.memory_space<hbm>>) target(%arg16 : memref<40x128xi32, #tpu.memory_space<vmem>>) target_semaphore(%run_scoped3A : memref<!tpu.dma_semaphore, #tpu.memory_space<semaphore_mem>>)
      %dma_wait3A = arith.constant 0 : i32
      %dma_wait3A_76 = arith.constant 0 : i32
      %dma_wait3A_77 = tpu.memref_slice %arg3[%add3A_23, %dma_wait3A, %dma_wait3A_76] : memref<32x40x128xi32, #tpu.memory_space<hbm>> -> memref<1x40x128xi32, #tpu.memory_space<hbm>>
      %dma_wait3A_78 = tpu.memref_squeeze %dma_wait3A_77 : memref<1x40x128xi32, #tpu.memory_space<hbm>> -> memref<40x128xi32, #tpu.memory_space<hbm>>
      %dma_wait3A_79 = arith.constant 0 : i32
      %dma_wait3A_80 = arith.constant 0 : i32
      %dma_wait3A_81 = tpu.memref_slice %arg3[%add3A_23, %dma_wait3A_79, %dma_wait3A_80] : memref<32x40x128xi32, #tpu.memory_space<hbm>> -> memref<1x40x128xi32, #tpu.memory_space<hbm>>
      %dma_wait3A_82 = tpu.memref_squeeze %dma_wait3A_81 : memref<1x40x128xi32, #tpu.memory_space<hbm>> -> memref<40x128xi32, #tpu.memory_space<hbm>>
      tpu.wait_dma2 semaphore(%run_scoped3A : memref<!tpu.dma_semaphore, #tpu.memory_space<semaphore_mem>>) src(%dma_wait3A_82 : memref<40x128xi32, #tpu.memory_space<hbm>>) dst(%arg16 : memref<40x128xi32, #tpu.memory_space<vmem>>)
      tpu.yield
    }) : () -> ()
    %scan3A_24 = arith.constant 0 : i32
    %scan3A_25 = arith.constant 40 : i32
    %scan3A_26 = arith.addi %scan3A_24, %scan3A_25 : i32
    %scan3A_27 = arith.constant 1 : i32
    scf.for %scan3A_69 = %scan3A_24 to %scan3A_26 step %scan3A_27  : i32 {
      %mul3A_70 = arith.constant 1 : i32
      %mul3A_71 = arith.muli %scan3A_69, %mul3A_70 : i32
      %add3A_72 = arith.constant 0 : i32
      %add3A_73 = arith.addi %add3A_72, %mul3A_71 : i32
      %get3A = arith.index_cast %add3A_73 : i32 to index
      %get3A_74 = arith.constant 0 : index
      %get3A_75 = tpu.vector_load %arg16[%get3A, %get3A_74] {strides = array<i32>} : memref<40x128xi32, #tpu.memory_space<vmem>>, vector<16xi32>,
      tpu.vector_store_idx %arg13[%get3A_75], %broadcast_in_dim3A_19 {add = true} : memref<10240xf32, #tpu.memory_space<vmem>>[vector<16xi32>], vector<16xf32>,
      %get3A_76 = arith.index_cast %add3A_73 : i32 to index
      %get3A_77 = arith.constant 16 : index
      %get3A_78 = tpu.vector_load %arg16[%get3A_76, %get3A_77] {strides = array<i32>} : memref<40x128xi32, #tpu.memory_space<vmem>>, vector<16xi32>,
      tpu.vector_store_idx %arg13[%get3A_78], %broadcast_in_dim3A_19 {add = true} : memref<10240xf32, #tpu.memory_space<vmem>>[vector<16xi32>], vector<16xf32>,
      %get3A_79 = arith.index_cast %add3A_73 : i32 to index
      %get3A_80 = arith.constant 32 : index
      %get3A_81 = tpu.vector_load %arg16[%get3A_79, %get3A_80] {strides = array<i32>} : memref<40x128xi32, #tpu.memory_space<vmem>>, vector<16xi32>,
      tpu.vector_store_idx %arg13[%get3A_81], %broadcast_in_dim3A_19 {add = true} : memref<10240xf32, #tpu.memory_space<vmem>>[vector<16xi32>], vector<16xf32>,
      %get3A_82 = arith.index_cast %add3A_73 : i32 to index
      %get3A_83 = arith.constant 48 : index
      %get3A_84 = tpu.vector_load %arg16[%get3A_82, %get3A_83] {strides = array<i32>} : memref<40x128xi32, #tpu.memory_space<vmem>>, vector<16xi32>,
      tpu.vector_store_idx %arg13[%get3A_84], %broadcast_in_dim3A_19 {add = true} : memref<10240xf32, #tpu.memory_space<vmem>>[vector<16xi32>], vector<16xf32>,
      %get3A_85 = arith.index_cast %add3A_73 : i32 to index
      %get3A_86 = arith.constant 64 : index
      %get3A_87 = tpu.vector_load %arg16[%get3A_85, %get3A_86] {strides = array<i32>} : memref<40x128xi32, #tpu.memory_space<vmem>>, vector<16xi32>,
      tpu.vector_store_idx %arg13[%get3A_87], %broadcast_in_dim3A_19 {add = true} : memref<10240xf32, #tpu.memory_space<vmem>>[vector<16xi32>], vector<16xf32>,
      %get3A_88 = arith.index_cast %add3A_73 : i32 to index
      %get3A_89 = arith.constant 80 : index
      %get3A_90 = tpu.vector_load %arg16[%get3A_88, %get3A_89] {strides = array<i32>} : memref<40x128xi32, #tpu.memory_space<vmem>>, vector<16xi32>,
      tpu.vector_store_idx %arg13[%get3A_90], %broadcast_in_dim3A_19 {add = true} : memref<10240xf32, #tpu.memory_space<vmem>>[vector<16xi32>], vector<16xf32>,
      %get3A_91 = arith.index_cast %add3A_73 : i32 to index
      %get3A_92 = arith.constant 96 : index
      %get3A_93 = tpu.vector_load %arg16[%get3A_91, %get3A_92] {strides = array<i32>} : memref<40x128xi32, #tpu.memory_space<vmem>>, vector<16xi32>,
      tpu.vector_store_idx %arg13[%get3A_93], %broadcast_in_dim3A_19 {add = true} : memref<10240xf32, #tpu.memory_space<vmem>>[vector<16xi32>], vector<16xf32>,
      %get3A_94 = arith.index_cast %add3A_73 : i32 to index
      %get3A_95 = arith.constant 112 : index
      %get3A_96 = tpu.vector_load %arg16[%get3A_94, %get3A_95] {strides = array<i32>} : memref<40x128xi32, #tpu.memory_space<vmem>>, vector<16xi32>,
      tpu.vector_store_idx %arg13[%get3A_96], %broadcast_in_dim3A_19 {add = true} : memref<10240xf32, #tpu.memory_space<vmem>>[vector<16xi32>], vector<16xf32>,
    }
    %scan3A_28 = arith.constant 40 : i32
    %mul3A_29 = arith.constant 2 : i32
    %mul3A_30 = arith.muli %arg1, %mul3A_29 : i32
    %add3A_31 = arith.constant 1 : i32
    %add3A_32 = arith.addi %mul3A_30, %add3A_31 : i32
    "tpu.region"() ({
      %run_scoped3A = tpu.sem_alloc : memref<!tpu.dma_semaphore, #tpu.memory_space<semaphore_mem>>
      %dma_start3A = arith.constant 0 : i32
      %dma_start3A_69 = arith.constant 0 : i32
      %dma_start3A_70 = tpu.memref_slice %arg3[%add3A_32, %dma_start3A, %dma_start3A_69] : memref<32x40x128xi32, #tpu.memory_space<hbm>> -> memref<1x40x128xi32, #tpu.memory_space<hbm>>
      %dma_start3A_71 = tpu.memref_squeeze %dma_start3A_70 : memref<1x40x128xi32, #tpu.memory_space<hbm>> -> memref<40x128xi32, #tpu.memory_space<hbm>>
      %dma_start3A_72 = arith.constant 0 : i32
      %dma_start3A_73 = arith.constant 0 : i32
      %dma_start3A_74 = tpu.memref_slice %arg3[%add3A_32, %dma_start3A_72, %dma_start3A_73] : memref<32x40x128xi32, #tpu.memory_space<hbm>> -> memref<1x40x128xi32, #tpu.memory_space<hbm>>
      %dma_start3A_75 = tpu.memref_squeeze %dma_start3A_74 : memref<1x40x128xi32, #tpu.memory_space<hbm>> -> memref<40x128xi32, #tpu.memory_space<hbm>>
      tpu.enqueue_dma source(%dma_start3A_75 : memref<40x128xi32, #tpu.memory_space<hbm>>) target(%arg16 : memref<40x128xi32, #tpu.memory_space<vmem>>) target_semaphore(%run_scoped3A : memref<!tpu.dma_semaphore, #tpu.memory_space<semaphore_mem>>)
      %dma_wait3A = arith.constant 0 : i32
      %dma_wait3A_76 = arith.constant 0 : i32
      %dma_wait3A_77 = tpu.memref_slice %arg3[%add3A_32, %dma_wait3A, %dma_wait3A_76] : memref<32x40x128xi32, #tpu.memory_space<hbm>> -> memref<1x40x128xi32, #tpu.memory_space<hbm>>
      %dma_wait3A_78 = tpu.memref_squeeze %dma_wait3A_77 : memref<1x40x128xi32, #tpu.memory_space<hbm>> -> memref<40x128xi32, #tpu.memory_space<hbm>>
      %dma_wait3A_79 = arith.constant 0 : i32
      %dma_wait3A_80 = arith.constant 0 : i32
      %dma_wait3A_81 = tpu.memref_slice %arg3[%add3A_32, %dma_wait3A_79, %dma_wait3A_80] : memref<32x40x128xi32, #tpu.memory_space<hbm>> -> memref<1x40x128xi32, #tpu.memory_space<hbm>>
      %dma_wait3A_82 = tpu.memref_squeeze %dma_wait3A_81 : memref<1x40x128xi32, #tpu.memory_space<hbm>> -> memref<40x128xi32, #tpu.memory_space<hbm>>
      tpu.wait_dma2 semaphore(%run_scoped3A : memref<!tpu.dma_semaphore, #tpu.memory_space<semaphore_mem>>) src(%dma_wait3A_82 : memref<40x128xi32, #tpu.memory_space<hbm>>) dst(%arg16 : memref<40x128xi32, #tpu.memory_space<vmem>>)
      tpu.yield
    }) : () -> ()
    %scan3A_33 = arith.constant 0 : i32
    %scan3A_34 = arith.constant 40 : i32
    %scan3A_35 = arith.addi %scan3A_33, %scan3A_34 : i32
    %scan3A_36 = arith.constant 1 : i32
    scf.for %scan3A_69 = %scan3A_33 to %scan3A_35 step %scan3A_36  : i32 {
      %mul3A_70 = arith.constant 1 : i32
      %mul3A_71 = arith.muli %scan3A_69, %mul3A_70 : i32
      %add3A_72 = arith.constant 0 : i32
      %add3A_73 = arith.addi %add3A_72, %mul3A_71 : i32
      %get3A = arith.index_cast %add3A_73 : i32 to index
      %get3A_74 = arith.constant 0 : index
      %get3A_75 = tpu.vector_load %arg16[%get3A, %get3A_74] {strides = array<i32>} : memref<40x128xi32, #tpu.memory_space<vmem>>, vector<16xi32>,
      tpu.vector_store_idx %arg13[%get3A_75], %broadcast_in_dim3A_19 {add = true} : memref<10240xf32, #tpu.memory_space<vmem>>[vector<16xi32>], vector<16xf32>,
      %get3A_76 = arith.index_cast %add3A_73 : i32 to index
      %get3A_77 = arith.constant 16 : index
      %get3A_78 = tpu.vector_load %arg16[%get3A_76, %get3A_77] {strides = array<i32>} : memref<40x128xi32, #tpu.memory_space<vmem>>, vector<16xi32>,
      tpu.vector_store_idx %arg13[%get3A_78], %broadcast_in_dim3A_19 {add = true} : memref<10240xf32, #tpu.memory_space<vmem>>[vector<16xi32>], vector<16xf32>,
      %get3A_79 = arith.index_cast %add3A_73 : i32 to index
      %get3A_80 = arith.constant 32 : index
      %get3A_81 = tpu.vector_load %arg16[%get3A_79, %get3A_80] {strides = array<i32>} : memref<40x128xi32, #tpu.memory_space<vmem>>, vector<16xi32>,
      tpu.vector_store_idx %arg13[%get3A_81], %broadcast_in_dim3A_19 {add = true} : memref<10240xf32, #tpu.memory_space<vmem>>[vector<16xi32>], vector<16xf32>,
      %get3A_82 = arith.index_cast %add3A_73 : i32 to index
      %get3A_83 = arith.constant 48 : index
      %get3A_84 = tpu.vector_load %arg16[%get3A_82, %get3A_83] {strides = array<i32>} : memref<40x128xi32, #tpu.memory_space<vmem>>, vector<16xi32>,
      tpu.vector_store_idx %arg13[%get3A_84], %broadcast_in_dim3A_19 {add = true} : memref<10240xf32, #tpu.memory_space<vmem>>[vector<16xi32>], vector<16xf32>,
      %get3A_85 = arith.index_cast %add3A_73 : i32 to index
      %get3A_86 = arith.constant 64 : index
      %get3A_87 = tpu.vector_load %arg16[%get3A_85, %get3A_86] {strides = array<i32>} : memref<40x128xi32, #tpu.memory_space<vmem>>, vector<16xi32>,
      tpu.vector_store_idx %arg13[%get3A_87], %broadcast_in_dim3A_19 {add = true} : memref<10240xf32, #tpu.memory_space<vmem>>[vector<16xi32>], vector<16xf32>,
      %get3A_88 = arith.index_cast %add3A_73 : i32 to index
      %get3A_89 = arith.constant 80 : index
      %get3A_90 = tpu.vector_load %arg16[%get3A_88, %get3A_89] {strides = array<i32>} : memref<40x128xi32, #tpu.memory_space<vmem>>, vector<16xi32>,
      tpu.vector_store_idx %arg13[%get3A_90], %broadcast_in_dim3A_19 {add = true} : memref<10240xf32, #tpu.memory_space<vmem>>[vector<16xi32>], vector<16xf32>,
      %get3A_91 = arith.index_cast %add3A_73 : i32 to index
      %get3A_92 = arith.constant 96 : index
      %get3A_93 = tpu.vector_load %arg16[%get3A_91, %get3A_92] {strides = array<i32>} : memref<40x128xi32, #tpu.memory_space<vmem>>, vector<16xi32>,
      tpu.vector_store_idx %arg13[%get3A_93], %broadcast_in_dim3A_19 {add = true} : memref<10240xf32, #tpu.memory_space<vmem>>[vector<16xi32>], vector<16xf32>,
      %get3A_94 = arith.index_cast %add3A_73 : i32 to index
      %get3A_95 = arith.constant 112 : index
      %get3A_96 = tpu.vector_load %arg16[%get3A_94, %get3A_95] {strides = array<i32>} : memref<40x128xi32, #tpu.memory_space<vmem>>, vector<16xi32>,
      tpu.vector_store_idx %arg13[%get3A_96], %broadcast_in_dim3A_19 {add = true} : memref<10240xf32, #tpu.memory_space<vmem>>[vector<16xi32>], vector<16xf32>,
    }
    %scan3A_37 = arith.constant 40 : i32
    %scan3A_38 = arith.constant 0 : i32
    %scan3A_39 = arith.constant 640 : i32
    %scan3A_40 = arith.addi %scan3A_38, %scan3A_39 : i32
    %scan3A_41 = arith.constant 1 : i32
    scf.for %scan3A_69 = %scan3A_38 to %scan3A_40 step %scan3A_41  : i32 {
      %mul3A_70 = arith.constant 1 : i32
      %mul3A_71 = arith.muli %scan3A_69, %mul3A_70 : i32
      %add3A_72 = arith.constant 0 : i32
      %add3A_73 = arith.addi %add3A_72, %mul3A_71 : i32
      %mul3A_74 = arith.constant 16 : i32
      %mul3A_75 = arith.muli %add3A_73, %mul3A_74 : i32
      %get3A = arith.index_cast %mul3A_75 : i32 to index
      %get3A_76 = tpu.vector_load %arg13[%get3A] {strides = array<i32>} : memref<10240xf32, #tpu.memory_space<vmem>>, vector<16xf32>,
      %swap3A = arith.index_cast %add3A_73 : i32 to index
      %swap3A_77 = arith.constant 0 : index
      %swap3A_78 = tpu.vector_load %arg14[%swap3A, %swap3A_77] {strides = array<i32>} : memref<640x16xf32, #tpu.memory_space<vmem>>, vector<16xf32>,
      tpu.vector_store %arg14[%swap3A, %swap3A_77], %get3A_76 {strides = array<i32>} : memref<640x16xf32, #tpu.memory_space<vmem>>, vector<16xf32>,
    }
    %scan3A_42 = arith.constant 640 : i32
    %scan3A_43 = arith.constant 0 : i32
    %scan3A_44 = arith.constant 5 : i32
    %scan3A_45 = arith.addi %scan3A_43, %scan3A_44 : i32
    %scan3A_46 = arith.constant 1 : i32
    scf.for %scan3A_69 = %scan3A_43 to %scan3A_45 step %scan3A_46  : i32 {
      %mul3A_70 = arith.constant 1 : i32
      %mul3A_71 = arith.muli %scan3A_69, %mul3A_70 : i32
      %add3A_72 = arith.constant 0 : i32
      %add3A_73 = arith.addi %add3A_72, %mul3A_71 : i32
      %mul3A_74 = arith.constant 128 : i32
      %mul3A_75 = arith.muli %add3A_73, %mul3A_74 : i32
      "tpu.region"() ({
        %run_scoped3A = tpu.sem_alloc : memref<!tpu.dma_semaphore, #tpu.memory_space<semaphore_mem>>
        %dma_start3A = arith.constant 0 : i32
        %dma_start3A_76 = tpu.memref_slice %arg14[%mul3A_75, %dma_start3A] : memref<640x16xf32, #tpu.memory_space<vmem>> -> memref<128x16xf32, #tpu.memory_space<vmem>>
        %dma_start3A_77 = arith.constant 0 : i32
        %dma_start3A_78 = tpu.memref_slice %arg25[%add3A_73, %dma_start3A_77] : memref<5x128xi32, #tpu.memory_space<vmem>> -> memref<1x128xi32, #tpu.memory_space<vmem>>
        %dma_start3A_79 = tpu.memref_squeeze %dma_start3A_78 : memref<1x128xi32, #tpu.memory_space<vmem>> -> memref<128xi32, #tpu.memory_space<vmem>>
        %dma_start3A_80 = arith.constant 0 : i32
        %dma_start3A_81 = arith.constant 0 : i32
        %dma_start3A_82 = tpu.memref_slice %arg31[%dma_start3A_80, %dma_start3A_81] : memref<640x16xf32, #tpu.memory_space<vmem_shared>> -> memref<640x16xf32, #tpu.memory_space<vmem_shared>>
        tpu.enqueue_indirect_dma source(%dma_start3A_76 : memref<128x16xf32, #tpu.memory_space<vmem>>) target(%dma_start3A_82 : memref<640x16xf32, #tpu.memory_space<vmem_shared>>) offsets(%dma_start3A_79 : memref<128xi32, #tpu.memory_space<vmem>>) semaphore(%run_scoped3A : memref<!tpu.dma_semaphore, #tpu.memory_space<semaphore_mem>>) {add = true}
        %dma_wait3A = arith.constant 0 : i32
        %dma_wait3A_83 = tpu.memref_slice %arg14[%mul3A_75, %dma_wait3A] : memref<640x16xf32, #tpu.memory_space<vmem>> -> memref<128x16xf32, #tpu.memory_space<vmem>>
        %dma_wait3A_84 = arith.constant 0 : i32
        %dma_wait3A_85 = tpu.memref_slice %arg25[%add3A_73, %dma_wait3A_84] : memref<5x128xi32, #tpu.memory_space<vmem>> -> memref<1x128xi32, #tpu.memory_space<vmem>>
        %dma_wait3A_86 = tpu.memref_squeeze %dma_wait3A_85 : memref<1x128xi32, #tpu.memory_space<vmem>> -> memref<128xi32, #tpu.memory_space<vmem>>
        %dma_wait3A_87 = arith.constant 0 : i32
        %dma_wait3A_88 = arith.constant 0 : i32
        %dma_wait3A_89 = tpu.memref_slice %arg31[%dma_wait3A_87, %dma_wait3A_88] : memref<640x16xf32, #tpu.memory_space<vmem_shared>> -> memref<640x16xf32, #tpu.memory_space<vmem_shared>>
        tpu.wait_indirect_dma semaphore(%run_scoped3A : memref<!tpu.dma_semaphore, #tpu.memory_space<semaphore_mem>>) src(%dma_wait3A_83 : memref<128x16xf32, #tpu.memory_space<vmem>>) dst(%dma_wait3A_89 : memref<640x16xf32, #tpu.memory_space<vmem_shared>>)
        tpu.yield
      }) : () -> ()
    }
    %scan3A_47 = arith.constant 5 : i32
    %barrier3A_48 = arith.constant 0 : index
    tpu.barrier barrier_id(%barrier3A_48)
    "tpu.region"() ({
      %run_scoped3A = tpu.sem_alloc : memref<!tpu.dma_semaphore, #tpu.memory_space<semaphore_mem>>
      tpu.enqueue_dma source(%arg31 : memref<640x16xf32, #tpu.memory_space<vmem_shared>>) target(%arg14 : memref<640x16xf32, #tpu.memory_space<vmem>>) target_semaphore(%run_scoped3A : memref<!tpu.dma_semaphore, #tpu.memory_space<semaphore_mem>>)
      tpu.wait_dma2 semaphore(%run_scoped3A : memref<!tpu.dma_semaphore, #tpu.memory_space<semaphore_mem>>) src(%arg31 : memref<640x16xf32, #tpu.memory_space<vmem_shared>>) dst(%arg14 : memref<640x16xf32, #tpu.memory_space<vmem>>)
      tpu.yield
    }) : () -> ()
    %scan3A_49 = arith.constant 0 : i32
    %scan3A_50 = arith.constant 640 : i32
    %scan3A_51 = arith.addi %scan3A_49, %scan3A_50 : i32
    %scan3A_52 = arith.constant 1 : i32
    scf.for %scan3A_69 = %scan3A_49 to %scan3A_51 step %scan3A_52  : i32 {
      %mul3A_70 = arith.constant 1 : i32
      %mul3A_71 = arith.muli %scan3A_69, %mul3A_70 : i32
      %add3A_72 = arith.constant 0 : i32
      %add3A_73 = arith.addi %add3A_72, %mul3A_71 : i32
      %get3A = arith.index_cast %add3A_73 : i32 to index
      %get3A_74 = arith.constant 0 : index
      %get3A_75 = tpu.vector_load %arg14[%get3A, %get3A_74] {strides = array<i32>} : memref<640x16xf32, #tpu.memory_space<vmem>>, vector<16xf32>,
      %max3A = arith.constant 1.000000e+00 : f32
      %max3A_76 = vector.broadcast %max3A : f32 to vector<16xf32>
      %max3A_77 = arith.maximumf %get3A_75, %max3A_76 : vector<16xf32>
      %bitcast3A = vector.bitcast %max3A_77 : vector<16xf32> to vector<16xi32>
      %shift_right_logical3A = arith.constant 1 : i32
      %shift_right_logical3A_78 = vector.broadcast %shift_right_logical3A : i32 to vector<16xi32>
      %shift_right_logical3A_79 = arith.shrui %bitcast3A, %shift_right_logical3A_78 : vector<16xi32>
      %sub3A = arith.constant 1597463007 : i32
      %sub3A_80 = vector.broadcast %sub3A : i32 to vector<16xi32>
      %sub3A_81 = arith.subi %sub3A_80, %shift_right_logical3A_79 : vector<16xi32>
      %bitcast3A_82 = vector.bitcast %sub3A_81 : vector<16xi32> to vector<16xf32>
      %mul3A_83 = arith.constant 5.000000e-01 : f32
      %mul3A_84 = vector.broadcast %mul3A_83 : f32 to vector<16xf32>
      %mul3A_85 = arith.mulf %mul3A_84, %max3A_77 : vector<16xf32>
      %mul3A_86 = arith.mulf %mul3A_85, %bitcast3A_82 : vector<16xf32>
      %mul3A_87 = arith.mulf %mul3A_86, %bitcast3A_82 : vector<16xf32>
      %sub3A_88 = arith.constant 1.500000e+00 : f32
      %sub3A_89 = vector.broadcast %sub3A_88 : f32 to vector<16xf32>
      %sub3A_90 = arith.subf %sub3A_89, %mul3A_87 : vector<16xf32>
      %mul3A_91 = arith.mulf %bitcast3A_82, %sub3A_90 : vector<16xf32>
      %mul3A_92 = arith.constant 5.000000e-01 : f32
      %mul3A_93 = vector.broadcast %mul3A_92 : f32 to vector<16xf32>
      %mul3A_94 = arith.mulf %mul3A_93, %max3A_77 : vector<16xf32>
      %mul3A_95 = arith.mulf %mul3A_94, %mul3A_91 : vector<16xf32>
      %mul3A_96 = arith.mulf %mul3A_95, %mul3A_91 : vector<16xf32>
      %sub3A_97 = arith.constant 1.500000e+00 : f32
      %sub3A_98 = vector.broadcast %sub3A_97 : f32 to vector<16xf32>
      %sub3A_99 = arith.subf %sub3A_98, %mul3A_96 : vector<16xf32>
      %mul3A_100 = arith.mulf %mul3A_91, %sub3A_99 : vector<16xf32>
      %mul3A_101 = arith.constant 5.000000e-01 : f32
      %mul3A_102 = vector.broadcast %mul3A_101 : f32 to vector<16xf32>
      %mul3A_103 = arith.mulf %mul3A_102, %max3A_77 : vector<16xf32>
      %mul3A_104 = arith.mulf %mul3A_103, %mul3A_100 : vector<16xf32>
      %mul3A_105 = arith.mulf %mul3A_104, %mul3A_100 : vector<16xf32>
      %sub3A_106 = arith.constant 1.500000e+00 : f32
      %sub3A_107 = vector.broadcast %sub3A_106 : f32 to vector<16xf32>
      %sub3A_108 = arith.subf %sub3A_107, %mul3A_105 : vector<16xf32>
      %mul3A_109 = arith.mulf %mul3A_100, %sub3A_108 : vector<16xf32>
      %gt3A = arith.constant 0.000000e+00 : f32
      %gt3A_110 = vector.broadcast %gt3A : f32 to vector<16xf32>
      %gt3A_111 = arith.cmpf ogt, %get3A_75, %gt3A_110 : vector<16xf32>
      %jit3A = arith.constant 0.000000e+00 : f32
      %broadcast_in_dim3A_112 = vector.broadcast %jit3A : f32 to vector<16xf32>
      %select_n3A = arith.select %gt3A_111, %mul3A_109, %broadcast_in_dim3A_112 : vector<16xi1>, vector<16xf32>
      %mul3A_113 = arith.constant 16 : i32
      %mul3A_114 = arith.muli %add3A_73, %mul3A_113 : i32
      %swap3A = arith.index_cast %mul3A_114 : i32 to index
      %swap3A_115 = tpu.vector_load %arg13[%swap3A] {strides = array<i32>} : memref<10240xf32, #tpu.memory_space<vmem>>, vector<16xf32>,
      tpu.vector_store %arg13[%swap3A], %select_n3A {strides = array<i32>} : memref<10240xf32, #tpu.memory_space<vmem>>, vector<16xf32>,
    }
    %scan3A_53 = arith.constant 640 : i32
    "tpu.region"() ({
      %run_scoped3A = tpu.sem_alloc : memref<!tpu.dma_semaphore, #tpu.memory_space<semaphore_mem>>
      %dma_start3A = arith.constant 0 : i32
      %dma_start3A_69 = arith.constant 0 : i32
      %dma_start3A_70 = tpu.memref_slice %arg2[%add3A, %dma_start3A, %dma_start3A_69] : memref<32x40x128xi32, #tpu.memory_space<hbm>> -> memref<1x40x128xi32, #tpu.memory_space<hbm>>
      %dma_start3A_71 = tpu.memref_squeeze %dma_start3A_70 : memref<1x40x128xi32, #tpu.memory_space<hbm>> -> memref<40x128xi32, #tpu.memory_space<hbm>>
      %dma_start3A_72 = arith.constant 0 : i32
      %dma_start3A_73 = arith.constant 0 : i32
      %dma_start3A_74 = tpu.memref_slice %arg2[%add3A, %dma_start3A_72, %dma_start3A_73] : memref<32x40x128xi32, #tpu.memory_space<hbm>> -> memref<1x40x128xi32, #tpu.memory_space<hbm>>
      %dma_start3A_75 = tpu.memref_squeeze %dma_start3A_74 : memref<1x40x128xi32, #tpu.memory_space<hbm>> -> memref<40x128xi32, #tpu.memory_space<hbm>>
      tpu.enqueue_dma source(%dma_start3A_75 : memref<40x128xi32, #tpu.memory_space<hbm>>) target(%arg15 : memref<40x128xi32, #tpu.memory_space<vmem>>) target_semaphore(%run_scoped3A : memref<!tpu.dma_semaphore, #tpu.memory_space<semaphore_mem>>)
      %dma_wait3A = arith.constant 0 : i32
      %dma_wait3A_76 = arith.constant 0 : i32
      %dma_wait3A_77 = tpu.memref_slice %arg2[%add3A, %dma_wait3A, %dma_wait3A_76] : memref<32x40x128xi32, #tpu.memory_space<hbm>> -> memref<1x40x128xi32, #tpu.memory_space<hbm>>
      %dma_wait3A_78 = tpu.memref_squeeze %dma_wait3A_77 : memref<1x40x128xi32, #tpu.memory_space<hbm>> -> memref<40x128xi32, #tpu.memory_space<hbm>>
      %dma_wait3A_79 = arith.constant 0 : i32
      %dma_wait3A_80 = arith.constant 0 : i32
      %dma_wait3A_81 = tpu.memref_slice %arg2[%add3A, %dma_wait3A_79, %dma_wait3A_80] : memref<32x40x128xi32, #tpu.memory_space<hbm>> -> memref<1x40x128xi32, #tpu.memory_space<hbm>>
      %dma_wait3A_82 = tpu.memref_squeeze %dma_wait3A_81 : memref<1x40x128xi32, #tpu.memory_space<hbm>> -> memref<40x128xi32, #tpu.memory_space<hbm>>
      tpu.wait_dma2 semaphore(%run_scoped3A : memref<!tpu.dma_semaphore, #tpu.memory_space<semaphore_mem>>) src(%dma_wait3A_82 : memref<40x128xi32, #tpu.memory_space<hbm>>) dst(%arg15 : memref<40x128xi32, #tpu.memory_space<vmem>>)
      tpu.yield
    }) : () -> ()
    "tpu.region"() ({
      %run_scoped3A = tpu.sem_alloc : memref<!tpu.dma_semaphore, #tpu.memory_space<semaphore_mem>>
      %dma_start3A = arith.constant 0 : i32
      %dma_start3A_69 = arith.constant 0 : i32
      %dma_start3A_70 = tpu.memref_slice %arg3[%add3A, %dma_start3A, %dma_start3A_69] : memref<32x40x128xi32, #tpu.memory_space<hbm>> -> memref<1x40x128xi32, #tpu.memory_space<hbm>>
      %dma_start3A_71 = tpu.memref_squeeze %dma_start3A_70 : memref<1x40x128xi32, #tpu.memory_space<hbm>> -> memref<40x128xi32, #tpu.memory_space<hbm>>
      %dma_start3A_72 = arith.constant 0 : i32
      %dma_start3A_73 = arith.constant 0 : i32
      %dma_start3A_74 = tpu.memref_slice %arg3[%add3A, %dma_start3A_72, %dma_start3A_73] : memref<32x40x128xi32, #tpu.memory_space<hbm>> -> memref<1x40x128xi32, #tpu.memory_space<hbm>>
      %dma_start3A_75 = tpu.memref_squeeze %dma_start3A_74 : memref<1x40x128xi32, #tpu.memory_space<hbm>> -> memref<40x128xi32, #tpu.memory_space<hbm>>
      tpu.enqueue_dma source(%dma_start3A_75 : memref<40x128xi32, #tpu.memory_space<hbm>>) target(%arg16 : memref<40x128xi32, #tpu.memory_space<vmem>>) target_semaphore(%run_scoped3A : memref<!tpu.dma_semaphore, #tpu.memory_space<semaphore_mem>>)
      %dma_wait3A = arith.constant 0 : i32
      %dma_wait3A_76 = arith.constant 0 : i32
      %dma_wait3A_77 = tpu.memref_slice %arg3[%add3A, %dma_wait3A, %dma_wait3A_76] : memref<32x40x128xi32, #tpu.memory_space<hbm>> -> memref<1x40x128xi32, #tpu.memory_space<hbm>>
      %dma_wait3A_78 = tpu.memref_squeeze %dma_wait3A_77 : memref<1x40x128xi32, #tpu.memory_space<hbm>> -> memref<40x128xi32, #tpu.memory_space<hbm>>
      %dma_wait3A_79 = arith.constant 0 : i32
      %dma_wait3A_80 = arith.constant 0 : i32
      %dma_wait3A_81 = tpu.memref_slice %arg3[%add3A, %dma_wait3A_79, %dma_wait3A_80] : memref<32x40x128xi32, #tpu.memory_space<hbm>> -> memref<1x40x128xi32, #tpu.memory_space<hbm>>
      %dma_wait3A_82 = tpu.memref_squeeze %dma_wait3A_81 : memref<1x40x128xi32, #tpu.memory_space<hbm>> -> memref<40x128xi32, #tpu.memory_space<hbm>>
      tpu.wait_dma2 semaphore(%run_scoped3A : memref<!tpu.dma_semaphore, #tpu.memory_space<semaphore_mem>>) src(%dma_wait3A_82 : memref<40x128xi32, #tpu.memory_space<hbm>>) dst(%arg16 : memref<40x128xi32, #tpu.memory_space<vmem>>)
      tpu.yield
    }) : () -> ()
    "tpu.region"() ({
      %run_scoped3A = tpu.sem_alloc : memref<!tpu.dma_semaphore, #tpu.memory_space<semaphore_mem>>
      tpu.enqueue_dma source(%arg4 : memref<10240xf32, #tpu.memory_space<hbm>>) target(%arg11 : memref<10240xf32, #tpu.memory_space<vmem>>) target_semaphore(%run_scoped3A : memref<!tpu.dma_semaphore, #tpu.memory_space<semaphore_mem>>)
      tpu.wait_dma2 semaphore(%run_scoped3A : memref<!tpu.dma_semaphore, #tpu.memory_space<semaphore_mem>>) src(%arg4 : memref<10240xf32, #tpu.memory_space<hbm>>) dst(%arg11 : memref<10240xf32, #tpu.memory_space<vmem>>)
      tpu.yield
    }) : () -> ()
    "tpu.region"() ({
      %run_scoped3A = tpu.sem_alloc : memref<!tpu.dma_semaphore, #tpu.memory_space<semaphore_mem>>
      tpu.enqueue_dma source(%arg5 : memref<10240xf32, #tpu.memory_space<hbm>>) target(%arg12 : memref<10240xf32, #tpu.memory_space<vmem>>) target_semaphore(%run_scoped3A : memref<!tpu.dma_semaphore, #tpu.memory_space<semaphore_mem>>)
      tpu.wait_dma2 semaphore(%run_scoped3A : memref<!tpu.dma_semaphore, #tpu.memory_space<semaphore_mem>>) src(%arg5 : memref<10240xf32, #tpu.memory_space<hbm>>) dst(%arg12 : memref<10240xf32, #tpu.memory_space<vmem>>)
      tpu.yield
    }) : () -> ()
    %scan3A_54 = arith.constant 0 : i32
    %scan3A_55 = arith.constant 40 : i32
    %scan3A_56 = arith.addi %scan3A_54, %scan3A_55 : i32
    %scan3A_57 = arith.constant 1 : i32
    scf.for %scan3A_69 = %scan3A_54 to %scan3A_56 step %scan3A_57  : i32 {
      %mul3A_70 = arith.constant 1 : i32
      %mul3A_71 = arith.muli %scan3A_69, %mul3A_70 : i32
      %add3A_72 = arith.constant 0 : i32
      %add3A_73 = arith.addi %add3A_72, %mul3A_71 : i32
      %get3A = arith.index_cast %add3A_73 : i32 to index
      %get3A_74 = arith.constant 0 : index
      %get3A_75 = tpu.vector_load %arg15[%get3A, %get3A_74] {strides = array<i32>} : memref<40x128xi32, #tpu.memory_space<vmem>>, vector<16xi32>,
      %get3A_76 = arith.index_cast %add3A_73 : i32 to index
      %get3A_77 = arith.constant 0 : index
      %get3A_78 = tpu.vector_load %arg16[%get3A_76, %get3A_77] {strides = array<i32>} : memref<40x128xi32, #tpu.memory_space<vmem>>, vector<16xi32>,
      %gather3A = tpu.vector_load_idx %arg13[%get3A_75] : memref<10240xf32, #tpu.memory_space<vmem>>[vector<16xi32>], vector<16xf32>,
      %gather3A_79 = tpu.vector_load_idx %arg13[%get3A_78] : memref<10240xf32, #tpu.memory_space<vmem>>[vector<16xi32>], vector<16xf32>,
      %mul3A_80 = arith.mulf %gather3A, %gather3A_79 : vector<16xf32>
      %gather3A_81 = tpu.vector_load_idx %arg11[%get3A_78] : memref<10240xf32, #tpu.memory_space<vmem>>[vector<16xi32>], vector<16xf32>,
      %gather3A_82 = tpu.vector_load_idx %arg12[%get3A_75] : memref<10240xf32, #tpu.memory_space<vmem>>[vector<16xi32>], vector<16xf32>,
      %add3A_83 = arith.addf %gather3A_81, %gather3A_82 : vector<16xf32>
      %abs3A = math.absf %add3A_83 : vector<16xf32>
      %mul3A_84 = arith.constant -2.000000e+00 : f32
      %mul3A_85 = vector.broadcast %mul3A_84 : f32 to vector<16xf32>
      %mul3A_86 = arith.mulf %mul3A_85, %abs3A : vector<16xf32>
      %exp3A = math.exp %mul3A_86 : vector<16xf32>
      %sub3A = arith.constant 1.000000e+00 : f32
      %sub3A_87 = vector.broadcast %sub3A : f32 to vector<16xf32>
      %sub3A_88 = arith.subf %sub3A_87, %exp3A : vector<16xf32>
      %add3A_89 = arith.constant 1.000000e+00 : f32
      %add3A_90 = vector.broadcast %add3A_89 : f32 to vector<16xf32>
      %add3A_91 = arith.addf %add3A_90, %exp3A : vector<16xf32>
      %div3A = arith.divf %sub3A_88, %add3A_91 : vector<16xf32>
      %lt3A = arith.constant 0.000000e+00 : f32
      %lt3A_92 = vector.broadcast %lt3A : f32 to vector<16xf32>
      %lt3A_93 = arith.cmpf olt, %add3A_83, %lt3A_92 : vector<16xf32>
      %neg3A = arith.constant 0.000000e+00 : f32
      %neg3A_94 = vector.broadcast %neg3A : f32 to vector<16xf32>
      %neg3A_95 = arith.subf %neg3A_94, %div3A : vector<16xf32>
      %select_n3A = arith.select %lt3A_93, %neg3A_95, %div3A : vector<16xi1>, vector<16xf32>
      %mul3A_96 = arith.mulf %select_n3A, %mul3A_80 : vector<16xf32>
      %mul3A_97 = arith.constant 128 : i32
      %mul3A_98 = arith.muli %add3A_73, %mul3A_97 : i32
      %add3A_99 = arith.constant 0 : i32
      %add3A_100 = arith.addi %mul3A_98, %add3A_99 : i32
      %swap3A = arith.index_cast %add3A_100 : i32 to index
      %swap3A_101 = tpu.vector_load %arg17[%swap3A] {strides = array<i32>} : memref<5120xf32, #tpu.memory_space<vmem>>, vector<16xf32>,
      tpu.vector_store %arg17[%swap3A], %mul3A_96 {strides = array<i32>} : memref<5120xf32, #tpu.memory_space<vmem>>, vector<16xf32>,
      %get3A_102 = arith.index_cast %add3A_73 : i32 to index
      %get3A_103 = arith.constant 16 : index
      %get3A_104 = tpu.vector_load %arg15[%get3A_102, %get3A_103] {strides = array<i32>} : memref<40x128xi32, #tpu.memory_space<vmem>>, vector<16xi32>,
      %get3A_105 = arith.index_cast %add3A_73 : i32 to index
      %get3A_106 = arith.constant 16 : index
      %get3A_107 = tpu.vector_load %arg16[%get3A_105, %get3A_106] {strides = array<i32>} : memref<40x128xi32, #tpu.memory_space<vmem>>, vector<16xi32>,
      %gather3A_108 = tpu.vector_load_idx %arg13[%get3A_104] : memref<10240xf32, #tpu.memory_space<vmem>>[vector<16xi32>], vector<16xf32>,
      %gather3A_109 = tpu.vector_load_idx %arg13[%get3A_107] : memref<10240xf32, #tpu.memory_space<vmem>>[vector<16xi32>], vector<16xf32>,
      %mul3A_110 = arith.mulf %gather3A_108, %gather3A_109 : vector<16xf32>
      %gather3A_111 = tpu.vector_load_idx %arg11[%get3A_107] : memref<10240xf32, #tpu.memory_space<vmem>>[vector<16xi32>], vector<16xf32>,
      %gather3A_112 = tpu.vector_load_idx %arg12[%get3A_104] : memref<10240xf32, #tpu.memory_space<vmem>>[vector<16xi32>], vector<16xf32>,
      %add3A_113 = arith.addf %gather3A_111, %gather3A_112 : vector<16xf32>
      %abs3A_114 = math.absf %add3A_113 : vector<16xf32>
      %mul3A_115 = arith.constant -2.000000e+00 : f32
      %mul3A_116 = vector.broadcast %mul3A_115 : f32 to vector<16xf32>
      %mul3A_117 = arith.mulf %mul3A_116, %abs3A_114 : vector<16xf32>
      %exp3A_118 = math.exp %mul3A_117 : vector<16xf32>
      %sub3A_119 = arith.constant 1.000000e+00 : f32
      %sub3A_120 = vector.broadcast %sub3A_119 : f32 to vector<16xf32>
      %sub3A_121 = arith.subf %sub3A_120, %exp3A_118 : vector<16xf32>
      %add3A_122 = arith.constant 1.000000e+00 : f32
      %add3A_123 = vector.broadcast %add3A_122 : f32 to vector<16xf32>
      %add3A_124 = arith.addf %add3A_123, %exp3A_118 : vector<16xf32>
      %div3A_125 = arith.divf %sub3A_121, %add3A_124 : vector<16xf32>
      %lt3A_126 = arith.constant 0.000000e+00 : f32
      %lt3A_127 = vector.broadcast %lt3A_126 : f32 to vector<16xf32>
      %lt3A_128 = arith.cmpf olt, %add3A_113, %lt3A_127 : vector<16xf32>
      %neg3A_129 = arith.constant 0.000000e+00 : f32
      %neg3A_130 = vector.broadcast %neg3A_129 : f32 to vector<16xf32>
      %neg3A_131 = arith.subf %neg3A_130, %div3A_125 : vector<16xf32>
      %select_n3A_132 = arith.select %lt3A_128, %neg3A_131, %div3A_125 : vector<16xi1>, vector<16xf32>
      %mul3A_133 = arith.mulf %select_n3A_132, %mul3A_110 : vector<16xf32>
      %mul3A_134 = arith.constant 128 : i32
      %mul3A_135 = arith.muli %add3A_73, %mul3A_134 : i32
      %add3A_136 = arith.constant 16 : i32
      %add3A_137 = arith.addi %mul3A_135, %add3A_136 : i32
      %swap3A_138 = arith.index_cast %add3A_137 : i32 to index
      %swap3A_139 = tpu.vector_load %arg17[%swap3A_138] {strides = array<i32>} : memref<5120xf32, #tpu.memory_space<vmem>>, vector<16xf32>,
      tpu.vector_store %arg17[%swap3A_138], %mul3A_133 {strides = array<i32>} : memref<5120xf32, #tpu.memory_space<vmem>>, vector<16xf32>,
      %get3A_140 = arith.index_cast %add3A_73 : i32 to index
      %get3A_141 = arith.constant 32 : index
      %get3A_142 = tpu.vector_load %arg15[%get3A_140, %get3A_141] {strides = array<i32>} : memref<40x128xi32, #tpu.memory_space<vmem>>, vector<16xi32>,
      %get3A_143 = arith.index_cast %add3A_73 : i32 to index
      %get3A_144 = arith.constant 32 : index
      %get3A_145 = tpu.vector_load %arg16[%get3A_143, %get3A_144] {strides = array<i32>} : memref<40x128xi32, #tpu.memory_space<vmem>>, vector<16xi32>,
      %gather3A_146 = tpu.vector_load_idx %arg13[%get3A_142] : memref<10240xf32, #tpu.memory_space<vmem>>[vector<16xi32>], vector<16xf32>,
      %gather3A_147 = tpu.vector_load_idx %arg13[%get3A_145] : memref<10240xf32, #tpu.memory_space<vmem>>[vector<16xi32>], vector<16xf32>,
      %mul3A_148 = arith.mulf %gather3A_146, %gather3A_147 : vector<16xf32>
      %gather3A_149 = tpu.vector_load_idx %arg11[%get3A_145] : memref<10240xf32, #tpu.memory_space<vmem>>[vector<16xi32>], vector<16xf32>,
      %gather3A_150 = tpu.vector_load_idx %arg12[%get3A_142] : memref<10240xf32, #tpu.memory_space<vmem>>[vector<16xi32>], vector<16xf32>,
      %add3A_151 = arith.addf %gather3A_149, %gather3A_150 : vector<16xf32>
      %abs3A_152 = math.absf %add3A_151 : vector<16xf32>
      %mul3A_153 = arith.constant -2.000000e+00 : f32
      %mul3A_154 = vector.broadcast %mul3A_153 : f32 to vector<16xf32>
      %mul3A_155 = arith.mulf %mul3A_154, %abs3A_152 : vector<16xf32>
      %exp3A_156 = math.exp %mul3A_155 : vector<16xf32>
      %sub3A_157 = arith.constant 1.000000e+00 : f32
      %sub3A_158 = vector.broadcast %sub3A_157 : f32 to vector<16xf32>
      %sub3A_159 = arith.subf %sub3A_158, %exp3A_156 : vector<16xf32>
      %add3A_160 = arith.constant 1.000000e+00 : f32
      %add3A_161 = vector.broadcast %add3A_160 : f32 to vector<16xf32>
      %add3A_162 = arith.addf %add3A_161, %exp3A_156 : vector<16xf32>
      %div3A_163 = arith.divf %sub3A_159, %add3A_162 : vector<16xf32>
      %lt3A_164 = arith.constant 0.000000e+00 : f32
      %lt3A_165 = vector.broadcast %lt3A_164 : f32 to vector<16xf32>
      %lt3A_166 = arith.cmpf olt, %add3A_151, %lt3A_165 : vector<16xf32>
      %neg3A_167 = arith.constant 0.000000e+00 : f32
      %neg3A_168 = vector.broadcast %neg3A_167 : f32 to vector<16xf32>
      %neg3A_169 = arith.subf %neg3A_168, %div3A_163 : vector<16xf32>
      %select_n3A_170 = arith.select %lt3A_166, %neg3A_169, %div3A_163 : vector<16xi1>, vector<16xf32>
      %mul3A_171 = arith.mulf %select_n3A_170, %mul3A_148 : vector<16xf32>
      %mul3A_172 = arith.constant 128 : i32
      %mul3A_173 = arith.muli %add3A_73, %mul3A_172 : i32
      %add3A_174 = arith.constant 32 : i32
      %add3A_175 = arith.addi %mul3A_173, %add3A_174 : i32
      %swap3A_176 = arith.index_cast %add3A_175 : i32 to index
      %swap3A_177 = tpu.vector_load %arg17[%swap3A_176] {strides = array<i32>} : memref<5120xf32, #tpu.memory_space<vmem>>, vector<16xf32>,
      tpu.vector_store %arg17[%swap3A_176], %mul3A_171 {strides = array<i32>} : memref<5120xf32, #tpu.memory_space<vmem>>, vector<16xf32>,
      %get3A_178 = arith.index_cast %add3A_73 : i32 to index
      %get3A_179 = arith.constant 48 : index
      %get3A_180 = tpu.vector_load %arg15[%get3A_178, %get3A_179] {strides = array<i32>} : memref<40x128xi32, #tpu.memory_space<vmem>>, vector<16xi32>,
      %get3A_181 = arith.index_cast %add3A_73 : i32 to index
      %get3A_182 = arith.constant 48 : index
      %get3A_183 = tpu.vector_load %arg16[%get3A_181, %get3A_182] {strides = array<i32>} : memref<40x128xi32, #tpu.memory_space<vmem>>, vector<16xi32>,
      %gather3A_184 = tpu.vector_load_idx %arg13[%get3A_180] : memref<10240xf32, #tpu.memory_space<vmem>>[vector<16xi32>], vector<16xf32>,
      %gather3A_185 = tpu.vector_load_idx %arg13[%get3A_183] : memref<10240xf32, #tpu.memory_space<vmem>>[vector<16xi32>], vector<16xf32>,
      %mul3A_186 = arith.mulf %gather3A_184, %gather3A_185 : vector<16xf32>
      %gather3A_187 = tpu.vector_load_idx %arg11[%get3A_183] : memref<10240xf32, #tpu.memory_space<vmem>>[vector<16xi32>], vector<16xf32>,
      %gather3A_188 = tpu.vector_load_idx %arg12[%get3A_180] : memref<10240xf32, #tpu.memory_space<vmem>>[vector<16xi32>], vector<16xf32>,
      %add3A_189 = arith.addf %gather3A_187, %gather3A_188 : vector<16xf32>
      %abs3A_190 = math.absf %add3A_189 : vector<16xf32>
      %mul3A_191 = arith.constant -2.000000e+00 : f32
      %mul3A_192 = vector.broadcast %mul3A_191 : f32 to vector<16xf32>
      %mul3A_193 = arith.mulf %mul3A_192, %abs3A_190 : vector<16xf32>
      %exp3A_194 = math.exp %mul3A_193 : vector<16xf32>
      %sub3A_195 = arith.constant 1.000000e+00 : f32
      %sub3A_196 = vector.broadcast %sub3A_195 : f32 to vector<16xf32>
      %sub3A_197 = arith.subf %sub3A_196, %exp3A_194 : vector<16xf32>
      %add3A_198 = arith.constant 1.000000e+00 : f32
      %add3A_199 = vector.broadcast %add3A_198 : f32 to vector<16xf32>
      %add3A_200 = arith.addf %add3A_199, %exp3A_194 : vector<16xf32>
      %div3A_201 = arith.divf %sub3A_197, %add3A_200 : vector<16xf32>
      %lt3A_202 = arith.constant 0.000000e+00 : f32
      %lt3A_203 = vector.broadcast %lt3A_202 : f32 to vector<16xf32>
      %lt3A_204 = arith.cmpf olt, %add3A_189, %lt3A_203 : vector<16xf32>
      %neg3A_205 = arith.constant 0.000000e+00 : f32
      %neg3A_206 = vector.broadcast %neg3A_205 : f32 to vector<16xf32>
      %neg3A_207 = arith.subf %neg3A_206, %div3A_201 : vector<16xf32>
      %select_n3A_208 = arith.select %lt3A_204, %neg3A_207, %div3A_201 : vector<16xi1>, vector<16xf32>
      %mul3A_209 = arith.mulf %select_n3A_208, %mul3A_186 : vector<16xf32>
      %mul3A_210 = arith.constant 128 : i32
      %mul3A_211 = arith.muli %add3A_73, %mul3A_210 : i32
      %add3A_212 = arith.constant 48 : i32
      %add3A_213 = arith.addi %mul3A_211, %add3A_212 : i32
      %swap3A_214 = arith.index_cast %add3A_213 : i32 to index
      %swap3A_215 = tpu.vector_load %arg17[%swap3A_214] {strides = array<i32>} : memref<5120xf32, #tpu.memory_space<vmem>>, vector<16xf32>,
      tpu.vector_store %arg17[%swap3A_214], %mul3A_209 {strides = array<i32>} : memref<5120xf32, #tpu.memory_space<vmem>>, vector<16xf32>,
      %get3A_216 = arith.index_cast %add3A_73 : i32 to index
      %get3A_217 = arith.constant 64 : index
      %get3A_218 = tpu.vector_load %arg15[%get3A_216, %get3A_217] {strides = array<i32>} : memref<40x128xi32, #tpu.memory_space<vmem>>, vector<16xi32>,
      %get3A_219 = arith.index_cast %add3A_73 : i32 to index
      %get3A_220 = arith.constant 64 : index
      %get3A_221 = tpu.vector_load %arg16[%get3A_219, %get3A_220] {strides = array<i32>} : memref<40x128xi32, #tpu.memory_space<vmem>>, vector<16xi32>,
      %gather3A_222 = tpu.vector_load_idx %arg13[%get3A_218] : memref<10240xf32, #tpu.memory_space<vmem>>[vector<16xi32>], vector<16xf32>,
      %gather3A_223 = tpu.vector_load_idx %arg13[%get3A_221] : memref<10240xf32, #tpu.memory_space<vmem>>[vector<16xi32>], vector<16xf32>,
      %mul3A_224 = arith.mulf %gather3A_222, %gather3A_223 : vector<16xf32>
      %gather3A_225 = tpu.vector_load_idx %arg11[%get3A_221] : memref<10240xf32, #tpu.memory_space<vmem>>[vector<16xi32>], vector<16xf32>,
      %gather3A_226 = tpu.vector_load_idx %arg12[%get3A_218] : memref<10240xf32, #tpu.memory_space<vmem>>[vector<16xi32>], vector<16xf32>,
      %add3A_227 = arith.addf %gather3A_225, %gather3A_226 : vector<16xf32>
      %abs3A_228 = math.absf %add3A_227 : vector<16xf32>
      %mul3A_229 = arith.constant -2.000000e+00 : f32
      %mul3A_230 = vector.broadcast %mul3A_229 : f32 to vector<16xf32>
      %mul3A_231 = arith.mulf %mul3A_230, %abs3A_228 : vector<16xf32>
      %exp3A_232 = math.exp %mul3A_231 : vector<16xf32>
      %sub3A_233 = arith.constant 1.000000e+00 : f32
      %sub3A_234 = vector.broadcast %sub3A_233 : f32 to vector<16xf32>
      %sub3A_235 = arith.subf %sub3A_234, %exp3A_232 : vector<16xf32>
      %add3A_236 = arith.constant 1.000000e+00 : f32
      %add3A_237 = vector.broadcast %add3A_236 : f32 to vector<16xf32>
      %add3A_238 = arith.addf %add3A_237, %exp3A_232 : vector<16xf32>
      %div3A_239 = arith.divf %sub3A_235, %add3A_238 : vector<16xf32>
      %lt3A_240 = arith.constant 0.000000e+00 : f32
      %lt3A_241 = vector.broadcast %lt3A_240 : f32 to vector<16xf32>
      %lt3A_242 = arith.cmpf olt, %add3A_227, %lt3A_241 : vector<16xf32>
      %neg3A_243 = arith.constant 0.000000e+00 : f32
      %neg3A_244 = vector.broadcast %neg3A_243 : f32 to vector<16xf32>
      %neg3A_245 = arith.subf %neg3A_244, %div3A_239 : vector<16xf32>
      %select_n3A_246 = arith.select %lt3A_242, %neg3A_245, %div3A_239 : vector<16xi1>, vector<16xf32>
      %mul3A_247 = arith.mulf %select_n3A_246, %mul3A_224 : vector<16xf32>
      %mul3A_248 = arith.constant 128 : i32
      %mul3A_249 = arith.muli %add3A_73, %mul3A_248 : i32
      %add3A_250 = arith.constant 64 : i32
      %add3A_251 = arith.addi %mul3A_249, %add3A_250 : i32
      %swap3A_252 = arith.index_cast %add3A_251 : i32 to index
      %swap3A_253 = tpu.vector_load %arg17[%swap3A_252] {strides = array<i32>} : memref<5120xf32, #tpu.memory_space<vmem>>, vector<16xf32>,
      tpu.vector_store %arg17[%swap3A_252], %mul3A_247 {strides = array<i32>} : memref<5120xf32, #tpu.memory_space<vmem>>, vector<16xf32>,
      %get3A_254 = arith.index_cast %add3A_73 : i32 to index
      %get3A_255 = arith.constant 80 : index
      %get3A_256 = tpu.vector_load %arg15[%get3A_254, %get3A_255] {strides = array<i32>} : memref<40x128xi32, #tpu.memory_space<vmem>>, vector<16xi32>,
      %get3A_257 = arith.index_cast %add3A_73 : i32 to index
      %get3A_258 = arith.constant 80 : index
      %get3A_259 = tpu.vector_load %arg16[%get3A_257, %get3A_258] {strides = array<i32>} : memref<40x128xi32, #tpu.memory_space<vmem>>, vector<16xi32>,
      %gather3A_260 = tpu.vector_load_idx %arg13[%get3A_256] : memref<10240xf32, #tpu.memory_space<vmem>>[vector<16xi32>], vector<16xf32>,
      %gather3A_261 = tpu.vector_load_idx %arg13[%get3A_259] : memref<10240xf32, #tpu.memory_space<vmem>>[vector<16xi32>], vector<16xf32>,
      %mul3A_262 = arith.mulf %gather3A_260, %gather3A_261 : vector<16xf32>
      %gather3A_263 = tpu.vector_load_idx %arg11[%get3A_259] : memref<10240xf32, #tpu.memory_space<vmem>>[vector<16xi32>], vector<16xf32>,
      %gather3A_264 = tpu.vector_load_idx %arg12[%get3A_256] : memref<10240xf32, #tpu.memory_space<vmem>>[vector<16xi32>], vector<16xf32>,
      %add3A_265 = arith.addf %gather3A_263, %gather3A_264 : vector<16xf32>
      %abs3A_266 = math.absf %add3A_265 : vector<16xf32>
      %mul3A_267 = arith.constant -2.000000e+00 : f32
      %mul3A_268 = vector.broadcast %mul3A_267 : f32 to vector<16xf32>
      %mul3A_269 = arith.mulf %mul3A_268, %abs3A_266 : vector<16xf32>
      %exp3A_270 = math.exp %mul3A_269 : vector<16xf32>
      %sub3A_271 = arith.constant 1.000000e+00 : f32
      %sub3A_272 = vector.broadcast %sub3A_271 : f32 to vector<16xf32>
      %sub3A_273 = arith.subf %sub3A_272, %exp3A_270 : vector<16xf32>
      %add3A_274 = arith.constant 1.000000e+00 : f32
      %add3A_275 = vector.broadcast %add3A_274 : f32 to vector<16xf32>
      %add3A_276 = arith.addf %add3A_275, %exp3A_270 : vector<16xf32>
      %div3A_277 = arith.divf %sub3A_273, %add3A_276 : vector<16xf32>
      %lt3A_278 = arith.constant 0.000000e+00 : f32
      %lt3A_279 = vector.broadcast %lt3A_278 : f32 to vector<16xf32>
      %lt3A_280 = arith.cmpf olt, %add3A_265, %lt3A_279 : vector<16xf32>
      %neg3A_281 = arith.constant 0.000000e+00 : f32
      %neg3A_282 = vector.broadcast %neg3A_281 : f32 to vector<16xf32>
      %neg3A_283 = arith.subf %neg3A_282, %div3A_277 : vector<16xf32>
      %select_n3A_284 = arith.select %lt3A_280, %neg3A_283, %div3A_277 : vector<16xi1>, vector<16xf32>
      %mul3A_285 = arith.mulf %select_n3A_284, %mul3A_262 : vector<16xf32>
      %mul3A_286 = arith.constant 128 : i32
      %mul3A_287 = arith.muli %add3A_73, %mul3A_286 : i32
      %add3A_288 = arith.constant 80 : i32
      %add3A_289 = arith.addi %mul3A_287, %add3A_288 : i32
      %swap3A_290 = arith.index_cast %add3A_289 : i32 to index
      %swap3A_291 = tpu.vector_load %arg17[%swap3A_290] {strides = array<i32>} : memref<5120xf32, #tpu.memory_space<vmem>>, vector<16xf32>,
      tpu.vector_store %arg17[%swap3A_290], %mul3A_285 {strides = array<i32>} : memref<5120xf32, #tpu.memory_space<vmem>>, vector<16xf32>,
      %get3A_292 = arith.index_cast %add3A_73 : i32 to index
      %get3A_293 = arith.constant 96 : index
      %get3A_294 = tpu.vector_load %arg15[%get3A_292, %get3A_293] {strides = array<i32>} : memref<40x128xi32, #tpu.memory_space<vmem>>, vector<16xi32>,
      %get3A_295 = arith.index_cast %add3A_73 : i32 to index
      %get3A_296 = arith.constant 96 : index
      %get3A_297 = tpu.vector_load %arg16[%get3A_295, %get3A_296] {strides = array<i32>} : memref<40x128xi32, #tpu.memory_space<vmem>>, vector<16xi32>,
      %gather3A_298 = tpu.vector_load_idx %arg13[%get3A_294] : memref<10240xf32, #tpu.memory_space<vmem>>[vector<16xi32>], vector<16xf32>,
      %gather3A_299 = tpu.vector_load_idx %arg13[%get3A_297] : memref<10240xf32, #tpu.memory_space<vmem>>[vector<16xi32>], vector<16xf32>,
      %mul3A_300 = arith.mulf %gather3A_298, %gather3A_299 : vector<16xf32>
      %gather3A_301 = tpu.vector_load_idx %arg11[%get3A_297] : memref<10240xf32, #tpu.memory_space<vmem>>[vector<16xi32>], vector<16xf32>,
      %gather3A_302 = tpu.vector_load_idx %arg12[%get3A_294] : memref<10240xf32, #tpu.memory_space<vmem>>[vector<16xi32>], vector<16xf32>,
      %add3A_303 = arith.addf %gather3A_301, %gather3A_302 : vector<16xf32>
      %abs3A_304 = math.absf %add3A_303 : vector<16xf32>
      %mul3A_305 = arith.constant -2.000000e+00 : f32
      %mul3A_306 = vector.broadcast %mul3A_305 : f32 to vector<16xf32>
      %mul3A_307 = arith.mulf %mul3A_306, %abs3A_304 : vector<16xf32>
      %exp3A_308 = math.exp %mul3A_307 : vector<16xf32>
      %sub3A_309 = arith.constant 1.000000e+00 : f32
      %sub3A_310 = vector.broadcast %sub3A_309 : f32 to vector<16xf32>
      %sub3A_311 = arith.subf %sub3A_310, %exp3A_308 : vector<16xf32>
      %add3A_312 = arith.constant 1.000000e+00 : f32
      %add3A_313 = vector.broadcast %add3A_312 : f32 to vector<16xf32>
      %add3A_314 = arith.addf %add3A_313, %exp3A_308 : vector<16xf32>
      %div3A_315 = arith.divf %sub3A_311, %add3A_314 : vector<16xf32>
      %lt3A_316 = arith.constant 0.000000e+00 : f32
      %lt3A_317 = vector.broadcast %lt3A_316 : f32 to vector<16xf32>
      %lt3A_318 = arith.cmpf olt, %add3A_303, %lt3A_317 : vector<16xf32>
      %neg3A_319 = arith.constant 0.000000e+00 : f32
      %neg3A_320 = vector.broadcast %neg3A_319 : f32 to vector<16xf32>
      %neg3A_321 = arith.subf %neg3A_320, %div3A_315 : vector<16xf32>
      %select_n3A_322 = arith.select %lt3A_318, %neg3A_321, %div3A_315 : vector<16xi1>, vector<16xf32>
      %mul3A_323 = arith.mulf %select_n3A_322, %mul3A_300 : vector<16xf32>
      %mul3A_324 = arith.constant 128 : i32
      %mul3A_325 = arith.muli %add3A_73, %mul3A_324 : i32
      %add3A_326 = arith.constant 96 : i32
      %add3A_327 = arith.addi %mul3A_325, %add3A_326 : i32
      %swap3A_328 = arith.index_cast %add3A_327 : i32 to index
      %swap3A_329 = tpu.vector_load %arg17[%swap3A_328] {strides = array<i32>} : memref<5120xf32, #tpu.memory_space<vmem>>, vector<16xf32>,
      tpu.vector_store %arg17[%swap3A_328], %mul3A_323 {strides = array<i32>} : memref<5120xf32, #tpu.memory_space<vmem>>, vector<16xf32>,
      %get3A_330 = arith.index_cast %add3A_73 : i32 to index
      %get3A_331 = arith.constant 112 : index
      %get3A_332 = tpu.vector_load %arg15[%get3A_330, %get3A_331] {strides = array<i32>} : memref<40x128xi32, #tpu.memory_space<vmem>>, vector<16xi32>,
      %get3A_333 = arith.index_cast %add3A_73 : i32 to index
      %get3A_334 = arith.constant 112 : index
      %get3A_335 = tpu.vector_load %arg16[%get3A_333, %get3A_334] {strides = array<i32>} : memref<40x128xi32, #tpu.memory_space<vmem>>, vector<16xi32>,
      %gather3A_336 = tpu.vector_load_idx %arg13[%get3A_332] : memref<10240xf32, #tpu.memory_space<vmem>>[vector<16xi32>], vector<16xf32>,
      %gather3A_337 = tpu.vector_load_idx %arg13[%get3A_335] : memref<10240xf32, #tpu.memory_space<vmem>>[vector<16xi32>], vector<16xf32>,
      %mul3A_338 = arith.mulf %gather3A_336, %gather3A_337 : vector<16xf32>
      %gather3A_339 = tpu.vector_load_idx %arg11[%get3A_335] : memref<10240xf32, #tpu.memory_space<vmem>>[vector<16xi32>], vector<16xf32>,
      %gather3A_340 = tpu.vector_load_idx %arg12[%get3A_332] : memref<10240xf32, #tpu.memory_space<vmem>>[vector<16xi32>], vector<16xf32>,
      %add3A_341 = arith.addf %gather3A_339, %gather3A_340 : vector<16xf32>
      %abs3A_342 = math.absf %add3A_341 : vector<16xf32>
      %mul3A_343 = arith.constant -2.000000e+00 : f32
      %mul3A_344 = vector.broadcast %mul3A_343 : f32 to vector<16xf32>
      %mul3A_345 = arith.mulf %mul3A_344, %abs3A_342 : vector<16xf32>
      %exp3A_346 = math.exp %mul3A_345 : vector<16xf32>
      %sub3A_347 = arith.constant 1.000000e+00 : f32
      %sub3A_348 = vector.broadcast %sub3A_347 : f32 to vector<16xf32>
      %sub3A_349 = arith.subf %sub3A_348, %exp3A_346 : vector<16xf32>
      %add3A_350 = arith.constant 1.000000e+00 : f32
      %add3A_351 = vector.broadcast %add3A_350 : f32 to vector<16xf32>
      %add3A_352 = arith.addf %add3A_351, %exp3A_346 : vector<16xf32>
      %div3A_353 = arith.divf %sub3A_349, %add3A_352 : vector<16xf32>
      %lt3A_354 = arith.constant 0.000000e+00 : f32
      %lt3A_355 = vector.broadcast %lt3A_354 : f32 to vector<16xf32>
      %lt3A_356 = arith.cmpf olt, %add3A_341, %lt3A_355 : vector<16xf32>
      %neg3A_357 = arith.constant 0.000000e+00 : f32
      %neg3A_358 = vector.broadcast %neg3A_357 : f32 to vector<16xf32>
      %neg3A_359 = arith.subf %neg3A_358, %div3A_353 : vector<16xf32>
      %select_n3A_360 = arith.select %lt3A_356, %neg3A_359, %div3A_353 : vector<16xi1>, vector<16xf32>
      %mul3A_361 = arith.mulf %select_n3A_360, %mul3A_338 : vector<16xf32>
      %mul3A_362 = arith.constant 128 : i32
      %mul3A_363 = arith.muli %add3A_73, %mul3A_362 : i32
      %add3A_364 = arith.constant 112 : i32
      %add3A_365 = arith.addi %mul3A_363, %add3A_364 : i32
      %swap3A_366 = arith.index_cast %add3A_365 : i32 to index
      %swap3A_367 = tpu.vector_load %arg17[%swap3A_366] {strides = array<i32>} : memref<5120xf32, #tpu.memory_space<vmem>>, vector<16xf32>,
      tpu.vector_store %arg17[%swap3A_366], %mul3A_361 {strides = array<i32>} : memref<5120xf32, #tpu.memory_space<vmem>>, vector<16xf32>,
    }
    %scan3A_58 = arith.constant 40 : i32
    "tpu.region"() ({
      %run_scoped3A = tpu.sem_alloc : memref<!tpu.dma_semaphore, #tpu.memory_space<semaphore_mem>>
      tpu.enqueue_dma source(%arg6 : memref<10240xf32, #tpu.memory_space<hbm>>) target(%arg11 : memref<10240xf32, #tpu.memory_space<vmem>>) target_semaphore(%run_scoped3A : memref<!tpu.dma_semaphore, #tpu.memory_space<semaphore_mem>>)
      tpu.wait_dma2 semaphore(%run_scoped3A : memref<!tpu.dma_semaphore, #tpu.memory_space<semaphore_mem>>) src(%arg6 : memref<10240xf32, #tpu.memory_space<hbm>>) dst(%arg11 : memref<10240xf32, #tpu.memory_space<vmem>>)
      tpu.yield
    }) : () -> ()
    "tpu.region"() ({
      %run_scoped3A = tpu.sem_alloc : memref<!tpu.dma_semaphore, #tpu.memory_space<semaphore_mem>>
      tpu.enqueue_dma source(%arg7 : memref<10240xf32, #tpu.memory_space<hbm>>) target(%arg12 : memref<10240xf32, #tpu.memory_space<vmem>>) target_semaphore(%run_scoped3A : memref<!tpu.dma_semaphore, #tpu.memory_space<semaphore_mem>>)
      tpu.wait_dma2 semaphore(%run_scoped3A : memref<!tpu.dma_semaphore, #tpu.memory_space<semaphore_mem>>) src(%arg7 : memref<10240xf32, #tpu.memory_space<hbm>>) dst(%arg12 : memref<10240xf32, #tpu.memory_space<vmem>>)
      tpu.yield
    }) : () -> ()
    %scan3A_59 = arith.constant 0 : i32
    %scan3A_60 = arith.constant 40 : i32
    %scan3A_61 = arith.addi %scan3A_59, %scan3A_60 : i32
    %scan3A_62 = arith.constant 1 : i32
    scf.for %scan3A_69 = %scan3A_59 to %scan3A_61 step %scan3A_62  : i32 {
      %mul3A_70 = arith.constant 1 : i32
      %mul3A_71 = arith.muli %scan3A_69, %mul3A_70 : i32
      %add3A_72 = arith.constant 0 : i32
      %add3A_73 = arith.addi %add3A_72, %mul3A_71 : i32
      %get3A = arith.index_cast %add3A_73 : i32 to index
      %get3A_74 = arith.constant 0 : index
      %get3A_75 = tpu.vector_load %arg15[%get3A, %get3A_74] {strides = array<i32>} : memref<40x128xi32, #tpu.memory_space<vmem>>, vector<16xi32>,
      %get3A_76 = arith.index_cast %add3A_73 : i32 to index
      %get3A_77 = arith.constant 0 : index
      %get3A_78 = tpu.vector_load %arg16[%get3A_76, %get3A_77] {strides = array<i32>} : memref<40x128xi32, #tpu.memory_space<vmem>>, vector<16xi32>,
      %gather3A = tpu.vector_load_idx %arg13[%get3A_75] : memref<10240xf32, #tpu.memory_space<vmem>>[vector<16xi32>], vector<16xf32>,
      %gather3A_79 = tpu.vector_load_idx %arg13[%get3A_78] : memref<10240xf32, #tpu.memory_space<vmem>>[vector<16xi32>], vector<16xf32>,
      %mul3A_80 = arith.mulf %gather3A, %gather3A_79 : vector<16xf32>
      %gather3A_81 = tpu.vector_load_idx %arg11[%get3A_78] : memref<10240xf32, #tpu.memory_space<vmem>>[vector<16xi32>], vector<16xf32>,
      %gather3A_82 = tpu.vector_load_idx %arg12[%get3A_75] : memref<10240xf32, #tpu.memory_space<vmem>>[vector<16xi32>], vector<16xf32>,
      %add3A_83 = arith.addf %gather3A_81, %gather3A_82 : vector<16xf32>
      %abs3A = math.absf %add3A_83 : vector<16xf32>
      %mul3A_84 = arith.constant -2.000000e+00 : f32
      %mul3A_85 = vector.broadcast %mul3A_84 : f32 to vector<16xf32>
      %mul3A_86 = arith.mulf %mul3A_85, %abs3A : vector<16xf32>
      %exp3A = math.exp %mul3A_86 : vector<16xf32>
      %sub3A = arith.constant 1.000000e+00 : f32
      %sub3A_87 = vector.broadcast %sub3A : f32 to vector<16xf32>
      %sub3A_88 = arith.subf %sub3A_87, %exp3A : vector<16xf32>
      %add3A_89 = arith.constant 1.000000e+00 : f32
      %add3A_90 = vector.broadcast %add3A_89 : f32 to vector<16xf32>
      %add3A_91 = arith.addf %add3A_90, %exp3A : vector<16xf32>
      %div3A = arith.divf %sub3A_88, %add3A_91 : vector<16xf32>
      %lt3A = arith.constant 0.000000e+00 : f32
      %lt3A_92 = vector.broadcast %lt3A : f32 to vector<16xf32>
      %lt3A_93 = arith.cmpf olt, %add3A_83, %lt3A_92 : vector<16xf32>
      %neg3A = arith.constant 0.000000e+00 : f32
      %neg3A_94 = vector.broadcast %neg3A : f32 to vector<16xf32>
      %neg3A_95 = arith.subf %neg3A_94, %div3A : vector<16xf32>
      %select_n3A = arith.select %lt3A_93, %neg3A_95, %div3A : vector<16xi1>, vector<16xf32>
      %mul3A_96 = arith.mulf %select_n3A, %mul3A_80 : vector<16xf32>
      %mul3A_97 = arith.constant 128 : i32
      %mul3A_98 = arith.muli %add3A_73, %mul3A_97 : i32
      %add3A_99 = arith.constant 0 : i32
      %add3A_100 = arith.addi %mul3A_98, %add3A_99 : i32
      %swap3A = arith.index_cast %add3A_100 : i32 to index
      %swap3A_101 = tpu.vector_load %arg18[%swap3A] {strides = array<i32>} : memref<5120xf32, #tpu.memory_space<vmem>>, vector<16xf32>,
      tpu.vector_store %arg18[%swap3A], %mul3A_96 {strides = array<i32>} : memref<5120xf32, #tpu.memory_space<vmem>>, vector<16xf32>,
      %get3A_102 = arith.index_cast %add3A_73 : i32 to index
      %get3A_103 = arith.constant 16 : index
      %get3A_104 = tpu.vector_load %arg15[%get3A_102, %get3A_103] {strides = array<i32>} : memref<40x128xi32, #tpu.memory_space<vmem>>, vector<16xi32>,
      %get3A_105 = arith.index_cast %add3A_73 : i32 to index
      %get3A_106 = arith.constant 16 : index
      %get3A_107 = tpu.vector_load %arg16[%get3A_105, %get3A_106] {strides = array<i32>} : memref<40x128xi32, #tpu.memory_space<vmem>>, vector<16xi32>,
      %gather3A_108 = tpu.vector_load_idx %arg13[%get3A_104] : memref<10240xf32, #tpu.memory_space<vmem>>[vector<16xi32>], vector<16xf32>,
      %gather3A_109 = tpu.vector_load_idx %arg13[%get3A_107] : memref<10240xf32, #tpu.memory_space<vmem>>[vector<16xi32>], vector<16xf32>,
      %mul3A_110 = arith.mulf %gather3A_108, %gather3A_109 : vector<16xf32>
      %gather3A_111 = tpu.vector_load_idx %arg11[%get3A_107] : memref<10240xf32, #tpu.memory_space<vmem>>[vector<16xi32>], vector<16xf32>,
      %gather3A_112 = tpu.vector_load_idx %arg12[%get3A_104] : memref<10240xf32, #tpu.memory_space<vmem>>[vector<16xi32>], vector<16xf32>,
      %add3A_113 = arith.addf %gather3A_111, %gather3A_112 : vector<16xf32>
      %abs3A_114 = math.absf %add3A_113 : vector<16xf32>
      %mul3A_115 = arith.constant -2.000000e+00 : f32
      %mul3A_116 = vector.broadcast %mul3A_115 : f32 to vector<16xf32>
      %mul3A_117 = arith.mulf %mul3A_116, %abs3A_114 : vector<16xf32>
      %exp3A_118 = math.exp %mul3A_117 : vector<16xf32>
      %sub3A_119 = arith.constant 1.000000e+00 : f32
      %sub3A_120 = vector.broadcast %sub3A_119 : f32 to vector<16xf32>
      %sub3A_121 = arith.subf %sub3A_120, %exp3A_118 : vector<16xf32>
      %add3A_122 = arith.constant 1.000000e+00 : f32
      %add3A_123 = vector.broadcast %add3A_122 : f32 to vector<16xf32>
      %add3A_124 = arith.addf %add3A_123, %exp3A_118 : vector<16xf32>
      %div3A_125 = arith.divf %sub3A_121, %add3A_124 : vector<16xf32>
      %lt3A_126 = arith.constant 0.000000e+00 : f32
      %lt3A_127 = vector.broadcast %lt3A_126 : f32 to vector<16xf32>
      %lt3A_128 = arith.cmpf olt, %add3A_113, %lt3A_127 : vector<16xf32>
      %neg3A_129 = arith.constant 0.000000e+00 : f32
      %neg3A_130 = vector.broadcast %neg3A_129 : f32 to vector<16xf32>
      %neg3A_131 = arith.subf %neg3A_130, %div3A_125 : vector<16xf32>
      %select_n3A_132 = arith.select %lt3A_128, %neg3A_131, %div3A_125 : vector<16xi1>, vector<16xf32>
      %mul3A_133 = arith.mulf %select_n3A_132, %mul3A_110 : vector<16xf32>
      %mul3A_134 = arith.constant 128 : i32
      %mul3A_135 = arith.muli %add3A_73, %mul3A_134 : i32
      %add3A_136 = arith.constant 16 : i32
      %add3A_137 = arith.addi %mul3A_135, %add3A_136 : i32
      %swap3A_138 = arith.index_cast %add3A_137 : i32 to index
      %swap3A_139 = tpu.vector_load %arg18[%swap3A_138] {strides = array<i32>} : memref<5120xf32, #tpu.memory_space<vmem>>, vector<16xf32>,
      tpu.vector_store %arg18[%swap3A_138], %mul3A_133 {strides = array<i32>} : memref<5120xf32, #tpu.memory_space<vmem>>, vector<16xf32>,
      %get3A_140 = arith.index_cast %add3A_73 : i32 to index
      %get3A_141 = arith.constant 32 : index
      %get3A_142 = tpu.vector_load %arg15[%get3A_140, %get3A_141] {strides = array<i32>} : memref<40x128xi32, #tpu.memory_space<vmem>>, vector<16xi32>,
      %get3A_143 = arith.index_cast %add3A_73 : i32 to index
      %get3A_144 = arith.constant 32 : index
      %get3A_145 = tpu.vector_load %arg16[%get3A_143, %get3A_144] {strides = array<i32>} : memref<40x128xi32, #tpu.memory_space<vmem>>, vector<16xi32>,
      %gather3A_146 = tpu.vector_load_idx %arg13[%get3A_142] : memref<10240xf32, #tpu.memory_space<vmem>>[vector<16xi32>], vector<16xf32>,
      %gather3A_147 = tpu.vector_load_idx %arg13[%get3A_145] : memref<10240xf32, #tpu.memory_space<vmem>>[vector<16xi32>], vector<16xf32>,
      %mul3A_148 = arith.mulf %gather3A_146, %gather3A_147 : vector<16xf32>
      %gather3A_149 = tpu.vector_load_idx %arg11[%get3A_145] : memref<10240xf32, #tpu.memory_space<vmem>>[vector<16xi32>], vector<16xf32>,
      %gather3A_150 = tpu.vector_load_idx %arg12[%get3A_142] : memref<10240xf32, #tpu.memory_space<vmem>>[vector<16xi32>], vector<16xf32>,
      %add3A_151 = arith.addf %gather3A_149, %gather3A_150 : vector<16xf32>
      %abs3A_152 = math.absf %add3A_151 : vector<16xf32>
      %mul3A_153 = arith.constant -2.000000e+00 : f32
      %mul3A_154 = vector.broadcast %mul3A_153 : f32 to vector<16xf32>
      %mul3A_155 = arith.mulf %mul3A_154, %abs3A_152 : vector<16xf32>
      %exp3A_156 = math.exp %mul3A_155 : vector<16xf32>
      %sub3A_157 = arith.constant 1.000000e+00 : f32
      %sub3A_158 = vector.broadcast %sub3A_157 : f32 to vector<16xf32>
      %sub3A_159 = arith.subf %sub3A_158, %exp3A_156 : vector<16xf32>
      %add3A_160 = arith.constant 1.000000e+00 : f32
      %add3A_161 = vector.broadcast %add3A_160 : f32 to vector<16xf32>
      %add3A_162 = arith.addf %add3A_161, %exp3A_156 : vector<16xf32>
      %div3A_163 = arith.divf %sub3A_159, %add3A_162 : vector<16xf32>
      %lt3A_164 = arith.constant 0.000000e+00 : f32
      %lt3A_165 = vector.broadcast %lt3A_164 : f32 to vector<16xf32>
      %lt3A_166 = arith.cmpf olt, %add3A_151, %lt3A_165 : vector<16xf32>
      %neg3A_167 = arith.constant 0.000000e+00 : f32
      %neg3A_168 = vector.broadcast %neg3A_167 : f32 to vector<16xf32>
      %neg3A_169 = arith.subf %neg3A_168, %div3A_163 : vector<16xf32>
      %select_n3A_170 = arith.select %lt3A_166, %neg3A_169, %div3A_163 : vector<16xi1>, vector<16xf32>
      %mul3A_171 = arith.mulf %select_n3A_170, %mul3A_148 : vector<16xf32>
      %mul3A_172 = arith.constant 128 : i32
      %mul3A_173 = arith.muli %add3A_73, %mul3A_172 : i32
      %add3A_174 = arith.constant 32 : i32
      %add3A_175 = arith.addi %mul3A_173, %add3A_174 : i32
      %swap3A_176 = arith.index_cast %add3A_175 : i32 to index
      %swap3A_177 = tpu.vector_load %arg18[%swap3A_176] {strides = array<i32>} : memref<5120xf32, #tpu.memory_space<vmem>>, vector<16xf32>,
      tpu.vector_store %arg18[%swap3A_176], %mul3A_171 {strides = array<i32>} : memref<5120xf32, #tpu.memory_space<vmem>>, vector<16xf32>,
      %get3A_178 = arith.index_cast %add3A_73 : i32 to index
      %get3A_179 = arith.constant 48 : index
      %get3A_180 = tpu.vector_load %arg15[%get3A_178, %get3A_179] {strides = array<i32>} : memref<40x128xi32, #tpu.memory_space<vmem>>, vector<16xi32>,
      %get3A_181 = arith.index_cast %add3A_73 : i32 to index
      %get3A_182 = arith.constant 48 : index
      %get3A_183 = tpu.vector_load %arg16[%get3A_181, %get3A_182] {strides = array<i32>} : memref<40x128xi32, #tpu.memory_space<vmem>>, vector<16xi32>,
      %gather3A_184 = tpu.vector_load_idx %arg13[%get3A_180] : memref<10240xf32, #tpu.memory_space<vmem>>[vector<16xi32>], vector<16xf32>,
      %gather3A_185 = tpu.vector_load_idx %arg13[%get3A_183] : memref<10240xf32, #tpu.memory_space<vmem>>[vector<16xi32>], vector<16xf32>,
      %mul3A_186 = arith.mulf %gather3A_184, %gather3A_185 : vector<16xf32>
      %gather3A_187 = tpu.vector_load_idx %arg11[%get3A_183] : memref<10240xf32, #tpu.memory_space<vmem>>[vector<16xi32>], vector<16xf32>,
      %gather3A_188 = tpu.vector_load_idx %arg12[%get3A_180] : memref<10240xf32, #tpu.memory_space<vmem>>[vector<16xi32>], vector<16xf32>,
      %add3A_189 = arith.addf %gather3A_187, %gather3A_188 : vector<16xf32>
      %abs3A_190 = math.absf %add3A_189 : vector<16xf32>
      %mul3A_191 = arith.constant -2.000000e+00 : f32
      %mul3A_192 = vector.broadcast %mul3A_191 : f32 to vector<16xf32>
      %mul3A_193 = arith.mulf %mul3A_192, %abs3A_190 : vector<16xf32>
      %exp3A_194 = math.exp %mul3A_193 : vector<16xf32>
      %sub3A_195 = arith.constant 1.000000e+00 : f32
      %sub3A_196 = vector.broadcast %sub3A_195 : f32 to vector<16xf32>
      %sub3A_197 = arith.subf %sub3A_196, %exp3A_194 : vector<16xf32>
      %add3A_198 = arith.constant 1.000000e+00 : f32
      %add3A_199 = vector.broadcast %add3A_198 : f32 to vector<16xf32>
      %add3A_200 = arith.addf %add3A_199, %exp3A_194 : vector<16xf32>
      %div3A_201 = arith.divf %sub3A_197, %add3A_200 : vector<16xf32>
      %lt3A_202 = arith.constant 0.000000e+00 : f32
      %lt3A_203 = vector.broadcast %lt3A_202 : f32 to vector<16xf32>
      %lt3A_204 = arith.cmpf olt, %add3A_189, %lt3A_203 : vector<16xf32>
      %neg3A_205 = arith.constant 0.000000e+00 : f32
      %neg3A_206 = vector.broadcast %neg3A_205 : f32 to vector<16xf32>
      %neg3A_207 = arith.subf %neg3A_206, %div3A_201 : vector<16xf32>
      %select_n3A_208 = arith.select %lt3A_204, %neg3A_207, %div3A_201 : vector<16xi1>, vector<16xf32>
      %mul3A_209 = arith.mulf %select_n3A_208, %mul3A_186 : vector<16xf32>
      %mul3A_210 = arith.constant 128 : i32
      %mul3A_211 = arith.muli %add3A_73, %mul3A_210 : i32
      %add3A_212 = arith.constant 48 : i32
      %add3A_213 = arith.addi %mul3A_211, %add3A_212 : i32
      %swap3A_214 = arith.index_cast %add3A_213 : i32 to index
      %swap3A_215 = tpu.vector_load %arg18[%swap3A_214] {strides = array<i32>} : memref<5120xf32, #tpu.memory_space<vmem>>, vector<16xf32>,
      tpu.vector_store %arg18[%swap3A_214], %mul3A_209 {strides = array<i32>} : memref<5120xf32, #tpu.memory_space<vmem>>, vector<16xf32>,
      %get3A_216 = arith.index_cast %add3A_73 : i32 to index
      %get3A_217 = arith.constant 64 : index
      %get3A_218 = tpu.vector_load %arg15[%get3A_216, %get3A_217] {strides = array<i32>} : memref<40x128xi32, #tpu.memory_space<vmem>>, vector<16xi32>,
      %get3A_219 = arith.index_cast %add3A_73 : i32 to index
      %get3A_220 = arith.constant 64 : index
      %get3A_221 = tpu.vector_load %arg16[%get3A_219, %get3A_220] {strides = array<i32>} : memref<40x128xi32, #tpu.memory_space<vmem>>, vector<16xi32>,
      %gather3A_222 = tpu.vector_load_idx %arg13[%get3A_218] : memref<10240xf32, #tpu.memory_space<vmem>>[vector<16xi32>], vector<16xf32>,
      %gather3A_223 = tpu.vector_load_idx %arg13[%get3A_221] : memref<10240xf32, #tpu.memory_space<vmem>>[vector<16xi32>], vector<16xf32>,
      %mul3A_224 = arith.mulf %gather3A_222, %gather3A_223 : vector<16xf32>
      %gather3A_225 = tpu.vector_load_idx %arg11[%get3A_221] : memref<10240xf32, #tpu.memory_space<vmem>>[vector<16xi32>], vector<16xf32>,
      %gather3A_226 = tpu.vector_load_idx %arg12[%get3A_218] : memref<10240xf32, #tpu.memory_space<vmem>>[vector<16xi32>], vector<16xf32>,
      %add3A_227 = arith.addf %gather3A_225, %gather3A_226 : vector<16xf32>
      %abs3A_228 = math.absf %add3A_227 : vector<16xf32>
      %mul3A_229 = arith.constant -2.000000e+00 : f32
      %mul3A_230 = vector.broadcast %mul3A_229 : f32 to vector<16xf32>
      %mul3A_231 = arith.mulf %mul3A_230, %abs3A_228 : vector<16xf32>
      %exp3A_232 = math.exp %mul3A_231 : vector<16xf32>
      %sub3A_233 = arith.constant 1.000000e+00 : f32
      %sub3A_234 = vector.broadcast %sub3A_233 : f32 to vector<16xf32>
      %sub3A_235 = arith.subf %sub3A_234, %exp3A_232 : vector<16xf32>
      %add3A_236 = arith.constant 1.000000e+00 : f32
      %add3A_237 = vector.broadcast %add3A_236 : f32 to vector<16xf32>
      %add3A_238 = arith.addf %add3A_237, %exp3A_232 : vector<16xf32>
      %div3A_239 = arith.divf %sub3A_235, %add3A_238 : vector<16xf32>
      %lt3A_240 = arith.constant 0.000000e+00 : f32
      %lt3A_241 = vector.broadcast %lt3A_240 : f32 to vector<16xf32>
      %lt3A_242 = arith.cmpf olt, %add3A_227, %lt3A_241 : vector<16xf32>
      %neg3A_243 = arith.constant 0.000000e+00 : f32
      %neg3A_244 = vector.broadcast %neg3A_243 : f32 to vector<16xf32>
      %neg3A_245 = arith.subf %neg3A_244, %div3A_239 : vector<16xf32>
      %select_n3A_246 = arith.select %lt3A_242, %neg3A_245, %div3A_239 : vector<16xi1>, vector<16xf32>
      %mul3A_247 = arith.mulf %select_n3A_246, %mul3A_224 : vector<16xf32>
      %mul3A_248 = arith.constant 128 : i32
      %mul3A_249 = arith.muli %add3A_73, %mul3A_248 : i32
      %add3A_250 = arith.constant 64 : i32
      %add3A_251 = arith.addi %mul3A_249, %add3A_250 : i32
      %swap3A_252 = arith.index_cast %add3A_251 : i32 to index
      %swap3A_253 = tpu.vector_load %arg18[%swap3A_252] {strides = array<i32>} : memref<5120xf32, #tpu.memory_space<vmem>>, vector<16xf32>,
      tpu.vector_store %arg18[%swap3A_252], %mul3A_247 {strides = array<i32>} : memref<5120xf32, #tpu.memory_space<vmem>>, vector<16xf32>,
      %get3A_254 = arith.index_cast %add3A_73 : i32 to index
      %get3A_255 = arith.constant 80 : index
      %get3A_256 = tpu.vector_load %arg15[%get3A_254, %get3A_255] {strides = array<i32>} : memref<40x128xi32, #tpu.memory_space<vmem>>, vector<16xi32>,
      %get3A_257 = arith.index_cast %add3A_73 : i32 to index
      %get3A_258 = arith.constant 80 : index
      %get3A_259 = tpu.vector_load %arg16[%get3A_257, %get3A_258] {strides = array<i32>} : memref<40x128xi32, #tpu.memory_space<vmem>>, vector<16xi32>,
      %gather3A_260 = tpu.vector_load_idx %arg13[%get3A_256] : memref<10240xf32, #tpu.memory_space<vmem>>[vector<16xi32>], vector<16xf32>,
      %gather3A_261 = tpu.vector_load_idx %arg13[%get3A_259] : memref<10240xf32, #tpu.memory_space<vmem>>[vector<16xi32>], vector<16xf32>,
      %mul3A_262 = arith.mulf %gather3A_260, %gather3A_261 : vector<16xf32>
      %gather3A_263 = tpu.vector_load_idx %arg11[%get3A_259] : memref<10240xf32, #tpu.memory_space<vmem>>[vector<16xi32>], vector<16xf32>,
      %gather3A_264 = tpu.vector_load_idx %arg12[%get3A_256] : memref<10240xf32, #tpu.memory_space<vmem>>[vector<16xi32>], vector<16xf32>,
      %add3A_265 = arith.addf %gather3A_263, %gather3A_264 : vector<16xf32>
      %abs3A_266 = math.absf %add3A_265 : vector<16xf32>
      %mul3A_267 = arith.constant -2.000000e+00 : f32
      %mul3A_268 = vector.broadcast %mul3A_267 : f32 to vector<16xf32>
      %mul3A_269 = arith.mulf %mul3A_268, %abs3A_266 : vector<16xf32>
      %exp3A_270 = math.exp %mul3A_269 : vector<16xf32>
      %sub3A_271 = arith.constant 1.000000e+00 : f32
      %sub3A_272 = vector.broadcast %sub3A_271 : f32 to vector<16xf32>
      %sub3A_273 = arith.subf %sub3A_272, %exp3A_270 : vector<16xf32>
      %add3A_274 = arith.constant 1.000000e+00 : f32
      %add3A_275 = vector.broadcast %add3A_274 : f32 to vector<16xf32>
      %add3A_276 = arith.addf %add3A_275, %exp3A_270 : vector<16xf32>
      %div3A_277 = arith.divf %sub3A_273, %add3A_276 : vector<16xf32>
      %lt3A_278 = arith.constant 0.000000e+00 : f32
      %lt3A_279 = vector.broadcast %lt3A_278 : f32 to vector<16xf32>
      %lt3A_280 = arith.cmpf olt, %add3A_265, %lt3A_279 : vector<16xf32>
      %neg3A_281 = arith.constant 0.000000e+00 : f32
      %neg3A_282 = vector.broadcast %neg3A_281 : f32 to vector<16xf32>
      %neg3A_283 = arith.subf %neg3A_282, %div3A_277 : vector<16xf32>
      %select_n3A_284 = arith.select %lt3A_280, %neg3A_283, %div3A_277 : vector<16xi1>, vector<16xf32>
      %mul3A_285 = arith.mulf %select_n3A_284, %mul3A_262 : vector<16xf32>
      %mul3A_286 = arith.constant 128 : i32
      %mul3A_287 = arith.muli %add3A_73, %mul3A_286 : i32
      %add3A_288 = arith.constant 80 : i32
      %add3A_289 = arith.addi %mul3A_287, %add3A_288 : i32
      %swap3A_290 = arith.index_cast %add3A_289 : i32 to index
      %swap3A_291 = tpu.vector_load %arg18[%swap3A_290] {strides = array<i32>} : memref<5120xf32, #tpu.memory_space<vmem>>, vector<16xf32>,
      tpu.vector_store %arg18[%swap3A_290], %mul3A_285 {strides = array<i32>} : memref<5120xf32, #tpu.memory_space<vmem>>, vector<16xf32>,
      %get3A_292 = arith.index_cast %add3A_73 : i32 to index
      %get3A_293 = arith.constant 96 : index
      %get3A_294 = tpu.vector_load %arg15[%get3A_292, %get3A_293] {strides = array<i32>} : memref<40x128xi32, #tpu.memory_space<vmem>>, vector<16xi32>,
      %get3A_295 = arith.index_cast %add3A_73 : i32 to index
      %get3A_296 = arith.constant 96 : index
      %get3A_297 = tpu.vector_load %arg16[%get3A_295, %get3A_296] {strides = array<i32>} : memref<40x128xi32, #tpu.memory_space<vmem>>, vector<16xi32>,
      %gather3A_298 = tpu.vector_load_idx %arg13[%get3A_294] : memref<10240xf32, #tpu.memory_space<vmem>>[vector<16xi32>], vector<16xf32>,
      %gather3A_299 = tpu.vector_load_idx %arg13[%get3A_297] : memref<10240xf32, #tpu.memory_space<vmem>>[vector<16xi32>], vector<16xf32>,
      %mul3A_300 = arith.mulf %gather3A_298, %gather3A_299 : vector<16xf32>
      %gather3A_301 = tpu.vector_load_idx %arg11[%get3A_297] : memref<10240xf32, #tpu.memory_space<vmem>>[vector<16xi32>], vector<16xf32>,
      %gather3A_302 = tpu.vector_load_idx %arg12[%get3A_294] : memref<10240xf32, #tpu.memory_space<vmem>>[vector<16xi32>], vector<16xf32>,
      %add3A_303 = arith.addf %gather3A_301, %gather3A_302 : vector<16xf32>
      %abs3A_304 = math.absf %add3A_303 : vector<16xf32>
      %mul3A_305 = arith.constant -2.000000e+00 : f32
      %mul3A_306 = vector.broadcast %mul3A_305 : f32 to vector<16xf32>
      %mul3A_307 = arith.mulf %mul3A_306, %abs3A_304 : vector<16xf32>
      %exp3A_308 = math.exp %mul3A_307 : vector<16xf32>
      %sub3A_309 = arith.constant 1.000000e+00 : f32
      %sub3A_310 = vector.broadcast %sub3A_309 : f32 to vector<16xf32>
      %sub3A_311 = arith.subf %sub3A_310, %exp3A_308 : vector<16xf32>
      %add3A_312 = arith.constant 1.000000e+00 : f32
      %add3A_313 = vector.broadcast %add3A_312 : f32 to vector<16xf32>
      %add3A_314 = arith.addf %add3A_313, %exp3A_308 : vector<16xf32>
      %div3A_315 = arith.divf %sub3A_311, %add3A_314 : vector<16xf32>
      %lt3A_316 = arith.constant 0.000000e+00 : f32
      %lt3A_317 = vector.broadcast %lt3A_316 : f32 to vector<16xf32>
      %lt3A_318 = arith.cmpf olt, %add3A_303, %lt3A_317 : vector<16xf32>
      %neg3A_319 = arith.constant 0.000000e+00 : f32
      %neg3A_320 = vector.broadcast %neg3A_319 : f32 to vector<16xf32>
      %neg3A_321 = arith.subf %neg3A_320, %div3A_315 : vector<16xf32>
      %select_n3A_322 = arith.select %lt3A_318, %neg3A_321, %div3A_315 : vector<16xi1>, vector<16xf32>
      %mul3A_323 = arith.mulf %select_n3A_322, %mul3A_300 : vector<16xf32>
      %mul3A_324 = arith.constant 128 : i32
      %mul3A_325 = arith.muli %add3A_73, %mul3A_324 : i32
      %add3A_326 = arith.constant 96 : i32
      %add3A_327 = arith.addi %mul3A_325, %add3A_326 : i32
      %swap3A_328 = arith.index_cast %add3A_327 : i32 to index
      %swap3A_329 = tpu.vector_load %arg18[%swap3A_328] {strides = array<i32>} : memref<5120xf32, #tpu.memory_space<vmem>>, vector<16xf32>,
      tpu.vector_store %arg18[%swap3A_328], %mul3A_323 {strides = array<i32>} : memref<5120xf32, #tpu.memory_space<vmem>>, vector<16xf32>,
      %get3A_330 = arith.index_cast %add3A_73 : i32 to index
      %get3A_331 = arith.constant 112 : index
      %get3A_332 = tpu.vector_load %arg15[%get3A_330, %get3A_331] {strides = array<i32>} : memref<40x128xi32, #tpu.memory_space<vmem>>, vector<16xi32>,
      %get3A_333 = arith.index_cast %add3A_73 : i32 to index
      %get3A_334 = arith.constant 112 : index
      %get3A_335 = tpu.vector_load %arg16[%get3A_333, %get3A_334] {strides = array<i32>} : memref<40x128xi32, #tpu.memory_space<vmem>>, vector<16xi32>,
      %gather3A_336 = tpu.vector_load_idx %arg13[%get3A_332] : memref<10240xf32, #tpu.memory_space<vmem>>[vector<16xi32>], vector<16xf32>,
      %gather3A_337 = tpu.vector_load_idx %arg13[%get3A_335] : memref<10240xf32, #tpu.memory_space<vmem>>[vector<16xi32>], vector<16xf32>,
      %mul3A_338 = arith.mulf %gather3A_336, %gather3A_337 : vector<16xf32>
      %gather3A_339 = tpu.vector_load_idx %arg11[%get3A_335] : memref<10240xf32, #tpu.memory_space<vmem>>[vector<16xi32>], vector<16xf32>,
      %gather3A_340 = tpu.vector_load_idx %arg12[%get3A_332] : memref<10240xf32, #tpu.memory_space<vmem>>[vector<16xi32>], vector<16xf32>,
      %add3A_341 = arith.addf %gather3A_339, %gather3A_340 : vector<16xf32>
      %abs3A_342 = math.absf %add3A_341 : vector<16xf32>
      %mul3A_343 = arith.constant -2.000000e+00 : f32
      %mul3A_344 = vector.broadcast %mul3A_343 : f32 to vector<16xf32>
      %mul3A_345 = arith.mulf %mul3A_344, %abs3A_342 : vector<16xf32>
      %exp3A_346 = math.exp %mul3A_345 : vector<16xf32>
      %sub3A_347 = arith.constant 1.000000e+00 : f32
      %sub3A_348 = vector.broadcast %sub3A_347 : f32 to vector<16xf32>
      %sub3A_349 = arith.subf %sub3A_348, %exp3A_346 : vector<16xf32>
      %add3A_350 = arith.constant 1.000000e+00 : f32
      %add3A_351 = vector.broadcast %add3A_350 : f32 to vector<16xf32>
      %add3A_352 = arith.addf %add3A_351, %exp3A_346 : vector<16xf32>
      %div3A_353 = arith.divf %sub3A_349, %add3A_352 : vector<16xf32>
      %lt3A_354 = arith.constant 0.000000e+00 : f32
      %lt3A_355 = vector.broadcast %lt3A_354 : f32 to vector<16xf32>
      %lt3A_356 = arith.cmpf olt, %add3A_341, %lt3A_355 : vector<16xf32>
      %neg3A_357 = arith.constant 0.000000e+00 : f32
      %neg3A_358 = vector.broadcast %neg3A_357 : f32 to vector<16xf32>
      %neg3A_359 = arith.subf %neg3A_358, %div3A_353 : vector<16xf32>
      %select_n3A_360 = arith.select %lt3A_356, %neg3A_359, %div3A_353 : vector<16xi1>, vector<16xf32>
      %mul3A_361 = arith.mulf %select_n3A_360, %mul3A_338 : vector<16xf32>
      %mul3A_362 = arith.constant 128 : i32
      %mul3A_363 = arith.muli %add3A_73, %mul3A_362 : i32
      %add3A_364 = arith.constant 112 : i32
      %add3A_365 = arith.addi %mul3A_363, %add3A_364 : i32
      %swap3A_366 = arith.index_cast %add3A_365 : i32 to index
      %swap3A_367 = tpu.vector_load %arg18[%swap3A_366] {strides = array<i32>} : memref<5120xf32, #tpu.memory_space<vmem>>, vector<16xf32>,
      tpu.vector_store %arg18[%swap3A_366], %mul3A_361 {strides = array<i32>} : memref<5120xf32, #tpu.memory_space<vmem>>, vector<16xf32>,
    }
    %scan3A_63 = arith.constant 40 : i32
    %scan3A_64 = arith.constant 0 : i32
    %scan3A_65 = arith.constant 16 : i32
    %scan3A_66 = arith.addi %scan3A_64, %scan3A_65 : i32
    %scan3A_67 = arith.constant 1 : i32
    scf.for %scan3A_69 = %scan3A_64 to %scan3A_66 step %scan3A_67  : i32 {
      %mul3A_70 = arith.constant 1 : i32
      %mul3A_71 = arith.muli %scan3A_69, %mul3A_70 : i32
      %add3A_72 = arith.constant 0 : i32
      %add3A_73 = arith.addi %add3A_72, %mul3A_71 : i32
      %scan3A_74 = arith.constant 0 : i32
      %scan3A_75 = arith.constant 128 : i32
      %scan3A_76 = arith.addi %scan3A_74, %scan3A_75 : i32
      %scan3A_77 = arith.constant 4 : i32
      scf.for %scan3A_323 = %scan3A_74 to %scan3A_76 step %scan3A_77  : i32 {
        %mul3A_324 = arith.constant 1 : i32
        %mul3A_325 = arith.muli %scan3A_323, %mul3A_324 : i32
        %add3A_326 = arith.constant 0 : i32
        %add3A_327 = arith.addi %add3A_326, %mul3A_325 : i32
        %swap3A_328 = arith.index_cast %add3A_327 : i32 to index
        %swap3A_329 = arith.constant 0 : index
        %swap3A_330 = tpu.vector_load %arg23[%swap3A_328, %swap3A_329] {strides = array<i32>} : memref<128x64xf32, #tpu.memory_space<vmem>>, vector<16xf32>,
        tpu.vector_store %arg23[%swap3A_328, %swap3A_329], %broadcast_in_dim3A_1 {strides = array<i32>} : memref<128x64xf32, #tpu.memory_space<vmem>>, vector<16xf32>,
        %swap3A_331 = arith.index_cast %add3A_327 : i32 to index
        %swap3A_332 = arith.constant 16 : index
        %swap3A_333 = tpu.vector_load %arg23[%swap3A_331, %swap3A_332] {strides = array<i32>} : memref<128x64xf32, #tpu.memory_space<vmem>>, vector<16xf32>,
        tpu.vector_store %arg23[%swap3A_331, %swap3A_332], %broadcast_in_dim3A_1 {strides = array<i32>} : memref<128x64xf32, #tpu.memory_space<vmem>>, vector<16xf32>,
        %swap3A_334 = arith.index_cast %add3A_327 : i32 to index
        %swap3A_335 = arith.constant 32 : index
        %swap3A_336 = tpu.vector_load %arg23[%swap3A_334, %swap3A_335] {strides = array<i32>} : memref<128x64xf32, #tpu.memory_space<vmem>>, vector<16xf32>,
        tpu.vector_store %arg23[%swap3A_334, %swap3A_335], %broadcast_in_dim3A_1 {strides = array<i32>} : memref<128x64xf32, #tpu.memory_space<vmem>>, vector<16xf32>,
        %swap3A_337 = arith.index_cast %add3A_327 : i32 to index
        %swap3A_338 = arith.constant 48 : index
        %swap3A_339 = tpu.vector_load %arg23[%swap3A_337, %swap3A_338] {strides = array<i32>} : memref<128x64xf32, #tpu.memory_space<vmem>>, vector<16xf32>,
        tpu.vector_store %arg23[%swap3A_337, %swap3A_338], %broadcast_in_dim3A_1 {strides = array<i32>} : memref<128x64xf32, #tpu.memory_space<vmem>>, vector<16xf32>,
        %scan3A_340 = arith.constant 1 : i32
        %scan3A_341 = arith.addi %scan3A_323, %scan3A_340 : i32
        %mul3A_342 = arith.constant 1 : i32
        %mul3A_343 = arith.muli %scan3A_341, %mul3A_342 : i32
        %add3A_344 = arith.constant 0 : i32
        %add3A_345 = arith.addi %add3A_344, %mul3A_343 : i32
        %swap3A_346 = arith.index_cast %add3A_345 : i32 to index
        %swap3A_347 = arith.constant 0 : index
        %swap3A_348 = tpu.vector_load %arg23[%swap3A_346, %swap3A_347] {strides = array<i32>} : memref<128x64xf32, #tpu.memory_space<vmem>>, vector<16xf32>,
        tpu.vector_store %arg23[%swap3A_346, %swap3A_347], %broadcast_in_dim3A_1 {strides = array<i32>} : memref<128x64xf32, #tpu.memory_space<vmem>>, vector<16xf32>,
        %swap3A_349 = arith.index_cast %add3A_345 : i32 to index
        %swap3A_350 = arith.constant 16 : index
        %swap3A_351 = tpu.vector_load %arg23[%swap3A_349, %swap3A_350] {strides = array<i32>} : memref<128x64xf32, #tpu.memory_space<vmem>>, vector<16xf32>,
        tpu.vector_store %arg23[%swap3A_349, %swap3A_350], %broadcast_in_dim3A_1 {strides = array<i32>} : memref<128x64xf32, #tpu.memory_space<vmem>>, vector<16xf32>,
        %swap3A_352 = arith.index_cast %add3A_345 : i32 to index
        %swap3A_353 = arith.constant 32 : index
        %swap3A_354 = tpu.vector_load %arg23[%swap3A_352, %swap3A_353] {strides = array<i32>} : memref<128x64xf32, #tpu.memory_space<vmem>>, vector<16xf32>,
        tpu.vector_store %arg23[%swap3A_352, %swap3A_353], %broadcast_in_dim3A_1 {strides = array<i32>} : memref<128x64xf32, #tpu.memory_space<vmem>>, vector<16xf32>,
        %swap3A_355 = arith.index_cast %add3A_345 : i32 to index
        %swap3A_356 = arith.constant 48 : index
        %swap3A_357 = tpu.vector_load %arg23[%swap3A_355, %swap3A_356] {strides = array<i32>} : memref<128x64xf32, #tpu.memory_space<vmem>>, vector<16xf32>,
        tpu.vector_store %arg23[%swap3A_355, %swap3A_356], %broadcast_in_dim3A_1 {strides = array<i32>} : memref<128x64xf32, #tpu.memory_space<vmem>>, vector<16xf32>,
        %scan3A_358 = arith.constant 2 : i32
        %scan3A_359 = arith.addi %scan3A_323, %scan3A_358 : i32
        %mul3A_360 = arith.constant 1 : i32
        %mul3A_361 = arith.muli %scan3A_359, %mul3A_360 : i32
        %add3A_362 = arith.constant 0 : i32
        %add3A_363 = arith.addi %add3A_362, %mul3A_361 : i32
        %swap3A_364 = arith.index_cast %add3A_363 : i32 to index
        %swap3A_365 = arith.constant 0 : index
        %swap3A_366 = tpu.vector_load %arg23[%swap3A_364, %swap3A_365] {strides = array<i32>} : memref<128x64xf32, #tpu.memory_space<vmem>>, vector<16xf32>,
        tpu.vector_store %arg23[%swap3A_364, %swap3A_365], %broadcast_in_dim3A_1 {strides = array<i32>} : memref<128x64xf32, #tpu.memory_space<vmem>>, vector<16xf32>,
        %swap3A_367 = arith.index_cast %add3A_363 : i32 to index
        %swap3A_368 = arith.constant 16 : index
        %swap3A_369 = tpu.vector_load %arg23[%swap3A_367, %swap3A_368] {strides = array<i32>} : memref<128x64xf32, #tpu.memory_space<vmem>>, vector<16xf32>,
        tpu.vector_store %arg23[%swap3A_367, %swap3A_368], %broadcast_in_dim3A_1 {strides = array<i32>} : memref<128x64xf32, #tpu.memory_space<vmem>>, vector<16xf32>,
        %swap3A_370 = arith.index_cast %add3A_363 : i32 to index
        %swap3A_371 = arith.constant 32 : index
        %swap3A_372 = tpu.vector_load %arg23[%swap3A_370, %swap3A_371] {strides = array<i32>} : memref<128x64xf32, #tpu.memory_space<vmem>>, vector<16xf32>,
        tpu.vector_store %arg23[%swap3A_370, %swap3A_371], %broadcast_in_dim3A_1 {strides = array<i32>} : memref<128x64xf32, #tpu.memory_space<vmem>>, vector<16xf32>,
        %swap3A_373 = arith.index_cast %add3A_363 : i32 to index
        %swap3A_374 = arith.constant 48 : index
        %swap3A_375 = tpu.vector_load %arg23[%swap3A_373, %swap3A_374] {strides = array<i32>} : memref<128x64xf32, #tpu.memory_space<vmem>>, vector<16xf32>,
        tpu.vector_store %arg23[%swap3A_373, %swap3A_374], %broadcast_in_dim3A_1 {strides = array<i32>} : memref<128x64xf32, #tpu.memory_space<vmem>>, vector<16xf32>,
        %scan3A_376 = arith.constant 3 : i32
        %scan3A_377 = arith.addi %scan3A_323, %scan3A_376 : i32
        %mul3A_378 = arith.constant 1 : i32
        %mul3A_379 = arith.muli %scan3A_377, %mul3A_378 : i32
        %add3A_380 = arith.constant 0 : i32
        %add3A_381 = arith.addi %add3A_380, %mul3A_379 : i32
        %swap3A_382 = arith.index_cast %add3A_381 : i32 to index
        %swap3A_383 = arith.constant 0 : index
        %swap3A_384 = tpu.vector_load %arg23[%swap3A_382, %swap3A_383] {strides = array<i32>} : memref<128x64xf32, #tpu.memory_space<vmem>>, vector<16xf32>,
        tpu.vector_store %arg23[%swap3A_382, %swap3A_383], %broadcast_in_dim3A_1 {strides = array<i32>} : memref<128x64xf32, #tpu.memory_space<vmem>>, vector<16xf32>,
        %swap3A_385 = arith.index_cast %add3A_381 : i32 to index
        %swap3A_386 = arith.constant 16 : index
        %swap3A_387 = tpu.vector_load %arg23[%swap3A_385, %swap3A_386] {strides = array<i32>} : memref<128x64xf32, #tpu.memory_space<vmem>>, vector<16xf32>,
        tpu.vector_store %arg23[%swap3A_385, %swap3A_386], %broadcast_in_dim3A_1 {strides = array<i32>} : memref<128x64xf32, #tpu.memory_space<vmem>>, vector<16xf32>,
        %swap3A_388 = arith.index_cast %add3A_381 : i32 to index
        %swap3A_389 = arith.constant 32 : index
        %swap3A_390 = tpu.vector_load %arg23[%swap3A_388, %swap3A_389] {strides = array<i32>} : memref<128x64xf32, #tpu.memory_space<vmem>>, vector<16xf32>,
        tpu.vector_store %arg23[%swap3A_388, %swap3A_389], %broadcast_in_dim3A_1 {strides = array<i32>} : memref<128x64xf32, #tpu.memory_space<vmem>>, vector<16xf32>,
        %swap3A_391 = arith.index_cast %add3A_381 : i32 to index
        %swap3A_392 = arith.constant 48 : index
        %swap3A_393 = tpu.vector_load %arg23[%swap3A_391, %swap3A_392] {strides = array<i32>} : memref<128x64xf32, #tpu.memory_space<vmem>>, vector<16xf32>,
        tpu.vector_store %arg23[%swap3A_391, %swap3A_392], %broadcast_in_dim3A_1 {strides = array<i32>} : memref<128x64xf32, #tpu.memory_space<vmem>>, vector<16xf32>,
      }
      %scan3A_78 = arith.constant 128 : i32
      %mul3A_79 = arith.constant 640 : i32
      %mul3A_80 = arith.muli %arg1, %mul3A_79 : i32
      %add3A_81 = arith.constant 0 : i32
      %add3A_82 = arith.addi %mul3A_80, %add3A_81 : i32
      "tpu.region"() ({
        %run_scoped3A = tpu.sem_alloc : memref<!tpu.dma_semaphore, #tpu.memory_space<semaphore_mem>>
        %dma_start3A_323 = arith.constant 0 : i32
        %dma_start3A_324 = tpu.memref_slice %arg30[%add3A_82, %dma_start3A_323] : memref<10240x64xf32, #tpu.memory_space<vmem_shared>> -> memref<128x64xf32, #tpu.memory_space<vmem_shared>>
        %dma_start3A_325 = arith.constant 0 : i32
        %dma_start3A_326 = tpu.memref_slice %arg30[%add3A_82, %dma_start3A_325] : memref<10240x64xf32, #tpu.memory_space<vmem_shared>> -> memref<128x64xf32, #tpu.memory_space<vmem_shared>>
        tpu.enqueue_dma source(%arg23 : memref<128x64xf32, #tpu.memory_space<vmem>>) target(%dma_start3A_326 : memref<128x64xf32, #tpu.memory_space<vmem_shared>>) target_semaphore(%run_scoped3A : memref<!tpu.dma_semaphore, #tpu.memory_space<semaphore_mem>>)
        %dma_wait3A_327 = arith.constant 0 : i32
        %dma_wait3A_328 = tpu.memref_slice %arg30[%add3A_82, %dma_wait3A_327] : memref<10240x64xf32, #tpu.memory_space<vmem_shared>> -> memref<128x64xf32, #tpu.memory_space<vmem_shared>>
        %dma_wait3A_329 = arith.constant 0 : i32
        %dma_wait3A_330 = tpu.memref_slice %arg30[%add3A_82, %dma_wait3A_329] : memref<10240x64xf32, #tpu.memory_space<vmem_shared>> -> memref<128x64xf32, #tpu.memory_space<vmem_shared>>
        tpu.wait_dma2 semaphore(%run_scoped3A : memref<!tpu.dma_semaphore, #tpu.memory_space<semaphore_mem>>) src(%arg23 : memref<128x64xf32, #tpu.memory_space<vmem>>) dst(%dma_wait3A_330 : memref<128x64xf32, #tpu.memory_space<vmem_shared>>)
        tpu.yield
      }) : () -> ()
      %mul3A_83 = arith.constant 640 : i32
      %mul3A_84 = arith.muli %arg1, %mul3A_83 : i32
      %add3A_85 = arith.constant 128 : i32
      %add3A_86 = arith.addi %mul3A_84, %add3A_85 : i32
      "tpu.region"() ({
        %run_scoped3A = tpu.sem_alloc : memref<!tpu.dma_semaphore, #tpu.memory_space<semaphore_mem>>
        %dma_start3A_323 = arith.constant 0 : i32
        %dma_start3A_324 = tpu.memref_slice %arg30[%add3A_86, %dma_start3A_323] : memref<10240x64xf32, #tpu.memory_space<vmem_shared>> -> memref<128x64xf32, #tpu.memory_space<vmem_shared>>
        %dma_start3A_325 = arith.constant 0 : i32
        %dma_start3A_326 = tpu.memref_slice %arg30[%add3A_86, %dma_start3A_325] : memref<10240x64xf32, #tpu.memory_space<vmem_shared>> -> memref<128x64xf32, #tpu.memory_space<vmem_shared>>
        tpu.enqueue_dma source(%arg23 : memref<128x64xf32, #tpu.memory_space<vmem>>) target(%dma_start3A_326 : memref<128x64xf32, #tpu.memory_space<vmem_shared>>) target_semaphore(%run_scoped3A : memref<!tpu.dma_semaphore, #tpu.memory_space<semaphore_mem>>)
        %dma_wait3A_327 = arith.constant 0 : i32
        %dma_wait3A_328 = tpu.memref_slice %arg30[%add3A_86, %dma_wait3A_327] : memref<10240x64xf32, #tpu.memory_space<vmem_shared>> -> memref<128x64xf32, #tpu.memory_space<vmem_shared>>
        %dma_wait3A_329 = arith.constant 0 : i32
        %dma_wait3A_330 = tpu.memref_slice %arg30[%add3A_86, %dma_wait3A_329] : memref<10240x64xf32, #tpu.memory_space<vmem_shared>> -> memref<128x64xf32, #tpu.memory_space<vmem_shared>>
        tpu.wait_dma2 semaphore(%run_scoped3A : memref<!tpu.dma_semaphore, #tpu.memory_space<semaphore_mem>>) src(%arg23 : memref<128x64xf32, #tpu.memory_space<vmem>>) dst(%dma_wait3A_330 : memref<128x64xf32, #tpu.memory_space<vmem_shared>>)
        tpu.yield
      }) : () -> ()
      %mul3A_87 = arith.constant 640 : i32
      %mul3A_88 = arith.muli %arg1, %mul3A_87 : i32
      %add3A_89 = arith.constant 256 : i32
      %add3A_90 = arith.addi %mul3A_88, %add3A_89 : i32
      "tpu.region"() ({
        %run_scoped3A = tpu.sem_alloc : memref<!tpu.dma_semaphore, #tpu.memory_space<semaphore_mem>>
        %dma_start3A_323 = arith.constant 0 : i32
        %dma_start3A_324 = tpu.memref_slice %arg30[%add3A_90, %dma_start3A_323] : memref<10240x64xf32, #tpu.memory_space<vmem_shared>> -> memref<128x64xf32, #tpu.memory_space<vmem_shared>>
        %dma_start3A_325 = arith.constant 0 : i32
        %dma_start3A_326 = tpu.memref_slice %arg30[%add3A_90, %dma_start3A_325] : memref<10240x64xf32, #tpu.memory_space<vmem_shared>> -> memref<128x64xf32, #tpu.memory_space<vmem_shared>>
        tpu.enqueue_dma source(%arg23 : memref<128x64xf32, #tpu.memory_space<vmem>>) target(%dma_start3A_326 : memref<128x64xf32, #tpu.memory_space<vmem_shared>>) target_semaphore(%run_scoped3A : memref<!tpu.dma_semaphore, #tpu.memory_space<semaphore_mem>>)
        %dma_wait3A_327 = arith.constant 0 : i32
        %dma_wait3A_328 = tpu.memref_slice %arg30[%add3A_90, %dma_wait3A_327] : memref<10240x64xf32, #tpu.memory_space<vmem_shared>> -> memref<128x64xf32, #tpu.memory_space<vmem_shared>>
        %dma_wait3A_329 = arith.constant 0 : i32
        %dma_wait3A_330 = tpu.memref_slice %arg30[%add3A_90, %dma_wait3A_329] : memref<10240x64xf32, #tpu.memory_space<vmem_shared>> -> memref<128x64xf32, #tpu.memory_space<vmem_shared>>
        tpu.wait_dma2 semaphore(%run_scoped3A : memref<!tpu.dma_semaphore, #tpu.memory_space<semaphore_mem>>) src(%arg23 : memref<128x64xf32, #tpu.memory_space<vmem>>) dst(%dma_wait3A_330 : memref<128x64xf32, #tpu.memory_space<vmem_shared>>)
        tpu.yield
      }) : () -> ()
      %mul3A_91 = arith.constant 640 : i32
      %mul3A_92 = arith.muli %arg1, %mul3A_91 : i32
      %add3A_93 = arith.constant 384 : i32
      %add3A_94 = arith.addi %mul3A_92, %add3A_93 : i32
      "tpu.region"() ({
        %run_scoped3A = tpu.sem_alloc : memref<!tpu.dma_semaphore, #tpu.memory_space<semaphore_mem>>
        %dma_start3A_323 = arith.constant 0 : i32
        %dma_start3A_324 = tpu.memref_slice %arg30[%add3A_94, %dma_start3A_323] : memref<10240x64xf32, #tpu.memory_space<vmem_shared>> -> memref<128x64xf32, #tpu.memory_space<vmem_shared>>
        %dma_start3A_325 = arith.constant 0 : i32
        %dma_start3A_326 = tpu.memref_slice %arg30[%add3A_94, %dma_start3A_325] : memref<10240x64xf32, #tpu.memory_space<vmem_shared>> -> memref<128x64xf32, #tpu.memory_space<vmem_shared>>
        tpu.enqueue_dma source(%arg23 : memref<128x64xf32, #tpu.memory_space<vmem>>) target(%dma_start3A_326 : memref<128x64xf32, #tpu.memory_space<vmem_shared>>) target_semaphore(%run_scoped3A : memref<!tpu.dma_semaphore, #tpu.memory_space<semaphore_mem>>)
        %dma_wait3A_327 = arith.constant 0 : i32
        %dma_wait3A_328 = tpu.memref_slice %arg30[%add3A_94, %dma_wait3A_327] : memref<10240x64xf32, #tpu.memory_space<vmem_shared>> -> memref<128x64xf32, #tpu.memory_space<vmem_shared>>
        %dma_wait3A_329 = arith.constant 0 : i32
        %dma_wait3A_330 = tpu.memref_slice %arg30[%add3A_94, %dma_wait3A_329] : memref<10240x64xf32, #tpu.memory_space<vmem_shared>> -> memref<128x64xf32, #tpu.memory_space<vmem_shared>>
        tpu.wait_dma2 semaphore(%run_scoped3A : memref<!tpu.dma_semaphore, #tpu.memory_space<semaphore_mem>>) src(%arg23 : memref<128x64xf32, #tpu.memory_space<vmem>>) dst(%dma_wait3A_330 : memref<128x64xf32, #tpu.memory_space<vmem_shared>>)
        tpu.yield
      }) : () -> ()
      %mul3A_95 = arith.constant 640 : i32
      %mul3A_96 = arith.muli %arg1, %mul3A_95 : i32
      %add3A_97 = arith.constant 512 : i32
      %add3A_98 = arith.addi %mul3A_96, %add3A_97 : i32
      "tpu.region"() ({
        %run_scoped3A = tpu.sem_alloc : memref<!tpu.dma_semaphore, #tpu.memory_space<semaphore_mem>>
        %dma_start3A_323 = arith.constant 0 : i32
        %dma_start3A_324 = tpu.memref_slice %arg30[%add3A_98, %dma_start3A_323] : memref<10240x64xf32, #tpu.memory_space<vmem_shared>> -> memref<128x64xf32, #tpu.memory_space<vmem_shared>>
        %dma_start3A_325 = arith.constant 0 : i32
        %dma_start3A_326 = tpu.memref_slice %arg30[%add3A_98, %dma_start3A_325] : memref<10240x64xf32, #tpu.memory_space<vmem_shared>> -> memref<128x64xf32, #tpu.memory_space<vmem_shared>>
        tpu.enqueue_dma source(%arg23 : memref<128x64xf32, #tpu.memory_space<vmem>>) target(%dma_start3A_326 : memref<128x64xf32, #tpu.memory_space<vmem_shared>>) target_semaphore(%run_scoped3A : memref<!tpu.dma_semaphore, #tpu.memory_space<semaphore_mem>>)
        %dma_wait3A_327 = arith.constant 0 : i32
        %dma_wait3A_328 = tpu.memref_slice %arg30[%add3A_98, %dma_wait3A_327] : memref<10240x64xf32, #tpu.memory_space<vmem_shared>> -> memref<128x64xf32, #tpu.memory_space<vmem_shared>>
        %dma_wait3A_329 = arith.constant 0 : i32
        %dma_wait3A_330 = tpu.memref_slice %arg30[%add3A_98, %dma_wait3A_329] : memref<10240x64xf32, #tpu.memory_space<vmem_shared>> -> memref<128x64xf32, #tpu.memory_space<vmem_shared>>
        tpu.wait_dma2 semaphore(%run_scoped3A : memref<!tpu.dma_semaphore, #tpu.memory_space<semaphore_mem>>) src(%arg23 : memref<128x64xf32, #tpu.memory_space<vmem>>) dst(%dma_wait3A_330 : memref<128x64xf32, #tpu.memory_space<vmem_shared>>)
        tpu.yield
      }) : () -> ()
      %barrier3A_99 = arith.constant 0 : index
      tpu.barrier barrier_id(%barrier3A_99)
      %get3A = arith.constant 0 : i32
      %get3A_100 = arith.index_cast %get3A : i32 to index
      %get3A_101 = arith.constant 0 : index
      %get3A_102 = tpu.vector_load %arg15[%get3A_100, %get3A_101] {strides = array<i32>} : memref<40x128xi32, #tpu.memory_space<vmem>>, vector<16xi32>,
      %mul3A_103 = arith.constant 10240 : i32
      %mul3A_104 = arith.muli %add3A_73, %mul3A_103 : i32
      %add3A_105 = vector.broadcast %mul3A_104 : i32 to vector<16xi32>
      %add3A_106 = arith.addi %get3A_102, %add3A_105 : vector<16xi32>
      %swap3A = arith.constant 0 : index
      %swap3A_107 = tpu.vector_load %arg19[%swap3A] {strides = array<i32>} : memref<128xi32, #tpu.memory_space<vmem>>, vector<16xi32>,
      tpu.vector_store %arg19[%swap3A], %add3A_106 {strides = array<i32>} : memref<128xi32, #tpu.memory_space<vmem>>, vector<16xi32>,
      %get3A_108 = arith.constant 0 : i32
      %get3A_109 = arith.index_cast %get3A_108 : i32 to index
      %get3A_110 = arith.constant 16 : index
      %get3A_111 = tpu.vector_load %arg15[%get3A_109, %get3A_110] {strides = array<i32>} : memref<40x128xi32, #tpu.memory_space<vmem>>, vector<16xi32>,
      %mul3A_112 = arith.constant 10240 : i32
      %mul3A_113 = arith.muli %add3A_73, %mul3A_112 : i32
      %add3A_114 = vector.broadcast %mul3A_113 : i32 to vector<16xi32>
      %add3A_115 = arith.addi %get3A_111, %add3A_114 : vector<16xi32>
      %swap3A_116 = arith.constant 16 : index
      %swap3A_117 = tpu.vector_load %arg19[%swap3A_116] {strides = array<i32>} : memref<128xi32, #tpu.memory_space<vmem>>, vector<16xi32>,
      tpu.vector_store %arg19[%swap3A_116], %add3A_115 {strides = array<i32>} : memref<128xi32, #tpu.memory_space<vmem>>, vector<16xi32>,
      %get3A_118 = arith.constant 0 : i32
      %get3A_119 = arith.index_cast %get3A_118 : i32 to index
      %get3A_120 = arith.constant 32 : index
      %get3A_121 = tpu.vector_load %arg15[%get3A_119, %get3A_120] {strides = array<i32>} : memref<40x128xi32, #tpu.memory_space<vmem>>, vector<16xi32>,
      %mul3A_122 = arith.constant 10240 : i32
      %mul3A_123 = arith.muli %add3A_73, %mul3A_122 : i32
      %add3A_124 = vector.broadcast %mul3A_123 : i32 to vector<16xi32>
      %add3A_125 = arith.addi %get3A_121, %add3A_124 : vector<16xi32>
      %swap3A_126 = arith.constant 32 : index
      %swap3A_127 = tpu.vector_load %arg19[%swap3A_126] {strides = array<i32>} : memref<128xi32, #tpu.memory_space<vmem>>, vector<16xi32>,
      tpu.vector_store %arg19[%swap3A_126], %add3A_125 {strides = array<i32>} : memref<128xi32, #tpu.memory_space<vmem>>, vector<16xi32>,
      %get3A_128 = arith.constant 0 : i32
      %get3A_129 = arith.index_cast %get3A_128 : i32 to index
      %get3A_130 = arith.constant 48 : index
      %get3A_131 = tpu.vector_load %arg15[%get3A_129, %get3A_130] {strides = array<i32>} : memref<40x128xi32, #tpu.memory_space<vmem>>, vector<16xi32>,
      %mul3A_132 = arith.constant 10240 : i32
      %mul3A_133 = arith.muli %add3A_73, %mul3A_132 : i32
      %add3A_134 = vector.broadcast %mul3A_133 : i32 to vector<16xi32>
      %add3A_135 = arith.addi %get3A_131, %add3A_134 : vector<16xi32>
      %swap3A_136 = arith.constant 48 : index
      %swap3A_137 = tpu.vector_load %arg19[%swap3A_136] {strides = array<i32>} : memref<128xi32, #tpu.memory_space<vmem>>, vector<16xi32>,
      tpu.vector_store %arg19[%swap3A_136], %add3A_135 {strides = array<i32>} : memref<128xi32, #tpu.memory_space<vmem>>, vector<16xi32>,
      %get3A_138 = arith.constant 0 : i32
      %get3A_139 = arith.index_cast %get3A_138 : i32 to index
      %get3A_140 = arith.constant 64 : index
      %get3A_141 = tpu.vector_load %arg15[%get3A_139, %get3A_140] {strides = array<i32>} : memref<40x128xi32, #tpu.memory_space<vmem>>, vector<16xi32>,
      %mul3A_142 = arith.constant 10240 : i32
      %mul3A_143 = arith.muli %add3A_73, %mul3A_142 : i32
      %add3A_144 = vector.broadcast %mul3A_143 : i32 to vector<16xi32>
      %add3A_145 = arith.addi %get3A_141, %add3A_144 : vector<16xi32>
      %swap3A_146 = arith.constant 64 : index
      %swap3A_147 = tpu.vector_load %arg19[%swap3A_146] {strides = array<i32>} : memref<128xi32, #tpu.memory_space<vmem>>, vector<16xi32>,
      tpu.vector_store %arg19[%swap3A_146], %add3A_145 {strides = array<i32>} : memref<128xi32, #tpu.memory_space<vmem>>, vector<16xi32>,
      %get3A_148 = arith.constant 0 : i32
      %get3A_149 = arith.index_cast %get3A_148 : i32 to index
      %get3A_150 = arith.constant 80 : index
      %get3A_151 = tpu.vector_load %arg15[%get3A_149, %get3A_150] {strides = array<i32>} : memref<40x128xi32, #tpu.memory_space<vmem>>, vector<16xi32>,
      %mul3A_152 = arith.constant 10240 : i32
      %mul3A_153 = arith.muli %add3A_73, %mul3A_152 : i32
      %add3A_154 = vector.broadcast %mul3A_153 : i32 to vector<16xi32>
      %add3A_155 = arith.addi %get3A_151, %add3A_154 : vector<16xi32>
      %swap3A_156 = arith.constant 80 : index
      %swap3A_157 = tpu.vector_load %arg19[%swap3A_156] {strides = array<i32>} : memref<128xi32, #tpu.memory_space<vmem>>, vector<16xi32>,
      tpu.vector_store %arg19[%swap3A_156], %add3A_155 {strides = array<i32>} : memref<128xi32, #tpu.memory_space<vmem>>, vector<16xi32>,
      %get3A_158 = arith.constant 0 : i32
      %get3A_159 = arith.index_cast %get3A_158 : i32 to index
      %get3A_160 = arith.constant 96 : index
      %get3A_161 = tpu.vector_load %arg15[%get3A_159, %get3A_160] {strides = array<i32>} : memref<40x128xi32, #tpu.memory_space<vmem>>, vector<16xi32>,
      %mul3A_162 = arith.constant 10240 : i32
      %mul3A_163 = arith.muli %add3A_73, %mul3A_162 : i32
      %add3A_164 = vector.broadcast %mul3A_163 : i32 to vector<16xi32>
      %add3A_165 = arith.addi %get3A_161, %add3A_164 : vector<16xi32>
      %swap3A_166 = arith.constant 96 : index
      %swap3A_167 = tpu.vector_load %arg19[%swap3A_166] {strides = array<i32>} : memref<128xi32, #tpu.memory_space<vmem>>, vector<16xi32>,
      tpu.vector_store %arg19[%swap3A_166], %add3A_165 {strides = array<i32>} : memref<128xi32, #tpu.memory_space<vmem>>, vector<16xi32>,
      %get3A_168 = arith.constant 0 : i32
      %get3A_169 = arith.index_cast %get3A_168 : i32 to index
      %get3A_170 = arith.constant 112 : index
      %get3A_171 = tpu.vector_load %arg15[%get3A_169, %get3A_170] {strides = array<i32>} : memref<40x128xi32, #tpu.memory_space<vmem>>, vector<16xi32>,
      %mul3A_172 = arith.constant 10240 : i32
      %mul3A_173 = arith.muli %add3A_73, %mul3A_172 : i32
      %add3A_174 = vector.broadcast %mul3A_173 : i32 to vector<16xi32>
      %add3A_175 = arith.addi %get3A_171, %add3A_174 : vector<16xi32>
      %swap3A_176 = arith.constant 112 : index
      %swap3A_177 = tpu.vector_load %arg19[%swap3A_176] {strides = array<i32>} : memref<128xi32, #tpu.memory_space<vmem>>, vector<16xi32>,
      tpu.vector_store %arg19[%swap3A_176], %add3A_175 {strides = array<i32>} : memref<128xi32, #tpu.memory_space<vmem>>, vector<16xi32>,
      %dma_start3A = arith.constant 0 : i32
      %dma_start3A_178 = arith.constant 0 : i32
      %dma_start3A_179 = tpu.memref_slice %arg8[%dma_start3A, %dma_start3A_178] : memref<163840x32xf32, #tpu.memory_space<hbm>> -> memref<163840x32xf32, #tpu.memory_space<hbm>>
      tpu.enqueue_indirect_dma source(%dma_start3A_179 : memref<163840x32xf32, #tpu.memory_space<hbm>>) target(%arg21 : memref<128x32xf32, #tpu.memory_space<vmem>>) offsets(%arg19 : memref<128xi32, #tpu.memory_space<vmem>>) semaphore(%arg26 : memref<!tpu.dma_semaphore, #tpu.memory_space<semaphore_mem>>)
      %get3A_180 = arith.constant 1 : i32
      %get3A_181 = arith.index_cast %get3A_180 : i32 to index
      %get3A_182 = arith.constant 0 : index
      %get3A_183 = tpu.vector_load %arg15[%get3A_181, %get3A_182] {strides = array<i32>} : memref<40x128xi32, #tpu.memory_space<vmem>>, vector<16xi32>,
      %mul3A_184 = arith.constant 10240 : i32
      %mul3A_185 = arith.muli %add3A_73, %mul3A_184 : i32
      %add3A_186 = vector.broadcast %mul3A_185 : i32 to vector<16xi32>
      %add3A_187 = arith.addi %get3A_183, %add3A_186 : vector<16xi32>
      %swap3A_188 = arith.constant 0 : index
      %swap3A_189 = tpu.vector_load %arg20[%swap3A_188] {strides = array<i32>} : memref<128xi32, #tpu.memory_space<vmem>>, vector<16xi32>,
      tpu.vector_store %arg20[%swap3A_188], %add3A_187 {strides = array<i32>} : memref<128xi32, #tpu.memory_space<vmem>>, vector<16xi32>,
      %get3A_190 = arith.constant 1 : i32
      %get3A_191 = arith.index_cast %get3A_190 : i32 to index
      %get3A_192 = arith.constant 16 : index
      %get3A_193 = tpu.vector_load %arg15[%get3A_191, %get3A_192] {strides = array<i32>} : memref<40x128xi32, #tpu.memory_space<vmem>>, vector<16xi32>,
      %mul3A_194 = arith.constant 10240 : i32
      %mul3A_195 = arith.muli %add3A_73, %mul3A_194 : i32
      %add3A_196 = vector.broadcast %mul3A_195 : i32 to vector<16xi32>
      %add3A_197 = arith.addi %get3A_193, %add3A_196 : vector<16xi32>
      %swap3A_198 = arith.constant 16 : index
      %swap3A_199 = tpu.vector_load %arg20[%swap3A_198] {strides = array<i32>} : memref<128xi32, #tpu.memory_space<vmem>>, vector<16xi32>,
      tpu.vector_store %arg20[%swap3A_198], %add3A_197 {strides = array<i32>} : memref<128xi32, #tpu.memory_space<vmem>>, vector<16xi32>,
      %get3A_200 = arith.constant 1 : i32
      %get3A_201 = arith.index_cast %get3A_200 : i32 to index
      %get3A_202 = arith.constant 32 : index
      %get3A_203 = tpu.vector_load %arg15[%get3A_201, %get3A_202] {strides = array<i32>} : memref<40x128xi32, #tpu.memory_space<vmem>>, vector<16xi32>,
      %mul3A_204 = arith.constant 10240 : i32
      %mul3A_205 = arith.muli %add3A_73, %mul3A_204 : i32
      %add3A_206 = vector.broadcast %mul3A_205 : i32 to vector<16xi32>
      %add3A_207 = arith.addi %get3A_203, %add3A_206 : vector<16xi32>
      %swap3A_208 = arith.constant 32 : index
      %swap3A_209 = tpu.vector_load %arg20[%swap3A_208] {strides = array<i32>} : memref<128xi32, #tpu.memory_space<vmem>>, vector<16xi32>,
      tpu.vector_store %arg20[%swap3A_208], %add3A_207 {strides = array<i32>} : memref<128xi32, #tpu.memory_space<vmem>>, vector<16xi32>,
      %get3A_210 = arith.constant 1 : i32
      %get3A_211 = arith.index_cast %get3A_210 : i32 to index
      %get3A_212 = arith.constant 48 : index
      %get3A_213 = tpu.vector_load %arg15[%get3A_211, %get3A_212] {strides = array<i32>} : memref<40x128xi32, #tpu.memory_space<vmem>>, vector<16xi32>,
      %mul3A_214 = arith.constant 10240 : i32
      %mul3A_215 = arith.muli %add3A_73, %mul3A_214 : i32
      %add3A_216 = vector.broadcast %mul3A_215 : i32 to vector<16xi32>
      %add3A_217 = arith.addi %get3A_213, %add3A_216 : vector<16xi32>
      %swap3A_218 = arith.constant 48 : index
      %swap3A_219 = tpu.vector_load %arg20[%swap3A_218] {strides = array<i32>} : memref<128xi32, #tpu.memory_space<vmem>>, vector<16xi32>,
      tpu.vector_store %arg20[%swap3A_218], %add3A_217 {strides = array<i32>} : memref<128xi32, #tpu.memory_space<vmem>>, vector<16xi32>,
      %get3A_220 = arith.constant 1 : i32
      %get3A_221 = arith.index_cast %get3A_220 : i32 to index
      %get3A_222 = arith.constant 64 : index
      %get3A_223 = tpu.vector_load %arg15[%get3A_221, %get3A_222] {strides = array<i32>} : memref<40x128xi32, #tpu.memory_space<vmem>>, vector<16xi32>,
      %mul3A_224 = arith.constant 10240 : i32
      %mul3A_225 = arith.muli %add3A_73, %mul3A_224 : i32
      %add3A_226 = vector.broadcast %mul3A_225 : i32 to vector<16xi32>
      %add3A_227 = arith.addi %get3A_223, %add3A_226 : vector<16xi32>
      %swap3A_228 = arith.constant 64 : index
      %swap3A_229 = tpu.vector_load %arg20[%swap3A_228] {strides = array<i32>} : memref<128xi32, #tpu.memory_space<vmem>>, vector<16xi32>,
      tpu.vector_store %arg20[%swap3A_228], %add3A_227 {strides = array<i32>} : memref<128xi32, #tpu.memory_space<vmem>>, vector<16xi32>,
      %get3A_230 = arith.constant 1 : i32
      %get3A_231 = arith.index_cast %get3A_230 : i32 to index
      %get3A_232 = arith.constant 80 : index
      %get3A_233 = tpu.vector_load %arg15[%get3A_231, %get3A_232] {strides = array<i32>} : memref<40x128xi32, #tpu.memory_space<vmem>>, vector<16xi32>,
      %mul3A_234 = arith.constant 10240 : i32
      %mul3A_235 = arith.muli %add3A_73, %mul3A_234 : i32
      %add3A_236 = vector.broadcast %mul3A_235 : i32 to vector<16xi32>
      %add3A_237 = arith.addi %get3A_233, %add3A_236 : vector<16xi32>
      %swap3A_238 = arith.constant 80 : index
      %swap3A_239 = tpu.vector_load %arg20[%swap3A_238] {strides = array<i32>} : memref<128xi32, #tpu.memory_space<vmem>>, vector<16xi32>,
      tpu.vector_store %arg20[%swap3A_238], %add3A_237 {strides = array<i32>} : memref<128xi32, #tpu.memory_space<vmem>>, vector<16xi32>,
      %get3A_240 = arith.constant 1 : i32
      %get3A_241 = arith.index_cast %get3A_240 : i32 to index
      %get3A_242 = arith.constant 96 : index
      %get3A_243 = tpu.vector_load %arg15[%get3A_241, %get3A_242] {strides = array<i32>} : memref<40x128xi32, #tpu.memory_space<vmem>>, vector<16xi32>,
      %mul3A_244 = arith.constant 10240 : i32
      %mul3A_245 = arith.muli %add3A_73, %mul3A_244 : i32
      %add3A_246 = vector.broadcast %mul3A_245 : i32 to vector<16xi32>
      %add3A_247 = arith.addi %get3A_243, %add3A_246 : vector<16xi32>
      %swap3A_248 = arith.constant 96 : index
      %swap3A_249 = tpu.vector_load %arg20[%swap3A_248] {strides = array<i32>} : memref<128xi32, #tpu.memory_space<vmem>>, vector<16xi32>,
      tpu.vector_store %arg20[%swap3A_248], %add3A_247 {strides = array<i32>} : memref<128xi32, #tpu.memory_space<vmem>>, vector<16xi32>,
      %get3A_250 = arith.constant 1 : i32
      %get3A_251 = arith.index_cast %get3A_250 : i32 to index
      %get3A_252 = arith.constant 112 : index
      %get3A_253 = tpu.vector_load %arg15[%get3A_251, %get3A_252] {strides = array<i32>} : memref<40x128xi32, #tpu.memory_space<vmem>>, vector<16xi32>,
      %mul3A_254 = arith.constant 10240 : i32
      %mul3A_255 = arith.muli %add3A_73, %mul3A_254 : i32
      %add3A_256 = vector.broadcast %mul3A_255 : i32 to vector<16xi32>
      %add3A_257 = arith.addi %get3A_253, %add3A_256 : vector<16xi32>
      %swap3A_258 = arith.constant 112 : index
      %swap3A_259 = tpu.vector_load %arg20[%swap3A_258] {strides = array<i32>} : memref<128xi32, #tpu.memory_space<vmem>>, vector<16xi32>,
      tpu.vector_store %arg20[%swap3A_258], %add3A_257 {strides = array<i32>} : memref<128xi32, #tpu.memory_space<vmem>>, vector<16xi32>,
      %dma_start3A_260 = arith.constant 0 : i32
      %dma_start3A_261 = arith.constant 0 : i32
      %dma_start3A_262 = tpu.memref_slice %arg8[%dma_start3A_260, %dma_start3A_261] : memref<163840x32xf32, #tpu.memory_space<hbm>> -> memref<163840x32xf32, #tpu.memory_space<hbm>>
      tpu.enqueue_indirect_dma source(%dma_start3A_262 : memref<163840x32xf32, #tpu.memory_space<hbm>>) target(%arg22 : memref<128x32xf32, #tpu.memory_space<vmem>>) offsets(%arg20 : memref<128xi32, #tpu.memory_space<vmem>>) semaphore(%arg27 : memref<!tpu.dma_semaphore, #tpu.memory_space<semaphore_mem>>)
      %scan3A_263 = arith.constant 0 : i32
      %scan3A_264 = arith.constant 20 : i32
      %scan3A_265 = arith.addi %scan3A_263, %scan3A_264 : i32
      %scan3A_266 = arith.constant 1 : i32
      scf.for %scan3A_323 = %scan3A_263 to %scan3A_265 step %scan3A_266  : i32 {
        %mul3A_324 = arith.constant 2 : i32
        %mul3A_325 = arith.muli %scan3A_323, %mul3A_324 : i32
        %add3A_326 = arith.constant 0 : i32
        %add3A_327 = arith.addi %add3A_326, %mul3A_325 : i32
        %add3A_328 = arith.constant 0 : i32
        %add3A_329 = arith.addi %add3A_327, %add3A_328 : i32
        %dma_wait3A_330 = arith.constant 0 : i32
        %dma_wait3A_331 = arith.constant 0 : i32
        %dma_wait3A_332 = tpu.memref_slice %arg8[%dma_wait3A_330, %dma_wait3A_331] : memref<163840x32xf32, #tpu.memory_space<hbm>> -> memref<163840x32xf32, #tpu.memory_space<hbm>>
        tpu.wait_indirect_dma semaphore(%arg26 : memref<!tpu.dma_semaphore, #tpu.memory_space<semaphore_mem>>) src(%dma_wait3A_332 : memref<163840x32xf32, #tpu.memory_space<hbm>>) dst(%arg21 : memref<128x32xf32, #tpu.memory_space<vmem>>)
        %ge3A = arith.constant 2 : i32
        %ge3A_333 = arith.cmpi sge, %add3A_329, %ge3A : i32
        %convert_element_type3A_334 = arith.extui %ge3A_333 : i1 to i32
        %cond3A_335 = arith.constant 0 : i32
        %cond3A_336 = arith.cmpi ne, %convert_element_type3A_334, %cond3A_335 : i32
        scf.if %cond3A_336 {
          %sub3A = arith.constant 2 : i32
          %sub3A_382 = arith.subi %add3A_329, %sub3A : i32
          %dma_wait3A_383 = arith.constant 0 : i32
          %dma_wait3A_384 = tpu.memref_slice %arg16[%sub3A_382, %dma_wait3A_383] : memref<40x128xi32, #tpu.memory_space<vmem>> -> memref<1x128xi32, #tpu.memory_space<vmem>>
          %dma_wait3A_385 = tpu.memref_squeeze %dma_wait3A_384 : memref<1x128xi32, #tpu.memory_space<vmem>> -> memref<128xi32, #tpu.memory_space<vmem>>
          %dma_wait3A_386 = arith.constant 0 : i32
          %dma_wait3A_387 = arith.constant 0 : i32
          %dma_wait3A_388 = tpu.memref_slice %arg30[%dma_wait3A_386, %dma_wait3A_387] : memref<10240x64xf32, #tpu.memory_space<vmem_shared>> -> memref<10240x64xf32, #tpu.memory_space<vmem_shared>>
          tpu.wait_indirect_dma semaphore(%arg28 : memref<!tpu.dma_semaphore, #tpu.memory_space<semaphore_mem>>) src(%arg23 : memref<128x64xf32, #tpu.memory_space<vmem>>) dst(%dma_wait3A_388 : memref<10240x64xf32, #tpu.memory_space<vmem_shared>>)
        } else {
        }
        %scan3A_337 = arith.constant 0 : i32
        %scan3A_338 = arith.constant 8 : i32
        %scan3A_339 = arith.addi %scan3A_337, %scan3A_338 : i32
        %scan3A_340 = arith.constant 1 : i32
        scf.for %scan3A_382 = %scan3A_337 to %scan3A_339 step %scan3A_340  : i32 {
          %mul3A_383 = arith.constant 1 : i32
          %mul3A_384 = arith.muli %scan3A_382, %mul3A_383 : i32
          %add3A_385 = arith.constant 0 : i32
          %add3A_386 = arith.addi %add3A_385, %mul3A_384 : i32
          %mul3A_387 = arith.constant 128 : i32
          %mul3A_388 = arith.muli %add3A_329, %mul3A_387 : i32
          %mul3A_389 = arith.constant 16 : i32
          %mul3A_390 = arith.muli %add3A_386, %mul3A_389 : i32
          %add3A_391 = arith.addi %mul3A_388, %mul3A_390 : i32
          %get3A_392 = arith.index_cast %add3A_391 : i32 to index
          %get3A_393 = tpu.vector_load %arg17[%get3A_392] {strides = array<i32>} : memref<5120xf32, #tpu.memory_space<vmem>>, vector<16xf32>,
          %mul3A_394 = arith.constant 128 : i32
          %mul3A_395 = arith.muli %add3A_329, %mul3A_394 : i32
          %mul3A_396 = arith.constant 16 : i32
          %mul3A_397 = arith.muli %add3A_386, %mul3A_396 : i32
          %add3A_398 = arith.addi %mul3A_395, %mul3A_397 : i32
          %get3A_399 = arith.index_cast %add3A_398 : i32 to index
          %get3A_400 = tpu.vector_load %arg18[%get3A_399] {strides = array<i32>} : memref<5120xf32, #tpu.memory_space<vmem>>, vector<16xf32>,
          %mul3A_401 = arith.constant 16 : i32
          %mul3A_402 = arith.muli %add3A_386, %mul3A_401 : i32
          %add3A_403 = arith.constant 0 : i32
          %add3A_404 = arith.addi %mul3A_402, %add3A_403 : i32
          %slice3A = vector.extract_strided_slice %get3A_393 {offsets = [0], sizes = [1], strides = [1]} : vector<16xf32> to vector<1xf32>
          %squeeze3A = vector.extract %slice3A[0] : f32 from vector<1xf32>
          %slice3A_405 = vector.extract_strided_slice %get3A_400 {offsets = [0], sizes = [1], strides = [1]} : vector<16xf32> to vector<1xf32>
          %squeeze3A_406 = vector.extract %slice3A_405[0] : f32 from vector<1xf32>
          %get3A_407 = arith.index_cast %add3A_404 : i32 to index
          %get3A_408 = arith.constant 0 : index
          %get3A_409 = tpu.vector_load %arg21[%get3A_407, %get3A_408] {strides = array<i32>} : memref<128x32xf32, #tpu.memory_space<vmem>>, vector<16xf32>,
          %mul3A_410 = vector.broadcast %squeeze3A : f32 to vector<16xf32>
          %mul3A_411 = arith.mulf %get3A_409, %mul3A_410 : vector<16xf32>
          %swap3A_412 = arith.index_cast %add3A_404 : i32 to index
          %swap3A_413 = arith.constant 0 : index
          %swap3A_414 = tpu.vector_load %arg23[%swap3A_412, %swap3A_413] {strides = array<i32>} : memref<128x64xf32, #tpu.memory_space<vmem>>, vector<16xf32>,
          tpu.vector_store %arg23[%swap3A_412, %swap3A_413], %mul3A_411 {strides = array<i32>} : memref<128x64xf32, #tpu.memory_space<vmem>>, vector<16xf32>,
          %mul3A_415 = vector.broadcast %squeeze3A_406 : f32 to vector<16xf32>
          %mul3A_416 = arith.mulf %get3A_409, %mul3A_415 : vector<16xf32>
          %swap3A_417 = arith.index_cast %add3A_404 : i32 to index
          %swap3A_418 = arith.constant 32 : index
          %swap3A_419 = tpu.vector_load %arg23[%swap3A_417, %swap3A_418] {strides = array<i32>} : memref<128x64xf32, #tpu.memory_space<vmem>>, vector<16xf32>,
          tpu.vector_store %arg23[%swap3A_417, %swap3A_418], %mul3A_416 {strides = array<i32>} : memref<128x64xf32, #tpu.memory_space<vmem>>, vector<16xf32>,
          %get3A_420 = arith.index_cast %add3A_404 : i32 to index
          %get3A_421 = arith.constant 16 : index
          %get3A_422 = tpu.vector_load %arg21[%get3A_420, %get3A_421] {strides = array<i32>} : memref<128x32xf32, #tpu.memory_space<vmem>>, vector<16xf32>,
          %mul3A_423 = vector.broadcast %squeeze3A : f32 to vector<16xf32>
          %mul3A_424 = arith.mulf %get3A_422, %mul3A_423 : vector<16xf32>
          %swap3A_425 = arith.index_cast %add3A_404 : i32 to index
          %swap3A_426 = arith.constant 16 : index
          %swap3A_427 = tpu.vector_load %arg23[%swap3A_425, %swap3A_426] {strides = array<i32>} : memref<128x64xf32, #tpu.memory_space<vmem>>, vector<16xf32>,
          tpu.vector_store %arg23[%swap3A_425, %swap3A_426], %mul3A_424 {strides = array<i32>} : memref<128x64xf32, #tpu.memory_space<vmem>>, vector<16xf32>,
          %mul3A_428 = vector.broadcast %squeeze3A_406 : f32 to vector<16xf32>
          %mul3A_429 = arith.mulf %get3A_422, %mul3A_428 : vector<16xf32>
          %swap3A_430 = arith.index_cast %add3A_404 : i32 to index
          %swap3A_431 = arith.constant 48 : index
          %swap3A_432 = tpu.vector_load %arg23[%swap3A_430, %swap3A_431] {strides = array<i32>} : memref<128x64xf32, #tpu.memory_space<vmem>>, vector<16xf32>,
          tpu.vector_store %arg23[%swap3A_430, %swap3A_431], %mul3A_429 {strides = array<i32>} : memref<128x64xf32, #tpu.memory_space<vmem>>, vector<16xf32>,
          %mul3A_433 = arith.constant 16 : i32
          %mul3A_434 = arith.muli %add3A_386, %mul3A_433 : i32
          %add3A_435 = arith.constant 1 : i32
          %add3A_436 = arith.addi %mul3A_434, %add3A_435 : i32
          %slice3A_437 = vector.extract_strided_slice %get3A_393 {offsets = [1], sizes = [1], strides = [1]} : vector<16xf32> to vector<1xf32>
          %squeeze3A_438 = vector.extract %slice3A_437[0] : f32 from vector<1xf32>
          %slice3A_439 = vector.extract_strided_slice %get3A_400 {offsets = [1], sizes = [1], strides = [1]} : vector<16xf32> to vector<1xf32>
          %squeeze3A_440 = vector.extract %slice3A_439[0] : f32 from vector<1xf32>
          %get3A_441 = arith.index_cast %add3A_436 : i32 to index
          %get3A_442 = arith.constant 0 : index
          %get3A_443 = tpu.vector_load %arg21[%get3A_441, %get3A_442] {strides = array<i32>} : memref<128x32xf32, #tpu.memory_space<vmem>>, vector<16xf32>,
          %mul3A_444 = vector.broadcast %squeeze3A_438 : f32 to vector<16xf32>
          %mul3A_445 = arith.mulf %get3A_443, %mul3A_444 : vector<16xf32>
          %swap3A_446 = arith.index_cast %add3A_436 : i32 to index
          %swap3A_447 = arith.constant 0 : index
          %swap3A_448 = tpu.vector_load %arg23[%swap3A_446, %swap3A_447] {strides = array<i32>} : memref<128x64xf32, #tpu.memory_space<vmem>>, vector<16xf32>,
          tpu.vector_store %arg23[%swap3A_446, %swap3A_447], %mul3A_445 {strides = array<i32>} : memref<128x64xf32, #tpu.memory_space<vmem>>, vector<16xf32>,
          %mul3A_449 = vector.broadcast %squeeze3A_440 : f32 to vector<16xf32>
          %mul3A_450 = arith.mulf %get3A_443, %mul3A_449 : vector<16xf32>
          %swap3A_451 = arith.index_cast %add3A_436 : i32 to index
          %swap3A_452 = arith.constant 32 : index
          %swap3A_453 = tpu.vector_load %arg23[%swap3A_451, %swap3A_452] {strides = array<i32>} : memref<128x64xf32, #tpu.memory_space<vmem>>, vector<16xf32>,
          tpu.vector_store %arg23[%swap3A_451, %swap3A_452], %mul3A_450 {strides = array<i32>} : memref<128x64xf32, #tpu.memory_space<vmem>>, vector<16xf32>,
          %get3A_454 = arith.index_cast %add3A_436 : i32 to index
          %get3A_455 = arith.constant 16 : index
          %get3A_456 = tpu.vector_load %arg21[%get3A_454, %get3A_455] {strides = array<i32>} : memref<128x32xf32, #tpu.memory_space<vmem>>, vector<16xf32>,
          %mul3A_457 = vector.broadcast %squeeze3A_438 : f32 to vector<16xf32>
          %mul3A_458 = arith.mulf %get3A_456, %mul3A_457 : vector<16xf32>
          %swap3A_459 = arith.index_cast %add3A_436 : i32 to index
          %swap3A_460 = arith.constant 16 : index
          %swap3A_461 = tpu.vector_load %arg23[%swap3A_459, %swap3A_460] {strides = array<i32>} : memref<128x64xf32, #tpu.memory_space<vmem>>, vector<16xf32>,
          tpu.vector_store %arg23[%swap3A_459, %swap3A_460], %mul3A_458 {strides = array<i32>} : memref<128x64xf32, #tpu.memory_space<vmem>>, vector<16xf32>,
          %mul3A_462 = vector.broadcast %squeeze3A_440 : f32 to vector<16xf32>
          %mul3A_463 = arith.mulf %get3A_456, %mul3A_462 : vector<16xf32>
          %swap3A_464 = arith.index_cast %add3A_436 : i32 to index
          %swap3A_465 = arith.constant 48 : index
          %swap3A_466 = tpu.vector_load %arg23[%swap3A_464, %swap3A_465] {strides = array<i32>} : memref<128x64xf32, #tpu.memory_space<vmem>>, vector<16xf32>,
          tpu.vector_store %arg23[%swap3A_464, %swap3A_465], %mul3A_463 {strides = array<i32>} : memref<128x64xf32, #tpu.memory_space<vmem>>, vector<16xf32>,
          %mul3A_467 = arith.constant 16 : i32
          %mul3A_468 = arith.muli %add3A_386, %mul3A_467 : i32
          %add3A_469 = arith.constant 2 : i32
          %add3A_470 = arith.addi %mul3A_468, %add3A_469 : i32
          %slice3A_471 = vector.extract_strided_slice %get3A_393 {offsets = [2], sizes = [1], strides = [1]} : vector<16xf32> to vector<1xf32>
          %squeeze3A_472 = vector.extract %slice3A_471[0] : f32 from vector<1xf32>
          %slice3A_473 = vector.extract_strided_slice %get3A_400 {offsets = [2], sizes = [1], strides = [1]} : vector<16xf32> to vector<1xf32>
          %squeeze3A_474 = vector.extract %slice3A_473[0] : f32 from vector<1xf32>
          %get3A_475 = arith.index_cast %add3A_470 : i32 to index
          %get3A_476 = arith.constant 0 : index
          %get3A_477 = tpu.vector_load %arg21[%get3A_475, %get3A_476] {strides = array<i32>} : memref<128x32xf32, #tpu.memory_space<vmem>>, vector<16xf32>,
          %mul3A_478 = vector.broadcast %squeeze3A_472 : f32 to vector<16xf32>
          %mul3A_479 = arith.mulf %get3A_477, %mul3A_478 : vector<16xf32>
          %swap3A_480 = arith.index_cast %add3A_470 : i32 to index
          %swap3A_481 = arith.constant 0 : index
          %swap3A_482 = tpu.vector_load %arg23[%swap3A_480, %swap3A_481] {strides = array<i32>} : memref<128x64xf32, #tpu.memory_space<vmem>>, vector<16xf32>,
          tpu.vector_store %arg23[%swap3A_480, %swap3A_481], %mul3A_479 {strides = array<i32>} : memref<128x64xf32, #tpu.memory_space<vmem>>, vector<16xf32>,
          %mul3A_483 = vector.broadcast %squeeze3A_474 : f32 to vector<16xf32>
          %mul3A_484 = arith.mulf %get3A_477, %mul3A_483 : vector<16xf32>
          %swap3A_485 = arith.index_cast %add3A_470 : i32 to index
          %swap3A_486 = arith.constant 32 : index
          %swap3A_487 = tpu.vector_load %arg23[%swap3A_485, %swap3A_486] {strides = array<i32>} : memref<128x64xf32, #tpu.memory_space<vmem>>, vector<16xf32>,
          tpu.vector_store %arg23[%swap3A_485, %swap3A_486], %mul3A_484 {strides = array<i32>} : memref<128x64xf32, #tpu.memory_space<vmem>>, vector<16xf32>,
          %get3A_488 = arith.index_cast %add3A_470 : i32 to index
          %get3A_489 = arith.constant 16 : index
          %get3A_490 = tpu.vector_load %arg21[%get3A_488, %get3A_489] {strides = array<i32>} : memref<128x32xf32, #tpu.memory_space<vmem>>, vector<16xf32>,
          %mul3A_491 = vector.broadcast %squeeze3A_472 : f32 to vector<16xf32>
          %mul3A_492 = arith.mulf %get3A_490, %mul3A_491 : vector<16xf32>
          %swap3A_493 = arith.index_cast %add3A_470 : i32 to index
          %swap3A_494 = arith.constant 16 : index
          %swap3A_495 = tpu.vector_load %arg23[%swap3A_493, %swap3A_494] {strides = array<i32>} : memref<128x64xf32, #tpu.memory_space<vmem>>, vector<16xf32>,
          tpu.vector_store %arg23[%swap3A_493, %swap3A_494], %mul3A_492 {strides = array<i32>} : memref<128x64xf32, #tpu.memory_space<vmem>>, vector<16xf32>,
          %mul3A_496 = vector.broadcast %squeeze3A_474 : f32 to vector<16xf32>
          %mul3A_497 = arith.mulf %get3A_490, %mul3A_496 : vector<16xf32>
          %swap3A_498 = arith.index_cast %add3A_470 : i32 to index
          %swap3A_499 = arith.constant 48 : index
          %swap3A_500 = tpu.vector_load %arg23[%swap3A_498, %swap3A_499] {strides = array<i32>} : memref<128x64xf32, #tpu.memory_space<vmem>>, vector<16xf32>,
          tpu.vector_store %arg23[%swap3A_498, %swap3A_499], %mul3A_497 {strides = array<i32>} : memref<128x64xf32, #tpu.memory_space<vmem>>, vector<16xf32>,
          %mul3A_501 = arith.constant 16 : i32
          %mul3A_502 = arith.muli %add3A_386, %mul3A_501 : i32
          %add3A_503 = arith.constant 3 : i32
          %add3A_504 = arith.addi %mul3A_502, %add3A_503 : i32
          %slice3A_505 = vector.extract_strided_slice %get3A_393 {offsets = [3], sizes = [1], strides = [1]} : vector<16xf32> to vector<1xf32>
          %squeeze3A_506 = vector.extract %slice3A_505[0] : f32 from vector<1xf32>
          %slice3A_507 = vector.extract_strided_slice %get3A_400 {offsets = [3], sizes = [1], strides = [1]} : vector<16xf32> to vector<1xf32>
          %squeeze3A_508 = vector.extract %slice3A_507[0] : f32 from vector<1xf32>
          %get3A_509 = arith.index_cast %add3A_504 : i32 to index
          %get3A_510 = arith.constant 0 : index
          %get3A_511 = tpu.vector_load %arg21[%get3A_509, %get3A_510] {strides = array<i32>} : memref<128x32xf32, #tpu.memory_space<vmem>>, vector<16xf32>,
          %mul3A_512 = vector.broadcast %squeeze3A_506 : f32 to vector<16xf32>
          %mul3A_513 = arith.mulf %get3A_511, %mul3A_512 : vector<16xf32>
          %swap3A_514 = arith.index_cast %add3A_504 : i32 to index
          %swap3A_515 = arith.constant 0 : index
          %swap3A_516 = tpu.vector_load %arg23[%swap3A_514, %swap3A_515] {strides = array<i32>} : memref<128x64xf32, #tpu.memory_space<vmem>>, vector<16xf32>,
          tpu.vector_store %arg23[%swap3A_514, %swap3A_515], %mul3A_513 {strides = array<i32>} : memref<128x64xf32, #tpu.memory_space<vmem>>, vector<16xf32>,
          %mul3A_517 = vector.broadcast %squeeze3A_508 : f32 to vector<16xf32>
          %mul3A_518 = arith.mulf %get3A_511, %mul3A_517 : vector<16xf32>
          %swap3A_519 = arith.index_cast %add3A_504 : i32 to index
          %swap3A_520 = arith.constant 32 : index
          %swap3A_521 = tpu.vector_load %arg23[%swap3A_519, %swap3A_520] {strides = array<i32>} : memref<128x64xf32, #tpu.memory_space<vmem>>, vector<16xf32>,
          tpu.vector_store %arg23[%swap3A_519, %swap3A_520], %mul3A_518 {strides = array<i32>} : memref<128x64xf32, #tpu.memory_space<vmem>>, vector<16xf32>,
          %get3A_522 = arith.index_cast %add3A_504 : i32 to index
          %get3A_523 = arith.constant 16 : index
          %get3A_524 = tpu.vector_load %arg21[%get3A_522, %get3A_523] {strides = array<i32>} : memref<128x32xf32, #tpu.memory_space<vmem>>, vector<16xf32>,
          %mul3A_525 = vector.broadcast %squeeze3A_506 : f32 to vector<16xf32>
          %mul3A_526 = arith.mulf %get3A_524, %mul3A_525 : vector<16xf32>
          %swap3A_527 = arith.index_cast %add3A_504 : i32 to index
          %swap3A_528 = arith.constant 16 : index
          %swap3A_529 = tpu.vector_load %arg23[%swap3A_527, %swap3A_528] {strides = array<i32>} : memref<128x64xf32, #tpu.memory_space<vmem>>, vector<16xf32>,
          tpu.vector_store %arg23[%swap3A_527, %swap3A_528], %mul3A_526 {strides = array<i32>} : memref<128x64xf32, #tpu.memory_space<vmem>>, vector<16xf32>,
          %mul3A_530 = vector.broadcast %squeeze3A_508 : f32 to vector<16xf32>
          %mul3A_531 = arith.mulf %get3A_524, %mul3A_530 : vector<16xf32>
          %swap3A_532 = arith.index_cast %add3A_504 : i32 to index
          %swap3A_533 = arith.constant 48 : index
          %swap3A_534 = tpu.vector_load %arg23[%swap3A_532, %swap3A_533] {strides = array<i32>} : memref<128x64xf32, #tpu.memory_space<vmem>>, vector<16xf32>,
          tpu.vector_store %arg23[%swap3A_532, %swap3A_533], %mul3A_531 {strides = array<i32>} : memref<128x64xf32, #tpu.memory_space<vmem>>, vector<16xf32>,
          %mul3A_535 = arith.constant 16 : i32
          %mul3A_536 = arith.muli %add3A_386, %mul3A_535 : i32
          %add3A_537 = arith.constant 4 : i32
          %add3A_538 = arith.addi %mul3A_536, %add3A_537 : i32
          %slice3A_539 = vector.extract_strided_slice %get3A_393 {offsets = [4], sizes = [1], strides = [1]} : vector<16xf32> to vector<1xf32>
          %squeeze3A_540 = vector.extract %slice3A_539[0] : f32 from vector<1xf32>
          %slice3A_541 = vector.extract_strided_slice %get3A_400 {offsets = [4], sizes = [1], strides = [1]} : vector<16xf32> to vector<1xf32>
          %squeeze3A_542 = vector.extract %slice3A_541[0] : f32 from vector<1xf32>
          %get3A_543 = arith.index_cast %add3A_538 : i32 to index
          %get3A_544 = arith.constant 0 : index
          %get3A_545 = tpu.vector_load %arg21[%get3A_543, %get3A_544] {strides = array<i32>} : memref<128x32xf32, #tpu.memory_space<vmem>>, vector<16xf32>,
          %mul3A_546 = vector.broadcast %squeeze3A_540 : f32 to vector<16xf32>
          %mul3A_547 = arith.mulf %get3A_545, %mul3A_546 : vector<16xf32>
          %swap3A_548 = arith.index_cast %add3A_538 : i32 to index
          %swap3A_549 = arith.constant 0 : index
          %swap3A_550 = tpu.vector_load %arg23[%swap3A_548, %swap3A_549] {strides = array<i32>} : memref<128x64xf32, #tpu.memory_space<vmem>>, vector<16xf32>,
          tpu.vector_store %arg23[%swap3A_548, %swap3A_549], %mul3A_547 {strides = array<i32>} : memref<128x64xf32, #tpu.memory_space<vmem>>, vector<16xf32>,
          %mul3A_551 = vector.broadcast %squeeze3A_542 : f32 to vector<16xf32>
          %mul3A_552 = arith.mulf %get3A_545, %mul3A_551 : vector<16xf32>
          %swap3A_553 = arith.index_cast %add3A_538 : i32 to index
          %swap3A_554 = arith.constant 32 : index
          %swap3A_555 = tpu.vector_load %arg23[%swap3A_553, %swap3A_554] {strides = array<i32>} : memref<128x64xf32, #tpu.memory_space<vmem>>, vector<16xf32>,
          tpu.vector_store %arg23[%swap3A_553, %swap3A_554], %mul3A_552 {strides = array<i32>} : memref<128x64xf32, #tpu.memory_space<vmem>>, vector<16xf32>,
          %get3A_556 = arith.index_cast %add3A_538 : i32 to index
          %get3A_557 = arith.constant 16 : index
          %get3A_558 = tpu.vector_load %arg21[%get3A_556, %get3A_557] {strides = array<i32>} : memref<128x32xf32, #tpu.memory_space<vmem>>, vector<16xf32>,
          %mul3A_559 = vector.broadcast %squeeze3A_540 : f32 to vector<16xf32>
          %mul3A_560 = arith.mulf %get3A_558, %mul3A_559 : vector<16xf32>
          %swap3A_561 = arith.index_cast %add3A_538 : i32 to index
          %swap3A_562 = arith.constant 16 : index
          %swap3A_563 = tpu.vector_load %arg23[%swap3A_561, %swap3A_562] {strides = array<i32>} : memref<128x64xf32, #tpu.memory_space<vmem>>, vector<16xf32>,
          tpu.vector_store %arg23[%swap3A_561, %swap3A_562], %mul3A_560 {strides = array<i32>} : memref<128x64xf32, #tpu.memory_space<vmem>>, vector<16xf32>,
          %mul3A_564 = vector.broadcast %squeeze3A_542 : f32 to vector<16xf32>
          %mul3A_565 = arith.mulf %get3A_558, %mul3A_564 : vector<16xf32>
          %swap3A_566 = arith.index_cast %add3A_538 : i32 to index
          %swap3A_567 = arith.constant 48 : index
          %swap3A_568 = tpu.vector_load %arg23[%swap3A_566, %swap3A_567] {strides = array<i32>} : memref<128x64xf32, #tpu.memory_space<vmem>>, vector<16xf32>,
          tpu.vector_store %arg23[%swap3A_566, %swap3A_567], %mul3A_565 {strides = array<i32>} : memref<128x64xf32, #tpu.memory_space<vmem>>, vector<16xf32>,
          %mul3A_569 = arith.constant 16 : i32
          %mul3A_570 = arith.muli %add3A_386, %mul3A_569 : i32
          %add3A_571 = arith.constant 5 : i32
          %add3A_572 = arith.addi %mul3A_570, %add3A_571 : i32
          %slice3A_573 = vector.extract_strided_slice %get3A_393 {offsets = [5], sizes = [1], strides = [1]} : vector<16xf32> to vector<1xf32>
          %squeeze3A_574 = vector.extract %slice3A_573[0] : f32 from vector<1xf32>
          %slice3A_575 = vector.extract_strided_slice %get3A_400 {offsets = [5], sizes = [1], strides = [1]} : vector<16xf32> to vector<1xf32>
          %squeeze3A_576 = vector.extract %slice3A_575[0] : f32 from vector<1xf32>
          %get3A_577 = arith.index_cast %add3A_572 : i32 to index
          %get3A_578 = arith.constant 0 : index
          %get3A_579 = tpu.vector_load %arg21[%get3A_577, %get3A_578] {strides = array<i32>} : memref<128x32xf32, #tpu.memory_space<vmem>>, vector<16xf32>,
          %mul3A_580 = vector.broadcast %squeeze3A_574 : f32 to vector<16xf32>
          %mul3A_581 = arith.mulf %get3A_579, %mul3A_580 : vector<16xf32>
          %swap3A_582 = arith.index_cast %add3A_572 : i32 to index
          %swap3A_583 = arith.constant 0 : index
          %swap3A_584 = tpu.vector_load %arg23[%swap3A_582, %swap3A_583] {strides = array<i32>} : memref<128x64xf32, #tpu.memory_space<vmem>>, vector<16xf32>,
          tpu.vector_store %arg23[%swap3A_582, %swap3A_583], %mul3A_581 {strides = array<i32>} : memref<128x64xf32, #tpu.memory_space<vmem>>, vector<16xf32>,
          %mul3A_585 = vector.broadcast %squeeze3A_576 : f32 to vector<16xf32>
          %mul3A_586 = arith.mulf %get3A_579, %mul3A_585 : vector<16xf32>
          %swap3A_587 = arith.index_cast %add3A_572 : i32 to index
          %swap3A_588 = arith.constant 32 : index
          %swap3A_589 = tpu.vector_load %arg23[%swap3A_587, %swap3A_588] {strides = array<i32>} : memref<128x64xf32, #tpu.memory_space<vmem>>, vector<16xf32>,
          tpu.vector_store %arg23[%swap3A_587, %swap3A_588], %mul3A_586 {strides = array<i32>} : memref<128x64xf32, #tpu.memory_space<vmem>>, vector<16xf32>,
          %get3A_590 = arith.index_cast %add3A_572 : i32 to index
          %get3A_591 = arith.constant 16 : index
          %get3A_592 = tpu.vector_load %arg21[%get3A_590, %get3A_591] {strides = array<i32>} : memref<128x32xf32, #tpu.memory_space<vmem>>, vector<16xf32>,
          %mul3A_593 = vector.broadcast %squeeze3A_574 : f32 to vector<16xf32>
          %mul3A_594 = arith.mulf %get3A_592, %mul3A_593 : vector<16xf32>
          %swap3A_595 = arith.index_cast %add3A_572 : i32 to index
          %swap3A_596 = arith.constant 16 : index
          %swap3A_597 = tpu.vector_load %arg23[%swap3A_595, %swap3A_596] {strides = array<i32>} : memref<128x64xf32, #tpu.memory_space<vmem>>, vector<16xf32>,
          tpu.vector_store %arg23[%swap3A_595, %swap3A_596], %mul3A_594 {strides = array<i32>} : memref<128x64xf32, #tpu.memory_space<vmem>>, vector<16xf32>,
          %mul3A_598 = vector.broadcast %squeeze3A_576 : f32 to vector<16xf32>
          %mul3A_599 = arith.mulf %get3A_592, %mul3A_598 : vector<16xf32>
          %swap3A_600 = arith.index_cast %add3A_572 : i32 to index
          %swap3A_601 = arith.constant 48 : index
          %swap3A_602 = tpu.vector_load %arg23[%swap3A_600, %swap3A_601] {strides = array<i32>} : memref<128x64xf32, #tpu.memory_space<vmem>>, vector<16xf32>,
          tpu.vector_store %arg23[%swap3A_600, %swap3A_601], %mul3A_599 {strides = array<i32>} : memref<128x64xf32, #tpu.memory_space<vmem>>, vector<16xf32>,
          %mul3A_603 = arith.constant 16 : i32
          %mul3A_604 = arith.muli %add3A_386, %mul3A_603 : i32
          %add3A_605 = arith.constant 6 : i32
          %add3A_606 = arith.addi %mul3A_604, %add3A_605 : i32
          %slice3A_607 = vector.extract_strided_slice %get3A_393 {offsets = [6], sizes = [1], strides = [1]} : vector<16xf32> to vector<1xf32>
          %squeeze3A_608 = vector.extract %slice3A_607[0] : f32 from vector<1xf32>
          %slice3A_609 = vector.extract_strided_slice %get3A_400 {offsets = [6], sizes = [1], strides = [1]} : vector<16xf32> to vector<1xf32>
          %squeeze3A_610 = vector.extract %slice3A_609[0] : f32 from vector<1xf32>
          %get3A_611 = arith.index_cast %add3A_606 : i32 to index
          %get3A_612 = arith.constant 0 : index
          %get3A_613 = tpu.vector_load %arg21[%get3A_611, %get3A_612] {strides = array<i32>} : memref<128x32xf32, #tpu.memory_space<vmem>>, vector<16xf32>,
          %mul3A_614 = vector.broadcast %squeeze3A_608 : f32 to vector<16xf32>
          %mul3A_615 = arith.mulf %get3A_613, %mul3A_614 : vector<16xf32>
          %swap3A_616 = arith.index_cast %add3A_606 : i32 to index
          %swap3A_617 = arith.constant 0 : index
          %swap3A_618 = tpu.vector_load %arg23[%swap3A_616, %swap3A_617] {strides = array<i32>} : memref<128x64xf32, #tpu.memory_space<vmem>>, vector<16xf32>,
          tpu.vector_store %arg23[%swap3A_616, %swap3A_617], %mul3A_615 {strides = array<i32>} : memref<128x64xf32, #tpu.memory_space<vmem>>, vector<16xf32>,
          %mul3A_619 = vector.broadcast %squeeze3A_610 : f32 to vector<16xf32>
          %mul3A_620 = arith.mulf %get3A_613, %mul3A_619 : vector<16xf32>
          %swap3A_621 = arith.index_cast %add3A_606 : i32 to index
          %swap3A_622 = arith.constant 32 : index
          %swap3A_623 = tpu.vector_load %arg23[%swap3A_621, %swap3A_622] {strides = array<i32>} : memref<128x64xf32, #tpu.memory_space<vmem>>, vector<16xf32>,
          tpu.vector_store %arg23[%swap3A_621, %swap3A_622], %mul3A_620 {strides = array<i32>} : memref<128x64xf32, #tpu.memory_space<vmem>>, vector<16xf32>,
          %get3A_624 = arith.index_cast %add3A_606 : i32 to index
          %get3A_625 = arith.constant 16 : index
          %get3A_626 = tpu.vector_load %arg21[%get3A_624, %get3A_625] {strides = array<i32>} : memref<128x32xf32, #tpu.memory_space<vmem>>, vector<16xf32>,
          %mul3A_627 = vector.broadcast %squeeze3A_608 : f32 to vector<16xf32>
          %mul3A_628 = arith.mulf %get3A_626, %mul3A_627 : vector<16xf32>
          %swap3A_629 = arith.index_cast %add3A_606 : i32 to index
          %swap3A_630 = arith.constant 16 : index
          %swap3A_631 = tpu.vector_load %arg23[%swap3A_629, %swap3A_630] {strides = array<i32>} : memref<128x64xf32, #tpu.memory_space<vmem>>, vector<16xf32>,
          tpu.vector_store %arg23[%swap3A_629, %swap3A_630], %mul3A_628 {strides = array<i32>} : memref<128x64xf32, #tpu.memory_space<vmem>>, vector<16xf32>,
          %mul3A_632 = vector.broadcast %squeeze3A_610 : f32 to vector<16xf32>
          %mul3A_633 = arith.mulf %get3A_626, %mul3A_632 : vector<16xf32>
          %swap3A_634 = arith.index_cast %add3A_606 : i32 to index
          %swap3A_635 = arith.constant 48 : index
          %swap3A_636 = tpu.vector_load %arg23[%swap3A_634, %swap3A_635] {strides = array<i32>} : memref<128x64xf32, #tpu.memory_space<vmem>>, vector<16xf32>,
          tpu.vector_store %arg23[%swap3A_634, %swap3A_635], %mul3A_633 {strides = array<i32>} : memref<128x64xf32, #tpu.memory_space<vmem>>, vector<16xf32>,
          %mul3A_637 = arith.constant 16 : i32
          %mul3A_638 = arith.muli %add3A_386, %mul3A_637 : i32
          %add3A_639 = arith.constant 7 : i32
          %add3A_640 = arith.addi %mul3A_638, %add3A_639 : i32
          %slice3A_641 = vector.extract_strided_slice %get3A_393 {offsets = [7], sizes = [1], strides = [1]} : vector<16xf32> to vector<1xf32>
          %squeeze3A_642 = vector.extract %slice3A_641[0] : f32 from vector<1xf32>
          %slice3A_643 = vector.extract_strided_slice %get3A_400 {offsets = [7], sizes = [1], strides = [1]} : vector<16xf32> to vector<1xf32>
          %squeeze3A_644 = vector.extract %slice3A_643[0] : f32 from vector<1xf32>
          %get3A_645 = arith.index_cast %add3A_640 : i32 to index
          %get3A_646 = arith.constant 0 : index
          %get3A_647 = tpu.vector_load %arg21[%get3A_645, %get3A_646] {strides = array<i32>} : memref<128x32xf32, #tpu.memory_space<vmem>>, vector<16xf32>,
          %mul3A_648 = vector.broadcast %squeeze3A_642 : f32 to vector<16xf32>
          %mul3A_649 = arith.mulf %get3A_647, %mul3A_648 : vector<16xf32>
          %swap3A_650 = arith.index_cast %add3A_640 : i32 to index
          %swap3A_651 = arith.constant 0 : index
          %swap3A_652 = tpu.vector_load %arg23[%swap3A_650, %swap3A_651] {strides = array<i32>} : memref<128x64xf32, #tpu.memory_space<vmem>>, vector<16xf32>,
          tpu.vector_store %arg23[%swap3A_650, %swap3A_651], %mul3A_649 {strides = array<i32>} : memref<128x64xf32, #tpu.memory_space<vmem>>, vector<16xf32>,
          %mul3A_653 = vector.broadcast %squeeze3A_644 : f32 to vector<16xf32>
          %mul3A_654 = arith.mulf %get3A_647, %mul3A_653 : vector<16xf32>
          %swap3A_655 = arith.index_cast %add3A_640 : i32 to index
          %swap3A_656 = arith.constant 32 : index
          %swap3A_657 = tpu.vector_load %arg23[%swap3A_655, %swap3A_656] {strides = array<i32>} : memref<128x64xf32, #tpu.memory_space<vmem>>, vector<16xf32>,
          tpu.vector_store %arg23[%swap3A_655, %swap3A_656], %mul3A_654 {strides = array<i32>} : memref<128x64xf32, #tpu.memory_space<vmem>>, vector<16xf32>,
          %get3A_658 = arith.index_cast %add3A_640 : i32 to index
          %get3A_659 = arith.constant 16 : index
          %get3A_660 = tpu.vector_load %arg21[%get3A_658, %get3A_659] {strides = array<i32>} : memref<128x32xf32, #tpu.memory_space<vmem>>, vector<16xf32>,
          %mul3A_661 = vector.broadcast %squeeze3A_642 : f32 to vector<16xf32>
          %mul3A_662 = arith.mulf %get3A_660, %mul3A_661 : vector<16xf32>
          %swap3A_663 = arith.index_cast %add3A_640 : i32 to index
          %swap3A_664 = arith.constant 16 : index
          %swap3A_665 = tpu.vector_load %arg23[%swap3A_663, %swap3A_664] {strides = array<i32>} : memref<128x64xf32, #tpu.memory_space<vmem>>, vector<16xf32>,
          tpu.vector_store %arg23[%swap3A_663, %swap3A_664], %mul3A_662 {strides = array<i32>} : memref<128x64xf32, #tpu.memory_space<vmem>>, vector<16xf32>,
          %mul3A_666 = vector.broadcast %squeeze3A_644 : f32 to vector<16xf32>
          %mul3A_667 = arith.mulf %get3A_660, %mul3A_666 : vector<16xf32>
          %swap3A_668 = arith.index_cast %add3A_640 : i32 to index
          %swap3A_669 = arith.constant 48 : index
          %swap3A_670 = tpu.vector_load %arg23[%swap3A_668, %swap3A_669] {strides = array<i32>} : memref<128x64xf32, #tpu.memory_space<vmem>>, vector<16xf32>,
          tpu.vector_store %arg23[%swap3A_668, %swap3A_669], %mul3A_667 {strides = array<i32>} : memref<128x64xf32, #tpu.memory_space<vmem>>, vector<16xf32>,
          %mul3A_671 = arith.constant 16 : i32
          %mul3A_672 = arith.muli %add3A_386, %mul3A_671 : i32
          %add3A_673 = arith.constant 8 : i32
          %add3A_674 = arith.addi %mul3A_672, %add3A_673 : i32
          %slice3A_675 = vector.extract_strided_slice %get3A_393 {offsets = [8], sizes = [1], strides = [1]} : vector<16xf32> to vector<1xf32>
          %squeeze3A_676 = vector.extract %slice3A_675[0] : f32 from vector<1xf32>
          %slice3A_677 = vector.extract_strided_slice %get3A_400 {offsets = [8], sizes = [1], strides = [1]} : vector<16xf32> to vector<1xf32>
          %squeeze3A_678 = vector.extract %slice3A_677[0] : f32 from vector<1xf32>
          %get3A_679 = arith.index_cast %add3A_674 : i32 to index
          %get3A_680 = arith.constant 0 : index
          %get3A_681 = tpu.vector_load %arg21[%get3A_679, %get3A_680] {strides = array<i32>} : memref<128x32xf32, #tpu.memory_space<vmem>>, vector<16xf32>,
          %mul3A_682 = vector.broadcast %squeeze3A_676 : f32 to vector<16xf32>
          %mul3A_683 = arith.mulf %get3A_681, %mul3A_682 : vector<16xf32>
          %swap3A_684 = arith.index_cast %add3A_674 : i32 to index
          %swap3A_685 = arith.constant 0 : index
          %swap3A_686 = tpu.vector_load %arg23[%swap3A_684, %swap3A_685] {strides = array<i32>} : memref<128x64xf32, #tpu.memory_space<vmem>>, vector<16xf32>,
          tpu.vector_store %arg23[%swap3A_684, %swap3A_685], %mul3A_683 {strides = array<i32>} : memref<128x64xf32, #tpu.memory_space<vmem>>, vector<16xf32>,
          %mul3A_687 = vector.broadcast %squeeze3A_678 : f32 to vector<16xf32>
          %mul3A_688 = arith.mulf %get3A_681, %mul3A_687 : vector<16xf32>
          %swap3A_689 = arith.index_cast %add3A_674 : i32 to index
          %swap3A_690 = arith.constant 32 : index
          %swap3A_691 = tpu.vector_load %arg23[%swap3A_689, %swap3A_690] {strides = array<i32>} : memref<128x64xf32, #tpu.memory_space<vmem>>, vector<16xf32>,
          tpu.vector_store %arg23[%swap3A_689, %swap3A_690], %mul3A_688 {strides = array<i32>} : memref<128x64xf32, #tpu.memory_space<vmem>>, vector<16xf32>,
          %get3A_692 = arith.index_cast %add3A_674 : i32 to index
          %get3A_693 = arith.constant 16 : index
          %get3A_694 = tpu.vector_load %arg21[%get3A_692, %get3A_693] {strides = array<i32>} : memref<128x32xf32, #tpu.memory_space<vmem>>, vector<16xf32>,
          %mul3A_695 = vector.broadcast %squeeze3A_676 : f32 to vector<16xf32>
          %mul3A_696 = arith.mulf %get3A_694, %mul3A_695 : vector<16xf32>
          %swap3A_697 = arith.index_cast %add3A_674 : i32 to index
          %swap3A_698 = arith.constant 16 : index
          %swap3A_699 = tpu.vector_load %arg23[%swap3A_697, %swap3A_698] {strides = array<i32>} : memref<128x64xf32, #tpu.memory_space<vmem>>, vector<16xf32>,
          tpu.vector_store %arg23[%swap3A_697, %swap3A_698], %mul3A_696 {strides = array<i32>} : memref<128x64xf32, #tpu.memory_space<vmem>>, vector<16xf32>,
          %mul3A_700 = vector.broadcast %squeeze3A_678 : f32 to vector<16xf32>
          %mul3A_701 = arith.mulf %get3A_694, %mul3A_700 : vector<16xf32>
          %swap3A_702 = arith.index_cast %add3A_674 : i32 to index
          %swap3A_703 = arith.constant 48 : index
          %swap3A_704 = tpu.vector_load %arg23[%swap3A_702, %swap3A_703] {strides = array<i32>} : memref<128x64xf32, #tpu.memory_space<vmem>>, vector<16xf32>,
          tpu.vector_store %arg23[%swap3A_702, %swap3A_703], %mul3A_701 {strides = array<i32>} : memref<128x64xf32, #tpu.memory_space<vmem>>, vector<16xf32>,
          %mul3A_705 = arith.constant 16 : i32
          %mul3A_706 = arith.muli %add3A_386, %mul3A_705 : i32
          %add3A_707 = arith.constant 9 : i32
          %add3A_708 = arith.addi %mul3A_706, %add3A_707 : i32
          %slice3A_709 = vector.extract_strided_slice %get3A_393 {offsets = [9], sizes = [1], strides = [1]} : vector<16xf32> to vector<1xf32>
          %squeeze3A_710 = vector.extract %slice3A_709[0] : f32 from vector<1xf32>
          %slice3A_711 = vector.extract_strided_slice %get3A_400 {offsets = [9], sizes = [1], strides = [1]} : vector<16xf32> to vector<1xf32>
          %squeeze3A_712 = vector.extract %slice3A_711[0] : f32 from vector<1xf32>
          %get3A_713 = arith.index_cast %add3A_708 : i32 to index
          %get3A_714 = arith.constant 0 : index
          %get3A_715 = tpu.vector_load %arg21[%get3A_713, %get3A_714] {strides = array<i32>} : memref<128x32xf32, #tpu.memory_space<vmem>>, vector<16xf32>,
          %mul3A_716 = vector.broadcast %squeeze3A_710 : f32 to vector<16xf32>
          %mul3A_717 = arith.mulf %get3A_715, %mul3A_716 : vector<16xf32>
          %swap3A_718 = arith.index_cast %add3A_708 : i32 to index
          %swap3A_719 = arith.constant 0 : index
          %swap3A_720 = tpu.vector_load %arg23[%swap3A_718, %swap3A_719] {strides = array<i32>} : memref<128x64xf32, #tpu.memory_space<vmem>>, vector<16xf32>,
          tpu.vector_store %arg23[%swap3A_718, %swap3A_719], %mul3A_717 {strides = array<i32>} : memref<128x64xf32, #tpu.memory_space<vmem>>, vector<16xf32>,
          %mul3A_721 = vector.broadcast %squeeze3A_712 : f32 to vector<16xf32>
          %mul3A_722 = arith.mulf %get3A_715, %mul3A_721 : vector<16xf32>
          %swap3A_723 = arith.index_cast %add3A_708 : i32 to index
          %swap3A_724 = arith.constant 32 : index
          %swap3A_725 = tpu.vector_load %arg23[%swap3A_723, %swap3A_724] {strides = array<i32>} : memref<128x64xf32, #tpu.memory_space<vmem>>, vector<16xf32>,
          tpu.vector_store %arg23[%swap3A_723, %swap3A_724], %mul3A_722 {strides = array<i32>} : memref<128x64xf32, #tpu.memory_space<vmem>>, vector<16xf32>,
          %get3A_726 = arith.index_cast %add3A_708 : i32 to index
          %get3A_727 = arith.constant 16 : index
          %get3A_728 = tpu.vector_load %arg21[%get3A_726, %get3A_727] {strides = array<i32>} : memref<128x32xf32, #tpu.memory_space<vmem>>, vector<16xf32>,
          %mul3A_729 = vector.broadcast %squeeze3A_710 : f32 to vector<16xf32>
          %mul3A_730 = arith.mulf %get3A_728, %mul3A_729 : vector<16xf32>
          %swap3A_731 = arith.index_cast %add3A_708 : i32 to index
          %swap3A_732 = arith.constant 16 : index
          %swap3A_733 = tpu.vector_load %arg23[%swap3A_731, %swap3A_732] {strides = array<i32>} : memref<128x64xf32, #tpu.memory_space<vmem>>, vector<16xf32>,
          tpu.vector_store %arg23[%swap3A_731, %swap3A_732], %mul3A_730 {strides = array<i32>} : memref<128x64xf32, #tpu.memory_space<vmem>>, vector<16xf32>,
          %mul3A_734 = vector.broadcast %squeeze3A_712 : f32 to vector<16xf32>
          %mul3A_735 = arith.mulf %get3A_728, %mul3A_734 : vector<16xf32>
          %swap3A_736 = arith.index_cast %add3A_708 : i32 to index
          %swap3A_737 = arith.constant 48 : index
          %swap3A_738 = tpu.vector_load %arg23[%swap3A_736, %swap3A_737] {strides = array<i32>} : memref<128x64xf32, #tpu.memory_space<vmem>>, vector<16xf32>,
          tpu.vector_store %arg23[%swap3A_736, %swap3A_737], %mul3A_735 {strides = array<i32>} : memref<128x64xf32, #tpu.memory_space<vmem>>, vector<16xf32>,
          %mul3A_739 = arith.constant 16 : i32
          %mul3A_740 = arith.muli %add3A_386, %mul3A_739 : i32
          %add3A_741 = arith.constant 10 : i32
          %add3A_742 = arith.addi %mul3A_740, %add3A_741 : i32
          %slice3A_743 = vector.extract_strided_slice %get3A_393 {offsets = [10], sizes = [1], strides = [1]} : vector<16xf32> to vector<1xf32>
          %squeeze3A_744 = vector.extract %slice3A_743[0] : f32 from vector<1xf32>
          %slice3A_745 = vector.extract_strided_slice %get3A_400 {offsets = [10], sizes = [1], strides = [1]} : vector<16xf32> to vector<1xf32>
          %squeeze3A_746 = vector.extract %slice3A_745[0] : f32 from vector<1xf32>
          %get3A_747 = arith.index_cast %add3A_742 : i32 to index
          %get3A_748 = arith.constant 0 : index
          %get3A_749 = tpu.vector_load %arg21[%get3A_747, %get3A_748] {strides = array<i32>} : memref<128x32xf32, #tpu.memory_space<vmem>>, vector<16xf32>,
          %mul3A_750 = vector.broadcast %squeeze3A_744 : f32 to vector<16xf32>
          %mul3A_751 = arith.mulf %get3A_749, %mul3A_750 : vector<16xf32>
          %swap3A_752 = arith.index_cast %add3A_742 : i32 to index
          %swap3A_753 = arith.constant 0 : index
          %swap3A_754 = tpu.vector_load %arg23[%swap3A_752, %swap3A_753] {strides = array<i32>} : memref<128x64xf32, #tpu.memory_space<vmem>>, vector<16xf32>,
          tpu.vector_store %arg23[%swap3A_752, %swap3A_753], %mul3A_751 {strides = array<i32>} : memref<128x64xf32, #tpu.memory_space<vmem>>, vector<16xf32>,
          %mul3A_755 = vector.broadcast %squeeze3A_746 : f32 to vector<16xf32>
          %mul3A_756 = arith.mulf %get3A_749, %mul3A_755 : vector<16xf32>
          %swap3A_757 = arith.index_cast %add3A_742 : i32 to index
          %swap3A_758 = arith.constant 32 : index
          %swap3A_759 = tpu.vector_load %arg23[%swap3A_757, %swap3A_758] {strides = array<i32>} : memref<128x64xf32, #tpu.memory_space<vmem>>, vector<16xf32>,
          tpu.vector_store %arg23[%swap3A_757, %swap3A_758], %mul3A_756 {strides = array<i32>} : memref<128x64xf32, #tpu.memory_space<vmem>>, vector<16xf32>,
          %get3A_760 = arith.index_cast %add3A_742 : i32 to index
          %get3A_761 = arith.constant 16 : index
          %get3A_762 = tpu.vector_load %arg21[%get3A_760, %get3A_761] {strides = array<i32>} : memref<128x32xf32, #tpu.memory_space<vmem>>, vector<16xf32>,
          %mul3A_763 = vector.broadcast %squeeze3A_744 : f32 to vector<16xf32>
          %mul3A_764 = arith.mulf %get3A_762, %mul3A_763 : vector<16xf32>
          %swap3A_765 = arith.index_cast %add3A_742 : i32 to index
          %swap3A_766 = arith.constant 16 : index
          %swap3A_767 = tpu.vector_load %arg23[%swap3A_765, %swap3A_766] {strides = array<i32>} : memref<128x64xf32, #tpu.memory_space<vmem>>, vector<16xf32>,
          tpu.vector_store %arg23[%swap3A_765, %swap3A_766], %mul3A_764 {strides = array<i32>} : memref<128x64xf32, #tpu.memory_space<vmem>>, vector<16xf32>,
          %mul3A_768 = vector.broadcast %squeeze3A_746 : f32 to vector<16xf32>
          %mul3A_769 = arith.mulf %get3A_762, %mul3A_768 : vector<16xf32>
          %swap3A_770 = arith.index_cast %add3A_742 : i32 to index
          %swap3A_771 = arith.constant 48 : index
          %swap3A_772 = tpu.vector_load %arg23[%swap3A_770, %swap3A_771] {strides = array<i32>} : memref<128x64xf32, #tpu.memory_space<vmem>>, vector<16xf32>,
          tpu.vector_store %arg23[%swap3A_770, %swap3A_771], %mul3A_769 {strides = array<i32>} : memref<128x64xf32, #tpu.memory_space<vmem>>, vector<16xf32>,
          %mul3A_773 = arith.constant 16 : i32
          %mul3A_774 = arith.muli %add3A_386, %mul3A_773 : i32
          %add3A_775 = arith.constant 11 : i32
          %add3A_776 = arith.addi %mul3A_774, %add3A_775 : i32
          %slice3A_777 = vector.extract_strided_slice %get3A_393 {offsets = [11], sizes = [1], strides = [1]} : vector<16xf32> to vector<1xf32>
          %squeeze3A_778 = vector.extract %slice3A_777[0] : f32 from vector<1xf32>
          %slice3A_779 = vector.extract_strided_slice %get3A_400 {offsets = [11], sizes = [1], strides = [1]} : vector<16xf32> to vector<1xf32>
          %squeeze3A_780 = vector.extract %slice3A_779[0] : f32 from vector<1xf32>
          %get3A_781 = arith.index_cast %add3A_776 : i32 to index
          %get3A_782 = arith.constant 0 : index
          %get3A_783 = tpu.vector_load %arg21[%get3A_781, %get3A_782] {strides = array<i32>} : memref<128x32xf32, #tpu.memory_space<vmem>>, vector<16xf32>,
          %mul3A_784 = vector.broadcast %squeeze3A_778 : f32 to vector<16xf32>
          %mul3A_785 = arith.mulf %get3A_783, %mul3A_784 : vector<16xf32>
          %swap3A_786 = arith.index_cast %add3A_776 : i32 to index
          %swap3A_787 = arith.constant 0 : index
          %swap3A_788 = tpu.vector_load %arg23[%swap3A_786, %swap3A_787] {strides = array<i32>} : memref<128x64xf32, #tpu.memory_space<vmem>>, vector<16xf32>,
          tpu.vector_store %arg23[%swap3A_786, %swap3A_787], %mul3A_785 {strides = array<i32>} : memref<128x64xf32, #tpu.memory_space<vmem>>, vector<16xf32>,
          %mul3A_789 = vector.broadcast %squeeze3A_780 : f32 to vector<16xf32>
          %mul3A_790 = arith.mulf %get3A_783, %mul3A_789 : vector<16xf32>
          %swap3A_791 = arith.index_cast %add3A_776 : i32 to index
          %swap3A_792 = arith.constant 32 : index
          %swap3A_793 = tpu.vector_load %arg23[%swap3A_791, %swap3A_792] {strides = array<i32>} : memref<128x64xf32, #tpu.memory_space<vmem>>, vector<16xf32>,
          tpu.vector_store %arg23[%swap3A_791, %swap3A_792], %mul3A_790 {strides = array<i32>} : memref<128x64xf32, #tpu.memory_space<vmem>>, vector<16xf32>,
          %get3A_794 = arith.index_cast %add3A_776 : i32 to index
          %get3A_795 = arith.constant 16 : index
          %get3A_796 = tpu.vector_load %arg21[%get3A_794, %get3A_795] {strides = array<i32>} : memref<128x32xf32, #tpu.memory_space<vmem>>, vector<16xf32>,
          %mul3A_797 = vector.broadcast %squeeze3A_778 : f32 to vector<16xf32>
          %mul3A_798 = arith.mulf %get3A_796, %mul3A_797 : vector<16xf32>
          %swap3A_799 = arith.index_cast %add3A_776 : i32 to index
          %swap3A_800 = arith.constant 16 : index
          %swap3A_801 = tpu.vector_load %arg23[%swap3A_799, %swap3A_800] {strides = array<i32>} : memref<128x64xf32, #tpu.memory_space<vmem>>, vector<16xf32>,
          tpu.vector_store %arg23[%swap3A_799, %swap3A_800], %mul3A_798 {strides = array<i32>} : memref<128x64xf32, #tpu.memory_space<vmem>>, vector<16xf32>,
          %mul3A_802 = vector.broadcast %squeeze3A_780 : f32 to vector<16xf32>
          %mul3A_803 = arith.mulf %get3A_796, %mul3A_802 : vector<16xf32>
          %swap3A_804 = arith.index_cast %add3A_776 : i32 to index
          %swap3A_805 = arith.constant 48 : index
          %swap3A_806 = tpu.vector_load %arg23[%swap3A_804, %swap3A_805] {strides = array<i32>} : memref<128x64xf32, #tpu.memory_space<vmem>>, vector<16xf32>,
          tpu.vector_store %arg23[%swap3A_804, %swap3A_805], %mul3A_803 {strides = array<i32>} : memref<128x64xf32, #tpu.memory_space<vmem>>, vector<16xf32>,
          %mul3A_807 = arith.constant 16 : i32
          %mul3A_808 = arith.muli %add3A_386, %mul3A_807 : i32
          %add3A_809 = arith.constant 12 : i32
          %add3A_810 = arith.addi %mul3A_808, %add3A_809 : i32
          %slice3A_811 = vector.extract_strided_slice %get3A_393 {offsets = [12], sizes = [1], strides = [1]} : vector<16xf32> to vector<1xf32>
          %squeeze3A_812 = vector.extract %slice3A_811[0] : f32 from vector<1xf32>
          %slice3A_813 = vector.extract_strided_slice %get3A_400 {offsets = [12], sizes = [1], strides = [1]} : vector<16xf32> to vector<1xf32>
          %squeeze3A_814 = vector.extract %slice3A_813[0] : f32 from vector<1xf32>
          %get3A_815 = arith.index_cast %add3A_810 : i32 to index
          %get3A_816 = arith.constant 0 : index
          %get3A_817 = tpu.vector_load %arg21[%get3A_815, %get3A_816] {strides = array<i32>} : memref<128x32xf32, #tpu.memory_space<vmem>>, vector<16xf32>,
          %mul3A_818 = vector.broadcast %squeeze3A_812 : f32 to vector<16xf32>
          %mul3A_819 = arith.mulf %get3A_817, %mul3A_818 : vector<16xf32>
          %swap3A_820 = arith.index_cast %add3A_810 : i32 to index
          %swap3A_821 = arith.constant 0 : index
          %swap3A_822 = tpu.vector_load %arg23[%swap3A_820, %swap3A_821] {strides = array<i32>} : memref<128x64xf32, #tpu.memory_space<vmem>>, vector<16xf32>,
          tpu.vector_store %arg23[%swap3A_820, %swap3A_821], %mul3A_819 {strides = array<i32>} : memref<128x64xf32, #tpu.memory_space<vmem>>, vector<16xf32>,
          %mul3A_823 = vector.broadcast %squeeze3A_814 : f32 to vector<16xf32>
          %mul3A_824 = arith.mulf %get3A_817, %mul3A_823 : vector<16xf32>
          %swap3A_825 = arith.index_cast %add3A_810 : i32 to index
          %swap3A_826 = arith.constant 32 : index
          %swap3A_827 = tpu.vector_load %arg23[%swap3A_825, %swap3A_826] {strides = array<i32>} : memref<128x64xf32, #tpu.memory_space<vmem>>, vector<16xf32>,
          tpu.vector_store %arg23[%swap3A_825, %swap3A_826], %mul3A_824 {strides = array<i32>} : memref<128x64xf32, #tpu.memory_space<vmem>>, vector<16xf32>,
          %get3A_828 = arith.index_cast %add3A_810 : i32 to index
          %get3A_829 = arith.constant 16 : index
          %get3A_830 = tpu.vector_load %arg21[%get3A_828, %get3A_829] {strides = array<i32>} : memref<128x32xf32, #tpu.memory_space<vmem>>, vector<16xf32>,
          %mul3A_831 = vector.broadcast %squeeze3A_812 : f32 to vector<16xf32>
          %mul3A_832 = arith.mulf %get3A_830, %mul3A_831 : vector<16xf32>
          %swap3A_833 = arith.index_cast %add3A_810 : i32 to index
          %swap3A_834 = arith.constant 16 : index
          %swap3A_835 = tpu.vector_load %arg23[%swap3A_833, %swap3A_834] {strides = array<i32>} : memref<128x64xf32, #tpu.memory_space<vmem>>, vector<16xf32>,
          tpu.vector_store %arg23[%swap3A_833, %swap3A_834], %mul3A_832 {strides = array<i32>} : memref<128x64xf32, #tpu.memory_space<vmem>>, vector<16xf32>,
          %mul3A_836 = vector.broadcast %squeeze3A_814 : f32 to vector<16xf32>
          %mul3A_837 = arith.mulf %get3A_830, %mul3A_836 : vector<16xf32>
          %swap3A_838 = arith.index_cast %add3A_810 : i32 to index
          %swap3A_839 = arith.constant 48 : index
          %swap3A_840 = tpu.vector_load %arg23[%swap3A_838, %swap3A_839] {strides = array<i32>} : memref<128x64xf32, #tpu.memory_space<vmem>>, vector<16xf32>,
          tpu.vector_store %arg23[%swap3A_838, %swap3A_839], %mul3A_837 {strides = array<i32>} : memref<128x64xf32, #tpu.memory_space<vmem>>, vector<16xf32>,
          %mul3A_841 = arith.constant 16 : i32
          %mul3A_842 = arith.muli %add3A_386, %mul3A_841 : i32
          %add3A_843 = arith.constant 13 : i32
          %add3A_844 = arith.addi %mul3A_842, %add3A_843 : i32
          %slice3A_845 = vector.extract_strided_slice %get3A_393 {offsets = [13], sizes = [1], strides = [1]} : vector<16xf32> to vector<1xf32>
          %squeeze3A_846 = vector.extract %slice3A_845[0] : f32 from vector<1xf32>
          %slice3A_847 = vector.extract_strided_slice %get3A_400 {offsets = [13], sizes = [1], strides = [1]} : vector<16xf32> to vector<1xf32>
          %squeeze3A_848 = vector.extract %slice3A_847[0] : f32 from vector<1xf32>
          %get3A_849 = arith.index_cast %add3A_844 : i32 to index
          %get3A_850 = arith.constant 0 : index
          %get3A_851 = tpu.vector_load %arg21[%get3A_849, %get3A_850] {strides = array<i32>} : memref<128x32xf32, #tpu.memory_space<vmem>>, vector<16xf32>,
          %mul3A_852 = vector.broadcast %squeeze3A_846 : f32 to vector<16xf32>
          %mul3A_853 = arith.mulf %get3A_851, %mul3A_852 : vector<16xf32>
          %swap3A_854 = arith.index_cast %add3A_844 : i32 to index
          %swap3A_855 = arith.constant 0 : index
          %swap3A_856 = tpu.vector_load %arg23[%swap3A_854, %swap3A_855] {strides = array<i32>} : memref<128x64xf32, #tpu.memory_space<vmem>>, vector<16xf32>,
          tpu.vector_store %arg23[%swap3A_854, %swap3A_855], %mul3A_853 {strides = array<i32>} : memref<128x64xf32, #tpu.memory_space<vmem>>, vector<16xf32>,
          %mul3A_857 = vector.broadcast %squeeze3A_848 : f32 to vector<16xf32>
          %mul3A_858 = arith.mulf %get3A_851, %mul3A_857 : vector<16xf32>
          %swap3A_859 = arith.index_cast %add3A_844 : i32 to index
          %swap3A_860 = arith.constant 32 : index
          %swap3A_861 = tpu.vector_load %arg23[%swap3A_859, %swap3A_860] {strides = array<i32>} : memref<128x64xf32, #tpu.memory_space<vmem>>, vector<16xf32>,
          tpu.vector_store %arg23[%swap3A_859, %swap3A_860], %mul3A_858 {strides = array<i32>} : memref<128x64xf32, #tpu.memory_space<vmem>>, vector<16xf32>,
          %get3A_862 = arith.index_cast %add3A_844 : i32 to index
          %get3A_863 = arith.constant 16 : index
          %get3A_864 = tpu.vector_load %arg21[%get3A_862, %get3A_863] {strides = array<i32>} : memref<128x32xf32, #tpu.memory_space<vmem>>, vector<16xf32>,
          %mul3A_865 = vector.broadcast %squeeze3A_846 : f32 to vector<16xf32>
          %mul3A_866 = arith.mulf %get3A_864, %mul3A_865 : vector<16xf32>
          %swap3A_867 = arith.index_cast %add3A_844 : i32 to index
          %swap3A_868 = arith.constant 16 : index
          %swap3A_869 = tpu.vector_load %arg23[%swap3A_867, %swap3A_868] {strides = array<i32>} : memref<128x64xf32, #tpu.memory_space<vmem>>, vector<16xf32>,
          tpu.vector_store %arg23[%swap3A_867, %swap3A_868], %mul3A_866 {strides = array<i32>} : memref<128x64xf32, #tpu.memory_space<vmem>>, vector<16xf32>,
          %mul3A_870 = vector.broadcast %squeeze3A_848 : f32 to vector<16xf32>
          %mul3A_871 = arith.mulf %get3A_864, %mul3A_870 : vector<16xf32>
          %swap3A_872 = arith.index_cast %add3A_844 : i32 to index
          %swap3A_873 = arith.constant 48 : index
          %swap3A_874 = tpu.vector_load %arg23[%swap3A_872, %swap3A_873] {strides = array<i32>} : memref<128x64xf32, #tpu.memory_space<vmem>>, vector<16xf32>,
          tpu.vector_store %arg23[%swap3A_872, %swap3A_873], %mul3A_871 {strides = array<i32>} : memref<128x64xf32, #tpu.memory_space<vmem>>, vector<16xf32>,
          %mul3A_875 = arith.constant 16 : i32
          %mul3A_876 = arith.muli %add3A_386, %mul3A_875 : i32
          %add3A_877 = arith.constant 14 : i32
          %add3A_878 = arith.addi %mul3A_876, %add3A_877 : i32
          %slice3A_879 = vector.extract_strided_slice %get3A_393 {offsets = [14], sizes = [1], strides = [1]} : vector<16xf32> to vector<1xf32>
          %squeeze3A_880 = vector.extract %slice3A_879[0] : f32 from vector<1xf32>
          %slice3A_881 = vector.extract_strided_slice %get3A_400 {offsets = [14], sizes = [1], strides = [1]} : vector<16xf32> to vector<1xf32>
          %squeeze3A_882 = vector.extract %slice3A_881[0] : f32 from vector<1xf32>
          %get3A_883 = arith.index_cast %add3A_878 : i32 to index
          %get3A_884 = arith.constant 0 : index
          %get3A_885 = tpu.vector_load %arg21[%get3A_883, %get3A_884] {strides = array<i32>} : memref<128x32xf32, #tpu.memory_space<vmem>>, vector<16xf32>,
          %mul3A_886 = vector.broadcast %squeeze3A_880 : f32 to vector<16xf32>
          %mul3A_887 = arith.mulf %get3A_885, %mul3A_886 : vector<16xf32>
          %swap3A_888 = arith.index_cast %add3A_878 : i32 to index
          %swap3A_889 = arith.constant 0 : index
          %swap3A_890 = tpu.vector_load %arg23[%swap3A_888, %swap3A_889] {strides = array<i32>} : memref<128x64xf32, #tpu.memory_space<vmem>>, vector<16xf32>,
          tpu.vector_store %arg23[%swap3A_888, %swap3A_889], %mul3A_887 {strides = array<i32>} : memref<128x64xf32, #tpu.memory_space<vmem>>, vector<16xf32>,
          %mul3A_891 = vector.broadcast %squeeze3A_882 : f32 to vector<16xf32>
          %mul3A_892 = arith.mulf %get3A_885, %mul3A_891 : vector<16xf32>
          %swap3A_893 = arith.index_cast %add3A_878 : i32 to index
          %swap3A_894 = arith.constant 32 : index
          %swap3A_895 = tpu.vector_load %arg23[%swap3A_893, %swap3A_894] {strides = array<i32>} : memref<128x64xf32, #tpu.memory_space<vmem>>, vector<16xf32>,
          tpu.vector_store %arg23[%swap3A_893, %swap3A_894], %mul3A_892 {strides = array<i32>} : memref<128x64xf32, #tpu.memory_space<vmem>>, vector<16xf32>,
          %get3A_896 = arith.index_cast %add3A_878 : i32 to index
          %get3A_897 = arith.constant 16 : index
          %get3A_898 = tpu.vector_load %arg21[%get3A_896, %get3A_897] {strides = array<i32>} : memref<128x32xf32, #tpu.memory_space<vmem>>, vector<16xf32>,
          %mul3A_899 = vector.broadcast %squeeze3A_880 : f32 to vector<16xf32>
          %mul3A_900 = arith.mulf %get3A_898, %mul3A_899 : vector<16xf32>
          %swap3A_901 = arith.index_cast %add3A_878 : i32 to index
          %swap3A_902 = arith.constant 16 : index
          %swap3A_903 = tpu.vector_load %arg23[%swap3A_901, %swap3A_902] {strides = array<i32>} : memref<128x64xf32, #tpu.memory_space<vmem>>, vector<16xf32>,
          tpu.vector_store %arg23[%swap3A_901, %swap3A_902], %mul3A_900 {strides = array<i32>} : memref<128x64xf32, #tpu.memory_space<vmem>>, vector<16xf32>,
          %mul3A_904 = vector.broadcast %squeeze3A_882 : f32 to vector<16xf32>
          %mul3A_905 = arith.mulf %get3A_898, %mul3A_904 : vector<16xf32>
          %swap3A_906 = arith.index_cast %add3A_878 : i32 to index
          %swap3A_907 = arith.constant 48 : index
          %swap3A_908 = tpu.vector_load %arg23[%swap3A_906, %swap3A_907] {strides = array<i32>} : memref<128x64xf32, #tpu.memory_space<vmem>>, vector<16xf32>,
          tpu.vector_store %arg23[%swap3A_906, %swap3A_907], %mul3A_905 {strides = array<i32>} : memref<128x64xf32, #tpu.memory_space<vmem>>, vector<16xf32>,
          %mul3A_909 = arith.constant 16 : i32
          %mul3A_910 = arith.muli %add3A_386, %mul3A_909 : i32
          %add3A_911 = arith.constant 15 : i32
          %add3A_912 = arith.addi %mul3A_910, %add3A_911 : i32
          %slice3A_913 = vector.extract_strided_slice %get3A_393 {offsets = [15], sizes = [1], strides = [1]} : vector<16xf32> to vector<1xf32>
          %squeeze3A_914 = vector.extract %slice3A_913[0] : f32 from vector<1xf32>
          %slice3A_915 = vector.extract_strided_slice %get3A_400 {offsets = [15], sizes = [1], strides = [1]} : vector<16xf32> to vector<1xf32>
          %squeeze3A_916 = vector.extract %slice3A_915[0] : f32 from vector<1xf32>
          %get3A_917 = arith.index_cast %add3A_912 : i32 to index
          %get3A_918 = arith.constant 0 : index
          %get3A_919 = tpu.vector_load %arg21[%get3A_917, %get3A_918] {strides = array<i32>} : memref<128x32xf32, #tpu.memory_space<vmem>>, vector<16xf32>,
          %mul3A_920 = vector.broadcast %squeeze3A_914 : f32 to vector<16xf32>
          %mul3A_921 = arith.mulf %get3A_919, %mul3A_920 : vector<16xf32>
          %swap3A_922 = arith.index_cast %add3A_912 : i32 to index
          %swap3A_923 = arith.constant 0 : index
          %swap3A_924 = tpu.vector_load %arg23[%swap3A_922, %swap3A_923] {strides = array<i32>} : memref<128x64xf32, #tpu.memory_space<vmem>>, vector<16xf32>,
          tpu.vector_store %arg23[%swap3A_922, %swap3A_923], %mul3A_921 {strides = array<i32>} : memref<128x64xf32, #tpu.memory_space<vmem>>, vector<16xf32>,
          %mul3A_925 = vector.broadcast %squeeze3A_916 : f32 to vector<16xf32>
          %mul3A_926 = arith.mulf %get3A_919, %mul3A_925 : vector<16xf32>
          %swap3A_927 = arith.index_cast %add3A_912 : i32 to index
          %swap3A_928 = arith.constant 32 : index
          %swap3A_929 = tpu.vector_load %arg23[%swap3A_927, %swap3A_928] {strides = array<i32>} : memref<128x64xf32, #tpu.memory_space<vmem>>, vector<16xf32>,
          tpu.vector_store %arg23[%swap3A_927, %swap3A_928], %mul3A_926 {strides = array<i32>} : memref<128x64xf32, #tpu.memory_space<vmem>>, vector<16xf32>,
          %get3A_930 = arith.index_cast %add3A_912 : i32 to index
          %get3A_931 = arith.constant 16 : index
          %get3A_932 = tpu.vector_load %arg21[%get3A_930, %get3A_931] {strides = array<i32>} : memref<128x32xf32, #tpu.memory_space<vmem>>, vector<16xf32>,
          %mul3A_933 = vector.broadcast %squeeze3A_914 : f32 to vector<16xf32>
          %mul3A_934 = arith.mulf %get3A_932, %mul3A_933 : vector<16xf32>
          %swap3A_935 = arith.index_cast %add3A_912 : i32 to index
          %swap3A_936 = arith.constant 16 : index
          %swap3A_937 = tpu.vector_load %arg23[%swap3A_935, %swap3A_936] {strides = array<i32>} : memref<128x64xf32, #tpu.memory_space<vmem>>, vector<16xf32>,
          tpu.vector_store %arg23[%swap3A_935, %swap3A_936], %mul3A_934 {strides = array<i32>} : memref<128x64xf32, #tpu.memory_space<vmem>>, vector<16xf32>,
          %mul3A_938 = vector.broadcast %squeeze3A_916 : f32 to vector<16xf32>
          %mul3A_939 = arith.mulf %get3A_932, %mul3A_938 : vector<16xf32>
          %swap3A_940 = arith.index_cast %add3A_912 : i32 to index
          %swap3A_941 = arith.constant 48 : index
          %swap3A_942 = tpu.vector_load %arg23[%swap3A_940, %swap3A_941] {strides = array<i32>} : memref<128x64xf32, #tpu.memory_space<vmem>>, vector<16xf32>,
          tpu.vector_store %arg23[%swap3A_940, %swap3A_941], %mul3A_939 {strides = array<i32>} : memref<128x64xf32, #tpu.memory_space<vmem>>, vector<16xf32>,
        }
        %scan3A_341 = arith.constant 8 : i32
        %dma_start3A_342 = arith.constant 0 : i32
        %dma_start3A_343 = tpu.memref_slice %arg16[%add3A_329, %dma_start3A_342] : memref<40x128xi32, #tpu.memory_space<vmem>> -> memref<1x128xi32, #tpu.memory_space<vmem>>
        %dma_start3A_344 = tpu.memref_squeeze %dma_start3A_343 : memref<1x128xi32, #tpu.memory_space<vmem>> -> memref<128xi32, #tpu.memory_space<vmem>>
        %dma_start3A_345 = arith.constant 0 : i32
        %dma_start3A_346 = arith.constant 0 : i32
        %dma_start3A_347 = tpu.memref_slice %arg30[%dma_start3A_345, %dma_start3A_346] : memref<10240x64xf32, #tpu.memory_space<vmem_shared>> -> memref<10240x64xf32, #tpu.memory_space<vmem_shared>>
        tpu.enqueue_indirect_dma source(%arg23 : memref<128x64xf32, #tpu.memory_space<vmem>>) target(%dma_start3A_347 : memref<10240x64xf32, #tpu.memory_space<vmem_shared>>) offsets(%dma_start3A_344 : memref<128xi32, #tpu.memory_space<vmem>>) semaphore(%arg28 : memref<!tpu.dma_semaphore, #tpu.memory_space<semaphore_mem>>) {add = true}
        %add3A_348 = arith.constant 2 : i32
        %add3A_349 = arith.addi %add3A_329, %add3A_348 : i32
        %lt3A = arith.constant 40 : i32
        %lt3A_350 = arith.cmpi slt, %add3A_349, %lt3A : i32
        %convert_element_type3A_351 = arith.extui %lt3A_350 : i1 to i32
        %cond3A_352 = arith.constant 0 : i32
        %cond3A_353 = arith.cmpi ne, %convert_element_type3A_351, %cond3A_352 : i32
        scf.if %cond3A_353 {
          %add3A_382 = arith.constant 2 : i32
          %add3A_383 = arith.addi %add3A_329, %add3A_382 : i32
          %get3A_384 = arith.index_cast %add3A_383 : i32 to index
          %get3A_385 = arith.constant 0 : index
          %get3A_386 = tpu.vector_load %arg15[%get3A_384, %get3A_385] {strides = array<i32>} : memref<40x128xi32, #tpu.memory_space<vmem>>, vector<16xi32>,
          %mul3A_387 = arith.constant 10240 : i32
          %mul3A_388 = arith.muli %add3A_73, %mul3A_387 : i32
          %add3A_389 = vector.broadcast %mul3A_388 : i32 to vector<16xi32>
          %add3A_390 = arith.addi %get3A_386, %add3A_389 : vector<16xi32>
          %swap3A_391 = arith.constant 0 : index
          %swap3A_392 = tpu.vector_load %arg19[%swap3A_391] {strides = array<i32>} : memref<128xi32, #tpu.memory_space<vmem>>, vector<16xi32>,
          tpu.vector_store %arg19[%swap3A_391], %add3A_390 {strides = array<i32>} : memref<128xi32, #tpu.memory_space<vmem>>, vector<16xi32>,
          %get3A_393 = arith.index_cast %add3A_383 : i32 to index
          %get3A_394 = arith.constant 16 : index
          %get3A_395 = tpu.vector_load %arg15[%get3A_393, %get3A_394] {strides = array<i32>} : memref<40x128xi32, #tpu.memory_space<vmem>>, vector<16xi32>,
          %mul3A_396 = arith.constant 10240 : i32
          %mul3A_397 = arith.muli %add3A_73, %mul3A_396 : i32
          %add3A_398 = vector.broadcast %mul3A_397 : i32 to vector<16xi32>
          %add3A_399 = arith.addi %get3A_395, %add3A_398 : vector<16xi32>
          %swap3A_400 = arith.constant 16 : index
          %swap3A_401 = tpu.vector_load %arg19[%swap3A_400] {strides = array<i32>} : memref<128xi32, #tpu.memory_space<vmem>>, vector<16xi32>,
          tpu.vector_store %arg19[%swap3A_400], %add3A_399 {strides = array<i32>} : memref<128xi32, #tpu.memory_space<vmem>>, vector<16xi32>,
          %get3A_402 = arith.index_cast %add3A_383 : i32 to index
          %get3A_403 = arith.constant 32 : index
          %get3A_404 = tpu.vector_load %arg15[%get3A_402, %get3A_403] {strides = array<i32>} : memref<40x128xi32, #tpu.memory_space<vmem>>, vector<16xi32>,
          %mul3A_405 = arith.constant 10240 : i32
          %mul3A_406 = arith.muli %add3A_73, %mul3A_405 : i32
          %add3A_407 = vector.broadcast %mul3A_406 : i32 to vector<16xi32>
          %add3A_408 = arith.addi %get3A_404, %add3A_407 : vector<16xi32>
          %swap3A_409 = arith.constant 32 : index
          %swap3A_410 = tpu.vector_load %arg19[%swap3A_409] {strides = array<i32>} : memref<128xi32, #tpu.memory_space<vmem>>, vector<16xi32>,
          tpu.vector_store %arg19[%swap3A_409], %add3A_408 {strides = array<i32>} : memref<128xi32, #tpu.memory_space<vmem>>, vector<16xi32>,
          %get3A_411 = arith.index_cast %add3A_383 : i32 to index
          %get3A_412 = arith.constant 48 : index
          %get3A_413 = tpu.vector_load %arg15[%get3A_411, %get3A_412] {strides = array<i32>} : memref<40x128xi32, #tpu.memory_space<vmem>>, vector<16xi32>,
          %mul3A_414 = arith.constant 10240 : i32
          %mul3A_415 = arith.muli %add3A_73, %mul3A_414 : i32
          %add3A_416 = vector.broadcast %mul3A_415 : i32 to vector<16xi32>
          %add3A_417 = arith.addi %get3A_413, %add3A_416 : vector<16xi32>
          %swap3A_418 = arith.constant 48 : index
          %swap3A_419 = tpu.vector_load %arg19[%swap3A_418] {strides = array<i32>} : memref<128xi32, #tpu.memory_space<vmem>>, vector<16xi32>,
          tpu.vector_store %arg19[%swap3A_418], %add3A_417 {strides = array<i32>} : memref<128xi32, #tpu.memory_space<vmem>>, vector<16xi32>,
          %get3A_420 = arith.index_cast %add3A_383 : i32 to index
          %get3A_421 = arith.constant 64 : index
          %get3A_422 = tpu.vector_load %arg15[%get3A_420, %get3A_421] {strides = array<i32>} : memref<40x128xi32, #tpu.memory_space<vmem>>, vector<16xi32>,
          %mul3A_423 = arith.constant 10240 : i32
          %mul3A_424 = arith.muli %add3A_73, %mul3A_423 : i32
          %add3A_425 = vector.broadcast %mul3A_424 : i32 to vector<16xi32>
          %add3A_426 = arith.addi %get3A_422, %add3A_425 : vector<16xi32>
          %swap3A_427 = arith.constant 64 : index
          %swap3A_428 = tpu.vector_load %arg19[%swap3A_427] {strides = array<i32>} : memref<128xi32, #tpu.memory_space<vmem>>, vector<16xi32>,
          tpu.vector_store %arg19[%swap3A_427], %add3A_426 {strides = array<i32>} : memref<128xi32, #tpu.memory_space<vmem>>, vector<16xi32>,
          %get3A_429 = arith.index_cast %add3A_383 : i32 to index
          %get3A_430 = arith.constant 80 : index
          %get3A_431 = tpu.vector_load %arg15[%get3A_429, %get3A_430] {strides = array<i32>} : memref<40x128xi32, #tpu.memory_space<vmem>>, vector<16xi32>,
          %mul3A_432 = arith.constant 10240 : i32
          %mul3A_433 = arith.muli %add3A_73, %mul3A_432 : i32
          %add3A_434 = vector.broadcast %mul3A_433 : i32 to vector<16xi32>
          %add3A_435 = arith.addi %get3A_431, %add3A_434 : vector<16xi32>
          %swap3A_436 = arith.constant 80 : index
          %swap3A_437 = tpu.vector_load %arg19[%swap3A_436] {strides = array<i32>} : memref<128xi32, #tpu.memory_space<vmem>>, vector<16xi32>,
          tpu.vector_store %arg19[%swap3A_436], %add3A_435 {strides = array<i32>} : memref<128xi32, #tpu.memory_space<vmem>>, vector<16xi32>,
          %get3A_438 = arith.index_cast %add3A_383 : i32 to index
          %get3A_439 = arith.constant 96 : index
          %get3A_440 = tpu.vector_load %arg15[%get3A_438, %get3A_439] {strides = array<i32>} : memref<40x128xi32, #tpu.memory_space<vmem>>, vector<16xi32>,
          %mul3A_441 = arith.constant 10240 : i32
          %mul3A_442 = arith.muli %add3A_73, %mul3A_441 : i32
          %add3A_443 = vector.broadcast %mul3A_442 : i32 to vector<16xi32>
          %add3A_444 = arith.addi %get3A_440, %add3A_443 : vector<16xi32>
          %swap3A_445 = arith.constant 96 : index
          %swap3A_446 = tpu.vector_load %arg19[%swap3A_445] {strides = array<i32>} : memref<128xi32, #tpu.memory_space<vmem>>, vector<16xi32>,
          tpu.vector_store %arg19[%swap3A_445], %add3A_444 {strides = array<i32>} : memref<128xi32, #tpu.memory_space<vmem>>, vector<16xi32>,
          %get3A_447 = arith.index_cast %add3A_383 : i32 to index
          %get3A_448 = arith.constant 112 : index
          %get3A_449 = tpu.vector_load %arg15[%get3A_447, %get3A_448] {strides = array<i32>} : memref<40x128xi32, #tpu.memory_space<vmem>>, vector<16xi32>,
          %mul3A_450 = arith.constant 10240 : i32
          %mul3A_451 = arith.muli %add3A_73, %mul3A_450 : i32
          %add3A_452 = vector.broadcast %mul3A_451 : i32 to vector<16xi32>
          %add3A_453 = arith.addi %get3A_449, %add3A_452 : vector<16xi32>
          %swap3A_454 = arith.constant 112 : index
          %swap3A_455 = tpu.vector_load %arg19[%swap3A_454] {strides = array<i32>} : memref<128xi32, #tpu.memory_space<vmem>>, vector<16xi32>,
          tpu.vector_store %arg19[%swap3A_454], %add3A_453 {strides = array<i32>} : memref<128xi32, #tpu.memory_space<vmem>>, vector<16xi32>,
          %dma_start3A_456 = arith.constant 0 : i32
          %dma_start3A_457 = arith.constant 0 : i32
          %dma_start3A_458 = tpu.memref_slice %arg8[%dma_start3A_456, %dma_start3A_457] : memref<163840x32xf32, #tpu.memory_space<hbm>> -> memref<163840x32xf32, #tpu.memory_space<hbm>>
          tpu.enqueue_indirect_dma source(%dma_start3A_458 : memref<163840x32xf32, #tpu.memory_space<hbm>>) target(%arg21 : memref<128x32xf32, #tpu.memory_space<vmem>>) offsets(%arg19 : memref<128xi32, #tpu.memory_space<vmem>>) semaphore(%arg26 : memref<!tpu.dma_semaphore, #tpu.memory_space<semaphore_mem>>)
        } else {
        }
        %add3A_354 = arith.constant 1 : i32
        %add3A_355 = arith.addi %add3A_327, %add3A_354 : i32
        %dma_wait3A_356 = arith.constant 0 : i32
        %dma_wait3A_357 = arith.constant 0 : i32
        %dma_wait3A_358 = tpu.memref_slice %arg8[%dma_wait3A_356, %dma_wait3A_357] : memref<163840x32xf32, #tpu.memory_space<hbm>> -> memref<163840x32xf32, #tpu.memory_space<hbm>>
        tpu.wait_indirect_dma semaphore(%arg27 : memref<!tpu.dma_semaphore, #tpu.memory_space<semaphore_mem>>) src(%dma_wait3A_358 : memref<163840x32xf32, #tpu.memory_space<hbm>>) dst(%arg22 : memref<128x32xf32, #tpu.memory_space<vmem>>)
        %ge3A_359 = arith.constant 2 : i32
        %ge3A_360 = arith.cmpi sge, %add3A_355, %ge3A_359 : i32
        %convert_element_type3A_361 = arith.extui %ge3A_360 : i1 to i32
        %cond3A_362 = arith.constant 0 : i32
        %cond3A_363 = arith.cmpi ne, %convert_element_type3A_361, %cond3A_362 : i32
        scf.if %cond3A_363 {
          %sub3A = arith.constant 2 : i32
          %sub3A_382 = arith.subi %add3A_355, %sub3A : i32
          %dma_wait3A_383 = arith.constant 0 : i32
          %dma_wait3A_384 = tpu.memref_slice %arg16[%sub3A_382, %dma_wait3A_383] : memref<40x128xi32, #tpu.memory_space<vmem>> -> memref<1x128xi32, #tpu.memory_space<vmem>>
          %dma_wait3A_385 = tpu.memref_squeeze %dma_wait3A_384 : memref<1x128xi32, #tpu.memory_space<vmem>> -> memref<128xi32, #tpu.memory_space<vmem>>
          %dma_wait3A_386 = arith.constant 0 : i32
          %dma_wait3A_387 = arith.constant 0 : i32
          %dma_wait3A_388 = tpu.memref_slice %arg30[%dma_wait3A_386, %dma_wait3A_387] : memref<10240x64xf32, #tpu.memory_space<vmem_shared>> -> memref<10240x64xf32, #tpu.memory_space<vmem_shared>>
          tpu.wait_indirect_dma semaphore(%arg29 : memref<!tpu.dma_semaphore, #tpu.memory_space<semaphore_mem>>) src(%arg24 : memref<128x64xf32, #tpu.memory_space<vmem>>) dst(%dma_wait3A_388 : memref<10240x64xf32, #tpu.memory_space<vmem_shared>>)
        } else {
        }
        %scan3A_364 = arith.constant 0 : i32
        %scan3A_365 = arith.constant 8 : i32
        %scan3A_366 = arith.addi %scan3A_364, %scan3A_365 : i32
        %scan3A_367 = arith.constant 1 : i32
        scf.for %scan3A_382 = %scan3A_364 to %scan3A_366 step %scan3A_367  : i32 {
          %mul3A_383 = arith.constant 1 : i32
          %mul3A_384 = arith.muli %scan3A_382, %mul3A_383 : i32
          %add3A_385 = arith.constant 0 : i32
          %add3A_386 = arith.addi %add3A_385, %mul3A_384 : i32
          %mul3A_387 = arith.constant 128 : i32
          %mul3A_388 = arith.muli %add3A_355, %mul3A_387 : i32
          %mul3A_389 = arith.constant 16 : i32
          %mul3A_390 = arith.muli %add3A_386, %mul3A_389 : i32
          %add3A_391 = arith.addi %mul3A_388, %mul3A_390 : i32
          %get3A_392 = arith.index_cast %add3A_391 : i32 to index
          %get3A_393 = tpu.vector_load %arg17[%get3A_392] {strides = array<i32>} : memref<5120xf32, #tpu.memory_space<vmem>>, vector<16xf32>,
          %mul3A_394 = arith.constant 128 : i32
          %mul3A_395 = arith.muli %add3A_355, %mul3A_394 : i32
          %mul3A_396 = arith.constant 16 : i32
          %mul3A_397 = arith.muli %add3A_386, %mul3A_396 : i32
          %add3A_398 = arith.addi %mul3A_395, %mul3A_397 : i32
          %get3A_399 = arith.index_cast %add3A_398 : i32 to index
          %get3A_400 = tpu.vector_load %arg18[%get3A_399] {strides = array<i32>} : memref<5120xf32, #tpu.memory_space<vmem>>, vector<16xf32>,
          %mul3A_401 = arith.constant 16 : i32
          %mul3A_402 = arith.muli %add3A_386, %mul3A_401 : i32
          %add3A_403 = arith.constant 0 : i32
          %add3A_404 = arith.addi %mul3A_402, %add3A_403 : i32
          %slice3A = vector.extract_strided_slice %get3A_393 {offsets = [0], sizes = [1], strides = [1]} : vector<16xf32> to vector<1xf32>
          %squeeze3A = vector.extract %slice3A[0] : f32 from vector<1xf32>
          %slice3A_405 = vector.extract_strided_slice %get3A_400 {offsets = [0], sizes = [1], strides = [1]} : vector<16xf32> to vector<1xf32>
          %squeeze3A_406 = vector.extract %slice3A_405[0] : f32 from vector<1xf32>
          %get3A_407 = arith.index_cast %add3A_404 : i32 to index
          %get3A_408 = arith.constant 0 : index
          %get3A_409 = tpu.vector_load %arg22[%get3A_407, %get3A_408] {strides = array<i32>} : memref<128x32xf32, #tpu.memory_space<vmem>>, vector<16xf32>,
          %mul3A_410 = vector.broadcast %squeeze3A : f32 to vector<16xf32>
          %mul3A_411 = arith.mulf %get3A_409, %mul3A_410 : vector<16xf32>
          %swap3A_412 = arith.index_cast %add3A_404 : i32 to index
          %swap3A_413 = arith.constant 0 : index
          %swap3A_414 = tpu.vector_load %arg24[%swap3A_412, %swap3A_413] {strides = array<i32>} : memref<128x64xf32, #tpu.memory_space<vmem>>, vector<16xf32>,
          tpu.vector_store %arg24[%swap3A_412, %swap3A_413], %mul3A_411 {strides = array<i32>} : memref<128x64xf32, #tpu.memory_space<vmem>>, vector<16xf32>,
          %mul3A_415 = vector.broadcast %squeeze3A_406 : f32 to vector<16xf32>
          %mul3A_416 = arith.mulf %get3A_409, %mul3A_415 : vector<16xf32>
          %swap3A_417 = arith.index_cast %add3A_404 : i32 to index
          %swap3A_418 = arith.constant 32 : index
          %swap3A_419 = tpu.vector_load %arg24[%swap3A_417, %swap3A_418] {strides = array<i32>} : memref<128x64xf32, #tpu.memory_space<vmem>>, vector<16xf32>,
          tpu.vector_store %arg24[%swap3A_417, %swap3A_418], %mul3A_416 {strides = array<i32>} : memref<128x64xf32, #tpu.memory_space<vmem>>, vector<16xf32>,
          %get3A_420 = arith.index_cast %add3A_404 : i32 to index
          %get3A_421 = arith.constant 16 : index
          %get3A_422 = tpu.vector_load %arg22[%get3A_420, %get3A_421] {strides = array<i32>} : memref<128x32xf32, #tpu.memory_space<vmem>>, vector<16xf32>,
          %mul3A_423 = vector.broadcast %squeeze3A : f32 to vector<16xf32>
          %mul3A_424 = arith.mulf %get3A_422, %mul3A_423 : vector<16xf32>
          %swap3A_425 = arith.index_cast %add3A_404 : i32 to index
          %swap3A_426 = arith.constant 16 : index
          %swap3A_427 = tpu.vector_load %arg24[%swap3A_425, %swap3A_426] {strides = array<i32>} : memref<128x64xf32, #tpu.memory_space<vmem>>, vector<16xf32>,
          tpu.vector_store %arg24[%swap3A_425, %swap3A_426], %mul3A_424 {strides = array<i32>} : memref<128x64xf32, #tpu.memory_space<vmem>>, vector<16xf32>,
          %mul3A_428 = vector.broadcast %squeeze3A_406 : f32 to vector<16xf32>
          %mul3A_429 = arith.mulf %get3A_422, %mul3A_428 : vector<16xf32>
          %swap3A_430 = arith.index_cast %add3A_404 : i32 to index
          %swap3A_431 = arith.constant 48 : index
          %swap3A_432 = tpu.vector_load %arg24[%swap3A_430, %swap3A_431] {strides = array<i32>} : memref<128x64xf32, #tpu.memory_space<vmem>>, vector<16xf32>,
          tpu.vector_store %arg24[%swap3A_430, %swap3A_431], %mul3A_429 {strides = array<i32>} : memref<128x64xf32, #tpu.memory_space<vmem>>, vector<16xf32>,
          %mul3A_433 = arith.constant 16 : i32
          %mul3A_434 = arith.muli %add3A_386, %mul3A_433 : i32
          %add3A_435 = arith.constant 1 : i32
          %add3A_436 = arith.addi %mul3A_434, %add3A_435 : i32
          %slice3A_437 = vector.extract_strided_slice %get3A_393 {offsets = [1], sizes = [1], strides = [1]} : vector<16xf32> to vector<1xf32>
          %squeeze3A_438 = vector.extract %slice3A_437[0] : f32 from vector<1xf32>
          %slice3A_439 = vector.extract_strided_slice %get3A_400 {offsets = [1], sizes = [1], strides = [1]} : vector<16xf32> to vector<1xf32>
          %squeeze3A_440 = vector.extract %slice3A_439[0] : f32 from vector<1xf32>
          %get3A_441 = arith.index_cast %add3A_436 : i32 to index
          %get3A_442 = arith.constant 0 : index
          %get3A_443 = tpu.vector_load %arg22[%get3A_441, %get3A_442] {strides = array<i32>} : memref<128x32xf32, #tpu.memory_space<vmem>>, vector<16xf32>,
          %mul3A_444 = vector.broadcast %squeeze3A_438 : f32 to vector<16xf32>
          %mul3A_445 = arith.mulf %get3A_443, %mul3A_444 : vector<16xf32>
          %swap3A_446 = arith.index_cast %add3A_436 : i32 to index
          %swap3A_447 = arith.constant 0 : index
          %swap3A_448 = tpu.vector_load %arg24[%swap3A_446, %swap3A_447] {strides = array<i32>} : memref<128x64xf32, #tpu.memory_space<vmem>>, vector<16xf32>,
          tpu.vector_store %arg24[%swap3A_446, %swap3A_447], %mul3A_445 {strides = array<i32>} : memref<128x64xf32, #tpu.memory_space<vmem>>, vector<16xf32>,
          %mul3A_449 = vector.broadcast %squeeze3A_440 : f32 to vector<16xf32>
          %mul3A_450 = arith.mulf %get3A_443, %mul3A_449 : vector<16xf32>
          %swap3A_451 = arith.index_cast %add3A_436 : i32 to index
          %swap3A_452 = arith.constant 32 : index
          %swap3A_453 = tpu.vector_load %arg24[%swap3A_451, %swap3A_452] {strides = array<i32>} : memref<128x64xf32, #tpu.memory_space<vmem>>, vector<16xf32>,
          tpu.vector_store %arg24[%swap3A_451, %swap3A_452], %mul3A_450 {strides = array<i32>} : memref<128x64xf32, #tpu.memory_space<vmem>>, vector<16xf32>,
          %get3A_454 = arith.index_cast %add3A_436 : i32 to index
          %get3A_455 = arith.constant 16 : index
          %get3A_456 = tpu.vector_load %arg22[%get3A_454, %get3A_455] {strides = array<i32>} : memref<128x32xf32, #tpu.memory_space<vmem>>, vector<16xf32>,
          %mul3A_457 = vector.broadcast %squeeze3A_438 : f32 to vector<16xf32>
          %mul3A_458 = arith.mulf %get3A_456, %mul3A_457 : vector<16xf32>
          %swap3A_459 = arith.index_cast %add3A_436 : i32 to index
          %swap3A_460 = arith.constant 16 : index
          %swap3A_461 = tpu.vector_load %arg24[%swap3A_459, %swap3A_460] {strides = array<i32>} : memref<128x64xf32, #tpu.memory_space<vmem>>, vector<16xf32>,
          tpu.vector_store %arg24[%swap3A_459, %swap3A_460], %mul3A_458 {strides = array<i32>} : memref<128x64xf32, #tpu.memory_space<vmem>>, vector<16xf32>,
          %mul3A_462 = vector.broadcast %squeeze3A_440 : f32 to vector<16xf32>
          %mul3A_463 = arith.mulf %get3A_456, %mul3A_462 : vector<16xf32>
          %swap3A_464 = arith.index_cast %add3A_436 : i32 to index
          %swap3A_465 = arith.constant 48 : index
          %swap3A_466 = tpu.vector_load %arg24[%swap3A_464, %swap3A_465] {strides = array<i32>} : memref<128x64xf32, #tpu.memory_space<vmem>>, vector<16xf32>,
          tpu.vector_store %arg24[%swap3A_464, %swap3A_465], %mul3A_463 {strides = array<i32>} : memref<128x64xf32, #tpu.memory_space<vmem>>, vector<16xf32>,
          %mul3A_467 = arith.constant 16 : i32
          %mul3A_468 = arith.muli %add3A_386, %mul3A_467 : i32
          %add3A_469 = arith.constant 2 : i32
          %add3A_470 = arith.addi %mul3A_468, %add3A_469 : i32
          %slice3A_471 = vector.extract_strided_slice %get3A_393 {offsets = [2], sizes = [1], strides = [1]} : vector<16xf32> to vector<1xf32>
          %squeeze3A_472 = vector.extract %slice3A_471[0] : f32 from vector<1xf32>
          %slice3A_473 = vector.extract_strided_slice %get3A_400 {offsets = [2], sizes = [1], strides = [1]} : vector<16xf32> to vector<1xf32>
          %squeeze3A_474 = vector.extract %slice3A_473[0] : f32 from vector<1xf32>
          %get3A_475 = arith.index_cast %add3A_470 : i32 to index
          %get3A_476 = arith.constant 0 : index
          %get3A_477 = tpu.vector_load %arg22[%get3A_475, %get3A_476] {strides = array<i32>} : memref<128x32xf32, #tpu.memory_space<vmem>>, vector<16xf32>,
          %mul3A_478 = vector.broadcast %squeeze3A_472 : f32 to vector<16xf32>
          %mul3A_479 = arith.mulf %get3A_477, %mul3A_478 : vector<16xf32>
          %swap3A_480 = arith.index_cast %add3A_470 : i32 to index
          %swap3A_481 = arith.constant 0 : index
          %swap3A_482 = tpu.vector_load %arg24[%swap3A_480, %swap3A_481] {strides = array<i32>} : memref<128x64xf32, #tpu.memory_space<vmem>>, vector<16xf32>,
          tpu.vector_store %arg24[%swap3A_480, %swap3A_481], %mul3A_479 {strides = array<i32>} : memref<128x64xf32, #tpu.memory_space<vmem>>, vector<16xf32>,
          %mul3A_483 = vector.broadcast %squeeze3A_474 : f32 to vector<16xf32>
          %mul3A_484 = arith.mulf %get3A_477, %mul3A_483 : vector<16xf32>
          %swap3A_485 = arith.index_cast %add3A_470 : i32 to index
          %swap3A_486 = arith.constant 32 : index
          %swap3A_487 = tpu.vector_load %arg24[%swap3A_485, %swap3A_486] {strides = array<i32>} : memref<128x64xf32, #tpu.memory_space<vmem>>, vector<16xf32>,
          tpu.vector_store %arg24[%swap3A_485, %swap3A_486], %mul3A_484 {strides = array<i32>} : memref<128x64xf32, #tpu.memory_space<vmem>>, vector<16xf32>,
          %get3A_488 = arith.index_cast %add3A_470 : i32 to index
          %get3A_489 = arith.constant 16 : index
          %get3A_490 = tpu.vector_load %arg22[%get3A_488, %get3A_489] {strides = array<i32>} : memref<128x32xf32, #tpu.memory_space<vmem>>, vector<16xf32>,
          %mul3A_491 = vector.broadcast %squeeze3A_472 : f32 to vector<16xf32>
          %mul3A_492 = arith.mulf %get3A_490, %mul3A_491 : vector<16xf32>
          %swap3A_493 = arith.index_cast %add3A_470 : i32 to index
          %swap3A_494 = arith.constant 16 : index
          %swap3A_495 = tpu.vector_load %arg24[%swap3A_493, %swap3A_494] {strides = array<i32>} : memref<128x64xf32, #tpu.memory_space<vmem>>, vector<16xf32>,
          tpu.vector_store %arg24[%swap3A_493, %swap3A_494], %mul3A_492 {strides = array<i32>} : memref<128x64xf32, #tpu.memory_space<vmem>>, vector<16xf32>,
          %mul3A_496 = vector.broadcast %squeeze3A_474 : f32 to vector<16xf32>
          %mul3A_497 = arith.mulf %get3A_490, %mul3A_496 : vector<16xf32>
          %swap3A_498 = arith.index_cast %add3A_470 : i32 to index
          %swap3A_499 = arith.constant 48 : index
          %swap3A_500 = tpu.vector_load %arg24[%swap3A_498, %swap3A_499] {strides = array<i32>} : memref<128x64xf32, #tpu.memory_space<vmem>>, vector<16xf32>,
          tpu.vector_store %arg24[%swap3A_498, %swap3A_499], %mul3A_497 {strides = array<i32>} : memref<128x64xf32, #tpu.memory_space<vmem>>, vector<16xf32>,
          %mul3A_501 = arith.constant 16 : i32
          %mul3A_502 = arith.muli %add3A_386, %mul3A_501 : i32
          %add3A_503 = arith.constant 3 : i32
          %add3A_504 = arith.addi %mul3A_502, %add3A_503 : i32
          %slice3A_505 = vector.extract_strided_slice %get3A_393 {offsets = [3], sizes = [1], strides = [1]} : vector<16xf32> to vector<1xf32>
          %squeeze3A_506 = vector.extract %slice3A_505[0] : f32 from vector<1xf32>
          %slice3A_507 = vector.extract_strided_slice %get3A_400 {offsets = [3], sizes = [1], strides = [1]} : vector<16xf32> to vector<1xf32>
          %squeeze3A_508 = vector.extract %slice3A_507[0] : f32 from vector<1xf32>
          %get3A_509 = arith.index_cast %add3A_504 : i32 to index
          %get3A_510 = arith.constant 0 : index
          %get3A_511 = tpu.vector_load %arg22[%get3A_509, %get3A_510] {strides = array<i32>} : memref<128x32xf32, #tpu.memory_space<vmem>>, vector<16xf32>,
          %mul3A_512 = vector.broadcast %squeeze3A_506 : f32 to vector<16xf32>
          %mul3A_513 = arith.mulf %get3A_511, %mul3A_512 : vector<16xf32>
          %swap3A_514 = arith.index_cast %add3A_504 : i32 to index
          %swap3A_515 = arith.constant 0 : index
          %swap3A_516 = tpu.vector_load %arg24[%swap3A_514, %swap3A_515] {strides = array<i32>} : memref<128x64xf32, #tpu.memory_space<vmem>>, vector<16xf32>,
          tpu.vector_store %arg24[%swap3A_514, %swap3A_515], %mul3A_513 {strides = array<i32>} : memref<128x64xf32, #tpu.memory_space<vmem>>, vector<16xf32>,
          %mul3A_517 = vector.broadcast %squeeze3A_508 : f32 to vector<16xf32>
          %mul3A_518 = arith.mulf %get3A_511, %mul3A_517 : vector<16xf32>
          %swap3A_519 = arith.index_cast %add3A_504 : i32 to index
          %swap3A_520 = arith.constant 32 : index
          %swap3A_521 = tpu.vector_load %arg24[%swap3A_519, %swap3A_520] {strides = array<i32>} : memref<128x64xf32, #tpu.memory_space<vmem>>, vector<16xf32>,
          tpu.vector_store %arg24[%swap3A_519, %swap3A_520], %mul3A_518 {strides = array<i32>} : memref<128x64xf32, #tpu.memory_space<vmem>>, vector<16xf32>,
          %get3A_522 = arith.index_cast %add3A_504 : i32 to index
          %get3A_523 = arith.constant 16 : index
          %get3A_524 = tpu.vector_load %arg22[%get3A_522, %get3A_523] {strides = array<i32>} : memref<128x32xf32, #tpu.memory_space<vmem>>, vector<16xf32>,
          %mul3A_525 = vector.broadcast %squeeze3A_506 : f32 to vector<16xf32>
          %mul3A_526 = arith.mulf %get3A_524, %mul3A_525 : vector<16xf32>
          %swap3A_527 = arith.index_cast %add3A_504 : i32 to index
          %swap3A_528 = arith.constant 16 : index
          %swap3A_529 = tpu.vector_load %arg24[%swap3A_527, %swap3A_528] {strides = array<i32>} : memref<128x64xf32, #tpu.memory_space<vmem>>, vector<16xf32>,
          tpu.vector_store %arg24[%swap3A_527, %swap3A_528], %mul3A_526 {strides = array<i32>} : memref<128x64xf32, #tpu.memory_space<vmem>>, vector<16xf32>,
          %mul3A_530 = vector.broadcast %squeeze3A_508 : f32 to vector<16xf32>
          %mul3A_531 = arith.mulf %get3A_524, %mul3A_530 : vector<16xf32>
          %swap3A_532 = arith.index_cast %add3A_504 : i32 to index
          %swap3A_533 = arith.constant 48 : index
          %swap3A_534 = tpu.vector_load %arg24[%swap3A_532, %swap3A_533] {strides = array<i32>} : memref<128x64xf32, #tpu.memory_space<vmem>>, vector<16xf32>,
          tpu.vector_store %arg24[%swap3A_532, %swap3A_533], %mul3A_531 {strides = array<i32>} : memref<128x64xf32, #tpu.memory_space<vmem>>, vector<16xf32>,
          %mul3A_535 = arith.constant 16 : i32
          %mul3A_536 = arith.muli %add3A_386, %mul3A_535 : i32
          %add3A_537 = arith.constant 4 : i32
          %add3A_538 = arith.addi %mul3A_536, %add3A_537 : i32
          %slice3A_539 = vector.extract_strided_slice %get3A_393 {offsets = [4], sizes = [1], strides = [1]} : vector<16xf32> to vector<1xf32>
          %squeeze3A_540 = vector.extract %slice3A_539[0] : f32 from vector<1xf32>
          %slice3A_541 = vector.extract_strided_slice %get3A_400 {offsets = [4], sizes = [1], strides = [1]} : vector<16xf32> to vector<1xf32>
          %squeeze3A_542 = vector.extract %slice3A_541[0] : f32 from vector<1xf32>
          %get3A_543 = arith.index_cast %add3A_538 : i32 to index
          %get3A_544 = arith.constant 0 : index
          %get3A_545 = tpu.vector_load %arg22[%get3A_543, %get3A_544] {strides = array<i32>} : memref<128x32xf32, #tpu.memory_space<vmem>>, vector<16xf32>,
          %mul3A_546 = vector.broadcast %squeeze3A_540 : f32 to vector<16xf32>
          %mul3A_547 = arith.mulf %get3A_545, %mul3A_546 : vector<16xf32>
          %swap3A_548 = arith.index_cast %add3A_538 : i32 to index
          %swap3A_549 = arith.constant 0 : index
          %swap3A_550 = tpu.vector_load %arg24[%swap3A_548, %swap3A_549] {strides = array<i32>} : memref<128x64xf32, #tpu.memory_space<vmem>>, vector<16xf32>,
          tpu.vector_store %arg24[%swap3A_548, %swap3A_549], %mul3A_547 {strides = array<i32>} : memref<128x64xf32, #tpu.memory_space<vmem>>, vector<16xf32>,
          %mul3A_551 = vector.broadcast %squeeze3A_542 : f32 to vector<16xf32>
          %mul3A_552 = arith.mulf %get3A_545, %mul3A_551 : vector<16xf32>
          %swap3A_553 = arith.index_cast %add3A_538 : i32 to index
          %swap3A_554 = arith.constant 32 : index
          %swap3A_555 = tpu.vector_load %arg24[%swap3A_553, %swap3A_554] {strides = array<i32>} : memref<128x64xf32, #tpu.memory_space<vmem>>, vector<16xf32>,
          tpu.vector_store %arg24[%swap3A_553, %swap3A_554], %mul3A_552 {strides = array<i32>} : memref<128x64xf32, #tpu.memory_space<vmem>>, vector<16xf32>,
          %get3A_556 = arith.index_cast %add3A_538 : i32 to index
          %get3A_557 = arith.constant 16 : index
          %get3A_558 = tpu.vector_load %arg22[%get3A_556, %get3A_557] {strides = array<i32>} : memref<128x32xf32, #tpu.memory_space<vmem>>, vector<16xf32>,
          %mul3A_559 = vector.broadcast %squeeze3A_540 : f32 to vector<16xf32>
          %mul3A_560 = arith.mulf %get3A_558, %mul3A_559 : vector<16xf32>
          %swap3A_561 = arith.index_cast %add3A_538 : i32 to index
          %swap3A_562 = arith.constant 16 : index
          %swap3A_563 = tpu.vector_load %arg24[%swap3A_561, %swap3A_562] {strides = array<i32>} : memref<128x64xf32, #tpu.memory_space<vmem>>, vector<16xf32>,
          tpu.vector_store %arg24[%swap3A_561, %swap3A_562], %mul3A_560 {strides = array<i32>} : memref<128x64xf32, #tpu.memory_space<vmem>>, vector<16xf32>,
          %mul3A_564 = vector.broadcast %squeeze3A_542 : f32 to vector<16xf32>
          %mul3A_565 = arith.mulf %get3A_558, %mul3A_564 : vector<16xf32>
          %swap3A_566 = arith.index_cast %add3A_538 : i32 to index
          %swap3A_567 = arith.constant 48 : index
          %swap3A_568 = tpu.vector_load %arg24[%swap3A_566, %swap3A_567] {strides = array<i32>} : memref<128x64xf32, #tpu.memory_space<vmem>>, vector<16xf32>,
          tpu.vector_store %arg24[%swap3A_566, %swap3A_567], %mul3A_565 {strides = array<i32>} : memref<128x64xf32, #tpu.memory_space<vmem>>, vector<16xf32>,
          %mul3A_569 = arith.constant 16 : i32
          %mul3A_570 = arith.muli %add3A_386, %mul3A_569 : i32
          %add3A_571 = arith.constant 5 : i32
          %add3A_572 = arith.addi %mul3A_570, %add3A_571 : i32
          %slice3A_573 = vector.extract_strided_slice %get3A_393 {offsets = [5], sizes = [1], strides = [1]} : vector<16xf32> to vector<1xf32>
          %squeeze3A_574 = vector.extract %slice3A_573[0] : f32 from vector<1xf32>
          %slice3A_575 = vector.extract_strided_slice %get3A_400 {offsets = [5], sizes = [1], strides = [1]} : vector<16xf32> to vector<1xf32>
          %squeeze3A_576 = vector.extract %slice3A_575[0] : f32 from vector<1xf32>
          %get3A_577 = arith.index_cast %add3A_572 : i32 to index
          %get3A_578 = arith.constant 0 : index
          %get3A_579 = tpu.vector_load %arg22[%get3A_577, %get3A_578] {strides = array<i32>} : memref<128x32xf32, #tpu.memory_space<vmem>>, vector<16xf32>,
          %mul3A_580 = vector.broadcast %squeeze3A_574 : f32 to vector<16xf32>
          %mul3A_581 = arith.mulf %get3A_579, %mul3A_580 : vector<16xf32>
          %swap3A_582 = arith.index_cast %add3A_572 : i32 to index
          %swap3A_583 = arith.constant 0 : index
          %swap3A_584 = tpu.vector_load %arg24[%swap3A_582, %swap3A_583] {strides = array<i32>} : memref<128x64xf32, #tpu.memory_space<vmem>>, vector<16xf32>,
          tpu.vector_store %arg24[%swap3A_582, %swap3A_583], %mul3A_581 {strides = array<i32>} : memref<128x64xf32, #tpu.memory_space<vmem>>, vector<16xf32>,
          %mul3A_585 = vector.broadcast %squeeze3A_576 : f32 to vector<16xf32>
          %mul3A_586 = arith.mulf %get3A_579, %mul3A_585 : vector<16xf32>
          %swap3A_587 = arith.index_cast %add3A_572 : i32 to index
          %swap3A_588 = arith.constant 32 : index
          %swap3A_589 = tpu.vector_load %arg24[%swap3A_587, %swap3A_588] {strides = array<i32>} : memref<128x64xf32, #tpu.memory_space<vmem>>, vector<16xf32>,
          tpu.vector_store %arg24[%swap3A_587, %swap3A_588], %mul3A_586 {strides = array<i32>} : memref<128x64xf32, #tpu.memory_space<vmem>>, vector<16xf32>,
          %get3A_590 = arith.index_cast %add3A_572 : i32 to index
          %get3A_591 = arith.constant 16 : index
          %get3A_592 = tpu.vector_load %arg22[%get3A_590, %get3A_591] {strides = array<i32>} : memref<128x32xf32, #tpu.memory_space<vmem>>, vector<16xf32>,
          %mul3A_593 = vector.broadcast %squeeze3A_574 : f32 to vector<16xf32>
          %mul3A_594 = arith.mulf %get3A_592, %mul3A_593 : vector<16xf32>
          %swap3A_595 = arith.index_cast %add3A_572 : i32 to index
          %swap3A_596 = arith.constant 16 : index
          %swap3A_597 = tpu.vector_load %arg24[%swap3A_595, %swap3A_596] {strides = array<i32>} : memref<128x64xf32, #tpu.memory_space<vmem>>, vector<16xf32>,
          tpu.vector_store %arg24[%swap3A_595, %swap3A_596], %mul3A_594 {strides = array<i32>} : memref<128x64xf32, #tpu.memory_space<vmem>>, vector<16xf32>,
          %mul3A_598 = vector.broadcast %squeeze3A_576 : f32 to vector<16xf32>
          %mul3A_599 = arith.mulf %get3A_592, %mul3A_598 : vector<16xf32>
          %swap3A_600 = arith.index_cast %add3A_572 : i32 to index
          %swap3A_601 = arith.constant 48 : index
          %swap3A_602 = tpu.vector_load %arg24[%swap3A_600, %swap3A_601] {strides = array<i32>} : memref<128x64xf32, #tpu.memory_space<vmem>>, vector<16xf32>,
          tpu.vector_store %arg24[%swap3A_600, %swap3A_601], %mul3A_599 {strides = array<i32>} : memref<128x64xf32, #tpu.memory_space<vmem>>, vector<16xf32>,
          %mul3A_603 = arith.constant 16 : i32
          %mul3A_604 = arith.muli %add3A_386, %mul3A_603 : i32
          %add3A_605 = arith.constant 6 : i32
          %add3A_606 = arith.addi %mul3A_604, %add3A_605 : i32
          %slice3A_607 = vector.extract_strided_slice %get3A_393 {offsets = [6], sizes = [1], strides = [1]} : vector<16xf32> to vector<1xf32>
          %squeeze3A_608 = vector.extract %slice3A_607[0] : f32 from vector<1xf32>
          %slice3A_609 = vector.extract_strided_slice %get3A_400 {offsets = [6], sizes = [1], strides = [1]} : vector<16xf32> to vector<1xf32>
          %squeeze3A_610 = vector.extract %slice3A_609[0] : f32 from vector<1xf32>
          %get3A_611 = arith.index_cast %add3A_606 : i32 to index
          %get3A_612 = arith.constant 0 : index
          %get3A_613 = tpu.vector_load %arg22[%get3A_611, %get3A_612] {strides = array<i32>} : memref<128x32xf32, #tpu.memory_space<vmem>>, vector<16xf32>,
          %mul3A_614 = vector.broadcast %squeeze3A_608 : f32 to vector<16xf32>
          %mul3A_615 = arith.mulf %get3A_613, %mul3A_614 : vector<16xf32>
          %swap3A_616 = arith.index_cast %add3A_606 : i32 to index
          %swap3A_617 = arith.constant 0 : index
          %swap3A_618 = tpu.vector_load %arg24[%swap3A_616, %swap3A_617] {strides = array<i32>} : memref<128x64xf32, #tpu.memory_space<vmem>>, vector<16xf32>,
          tpu.vector_store %arg24[%swap3A_616, %swap3A_617], %mul3A_615 {strides = array<i32>} : memref<128x64xf32, #tpu.memory_space<vmem>>, vector<16xf32>,
          %mul3A_619 = vector.broadcast %squeeze3A_610 : f32 to vector<16xf32>
          %mul3A_620 = arith.mulf %get3A_613, %mul3A_619 : vector<16xf32>
          %swap3A_621 = arith.index_cast %add3A_606 : i32 to index
          %swap3A_622 = arith.constant 32 : index
          %swap3A_623 = tpu.vector_load %arg24[%swap3A_621, %swap3A_622] {strides = array<i32>} : memref<128x64xf32, #tpu.memory_space<vmem>>, vector<16xf32>,
          tpu.vector_store %arg24[%swap3A_621, %swap3A_622], %mul3A_620 {strides = array<i32>} : memref<128x64xf32, #tpu.memory_space<vmem>>, vector<16xf32>,
          %get3A_624 = arith.index_cast %add3A_606 : i32 to index
          %get3A_625 = arith.constant 16 : index
          %get3A_626 = tpu.vector_load %arg22[%get3A_624, %get3A_625] {strides = array<i32>} : memref<128x32xf32, #tpu.memory_space<vmem>>, vector<16xf32>,
          %mul3A_627 = vector.broadcast %squeeze3A_608 : f32 to vector<16xf32>
          %mul3A_628 = arith.mulf %get3A_626, %mul3A_627 : vector<16xf32>
          %swap3A_629 = arith.index_cast %add3A_606 : i32 to index
          %swap3A_630 = arith.constant 16 : index
          %swap3A_631 = tpu.vector_load %arg24[%swap3A_629, %swap3A_630] {strides = array<i32>} : memref<128x64xf32, #tpu.memory_space<vmem>>, vector<16xf32>,
          tpu.vector_store %arg24[%swap3A_629, %swap3A_630], %mul3A_628 {strides = array<i32>} : memref<128x64xf32, #tpu.memory_space<vmem>>, vector<16xf32>,
          %mul3A_632 = vector.broadcast %squeeze3A_610 : f32 to vector<16xf32>
          %mul3A_633 = arith.mulf %get3A_626, %mul3A_632 : vector<16xf32>
          %swap3A_634 = arith.index_cast %add3A_606 : i32 to index
          %swap3A_635 = arith.constant 48 : index
          %swap3A_636 = tpu.vector_load %arg24[%swap3A_634, %swap3A_635] {strides = array<i32>} : memref<128x64xf32, #tpu.memory_space<vmem>>, vector<16xf32>,
          tpu.vector_store %arg24[%swap3A_634, %swap3A_635], %mul3A_633 {strides = array<i32>} : memref<128x64xf32, #tpu.memory_space<vmem>>, vector<16xf32>,
          %mul3A_637 = arith.constant 16 : i32
          %mul3A_638 = arith.muli %add3A_386, %mul3A_637 : i32
          %add3A_639 = arith.constant 7 : i32
          %add3A_640 = arith.addi %mul3A_638, %add3A_639 : i32
          %slice3A_641 = vector.extract_strided_slice %get3A_393 {offsets = [7], sizes = [1], strides = [1]} : vector<16xf32> to vector<1xf32>
          %squeeze3A_642 = vector.extract %slice3A_641[0] : f32 from vector<1xf32>
          %slice3A_643 = vector.extract_strided_slice %get3A_400 {offsets = [7], sizes = [1], strides = [1]} : vector<16xf32> to vector<1xf32>
          %squeeze3A_644 = vector.extract %slice3A_643[0] : f32 from vector<1xf32>
          %get3A_645 = arith.index_cast %add3A_640 : i32 to index
          %get3A_646 = arith.constant 0 : index
          %get3A_647 = tpu.vector_load %arg22[%get3A_645, %get3A_646] {strides = array<i32>} : memref<128x32xf32, #tpu.memory_space<vmem>>, vector<16xf32>,
          %mul3A_648 = vector.broadcast %squeeze3A_642 : f32 to vector<16xf32>
          %mul3A_649 = arith.mulf %get3A_647, %mul3A_648 : vector<16xf32>
          %swap3A_650 = arith.index_cast %add3A_640 : i32 to index
          %swap3A_651 = arith.constant 0 : index
          %swap3A_652 = tpu.vector_load %arg24[%swap3A_650, %swap3A_651] {strides = array<i32>} : memref<128x64xf32, #tpu.memory_space<vmem>>, vector<16xf32>,
          tpu.vector_store %arg24[%swap3A_650, %swap3A_651], %mul3A_649 {strides = array<i32>} : memref<128x64xf32, #tpu.memory_space<vmem>>, vector<16xf32>,
          %mul3A_653 = vector.broadcast %squeeze3A_644 : f32 to vector<16xf32>
          %mul3A_654 = arith.mulf %get3A_647, %mul3A_653 : vector<16xf32>
          %swap3A_655 = arith.index_cast %add3A_640 : i32 to index
          %swap3A_656 = arith.constant 32 : index
          %swap3A_657 = tpu.vector_load %arg24[%swap3A_655, %swap3A_656] {strides = array<i32>} : memref<128x64xf32, #tpu.memory_space<vmem>>, vector<16xf32>,
          tpu.vector_store %arg24[%swap3A_655, %swap3A_656], %mul3A_654 {strides = array<i32>} : memref<128x64xf32, #tpu.memory_space<vmem>>, vector<16xf32>,
          %get3A_658 = arith.index_cast %add3A_640 : i32 to index
          %get3A_659 = arith.constant 16 : index
          %get3A_660 = tpu.vector_load %arg22[%get3A_658, %get3A_659] {strides = array<i32>} : memref<128x32xf32, #tpu.memory_space<vmem>>, vector<16xf32>,
          %mul3A_661 = vector.broadcast %squeeze3A_642 : f32 to vector<16xf32>
          %mul3A_662 = arith.mulf %get3A_660, %mul3A_661 : vector<16xf32>
          %swap3A_663 = arith.index_cast %add3A_640 : i32 to index
          %swap3A_664 = arith.constant 16 : index
          %swap3A_665 = tpu.vector_load %arg24[%swap3A_663, %swap3A_664] {strides = array<i32>} : memref<128x64xf32, #tpu.memory_space<vmem>>, vector<16xf32>,
          tpu.vector_store %arg24[%swap3A_663, %swap3A_664], %mul3A_662 {strides = array<i32>} : memref<128x64xf32, #tpu.memory_space<vmem>>, vector<16xf32>,
          %mul3A_666 = vector.broadcast %squeeze3A_644 : f32 to vector<16xf32>
          %mul3A_667 = arith.mulf %get3A_660, %mul3A_666 : vector<16xf32>
          %swap3A_668 = arith.index_cast %add3A_640 : i32 to index
          %swap3A_669 = arith.constant 48 : index
          %swap3A_670 = tpu.vector_load %arg24[%swap3A_668, %swap3A_669] {strides = array<i32>} : memref<128x64xf32, #tpu.memory_space<vmem>>, vector<16xf32>,
          tpu.vector_store %arg24[%swap3A_668, %swap3A_669], %mul3A_667 {strides = array<i32>} : memref<128x64xf32, #tpu.memory_space<vmem>>, vector<16xf32>,
          %mul3A_671 = arith.constant 16 : i32
          %mul3A_672 = arith.muli %add3A_386, %mul3A_671 : i32
          %add3A_673 = arith.constant 8 : i32
          %add3A_674 = arith.addi %mul3A_672, %add3A_673 : i32
          %slice3A_675 = vector.extract_strided_slice %get3A_393 {offsets = [8], sizes = [1], strides = [1]} : vector<16xf32> to vector<1xf32>
          %squeeze3A_676 = vector.extract %slice3A_675[0] : f32 from vector<1xf32>
          %slice3A_677 = vector.extract_strided_slice %get3A_400 {offsets = [8], sizes = [1], strides = [1]} : vector<16xf32> to vector<1xf32>
          %squeeze3A_678 = vector.extract %slice3A_677[0] : f32 from vector<1xf32>
          %get3A_679 = arith.index_cast %add3A_674 : i32 to index
          %get3A_680 = arith.constant 0 : index
          %get3A_681 = tpu.vector_load %arg22[%get3A_679, %get3A_680] {strides = array<i32>} : memref<128x32xf32, #tpu.memory_space<vmem>>, vector<16xf32>,
          %mul3A_682 = vector.broadcast %squeeze3A_676 : f32 to vector<16xf32>
          %mul3A_683 = arith.mulf %get3A_681, %mul3A_682 : vector<16xf32>
          %swap3A_684 = arith.index_cast %add3A_674 : i32 to index
          %swap3A_685 = arith.constant 0 : index
          %swap3A_686 = tpu.vector_load %arg24[%swap3A_684, %swap3A_685] {strides = array<i32>} : memref<128x64xf32, #tpu.memory_space<vmem>>, vector<16xf32>,
          tpu.vector_store %arg24[%swap3A_684, %swap3A_685], %mul3A_683 {strides = array<i32>} : memref<128x64xf32, #tpu.memory_space<vmem>>, vector<16xf32>,
          %mul3A_687 = vector.broadcast %squeeze3A_678 : f32 to vector<16xf32>
          %mul3A_688 = arith.mulf %get3A_681, %mul3A_687 : vector<16xf32>
          %swap3A_689 = arith.index_cast %add3A_674 : i32 to index
          %swap3A_690 = arith.constant 32 : index
          %swap3A_691 = tpu.vector_load %arg24[%swap3A_689, %swap3A_690] {strides = array<i32>} : memref<128x64xf32, #tpu.memory_space<vmem>>, vector<16xf32>,
          tpu.vector_store %arg24[%swap3A_689, %swap3A_690], %mul3A_688 {strides = array<i32>} : memref<128x64xf32, #tpu.memory_space<vmem>>, vector<16xf32>,
          %get3A_692 = arith.index_cast %add3A_674 : i32 to index
          %get3A_693 = arith.constant 16 : index
          %get3A_694 = tpu.vector_load %arg22[%get3A_692, %get3A_693] {strides = array<i32>} : memref<128x32xf32, #tpu.memory_space<vmem>>, vector<16xf32>,
          %mul3A_695 = vector.broadcast %squeeze3A_676 : f32 to vector<16xf32>
          %mul3A_696 = arith.mulf %get3A_694, %mul3A_695 : vector<16xf32>
          %swap3A_697 = arith.index_cast %add3A_674 : i32 to index
          %swap3A_698 = arith.constant 16 : index
          %swap3A_699 = tpu.vector_load %arg24[%swap3A_697, %swap3A_698] {strides = array<i32>} : memref<128x64xf32, #tpu.memory_space<vmem>>, vector<16xf32>,
          tpu.vector_store %arg24[%swap3A_697, %swap3A_698], %mul3A_696 {strides = array<i32>} : memref<128x64xf32, #tpu.memory_space<vmem>>, vector<16xf32>,
          %mul3A_700 = vector.broadcast %squeeze3A_678 : f32 to vector<16xf32>
          %mul3A_701 = arith.mulf %get3A_694, %mul3A_700 : vector<16xf32>
          %swap3A_702 = arith.index_cast %add3A_674 : i32 to index
          %swap3A_703 = arith.constant 48 : index
          %swap3A_704 = tpu.vector_load %arg24[%swap3A_702, %swap3A_703] {strides = array<i32>} : memref<128x64xf32, #tpu.memory_space<vmem>>, vector<16xf32>,
          tpu.vector_store %arg24[%swap3A_702, %swap3A_703], %mul3A_701 {strides = array<i32>} : memref<128x64xf32, #tpu.memory_space<vmem>>, vector<16xf32>,
          %mul3A_705 = arith.constant 16 : i32
          %mul3A_706 = arith.muli %add3A_386, %mul3A_705 : i32
          %add3A_707 = arith.constant 9 : i32
          %add3A_708 = arith.addi %mul3A_706, %add3A_707 : i32
          %slice3A_709 = vector.extract_strided_slice %get3A_393 {offsets = [9], sizes = [1], strides = [1]} : vector<16xf32> to vector<1xf32>
          %squeeze3A_710 = vector.extract %slice3A_709[0] : f32 from vector<1xf32>
          %slice3A_711 = vector.extract_strided_slice %get3A_400 {offsets = [9], sizes = [1], strides = [1]} : vector<16xf32> to vector<1xf32>
          %squeeze3A_712 = vector.extract %slice3A_711[0] : f32 from vector<1xf32>
          %get3A_713 = arith.index_cast %add3A_708 : i32 to index
          %get3A_714 = arith.constant 0 : index
          %get3A_715 = tpu.vector_load %arg22[%get3A_713, %get3A_714] {strides = array<i32>} : memref<128x32xf32, #tpu.memory_space<vmem>>, vector<16xf32>,
          %mul3A_716 = vector.broadcast %squeeze3A_710 : f32 to vector<16xf32>
          %mul3A_717 = arith.mulf %get3A_715, %mul3A_716 : vector<16xf32>
          %swap3A_718 = arith.index_cast %add3A_708 : i32 to index
          %swap3A_719 = arith.constant 0 : index
          %swap3A_720 = tpu.vector_load %arg24[%swap3A_718, %swap3A_719] {strides = array<i32>} : memref<128x64xf32, #tpu.memory_space<vmem>>, vector<16xf32>,
          tpu.vector_store %arg24[%swap3A_718, %swap3A_719], %mul3A_717 {strides = array<i32>} : memref<128x64xf32, #tpu.memory_space<vmem>>, vector<16xf32>,
          %mul3A_721 = vector.broadcast %squeeze3A_712 : f32 to vector<16xf32>
          %mul3A_722 = arith.mulf %get3A_715, %mul3A_721 : vector<16xf32>
          %swap3A_723 = arith.index_cast %add3A_708 : i32 to index
          %swap3A_724 = arith.constant 32 : index
          %swap3A_725 = tpu.vector_load %arg24[%swap3A_723, %swap3A_724] {strides = array<i32>} : memref<128x64xf32, #tpu.memory_space<vmem>>, vector<16xf32>,
          tpu.vector_store %arg24[%swap3A_723, %swap3A_724], %mul3A_722 {strides = array<i32>} : memref<128x64xf32, #tpu.memory_space<vmem>>, vector<16xf32>,
          %get3A_726 = arith.index_cast %add3A_708 : i32 to index
          %get3A_727 = arith.constant 16 : index
          %get3A_728 = tpu.vector_load %arg22[%get3A_726, %get3A_727] {strides = array<i32>} : memref<128x32xf32, #tpu.memory_space<vmem>>, vector<16xf32>,
          %mul3A_729 = vector.broadcast %squeeze3A_710 : f32 to vector<16xf32>
          %mul3A_730 = arith.mulf %get3A_728, %mul3A_729 : vector<16xf32>
          %swap3A_731 = arith.index_cast %add3A_708 : i32 to index
          %swap3A_732 = arith.constant 16 : index
          %swap3A_733 = tpu.vector_load %arg24[%swap3A_731, %swap3A_732] {strides = array<i32>} : memref<128x64xf32, #tpu.memory_space<vmem>>, vector<16xf32>,
          tpu.vector_store %arg24[%swap3A_731, %swap3A_732], %mul3A_730 {strides = array<i32>} : memref<128x64xf32, #tpu.memory_space<vmem>>, vector<16xf32>,
          %mul3A_734 = vector.broadcast %squeeze3A_712 : f32 to vector<16xf32>
          %mul3A_735 = arith.mulf %get3A_728, %mul3A_734 : vector<16xf32>
          %swap3A_736 = arith.index_cast %add3A_708 : i32 to index
          %swap3A_737 = arith.constant 48 : index
          %swap3A_738 = tpu.vector_load %arg24[%swap3A_736, %swap3A_737] {strides = array<i32>} : memref<128x64xf32, #tpu.memory_space<vmem>>, vector<16xf32>,
          tpu.vector_store %arg24[%swap3A_736, %swap3A_737], %mul3A_735 {strides = array<i32>} : memref<128x64xf32, #tpu.memory_space<vmem>>, vector<16xf32>,
          %mul3A_739 = arith.constant 16 : i32
          %mul3A_740 = arith.muli %add3A_386, %mul3A_739 : i32
          %add3A_741 = arith.constant 10 : i32
          %add3A_742 = arith.addi %mul3A_740, %add3A_741 : i32
          %slice3A_743 = vector.extract_strided_slice %get3A_393 {offsets = [10], sizes = [1], strides = [1]} : vector<16xf32> to vector<1xf32>
          %squeeze3A_744 = vector.extract %slice3A_743[0] : f32 from vector<1xf32>
          %slice3A_745 = vector.extract_strided_slice %get3A_400 {offsets = [10], sizes = [1], strides = [1]} : vector<16xf32> to vector<1xf32>
          %squeeze3A_746 = vector.extract %slice3A_745[0] : f32 from vector<1xf32>
          %get3A_747 = arith.index_cast %add3A_742 : i32 to index
          %get3A_748 = arith.constant 0 : index
          %get3A_749 = tpu.vector_load %arg22[%get3A_747, %get3A_748] {strides = array<i32>} : memref<128x32xf32, #tpu.memory_space<vmem>>, vector<16xf32>,
          %mul3A_750 = vector.broadcast %squeeze3A_744 : f32 to vector<16xf32>
          %mul3A_751 = arith.mulf %get3A_749, %mul3A_750 : vector<16xf32>
          %swap3A_752 = arith.index_cast %add3A_742 : i32 to index
          %swap3A_753 = arith.constant 0 : index
          %swap3A_754 = tpu.vector_load %arg24[%swap3A_752, %swap3A_753] {strides = array<i32>} : memref<128x64xf32, #tpu.memory_space<vmem>>, vector<16xf32>,
          tpu.vector_store %arg24[%swap3A_752, %swap3A_753], %mul3A_751 {strides = array<i32>} : memref<128x64xf32, #tpu.memory_space<vmem>>, vector<16xf32>,
          %mul3A_755 = vector.broadcast %squeeze3A_746 : f32 to vector<16xf32>
          %mul3A_756 = arith.mulf %get3A_749, %mul3A_755 : vector<16xf32>
          %swap3A_757 = arith.index_cast %add3A_742 : i32 to index
          %swap3A_758 = arith.constant 32 : index
          %swap3A_759 = tpu.vector_load %arg24[%swap3A_757, %swap3A_758] {strides = array<i32>} : memref<128x64xf32, #tpu.memory_space<vmem>>, vector<16xf32>,
          tpu.vector_store %arg24[%swap3A_757, %swap3A_758], %mul3A_756 {strides = array<i32>} : memref<128x64xf32, #tpu.memory_space<vmem>>, vector<16xf32>,
          %get3A_760 = arith.index_cast %add3A_742 : i32 to index
          %get3A_761 = arith.constant 16 : index
          %get3A_762 = tpu.vector_load %arg22[%get3A_760, %get3A_761] {strides = array<i32>} : memref<128x32xf32, #tpu.memory_space<vmem>>, vector<16xf32>,
          %mul3A_763 = vector.broadcast %squeeze3A_744 : f32 to vector<16xf32>
          %mul3A_764 = arith.mulf %get3A_762, %mul3A_763 : vector<16xf32>
          %swap3A_765 = arith.index_cast %add3A_742 : i32 to index
          %swap3A_766 = arith.constant 16 : index
          %swap3A_767 = tpu.vector_load %arg24[%swap3A_765, %swap3A_766] {strides = array<i32>} : memref<128x64xf32, #tpu.memory_space<vmem>>, vector<16xf32>,
          tpu.vector_store %arg24[%swap3A_765, %swap3A_766], %mul3A_764 {strides = array<i32>} : memref<128x64xf32, #tpu.memory_space<vmem>>, vector<16xf32>,
          %mul3A_768 = vector.broadcast %squeeze3A_746 : f32 to vector<16xf32>
          %mul3A_769 = arith.mulf %get3A_762, %mul3A_768 : vector<16xf32>
          %swap3A_770 = arith.index_cast %add3A_742 : i32 to index
          %swap3A_771 = arith.constant 48 : index
          %swap3A_772 = tpu.vector_load %arg24[%swap3A_770, %swap3A_771] {strides = array<i32>} : memref<128x64xf32, #tpu.memory_space<vmem>>, vector<16xf32>,
          tpu.vector_store %arg24[%swap3A_770, %swap3A_771], %mul3A_769 {strides = array<i32>} : memref<128x64xf32, #tpu.memory_space<vmem>>, vector<16xf32>,
          %mul3A_773 = arith.constant 16 : i32
          %mul3A_774 = arith.muli %add3A_386, %mul3A_773 : i32
          %add3A_775 = arith.constant 11 : i32
          %add3A_776 = arith.addi %mul3A_774, %add3A_775 : i32
          %slice3A_777 = vector.extract_strided_slice %get3A_393 {offsets = [11], sizes = [1], strides = [1]} : vector<16xf32> to vector<1xf32>
          %squeeze3A_778 = vector.extract %slice3A_777[0] : f32 from vector<1xf32>
          %slice3A_779 = vector.extract_strided_slice %get3A_400 {offsets = [11], sizes = [1], strides = [1]} : vector<16xf32> to vector<1xf32>
          %squeeze3A_780 = vector.extract %slice3A_779[0] : f32 from vector<1xf32>
          %get3A_781 = arith.index_cast %add3A_776 : i32 to index
          %get3A_782 = arith.constant 0 : index
          %get3A_783 = tpu.vector_load %arg22[%get3A_781, %get3A_782] {strides = array<i32>} : memref<128x32xf32, #tpu.memory_space<vmem>>, vector<16xf32>,
          %mul3A_784 = vector.broadcast %squeeze3A_778 : f32 to vector<16xf32>
          %mul3A_785 = arith.mulf %get3A_783, %mul3A_784 : vector<16xf32>
          %swap3A_786 = arith.index_cast %add3A_776 : i32 to index
          %swap3A_787 = arith.constant 0 : index
          %swap3A_788 = tpu.vector_load %arg24[%swap3A_786, %swap3A_787] {strides = array<i32>} : memref<128x64xf32, #tpu.memory_space<vmem>>, vector<16xf32>,
          tpu.vector_store %arg24[%swap3A_786, %swap3A_787], %mul3A_785 {strides = array<i32>} : memref<128x64xf32, #tpu.memory_space<vmem>>, vector<16xf32>,
          %mul3A_789 = vector.broadcast %squeeze3A_780 : f32 to vector<16xf32>
          %mul3A_790 = arith.mulf %get3A_783, %mul3A_789 : vector<16xf32>
          %swap3A_791 = arith.index_cast %add3A_776 : i32 to index
          %swap3A_792 = arith.constant 32 : index
          %swap3A_793 = tpu.vector_load %arg24[%swap3A_791, %swap3A_792] {strides = array<i32>} : memref<128x64xf32, #tpu.memory_space<vmem>>, vector<16xf32>,
          tpu.vector_store %arg24[%swap3A_791, %swap3A_792], %mul3A_790 {strides = array<i32>} : memref<128x64xf32, #tpu.memory_space<vmem>>, vector<16xf32>,
          %get3A_794 = arith.index_cast %add3A_776 : i32 to index
          %get3A_795 = arith.constant 16 : index
          %get3A_796 = tpu.vector_load %arg22[%get3A_794, %get3A_795] {strides = array<i32>} : memref<128x32xf32, #tpu.memory_space<vmem>>, vector<16xf32>,
          %mul3A_797 = vector.broadcast %squeeze3A_778 : f32 to vector<16xf32>
          %mul3A_798 = arith.mulf %get3A_796, %mul3A_797 : vector<16xf32>
          %swap3A_799 = arith.index_cast %add3A_776 : i32 to index
          %swap3A_800 = arith.constant 16 : index
          %swap3A_801 = tpu.vector_load %arg24[%swap3A_799, %swap3A_800] {strides = array<i32>} : memref<128x64xf32, #tpu.memory_space<vmem>>, vector<16xf32>,
          tpu.vector_store %arg24[%swap3A_799, %swap3A_800], %mul3A_798 {strides = array<i32>} : memref<128x64xf32, #tpu.memory_space<vmem>>, vector<16xf32>,
          %mul3A_802 = vector.broadcast %squeeze3A_780 : f32 to vector<16xf32>
          %mul3A_803 = arith.mulf %get3A_796, %mul3A_802 : vector<16xf32>
          %swap3A_804 = arith.index_cast %add3A_776 : i32 to index
          %swap3A_805 = arith.constant 48 : index
          %swap3A_806 = tpu.vector_load %arg24[%swap3A_804, %swap3A_805] {strides = array<i32>} : memref<128x64xf32, #tpu.memory_space<vmem>>, vector<16xf32>,
          tpu.vector_store %arg24[%swap3A_804, %swap3A_805], %mul3A_803 {strides = array<i32>} : memref<128x64xf32, #tpu.memory_space<vmem>>, vector<16xf32>,
          %mul3A_807 = arith.constant 16 : i32
          %mul3A_808 = arith.muli %add3A_386, %mul3A_807 : i32
          %add3A_809 = arith.constant 12 : i32
          %add3A_810 = arith.addi %mul3A_808, %add3A_809 : i32
          %slice3A_811 = vector.extract_strided_slice %get3A_393 {offsets = [12], sizes = [1], strides = [1]} : vector<16xf32> to vector<1xf32>
          %squeeze3A_812 = vector.extract %slice3A_811[0] : f32 from vector<1xf32>
          %slice3A_813 = vector.extract_strided_slice %get3A_400 {offsets = [12], sizes = [1], strides = [1]} : vector<16xf32> to vector<1xf32>
          %squeeze3A_814 = vector.extract %slice3A_813[0] : f32 from vector<1xf32>
          %get3A_815 = arith.index_cast %add3A_810 : i32 to index
          %get3A_816 = arith.constant 0 : index
          %get3A_817 = tpu.vector_load %arg22[%get3A_815, %get3A_816] {strides = array<i32>} : memref<128x32xf32, #tpu.memory_space<vmem>>, vector<16xf32>,
          %mul3A_818 = vector.broadcast %squeeze3A_812 : f32 to vector<16xf32>
          %mul3A_819 = arith.mulf %get3A_817, %mul3A_818 : vector<16xf32>
          %swap3A_820 = arith.index_cast %add3A_810 : i32 to index
          %swap3A_821 = arith.constant 0 : index
          %swap3A_822 = tpu.vector_load %arg24[%swap3A_820, %swap3A_821] {strides = array<i32>} : memref<128x64xf32, #tpu.memory_space<vmem>>, vector<16xf32>,
          tpu.vector_store %arg24[%swap3A_820, %swap3A_821], %mul3A_819 {strides = array<i32>} : memref<128x64xf32, #tpu.memory_space<vmem>>, vector<16xf32>,
          %mul3A_823 = vector.broadcast %squeeze3A_814 : f32 to vector<16xf32>
          %mul3A_824 = arith.mulf %get3A_817, %mul3A_823 : vector<16xf32>
          %swap3A_825 = arith.index_cast %add3A_810 : i32 to index
          %swap3A_826 = arith.constant 32 : index
          %swap3A_827 = tpu.vector_load %arg24[%swap3A_825, %swap3A_826] {strides = array<i32>} : memref<128x64xf32, #tpu.memory_space<vmem>>, vector<16xf32>,
          tpu.vector_store %arg24[%swap3A_825, %swap3A_826], %mul3A_824 {strides = array<i32>} : memref<128x64xf32, #tpu.memory_space<vmem>>, vector<16xf32>,
          %get3A_828 = arith.index_cast %add3A_810 : i32 to index
          %get3A_829 = arith.constant 16 : index
          %get3A_830 = tpu.vector_load %arg22[%get3A_828, %get3A_829] {strides = array<i32>} : memref<128x32xf32, #tpu.memory_space<vmem>>, vector<16xf32>,
          %mul3A_831 = vector.broadcast %squeeze3A_812 : f32 to vector<16xf32>
          %mul3A_832 = arith.mulf %get3A_830, %mul3A_831 : vector<16xf32>
          %swap3A_833 = arith.index_cast %add3A_810 : i32 to index
          %swap3A_834 = arith.constant 16 : index
          %swap3A_835 = tpu.vector_load %arg24[%swap3A_833, %swap3A_834] {strides = array<i32>} : memref<128x64xf32, #tpu.memory_space<vmem>>, vector<16xf32>,
          tpu.vector_store %arg24[%swap3A_833, %swap3A_834], %mul3A_832 {strides = array<i32>} : memref<128x64xf32, #tpu.memory_space<vmem>>, vector<16xf32>,
          %mul3A_836 = vector.broadcast %squeeze3A_814 : f32 to vector<16xf32>
          %mul3A_837 = arith.mulf %get3A_830, %mul3A_836 : vector<16xf32>
          %swap3A_838 = arith.index_cast %add3A_810 : i32 to index
          %swap3A_839 = arith.constant 48 : index
          %swap3A_840 = tpu.vector_load %arg24[%swap3A_838, %swap3A_839] {strides = array<i32>} : memref<128x64xf32, #tpu.memory_space<vmem>>, vector<16xf32>,
          tpu.vector_store %arg24[%swap3A_838, %swap3A_839], %mul3A_837 {strides = array<i32>} : memref<128x64xf32, #tpu.memory_space<vmem>>, vector<16xf32>,
          %mul3A_841 = arith.constant 16 : i32
          %mul3A_842 = arith.muli %add3A_386, %mul3A_841 : i32
          %add3A_843 = arith.constant 13 : i32
          %add3A_844 = arith.addi %mul3A_842, %add3A_843 : i32
          %slice3A_845 = vector.extract_strided_slice %get3A_393 {offsets = [13], sizes = [1], strides = [1]} : vector<16xf32> to vector<1xf32>
          %squeeze3A_846 = vector.extract %slice3A_845[0] : f32 from vector<1xf32>
          %slice3A_847 = vector.extract_strided_slice %get3A_400 {offsets = [13], sizes = [1], strides = [1]} : vector<16xf32> to vector<1xf32>
          %squeeze3A_848 = vector.extract %slice3A_847[0] : f32 from vector<1xf32>
          %get3A_849 = arith.index_cast %add3A_844 : i32 to index
          %get3A_850 = arith.constant 0 : index
          %get3A_851 = tpu.vector_load %arg22[%get3A_849, %get3A_850] {strides = array<i32>} : memref<128x32xf32, #tpu.memory_space<vmem>>, vector<16xf32>,
          %mul3A_852 = vector.broadcast %squeeze3A_846 : f32 to vector<16xf32>
          %mul3A_853 = arith.mulf %get3A_851, %mul3A_852 : vector<16xf32>
          %swap3A_854 = arith.index_cast %add3A_844 : i32 to index
          %swap3A_855 = arith.constant 0 : index
          %swap3A_856 = tpu.vector_load %arg24[%swap3A_854, %swap3A_855] {strides = array<i32>} : memref<128x64xf32, #tpu.memory_space<vmem>>, vector<16xf32>,
          tpu.vector_store %arg24[%swap3A_854, %swap3A_855], %mul3A_853 {strides = array<i32>} : memref<128x64xf32, #tpu.memory_space<vmem>>, vector<16xf32>,
          %mul3A_857 = vector.broadcast %squeeze3A_848 : f32 to vector<16xf32>
          %mul3A_858 = arith.mulf %get3A_851, %mul3A_857 : vector<16xf32>
          %swap3A_859 = arith.index_cast %add3A_844 : i32 to index
          %swap3A_860 = arith.constant 32 : index
          %swap3A_861 = tpu.vector_load %arg24[%swap3A_859, %swap3A_860] {strides = array<i32>} : memref<128x64xf32, #tpu.memory_space<vmem>>, vector<16xf32>,
          tpu.vector_store %arg24[%swap3A_859, %swap3A_860], %mul3A_858 {strides = array<i32>} : memref<128x64xf32, #tpu.memory_space<vmem>>, vector<16xf32>,
          %get3A_862 = arith.index_cast %add3A_844 : i32 to index
          %get3A_863 = arith.constant 16 : index
          %get3A_864 = tpu.vector_load %arg22[%get3A_862, %get3A_863] {strides = array<i32>} : memref<128x32xf32, #tpu.memory_space<vmem>>, vector<16xf32>,
          %mul3A_865 = vector.broadcast %squeeze3A_846 : f32 to vector<16xf32>
          %mul3A_866 = arith.mulf %get3A_864, %mul3A_865 : vector<16xf32>
          %swap3A_867 = arith.index_cast %add3A_844 : i32 to index
          %swap3A_868 = arith.constant 16 : index
          %swap3A_869 = tpu.vector_load %arg24[%swap3A_867, %swap3A_868] {strides = array<i32>} : memref<128x64xf32, #tpu.memory_space<vmem>>, vector<16xf32>,
          tpu.vector_store %arg24[%swap3A_867, %swap3A_868], %mul3A_866 {strides = array<i32>} : memref<128x64xf32, #tpu.memory_space<vmem>>, vector<16xf32>,
          %mul3A_870 = vector.broadcast %squeeze3A_848 : f32 to vector<16xf32>
          %mul3A_871 = arith.mulf %get3A_864, %mul3A_870 : vector<16xf32>
          %swap3A_872 = arith.index_cast %add3A_844 : i32 to index
          %swap3A_873 = arith.constant 48 : index
          %swap3A_874 = tpu.vector_load %arg24[%swap3A_872, %swap3A_873] {strides = array<i32>} : memref<128x64xf32, #tpu.memory_space<vmem>>, vector<16xf32>,
          tpu.vector_store %arg24[%swap3A_872, %swap3A_873], %mul3A_871 {strides = array<i32>} : memref<128x64xf32, #tpu.memory_space<vmem>>, vector<16xf32>,
          %mul3A_875 = arith.constant 16 : i32
          %mul3A_876 = arith.muli %add3A_386, %mul3A_875 : i32
          %add3A_877 = arith.constant 14 : i32
          %add3A_878 = arith.addi %mul3A_876, %add3A_877 : i32
          %slice3A_879 = vector.extract_strided_slice %get3A_393 {offsets = [14], sizes = [1], strides = [1]} : vector<16xf32> to vector<1xf32>
          %squeeze3A_880 = vector.extract %slice3A_879[0] : f32 from vector<1xf32>
          %slice3A_881 = vector.extract_strided_slice %get3A_400 {offsets = [14], sizes = [1], strides = [1]} : vector<16xf32> to vector<1xf32>
          %squeeze3A_882 = vector.extract %slice3A_881[0] : f32 from vector<1xf32>
          %get3A_883 = arith.index_cast %add3A_878 : i32 to index
          %get3A_884 = arith.constant 0 : index
          %get3A_885 = tpu.vector_load %arg22[%get3A_883, %get3A_884] {strides = array<i32>} : memref<128x32xf32, #tpu.memory_space<vmem>>, vector<16xf32>,
          %mul3A_886 = vector.broadcast %squeeze3A_880 : f32 to vector<16xf32>
          %mul3A_887 = arith.mulf %get3A_885, %mul3A_886 : vector<16xf32>
          %swap3A_888 = arith.index_cast %add3A_878 : i32 to index
          %swap3A_889 = arith.constant 0 : index
          %swap3A_890 = tpu.vector_load %arg24[%swap3A_888, %swap3A_889] {strides = array<i32>} : memref<128x64xf32, #tpu.memory_space<vmem>>, vector<16xf32>,
          tpu.vector_store %arg24[%swap3A_888, %swap3A_889], %mul3A_887 {strides = array<i32>} : memref<128x64xf32, #tpu.memory_space<vmem>>, vector<16xf32>,
          %mul3A_891 = vector.broadcast %squeeze3A_882 : f32 to vector<16xf32>
          %mul3A_892 = arith.mulf %get3A_885, %mul3A_891 : vector<16xf32>
          %swap3A_893 = arith.index_cast %add3A_878 : i32 to index
          %swap3A_894 = arith.constant 32 : index
          %swap3A_895 = tpu.vector_load %arg24[%swap3A_893, %swap3A_894] {strides = array<i32>} : memref<128x64xf32, #tpu.memory_space<vmem>>, vector<16xf32>,
          tpu.vector_store %arg24[%swap3A_893, %swap3A_894], %mul3A_892 {strides = array<i32>} : memref<128x64xf32, #tpu.memory_space<vmem>>, vector<16xf32>,
          %get3A_896 = arith.index_cast %add3A_878 : i32 to index
          %get3A_897 = arith.constant 16 : index
          %get3A_898 = tpu.vector_load %arg22[%get3A_896, %get3A_897] {strides = array<i32>} : memref<128x32xf32, #tpu.memory_space<vmem>>, vector<16xf32>,
          %mul3A_899 = vector.broadcast %squeeze3A_880 : f32 to vector<16xf32>
          %mul3A_900 = arith.mulf %get3A_898, %mul3A_899 : vector<16xf32>
          %swap3A_901 = arith.index_cast %add3A_878 : i32 to index
          %swap3A_902 = arith.constant 16 : index
          %swap3A_903 = tpu.vector_load %arg24[%swap3A_901, %swap3A_902] {strides = array<i32>} : memref<128x64xf32, #tpu.memory_space<vmem>>, vector<16xf32>,
          tpu.vector_store %arg24[%swap3A_901, %swap3A_902], %mul3A_900 {strides = array<i32>} : memref<128x64xf32, #tpu.memory_space<vmem>>, vector<16xf32>,
          %mul3A_904 = vector.broadcast %squeeze3A_882 : f32 to vector<16xf32>
          %mul3A_905 = arith.mulf %get3A_898, %mul3A_904 : vector<16xf32>
          %swap3A_906 = arith.index_cast %add3A_878 : i32 to index
          %swap3A_907 = arith.constant 48 : index
          %swap3A_908 = tpu.vector_load %arg24[%swap3A_906, %swap3A_907] {strides = array<i32>} : memref<128x64xf32, #tpu.memory_space<vmem>>, vector<16xf32>,
          tpu.vector_store %arg24[%swap3A_906, %swap3A_907], %mul3A_905 {strides = array<i32>} : memref<128x64xf32, #tpu.memory_space<vmem>>, vector<16xf32>,
          %mul3A_909 = arith.constant 16 : i32
          %mul3A_910 = arith.muli %add3A_386, %mul3A_909 : i32
          %add3A_911 = arith.constant 15 : i32
          %add3A_912 = arith.addi %mul3A_910, %add3A_911 : i32
          %slice3A_913 = vector.extract_strided_slice %get3A_393 {offsets = [15], sizes = [1], strides = [1]} : vector<16xf32> to vector<1xf32>
          %squeeze3A_914 = vector.extract %slice3A_913[0] : f32 from vector<1xf32>
          %slice3A_915 = vector.extract_strided_slice %get3A_400 {offsets = [15], sizes = [1], strides = [1]} : vector<16xf32> to vector<1xf32>
          %squeeze3A_916 = vector.extract %slice3A_915[0] : f32 from vector<1xf32>
          %get3A_917 = arith.index_cast %add3A_912 : i32 to index
          %get3A_918 = arith.constant 0 : index
          %get3A_919 = tpu.vector_load %arg22[%get3A_917, %get3A_918] {strides = array<i32>} : memref<128x32xf32, #tpu.memory_space<vmem>>, vector<16xf32>,
          %mul3A_920 = vector.broadcast %squeeze3A_914 : f32 to vector<16xf32>
          %mul3A_921 = arith.mulf %get3A_919, %mul3A_920 : vector<16xf32>
          %swap3A_922 = arith.index_cast %add3A_912 : i32 to index
          %swap3A_923 = arith.constant 0 : index
          %swap3A_924 = tpu.vector_load %arg24[%swap3A_922, %swap3A_923] {strides = array<i32>} : memref<128x64xf32, #tpu.memory_space<vmem>>, vector<16xf32>,
          tpu.vector_store %arg24[%swap3A_922, %swap3A_923], %mul3A_921 {strides = array<i32>} : memref<128x64xf32, #tpu.memory_space<vmem>>, vector<16xf32>,
          %mul3A_925 = vector.broadcast %squeeze3A_916 : f32 to vector<16xf32>
          %mul3A_926 = arith.mulf %get3A_919, %mul3A_925 : vector<16xf32>
          %swap3A_927 = arith.index_cast %add3A_912 : i32 to index
          %swap3A_928 = arith.constant 32 : index
          %swap3A_929 = tpu.vector_load %arg24[%swap3A_927, %swap3A_928] {strides = array<i32>} : memref<128x64xf32, #tpu.memory_space<vmem>>, vector<16xf32>,
          tpu.vector_store %arg24[%swap3A_927, %swap3A_928], %mul3A_926 {strides = array<i32>} : memref<128x64xf32, #tpu.memory_space<vmem>>, vector<16xf32>,
          %get3A_930 = arith.index_cast %add3A_912 : i32 to index
          %get3A_931 = arith.constant 16 : index
          %get3A_932 = tpu.vector_load %arg22[%get3A_930, %get3A_931] {strides = array<i32>} : memref<128x32xf32, #tpu.memory_space<vmem>>, vector<16xf32>,
          %mul3A_933 = vector.broadcast %squeeze3A_914 : f32 to vector<16xf32>
          %mul3A_934 = arith.mulf %get3A_932, %mul3A_933 : vector<16xf32>
          %swap3A_935 = arith.index_cast %add3A_912 : i32 to index
          %swap3A_936 = arith.constant 16 : index
          %swap3A_937 = tpu.vector_load %arg24[%swap3A_935, %swap3A_936] {strides = array<i32>} : memref<128x64xf32, #tpu.memory_space<vmem>>, vector<16xf32>,
          tpu.vector_store %arg24[%swap3A_935, %swap3A_936], %mul3A_934 {strides = array<i32>} : memref<128x64xf32, #tpu.memory_space<vmem>>, vector<16xf32>,
          %mul3A_938 = vector.broadcast %squeeze3A_916 : f32 to vector<16xf32>
          %mul3A_939 = arith.mulf %get3A_932, %mul3A_938 : vector<16xf32>
          %swap3A_940 = arith.index_cast %add3A_912 : i32 to index
          %swap3A_941 = arith.constant 48 : index
          %swap3A_942 = tpu.vector_load %arg24[%swap3A_940, %swap3A_941] {strides = array<i32>} : memref<128x64xf32, #tpu.memory_space<vmem>>, vector<16xf32>,
          tpu.vector_store %arg24[%swap3A_940, %swap3A_941], %mul3A_939 {strides = array<i32>} : memref<128x64xf32, #tpu.memory_space<vmem>>, vector<16xf32>,
        }
        %scan3A_368 = arith.constant 8 : i32
        %dma_start3A_369 = arith.constant 0 : i32
        %dma_start3A_370 = tpu.memref_slice %arg16[%add3A_355, %dma_start3A_369] : memref<40x128xi32, #tpu.memory_space<vmem>> -> memref<1x128xi32, #tpu.memory_space<vmem>>
        %dma_start3A_371 = tpu.memref_squeeze %dma_start3A_370 : memref<1x128xi32, #tpu.memory_space<vmem>> -> memref<128xi32, #tpu.memory_space<vmem>>
        %dma_start3A_372 = arith.constant 0 : i32
        %dma_start3A_373 = arith.constant 0 : i32
        %dma_start3A_374 = tpu.memref_slice %arg30[%dma_start3A_372, %dma_start3A_373] : memref<10240x64xf32, #tpu.memory_space<vmem_shared>> -> memref<10240x64xf32, #tpu.memory_space<vmem_shared>>
        tpu.enqueue_indirect_dma source(%arg24 : memref<128x64xf32, #tpu.memory_space<vmem>>) target(%dma_start3A_374 : memref<10240x64xf32, #tpu.memory_space<vmem_shared>>) offsets(%dma_start3A_371 : memref<128xi32, #tpu.memory_space<vmem>>) semaphore(%arg29 : memref<!tpu.dma_semaphore, #tpu.memory_space<semaphore_mem>>) {add = true}
        %add3A_375 = arith.constant 2 : i32
        %add3A_376 = arith.addi %add3A_355, %add3A_375 : i32
        %lt3A_377 = arith.constant 40 : i32
        %lt3A_378 = arith.cmpi slt, %add3A_376, %lt3A_377 : i32
        %convert_element_type3A_379 = arith.extui %lt3A_378 : i1 to i32
        %cond3A_380 = arith.constant 0 : i32
        %cond3A_381 = arith.cmpi ne, %convert_element_type3A_379, %cond3A_380 : i32
        scf.if %cond3A_381 {
          %add3A_382 = arith.constant 2 : i32
          %add3A_383 = arith.addi %add3A_355, %add3A_382 : i32
          %get3A_384 = arith.index_cast %add3A_383 : i32 to index
          %get3A_385 = arith.constant 0 : index
          %get3A_386 = tpu.vector_load %arg15[%get3A_384, %get3A_385] {strides = array<i32>} : memref<40x128xi32, #tpu.memory_space<vmem>>, vector<16xi32>,
          %mul3A_387 = arith.constant 10240 : i32
          %mul3A_388 = arith.muli %add3A_73, %mul3A_387 : i32
          %add3A_389 = vector.broadcast %mul3A_388 : i32 to vector<16xi32>
          %add3A_390 = arith.addi %get3A_386, %add3A_389 : vector<16xi32>
          %swap3A_391 = arith.constant 0 : index
          %swap3A_392 = tpu.vector_load %arg20[%swap3A_391] {strides = array<i32>} : memref<128xi32, #tpu.memory_space<vmem>>, vector<16xi32>,
          tpu.vector_store %arg20[%swap3A_391], %add3A_390 {strides = array<i32>} : memref<128xi32, #tpu.memory_space<vmem>>, vector<16xi32>,
          %get3A_393 = arith.index_cast %add3A_383 : i32 to index
          %get3A_394 = arith.constant 16 : index
          %get3A_395 = tpu.vector_load %arg15[%get3A_393, %get3A_394] {strides = array<i32>} : memref<40x128xi32, #tpu.memory_space<vmem>>, vector<16xi32>,
          %mul3A_396 = arith.constant 10240 : i32
          %mul3A_397 = arith.muli %add3A_73, %mul3A_396 : i32
          %add3A_398 = vector.broadcast %mul3A_397 : i32 to vector<16xi32>
          %add3A_399 = arith.addi %get3A_395, %add3A_398 : vector<16xi32>
          %swap3A_400 = arith.constant 16 : index
          %swap3A_401 = tpu.vector_load %arg20[%swap3A_400] {strides = array<i32>} : memref<128xi32, #tpu.memory_space<vmem>>, vector<16xi32>,
          tpu.vector_store %arg20[%swap3A_400], %add3A_399 {strides = array<i32>} : memref<128xi32, #tpu.memory_space<vmem>>, vector<16xi32>,
          %get3A_402 = arith.index_cast %add3A_383 : i32 to index
          %get3A_403 = arith.constant 32 : index
          %get3A_404 = tpu.vector_load %arg15[%get3A_402, %get3A_403] {strides = array<i32>} : memref<40x128xi32, #tpu.memory_space<vmem>>, vector<16xi32>,
          %mul3A_405 = arith.constant 10240 : i32
          %mul3A_406 = arith.muli %add3A_73, %mul3A_405 : i32
          %add3A_407 = vector.broadcast %mul3A_406 : i32 to vector<16xi32>
          %add3A_408 = arith.addi %get3A_404, %add3A_407 : vector<16xi32>
          %swap3A_409 = arith.constant 32 : index
          %swap3A_410 = tpu.vector_load %arg20[%swap3A_409] {strides = array<i32>} : memref<128xi32, #tpu.memory_space<vmem>>, vector<16xi32>,
          tpu.vector_store %arg20[%swap3A_409], %add3A_408 {strides = array<i32>} : memref<128xi32, #tpu.memory_space<vmem>>, vector<16xi32>,
          %get3A_411 = arith.index_cast %add3A_383 : i32 to index
          %get3A_412 = arith.constant 48 : index
          %get3A_413 = tpu.vector_load %arg15[%get3A_411, %get3A_412] {strides = array<i32>} : memref<40x128xi32, #tpu.memory_space<vmem>>, vector<16xi32>,
          %mul3A_414 = arith.constant 10240 : i32
          %mul3A_415 = arith.muli %add3A_73, %mul3A_414 : i32
          %add3A_416 = vector.broadcast %mul3A_415 : i32 to vector<16xi32>
          %add3A_417 = arith.addi %get3A_413, %add3A_416 : vector<16xi32>
          %swap3A_418 = arith.constant 48 : index
          %swap3A_419 = tpu.vector_load %arg20[%swap3A_418] {strides = array<i32>} : memref<128xi32, #tpu.memory_space<vmem>>, vector<16xi32>,
          tpu.vector_store %arg20[%swap3A_418], %add3A_417 {strides = array<i32>} : memref<128xi32, #tpu.memory_space<vmem>>, vector<16xi32>,
          %get3A_420 = arith.index_cast %add3A_383 : i32 to index
          %get3A_421 = arith.constant 64 : index
          %get3A_422 = tpu.vector_load %arg15[%get3A_420, %get3A_421] {strides = array<i32>} : memref<40x128xi32, #tpu.memory_space<vmem>>, vector<16xi32>,
          %mul3A_423 = arith.constant 10240 : i32
          %mul3A_424 = arith.muli %add3A_73, %mul3A_423 : i32
          %add3A_425 = vector.broadcast %mul3A_424 : i32 to vector<16xi32>
          %add3A_426 = arith.addi %get3A_422, %add3A_425 : vector<16xi32>
          %swap3A_427 = arith.constant 64 : index
          %swap3A_428 = tpu.vector_load %arg20[%swap3A_427] {strides = array<i32>} : memref<128xi32, #tpu.memory_space<vmem>>, vector<16xi32>,
          tpu.vector_store %arg20[%swap3A_427], %add3A_426 {strides = array<i32>} : memref<128xi32, #tpu.memory_space<vmem>>, vector<16xi32>,
          %get3A_429 = arith.index_cast %add3A_383 : i32 to index
          %get3A_430 = arith.constant 80 : index
          %get3A_431 = tpu.vector_load %arg15[%get3A_429, %get3A_430] {strides = array<i32>} : memref<40x128xi32, #tpu.memory_space<vmem>>, vector<16xi32>,
          %mul3A_432 = arith.constant 10240 : i32
          %mul3A_433 = arith.muli %add3A_73, %mul3A_432 : i32
          %add3A_434 = vector.broadcast %mul3A_433 : i32 to vector<16xi32>
          %add3A_435 = arith.addi %get3A_431, %add3A_434 : vector<16xi32>
          %swap3A_436 = arith.constant 80 : index
          %swap3A_437 = tpu.vector_load %arg20[%swap3A_436] {strides = array<i32>} : memref<128xi32, #tpu.memory_space<vmem>>, vector<16xi32>,
          tpu.vector_store %arg20[%swap3A_436], %add3A_435 {strides = array<i32>} : memref<128xi32, #tpu.memory_space<vmem>>, vector<16xi32>,
          %get3A_438 = arith.index_cast %add3A_383 : i32 to index
          %get3A_439 = arith.constant 96 : index
          %get3A_440 = tpu.vector_load %arg15[%get3A_438, %get3A_439] {strides = array<i32>} : memref<40x128xi32, #tpu.memory_space<vmem>>, vector<16xi32>,
          %mul3A_441 = arith.constant 10240 : i32
          %mul3A_442 = arith.muli %add3A_73, %mul3A_441 : i32
          %add3A_443 = vector.broadcast %mul3A_442 : i32 to vector<16xi32>
          %add3A_444 = arith.addi %get3A_440, %add3A_443 : vector<16xi32>
          %swap3A_445 = arith.constant 96 : index
          %swap3A_446 = tpu.vector_load %arg20[%swap3A_445] {strides = array<i32>} : memref<128xi32, #tpu.memory_space<vmem>>, vector<16xi32>,
          tpu.vector_store %arg20[%swap3A_445], %add3A_444 {strides = array<i32>} : memref<128xi32, #tpu.memory_space<vmem>>, vector<16xi32>,
          %get3A_447 = arith.index_cast %add3A_383 : i32 to index
          %get3A_448 = arith.constant 112 : index
          %get3A_449 = tpu.vector_load %arg15[%get3A_447, %get3A_448] {strides = array<i32>} : memref<40x128xi32, #tpu.memory_space<vmem>>, vector<16xi32>,
          %mul3A_450 = arith.constant 10240 : i32
          %mul3A_451 = arith.muli %add3A_73, %mul3A_450 : i32
          %add3A_452 = vector.broadcast %mul3A_451 : i32 to vector<16xi32>
          %add3A_453 = arith.addi %get3A_449, %add3A_452 : vector<16xi32>
          %swap3A_454 = arith.constant 112 : index
          %swap3A_455 = tpu.vector_load %arg20[%swap3A_454] {strides = array<i32>} : memref<128xi32, #tpu.memory_space<vmem>>, vector<16xi32>,
          tpu.vector_store %arg20[%swap3A_454], %add3A_453 {strides = array<i32>} : memref<128xi32, #tpu.memory_space<vmem>>, vector<16xi32>,
          %dma_start3A_456 = arith.constant 0 : i32
          %dma_start3A_457 = arith.constant 0 : i32
          %dma_start3A_458 = tpu.memref_slice %arg8[%dma_start3A_456, %dma_start3A_457] : memref<163840x32xf32, #tpu.memory_space<hbm>> -> memref<163840x32xf32, #tpu.memory_space<hbm>>
          tpu.enqueue_indirect_dma source(%dma_start3A_458 : memref<163840x32xf32, #tpu.memory_space<hbm>>) target(%arg22 : memref<128x32xf32, #tpu.memory_space<vmem>>) offsets(%arg20 : memref<128xi32, #tpu.memory_space<vmem>>) semaphore(%arg27 : memref<!tpu.dma_semaphore, #tpu.memory_space<semaphore_mem>>)
        } else {
        }
      }
      %scan3A_267 = arith.constant 20 : i32
      %dma_wait3A = arith.constant 38 : i32
      %dma_wait3A_268 = arith.constant 0 : i32
      %dma_wait3A_269 = tpu.memref_slice %arg16[%dma_wait3A, %dma_wait3A_268] : memref<40x128xi32, #tpu.memory_space<vmem>> -> memref<1x128xi32, #tpu.memory_space<vmem>>
      %dma_wait3A_270 = tpu.memref_squeeze %dma_wait3A_269 : memref<1x128xi32, #tpu.memory_space<vmem>> -> memref<128xi32, #tpu.memory_space<vmem>>
      %dma_wait3A_271 = arith.constant 0 : i32
      %dma_wait3A_272 = arith.constant 0 : i32
      %dma_wait3A_273 = tpu.memref_slice %arg30[%dma_wait3A_271, %dma_wait3A_272] : memref<10240x64xf32, #tpu.memory_space<vmem_shared>> -> memref<10240x64xf32, #tpu.memory_space<vmem_shared>>
      tpu.wait_indirect_dma semaphore(%arg28 : memref<!tpu.dma_semaphore, #tpu.memory_space<semaphore_mem>>) src(%arg23 : memref<128x64xf32, #tpu.memory_space<vmem>>) dst(%dma_wait3A_273 : memref<10240x64xf32, #tpu.memory_space<vmem_shared>>)
      %dma_wait3A_274 = arith.constant 39 : i32
      %dma_wait3A_275 = arith.constant 0 : i32
      %dma_wait3A_276 = tpu.memref_slice %arg16[%dma_wait3A_274, %dma_wait3A_275] : memref<40x128xi32, #tpu.memory_space<vmem>> -> memref<1x128xi32, #tpu.memory_space<vmem>>
      %dma_wait3A_277 = tpu.memref_squeeze %dma_wait3A_276 : memref<1x128xi32, #tpu.memory_space<vmem>> -> memref<128xi32, #tpu.memory_space<vmem>>
      %dma_wait3A_278 = arith.constant 0 : i32
      %dma_wait3A_279 = arith.constant 0 : i32
      %dma_wait3A_280 = tpu.memref_slice %arg30[%dma_wait3A_278, %dma_wait3A_279] : memref<10240x64xf32, #tpu.memory_space<vmem_shared>> -> memref<10240x64xf32, #tpu.memory_space<vmem_shared>>
      tpu.wait_indirect_dma semaphore(%arg29 : memref<!tpu.dma_semaphore, #tpu.memory_space<semaphore_mem>>) src(%arg24 : memref<128x64xf32, #tpu.memory_space<vmem>>) dst(%dma_wait3A_280 : memref<10240x64xf32, #tpu.memory_space<vmem_shared>>)
      %barrier3A_281 = arith.constant 0 : index
      tpu.barrier barrier_id(%barrier3A_281)
      %mul3A_282 = arith.constant 640 : i32
      %mul3A_283 = arith.muli %arg1, %mul3A_282 : i32
      %add3A_284 = arith.constant 0 : i32
      %add3A_285 = arith.addi %mul3A_283, %add3A_284 : i32
      %mul3A_286 = arith.constant 32 : i32
      %mul3A_287 = arith.muli %add3A_73, %mul3A_286 : i32
      "tpu.region"() ({
        %run_scoped3A = tpu.sem_alloc : memref<!tpu.dma_semaphore, #tpu.memory_space<semaphore_mem>>
        %dma_start3A_323 = tpu.memref_slice %arg9[%arg0, %add3A_285, %mul3A_287] : memref<2x10240x512xf32, #tpu.memory_space<hbm>> -> memref<1x128x32xf32, #tpu.memory_space<hbm>>
        %dma_start3A_324 = tpu.memref_squeeze %dma_start3A_323 : memref<1x128x32xf32, #tpu.memory_space<hbm>> -> memref<128x32xf32, #tpu.memory_space<hbm>>
        %dma_start3A_325 = arith.constant 0 : i32
        %dma_start3A_326 = tpu.memref_slice %arg30[%add3A_285, %dma_start3A_325] : memref<10240x64xf32, #tpu.memory_space<vmem_shared>> -> memref<128x32xf32, #tpu.memory_space<vmem_shared>>
        tpu.enqueue_dma source(%dma_start3A_326 : memref<128x32xf32, #tpu.memory_space<vmem_shared>>) target(%dma_start3A_324 : memref<128x32xf32, #tpu.memory_space<hbm>>) target_semaphore(%run_scoped3A : memref<!tpu.dma_semaphore, #tpu.memory_space<semaphore_mem>>)
        %dma_wait3A_327 = tpu.memref_slice %arg9[%arg0, %add3A_285, %mul3A_287] : memref<2x10240x512xf32, #tpu.memory_space<hbm>> -> memref<1x128x32xf32, #tpu.memory_space<hbm>>
        %dma_wait3A_328 = tpu.memref_squeeze %dma_wait3A_327 : memref<1x128x32xf32, #tpu.memory_space<hbm>> -> memref<128x32xf32, #tpu.memory_space<hbm>>
        %dma_wait3A_329 = arith.constant 0 : i32
        %dma_wait3A_330 = tpu.memref_slice %arg30[%add3A_285, %dma_wait3A_329] : memref<10240x64xf32, #tpu.memory_space<vmem_shared>> -> memref<128x32xf32, #tpu.memory_space<vmem_shared>>
        tpu.wait_dma2 semaphore(%run_scoped3A : memref<!tpu.dma_semaphore, #tpu.memory_space<semaphore_mem>>) src(%dma_wait3A_330 : memref<128x32xf32, #tpu.memory_space<vmem_shared>>) dst(%dma_wait3A_328 : memref<128x32xf32, #tpu.memory_space<hbm>>)
        tpu.yield
      }) : () -> ()
      %mul3A_288 = arith.constant 32 : i32
      %mul3A_289 = arith.muli %add3A_73, %mul3A_288 : i32
      "tpu.region"() ({
        %run_scoped3A = tpu.sem_alloc : memref<!tpu.dma_semaphore, #tpu.memory_space<semaphore_mem>>
        %dma_start3A_323 = tpu.memref_slice %arg10[%arg0, %add3A_285, %mul3A_289] : memref<2x10240x512xf32, #tpu.memory_space<hbm>> -> memref<1x128x32xf32, #tpu.memory_space<hbm>>
        %dma_start3A_324 = tpu.memref_squeeze %dma_start3A_323 : memref<1x128x32xf32, #tpu.memory_space<hbm>> -> memref<128x32xf32, #tpu.memory_space<hbm>>
        %dma_start3A_325 = arith.constant 32 : i32
        %dma_start3A_326 = tpu.memref_slice %arg30[%add3A_285, %dma_start3A_325] : memref<10240x64xf32, #tpu.memory_space<vmem_shared>> -> memref<128x32xf32, #tpu.memory_space<vmem_shared>>
        tpu.enqueue_dma source(%dma_start3A_326 : memref<128x32xf32, #tpu.memory_space<vmem_shared>>) target(%dma_start3A_324 : memref<128x32xf32, #tpu.memory_space<hbm>>) target_semaphore(%run_scoped3A : memref<!tpu.dma_semaphore, #tpu.memory_space<semaphore_mem>>)
        %dma_wait3A_327 = tpu.memref_slice %arg10[%arg0, %add3A_285, %mul3A_289] : memref<2x10240x512xf32, #tpu.memory_space<hbm>> -> memref<1x128x32xf32, #tpu.memory_space<hbm>>
        %dma_wait3A_328 = tpu.memref_squeeze %dma_wait3A_327 : memref<1x128x32xf32, #tpu.memory_space<hbm>> -> memref<128x32xf32, #tpu.memory_space<hbm>>
        %dma_wait3A_329 = arith.constant 32 : i32
        %dma_wait3A_330 = tpu.memref_slice %arg30[%add3A_285, %dma_wait3A_329] : memref<10240x64xf32, #tpu.memory_space<vmem_shared>> -> memref<128x32xf32, #tpu.memory_space<vmem_shared>>
        tpu.wait_dma2 semaphore(%run_scoped3A : memref<!tpu.dma_semaphore, #tpu.memory_space<semaphore_mem>>) src(%dma_wait3A_330 : memref<128x32xf32, #tpu.memory_space<vmem_shared>>) dst(%dma_wait3A_328 : memref<128x32xf32, #tpu.memory_space<hbm>>)
        tpu.yield
      }) : () -> ()
      %mul3A_290 = arith.constant 640 : i32
      %mul3A_291 = arith.muli %arg1, %mul3A_290 : i32
      %add3A_292 = arith.constant 128 : i32
      %add3A_293 = arith.addi %mul3A_291, %add3A_292 : i32
      %mul3A_294 = arith.constant 32 : i32
      %mul3A_295 = arith.muli %add3A_73, %mul3A_294 : i32
      "tpu.region"() ({
        %run_scoped3A = tpu.sem_alloc : memref<!tpu.dma_semaphore, #tpu.memory_space<semaphore_mem>>
        %dma_start3A_323 = tpu.memref_slice %arg9[%arg0, %add3A_293, %mul3A_295] : memref<2x10240x512xf32, #tpu.memory_space<hbm>> -> memref<1x128x32xf32, #tpu.memory_space<hbm>>
        %dma_start3A_324 = tpu.memref_squeeze %dma_start3A_323 : memref<1x128x32xf32, #tpu.memory_space<hbm>> -> memref<128x32xf32, #tpu.memory_space<hbm>>
        %dma_start3A_325 = arith.constant 0 : i32
        %dma_start3A_326 = tpu.memref_slice %arg30[%add3A_293, %dma_start3A_325] : memref<10240x64xf32, #tpu.memory_space<vmem_shared>> -> memref<128x32xf32, #tpu.memory_space<vmem_shared>>
        tpu.enqueue_dma source(%dma_start3A_326 : memref<128x32xf32, #tpu.memory_space<vmem_shared>>) target(%dma_start3A_324 : memref<128x32xf32, #tpu.memory_space<hbm>>) target_semaphore(%run_scoped3A : memref<!tpu.dma_semaphore, #tpu.memory_space<semaphore_mem>>)
        %dma_wait3A_327 = tpu.memref_slice %arg9[%arg0, %add3A_293, %mul3A_295] : memref<2x10240x512xf32, #tpu.memory_space<hbm>> -> memref<1x128x32xf32, #tpu.memory_space<hbm>>
        %dma_wait3A_328 = tpu.memref_squeeze %dma_wait3A_327 : memref<1x128x32xf32, #tpu.memory_space<hbm>> -> memref<128x32xf32, #tpu.memory_space<hbm>>
        %dma_wait3A_329 = arith.constant 0 : i32
        %dma_wait3A_330 = tpu.memref_slice %arg30[%add3A_293, %dma_wait3A_329] : memref<10240x64xf32, #tpu.memory_space<vmem_shared>> -> memref<128x32xf32, #tpu.memory_space<vmem_shared>>
        tpu.wait_dma2 semaphore(%run_scoped3A : memref<!tpu.dma_semaphore, #tpu.memory_space<semaphore_mem>>) src(%dma_wait3A_330 : memref<128x32xf32, #tpu.memory_space<vmem_shared>>) dst(%dma_wait3A_328 : memref<128x32xf32, #tpu.memory_space<hbm>>)
        tpu.yield
      }) : () -> ()
      %mul3A_296 = arith.constant 32 : i32
      %mul3A_297 = arith.muli %add3A_73, %mul3A_296 : i32
      "tpu.region"() ({
        %run_scoped3A = tpu.sem_alloc : memref<!tpu.dma_semaphore, #tpu.memory_space<semaphore_mem>>
        %dma_start3A_323 = tpu.memref_slice %arg10[%arg0, %add3A_293, %mul3A_297] : memref<2x10240x512xf32, #tpu.memory_space<hbm>> -> memref<1x128x32xf32, #tpu.memory_space<hbm>>
        %dma_start3A_324 = tpu.memref_squeeze %dma_start3A_323 : memref<1x128x32xf32, #tpu.memory_space<hbm>> -> memref<128x32xf32, #tpu.memory_space<hbm>>
        %dma_start3A_325 = arith.constant 32 : i32
        %dma_start3A_326 = tpu.memref_slice %arg30[%add3A_293, %dma_start3A_325] : memref<10240x64xf32, #tpu.memory_space<vmem_shared>> -> memref<128x32xf32, #tpu.memory_space<vmem_shared>>
        tpu.enqueue_dma source(%dma_start3A_326 : memref<128x32xf32, #tpu.memory_space<vmem_shared>>) target(%dma_start3A_324 : memref<128x32xf32, #tpu.memory_space<hbm>>) target_semaphore(%run_scoped3A : memref<!tpu.dma_semaphore, #tpu.memory_space<semaphore_mem>>)
        %dma_wait3A_327 = tpu.memref_slice %arg10[%arg0, %add3A_293, %mul3A_297] : memref<2x10240x512xf32, #tpu.memory_space<hbm>> -> memref<1x128x32xf32, #tpu.memory_space<hbm>>
        %dma_wait3A_328 = tpu.memref_squeeze %dma_wait3A_327 : memref<1x128x32xf32, #tpu.memory_space<hbm>> -> memref<128x32xf32, #tpu.memory_space<hbm>>
        %dma_wait3A_329 = arith.constant 32 : i32
        %dma_wait3A_330 = tpu.memref_slice %arg30[%add3A_293, %dma_wait3A_329] : memref<10240x64xf32, #tpu.memory_space<vmem_shared>> -> memref<128x32xf32, #tpu.memory_space<vmem_shared>>
        tpu.wait_dma2 semaphore(%run_scoped3A : memref<!tpu.dma_semaphore, #tpu.memory_space<semaphore_mem>>) src(%dma_wait3A_330 : memref<128x32xf32, #tpu.memory_space<vmem_shared>>) dst(%dma_wait3A_328 : memref<128x32xf32, #tpu.memory_space<hbm>>)
        tpu.yield
      }) : () -> ()
      %mul3A_298 = arith.constant 640 : i32
      %mul3A_299 = arith.muli %arg1, %mul3A_298 : i32
      %add3A_300 = arith.constant 256 : i32
      %add3A_301 = arith.addi %mul3A_299, %add3A_300 : i32
      %mul3A_302 = arith.constant 32 : i32
      %mul3A_303 = arith.muli %add3A_73, %mul3A_302 : i32
      "tpu.region"() ({
        %run_scoped3A = tpu.sem_alloc : memref<!tpu.dma_semaphore, #tpu.memory_space<semaphore_mem>>
        %dma_start3A_323 = tpu.memref_slice %arg9[%arg0, %add3A_301, %mul3A_303] : memref<2x10240x512xf32, #tpu.memory_space<hbm>> -> memref<1x128x32xf32, #tpu.memory_space<hbm>>
        %dma_start3A_324 = tpu.memref_squeeze %dma_start3A_323 : memref<1x128x32xf32, #tpu.memory_space<hbm>> -> memref<128x32xf32, #tpu.memory_space<hbm>>
        %dma_start3A_325 = arith.constant 0 : i32
        %dma_start3A_326 = tpu.memref_slice %arg30[%add3A_301, %dma_start3A_325] : memref<10240x64xf32, #tpu.memory_space<vmem_shared>> -> memref<128x32xf32, #tpu.memory_space<vmem_shared>>
        tpu.enqueue_dma source(%dma_start3A_326 : memref<128x32xf32, #tpu.memory_space<vmem_shared>>) target(%dma_start3A_324 : memref<128x32xf32, #tpu.memory_space<hbm>>) target_semaphore(%run_scoped3A : memref<!tpu.dma_semaphore, #tpu.memory_space<semaphore_mem>>)
        %dma_wait3A_327 = tpu.memref_slice %arg9[%arg0, %add3A_301, %mul3A_303] : memref<2x10240x512xf32, #tpu.memory_space<hbm>> -> memref<1x128x32xf32, #tpu.memory_space<hbm>>
        %dma_wait3A_328 = tpu.memref_squeeze %dma_wait3A_327 : memref<1x128x32xf32, #tpu.memory_space<hbm>> -> memref<128x32xf32, #tpu.memory_space<hbm>>
        %dma_wait3A_329 = arith.constant 0 : i32
        %dma_wait3A_330 = tpu.memref_slice %arg30[%add3A_301, %dma_wait3A_329] : memref<10240x64xf32, #tpu.memory_space<vmem_shared>> -> memref<128x32xf32, #tpu.memory_space<vmem_shared>>
        tpu.wait_dma2 semaphore(%run_scoped3A : memref<!tpu.dma_semaphore, #tpu.memory_space<semaphore_mem>>) src(%dma_wait3A_330 : memref<128x32xf32, #tpu.memory_space<vmem_shared>>) dst(%dma_wait3A_328 : memref<128x32xf32, #tpu.memory_space<hbm>>)
        tpu.yield
      }) : () -> ()
      %mul3A_304 = arith.constant 32 : i32
      %mul3A_305 = arith.muli %add3A_73, %mul3A_304 : i32
      "tpu.region"() ({
        %run_scoped3A = tpu.sem_alloc : memref<!tpu.dma_semaphore, #tpu.memory_space<semaphore_mem>>
        %dma_start3A_323 = tpu.memref_slice %arg10[%arg0, %add3A_301, %mul3A_305] : memref<2x10240x512xf32, #tpu.memory_space<hbm>> -> memref<1x128x32xf32, #tpu.memory_space<hbm>>
        %dma_start3A_324 = tpu.memref_squeeze %dma_start3A_323 : memref<1x128x32xf32, #tpu.memory_space<hbm>> -> memref<128x32xf32, #tpu.memory_space<hbm>>
        %dma_start3A_325 = arith.constant 32 : i32
        %dma_start3A_326 = tpu.memref_slice %arg30[%add3A_301, %dma_start3A_325] : memref<10240x64xf32, #tpu.memory_space<vmem_shared>> -> memref<128x32xf32, #tpu.memory_space<vmem_shared>>
        tpu.enqueue_dma source(%dma_start3A_326 : memref<128x32xf32, #tpu.memory_space<vmem_shared>>) target(%dma_start3A_324 : memref<128x32xf32, #tpu.memory_space<hbm>>) target_semaphore(%run_scoped3A : memref<!tpu.dma_semaphore, #tpu.memory_space<semaphore_mem>>)
        %dma_wait3A_327 = tpu.memref_slice %arg10[%arg0, %add3A_301, %mul3A_305] : memref<2x10240x512xf32, #tpu.memory_space<hbm>> -> memref<1x128x32xf32, #tpu.memory_space<hbm>>
        %dma_wait3A_328 = tpu.memref_squeeze %dma_wait3A_327 : memref<1x128x32xf32, #tpu.memory_space<hbm>> -> memref<128x32xf32, #tpu.memory_space<hbm>>
        %dma_wait3A_329 = arith.constant 32 : i32
        %dma_wait3A_330 = tpu.memref_slice %arg30[%add3A_301, %dma_wait3A_329] : memref<10240x64xf32, #tpu.memory_space<vmem_shared>> -> memref<128x32xf32, #tpu.memory_space<vmem_shared>>
        tpu.wait_dma2 semaphore(%run_scoped3A : memref<!tpu.dma_semaphore, #tpu.memory_space<semaphore_mem>>) src(%dma_wait3A_330 : memref<128x32xf32, #tpu.memory_space<vmem_shared>>) dst(%dma_wait3A_328 : memref<128x32xf32, #tpu.memory_space<hbm>>)
        tpu.yield
      }) : () -> ()
      %mul3A_306 = arith.constant 640 : i32
      %mul3A_307 = arith.muli %arg1, %mul3A_306 : i32
      %add3A_308 = arith.constant 384 : i32
      %add3A_309 = arith.addi %mul3A_307, %add3A_308 : i32
      %mul3A_310 = arith.constant 32 : i32
      %mul3A_311 = arith.muli %add3A_73, %mul3A_310 : i32
      "tpu.region"() ({
        %run_scoped3A = tpu.sem_alloc : memref<!tpu.dma_semaphore, #tpu.memory_space<semaphore_mem>>
        %dma_start3A_323 = tpu.memref_slice %arg9[%arg0, %add3A_309, %mul3A_311] : memref<2x10240x512xf32, #tpu.memory_space<hbm>> -> memref<1x128x32xf32, #tpu.memory_space<hbm>>
        %dma_start3A_324 = tpu.memref_squeeze %dma_start3A_323 : memref<1x128x32xf32, #tpu.memory_space<hbm>> -> memref<128x32xf32, #tpu.memory_space<hbm>>
        %dma_start3A_325 = arith.constant 0 : i32
        %dma_start3A_326 = tpu.memref_slice %arg30[%add3A_309, %dma_start3A_325] : memref<10240x64xf32, #tpu.memory_space<vmem_shared>> -> memref<128x32xf32, #tpu.memory_space<vmem_shared>>
        tpu.enqueue_dma source(%dma_start3A_326 : memref<128x32xf32, #tpu.memory_space<vmem_shared>>) target(%dma_start3A_324 : memref<128x32xf32, #tpu.memory_space<hbm>>) target_semaphore(%run_scoped3A : memref<!tpu.dma_semaphore, #tpu.memory_space<semaphore_mem>>)
        %dma_wait3A_327 = tpu.memref_slice %arg9[%arg0, %add3A_309, %mul3A_311] : memref<2x10240x512xf32, #tpu.memory_space<hbm>> -> memref<1x128x32xf32, #tpu.memory_space<hbm>>
        %dma_wait3A_328 = tpu.memref_squeeze %dma_wait3A_327 : memref<1x128x32xf32, #tpu.memory_space<hbm>> -> memref<128x32xf32, #tpu.memory_space<hbm>>
        %dma_wait3A_329 = arith.constant 0 : i32
        %dma_wait3A_330 = tpu.memref_slice %arg30[%add3A_309, %dma_wait3A_329] : memref<10240x64xf32, #tpu.memory_space<vmem_shared>> -> memref<128x32xf32, #tpu.memory_space<vmem_shared>>
        tpu.wait_dma2 semaphore(%run_scoped3A : memref<!tpu.dma_semaphore, #tpu.memory_space<semaphore_mem>>) src(%dma_wait3A_330 : memref<128x32xf32, #tpu.memory_space<vmem_shared>>) dst(%dma_wait3A_328 : memref<128x32xf32, #tpu.memory_space<hbm>>)
        tpu.yield
      }) : () -> ()
      %mul3A_312 = arith.constant 32 : i32
      %mul3A_313 = arith.muli %add3A_73, %mul3A_312 : i32
      "tpu.region"() ({
        %run_scoped3A = tpu.sem_alloc : memref<!tpu.dma_semaphore, #tpu.memory_space<semaphore_mem>>
        %dma_start3A_323 = tpu.memref_slice %arg10[%arg0, %add3A_309, %mul3A_313] : memref<2x10240x512xf32, #tpu.memory_space<hbm>> -> memref<1x128x32xf32, #tpu.memory_space<hbm>>
        %dma_start3A_324 = tpu.memref_squeeze %dma_start3A_323 : memref<1x128x32xf32, #tpu.memory_space<hbm>> -> memref<128x32xf32, #tpu.memory_space<hbm>>
        %dma_start3A_325 = arith.constant 32 : i32
        %dma_start3A_326 = tpu.memref_slice %arg30[%add3A_309, %dma_start3A_325] : memref<10240x64xf32, #tpu.memory_space<vmem_shared>> -> memref<128x32xf32, #tpu.memory_space<vmem_shared>>
        tpu.enqueue_dma source(%dma_start3A_326 : memref<128x32xf32, #tpu.memory_space<vmem_shared>>) target(%dma_start3A_324 : memref<128x32xf32, #tpu.memory_space<hbm>>) target_semaphore(%run_scoped3A : memref<!tpu.dma_semaphore, #tpu.memory_space<semaphore_mem>>)
        %dma_wait3A_327 = tpu.memref_slice %arg10[%arg0, %add3A_309, %mul3A_313] : memref<2x10240x512xf32, #tpu.memory_space<hbm>> -> memref<1x128x32xf32, #tpu.memory_space<hbm>>
        %dma_wait3A_328 = tpu.memref_squeeze %dma_wait3A_327 : memref<1x128x32xf32, #tpu.memory_space<hbm>> -> memref<128x32xf32, #tpu.memory_space<hbm>>
        %dma_wait3A_329 = arith.constant 32 : i32
        %dma_wait3A_330 = tpu.memref_slice %arg30[%add3A_309, %dma_wait3A_329] : memref<10240x64xf32, #tpu.memory_space<vmem_shared>> -> memref<128x32xf32, #tpu.memory_space<vmem_shared>>
        tpu.wait_dma2 semaphore(%run_scoped3A : memref<!tpu.dma_semaphore, #tpu.memory_space<semaphore_mem>>) src(%dma_wait3A_330 : memref<128x32xf32, #tpu.memory_space<vmem_shared>>) dst(%dma_wait3A_328 : memref<128x32xf32, #tpu.memory_space<hbm>>)
        tpu.yield
      }) : () -> ()
      %mul3A_314 = arith.constant 640 : i32
      %mul3A_315 = arith.muli %arg1, %mul3A_314 : i32
      %add3A_316 = arith.constant 512 : i32
      %add3A_317 = arith.addi %mul3A_315, %add3A_316 : i32
      %mul3A_318 = arith.constant 32 : i32
      %mul3A_319 = arith.muli %add3A_73, %mul3A_318 : i32
      "tpu.region"() ({
        %run_scoped3A = tpu.sem_alloc : memref<!tpu.dma_semaphore, #tpu.memory_space<semaphore_mem>>
        %dma_start3A_323 = tpu.memref_slice %arg9[%arg0, %add3A_317, %mul3A_319] : memref<2x10240x512xf32, #tpu.memory_space<hbm>> -> memref<1x128x32xf32, #tpu.memory_space<hbm>>
        %dma_start3A_324 = tpu.memref_squeeze %dma_start3A_323 : memref<1x128x32xf32, #tpu.memory_space<hbm>> -> memref<128x32xf32, #tpu.memory_space<hbm>>
        %dma_start3A_325 = arith.constant 0 : i32
        %dma_start3A_326 = tpu.memref_slice %arg30[%add3A_317, %dma_start3A_325] : memref<10240x64xf32, #tpu.memory_space<vmem_shared>> -> memref<128x32xf32, #tpu.memory_space<vmem_shared>>
        tpu.enqueue_dma source(%dma_start3A_326 : memref<128x32xf32, #tpu.memory_space<vmem_shared>>) target(%dma_start3A_324 : memref<128x32xf32, #tpu.memory_space<hbm>>) target_semaphore(%run_scoped3A : memref<!tpu.dma_semaphore, #tpu.memory_space<semaphore_mem>>)
        %dma_wait3A_327 = tpu.memref_slice %arg9[%arg0, %add3A_317, %mul3A_319] : memref<2x10240x512xf32, #tpu.memory_space<hbm>> -> memref<1x128x32xf32, #tpu.memory_space<hbm>>
        %dma_wait3A_328 = tpu.memref_squeeze %dma_wait3A_327 : memref<1x128x32xf32, #tpu.memory_space<hbm>> -> memref<128x32xf32, #tpu.memory_space<hbm>>
        %dma_wait3A_329 = arith.constant 0 : i32
        %dma_wait3A_330 = tpu.memref_slice %arg30[%add3A_317, %dma_wait3A_329] : memref<10240x64xf32, #tpu.memory_space<vmem_shared>> -> memref<128x32xf32, #tpu.memory_space<vmem_shared>>
        tpu.wait_dma2 semaphore(%run_scoped3A : memref<!tpu.dma_semaphore, #tpu.memory_space<semaphore_mem>>) src(%dma_wait3A_330 : memref<128x32xf32, #tpu.memory_space<vmem_shared>>) dst(%dma_wait3A_328 : memref<128x32xf32, #tpu.memory_space<hbm>>)
        tpu.yield
      }) : () -> ()
      %mul3A_320 = arith.constant 32 : i32
      %mul3A_321 = arith.muli %add3A_73, %mul3A_320 : i32
      "tpu.region"() ({
        %run_scoped3A = tpu.sem_alloc : memref<!tpu.dma_semaphore, #tpu.memory_space<semaphore_mem>>
        %dma_start3A_323 = tpu.memref_slice %arg10[%arg0, %add3A_317, %mul3A_321] : memref<2x10240x512xf32, #tpu.memory_space<hbm>> -> memref<1x128x32xf32, #tpu.memory_space<hbm>>
        %dma_start3A_324 = tpu.memref_squeeze %dma_start3A_323 : memref<1x128x32xf32, #tpu.memory_space<hbm>> -> memref<128x32xf32, #tpu.memory_space<hbm>>
        %dma_start3A_325 = arith.constant 32 : i32
        %dma_start3A_326 = tpu.memref_slice %arg30[%add3A_317, %dma_start3A_325] : memref<10240x64xf32, #tpu.memory_space<vmem_shared>> -> memref<128x32xf32, #tpu.memory_space<vmem_shared>>
        tpu.enqueue_dma source(%dma_start3A_326 : memref<128x32xf32, #tpu.memory_space<vmem_shared>>) target(%dma_start3A_324 : memref<128x32xf32, #tpu.memory_space<hbm>>) target_semaphore(%run_scoped3A : memref<!tpu.dma_semaphore, #tpu.memory_space<semaphore_mem>>)
        %dma_wait3A_327 = tpu.memref_slice %arg10[%arg0, %add3A_317, %mul3A_321] : memref<2x10240x512xf32, #tpu.memory_space<hbm>> -> memref<1x128x32xf32, #tpu.memory_space<hbm>>
        %dma_wait3A_328 = tpu.memref_squeeze %dma_wait3A_327 : memref<1x128x32xf32, #tpu.memory_space<hbm>> -> memref<128x32xf32, #tpu.memory_space<hbm>>
        %dma_wait3A_329 = arith.constant 32 : i32
        %dma_wait3A_330 = tpu.memref_slice %arg30[%add3A_317, %dma_wait3A_329] : memref<10240x64xf32, #tpu.memory_space<vmem_shared>> -> memref<128x32xf32, #tpu.memory_space<vmem_shared>>
        tpu.wait_dma2 semaphore(%run_scoped3A : memref<!tpu.dma_semaphore, #tpu.memory_space<semaphore_mem>>) src(%dma_wait3A_330 : memref<128x32xf32, #tpu.memory_space<vmem_shared>>) dst(%dma_wait3A_328 : memref<128x32xf32, #tpu.memory_space<hbm>>)
        tpu.yield
      }) : () -> ()
      %barrier3A_322 = arith.constant 0 : index
      tpu.barrier barrier_id(%barrier3A_322)
    }
    %scan3A_68 = arith.constant 16 : i32
    return
  }
}

module attributes {stable_mosaic.version = 14 : i64} {
  func.func @_tc_front_body(%arg0: i32, %arg1: memref<256x256xf32, #tpu.memory_space<vmem>>, %arg2: memref<256x512xf32, #tpu.memory_space<vmem>>, %arg3: memref<1x512xf32, #tpu.memory_space<vmem>>, %arg4: memref<512x128xf32, #tpu.memory_space<vmem>>, %arg5: memref<1x128xf32, #tpu.memory_space<vmem>>, %arg6: memref<256x512xf32, #tpu.memory_space<vmem>>, %arg7: memref<256x128xf32, #tpu.memory_space<vmem>>) attributes {dimension_semantics = [#tpu.dimension_semantics<arbitrary>], iteration_bounds = array<i64: 40>, scalar_prefetch = 0 : i64, scratch_operands = 0 : i64, tpu.core_type = #tpu.core_type<tc>, window_params = [{transform_indices = @transform_0, window_bounds = array<i64: 256, 256>}, {pipeline_mode = #tpu.pipeline_mode<synchronous>, transform_indices = @transform_1, window_bounds = array<i64: 256, 512>}, {pipeline_mode = #tpu.pipeline_mode<synchronous>, transform_indices = @transform_2, window_bounds = array<i64: 1, 512>}, {pipeline_mode = #tpu.pipeline_mode<synchronous>, transform_indices = @transform_3, window_bounds = array<i64: 512, 128>}, {pipeline_mode = #tpu.pipeline_mode<synchronous>, transform_indices = @transform_4, window_bounds = array<i64: 1, 128>}, {transform_indices = @transform_5, window_bounds = array<i64: 256, 512>}, {transform_indices = @transform_6, window_bounds = array<i64: 256, 128>}]} {
    %get3A = arith.constant 0 : index
    %get3A_0 = arith.constant 0 : index
    %get3A_1 = vector.load %arg1[%get3A, %get3A_0] : memref<256x256xf32, #tpu.memory_space<vmem>>, vector<256x256xf32>
    %get3A_2 = arith.constant 0 : index
    %get3A_3 = arith.constant 0 : index
    %get3A_4 = vector.load %arg2[%get3A_2, %get3A_3] : memref<256x512xf32, #tpu.memory_space<vmem>>, vector<256x512xf32>
    %dot_general3A = arith.constant dense<0.000000e+00> : vector<256x512xf32>
    %dot_general3A_5 = tpu.matmul %get3A_1, %get3A_4, %dot_general3A {dimension_numbers = #tpu.dot_dimension_numbers<[1], [0], [0], [1], [0, 0, 1, 1], [], []>, transpose_lhs_hint = false} : vector<256x256xf32>, vector<256x512xf32>, vector<256x512xf32> -> vector<256x512xf32>
    %get3A_6 = arith.constant 0 : index
    %get3A_7 = arith.constant 0 : index
    %get3A_8 = vector.load %arg3[%get3A_6, %get3A_7] : memref<1x512xf32, #tpu.memory_space<vmem>>, vector<1x512xf32>
    %add3A = vector.broadcast %get3A_8 : vector<1x512xf32> to vector<256x512xf32>
    %add3A_9 = arith.addf %dot_general3A_5, %add3A : vector<256x512xf32>
    %max3A = arith.constant 0.000000e+00 : f32
    %max3A_10 = vector.broadcast %max3A : f32 to vector<256x512xf32>
    %max3A_11 = arith.maximumf %add3A_9, %max3A_10 : vector<256x512xf32>
    %swap3A = arith.constant 0 : index
    %swap3A_12 = arith.constant 0 : index
    %swap3A_13 = vector.load %arg6[%swap3A, %swap3A_12] : memref<256x512xf32, #tpu.memory_space<vmem>>, vector<256x512xf32>
    tpu.vector_store %arg6[%swap3A, %swap3A_12], %max3A_11 {strides = array<i32>} : memref<256x512xf32, #tpu.memory_space<vmem>>, vector<256x512xf32>,
    %get3A_14 = arith.constant 0 : index
    %get3A_15 = arith.constant 0 : index
    %get3A_16 = vector.load %arg4[%get3A_14, %get3A_15] : memref<512x128xf32, #tpu.memory_space<vmem>>, vector<512x128xf32>
    %dot_general3A_17 = arith.constant dense<0.000000e+00> : vector<256x128xf32>
    %dot_general3A_18 = tpu.matmul %max3A_11, %get3A_16, %dot_general3A_17 {dimension_numbers = #tpu.dot_dimension_numbers<[1], [0], [0], [1], [0, 0, 1, 1], [], []>, transpose_lhs_hint = false} : vector<256x512xf32>, vector<512x128xf32>, vector<256x128xf32> -> vector<256x128xf32>
    %get3A_19 = arith.constant 0 : index
    %get3A_20 = arith.constant 0 : index
    %get3A_21 = vector.load %arg5[%get3A_19, %get3A_20] : memref<1x128xf32, #tpu.memory_space<vmem>>, vector<1x128xf32>
    %add3A_22 = vector.broadcast %get3A_21 : vector<1x128xf32> to vector<256x128xf32>
    %add3A_23 = arith.addf %dot_general3A_18, %add3A_22 : vector<256x128xf32>
    %swap3A_24 = arith.constant 0 : index
    %swap3A_25 = arith.constant 0 : index
    %swap3A_26 = vector.load %arg7[%swap3A_24, %swap3A_25] : memref<256x128xf32, #tpu.memory_space<vmem>>, vector<256x128xf32>
    tpu.vector_store %arg7[%swap3A_24, %swap3A_25], %add3A_23 {strides = array<i32>} : memref<256x128xf32, #tpu.memory_space<vmem>>, vector<256x128xf32>,
    return
  }
  func.func @transform_0(%arg0: i32) -> (i32, i32) {
    %c0_i32 = arith.constant 0 : i32
    %c0_i32_0 = arith.constant 0 : i32
    return %arg0, %c0_i32 : i32, i32
  }
  func.func @transform_1(%arg0: i32) -> (i32, i32) {
    %c0_i32 = arith.constant 0 : i32
    %c0_i32_0 = arith.constant 0 : i32
    %c0_i32_1 = arith.constant 0 : i32
    return %c0_i32, %c0_i32_0 : i32, i32
  }
  func.func @transform_2(%arg0: i32) -> (i32, i32) {
    %c0_i32 = arith.constant 0 : i32
    %c0_i32_0 = arith.constant 0 : i32
    %c0_i32_1 = arith.constant 0 : i32
    return %c0_i32, %c0_i32_0 : i32, i32
  }
  func.func @transform_3(%arg0: i32) -> (i32, i32) {
    %c0_i32 = arith.constant 0 : i32
    %c0_i32_0 = arith.constant 0 : i32
    %c0_i32_1 = arith.constant 0 : i32
    return %c0_i32, %c0_i32_0 : i32, i32
  }
  func.func @transform_4(%arg0: i32) -> (i32, i32) {
    %c0_i32 = arith.constant 0 : i32
    %c0_i32_0 = arith.constant 0 : i32
    %c0_i32_1 = arith.constant 0 : i32
    return %c0_i32, %c0_i32_0 : i32, i32
  }
  func.func @transform_5(%arg0: i32) -> (i32, i32) {
    %c0_i32 = arith.constant 0 : i32
    %c0_i32_0 = arith.constant 0 : i32
    return %arg0, %c0_i32 : i32, i32
  }
  func.func @transform_6(%arg0: i32) -> (i32, i32) {
    %c0_i32 = arith.constant 0 : i32
    %c0_i32_0 = arith.constant 0 : i32
    return %arg0, %c0_i32 : i32, i32
  }
}

module attributes {stable_mosaic.version = 14 : i64} {
  func.func @_tc_back_body(%arg0: i32, %arg1: memref<256x512xf32, #tpu.memory_space<vmem>>, %arg2: memref<256x512xf32, #tpu.memory_space<vmem>>, %arg3: memref<256x512xf32, #tpu.memory_space<vmem>>, %arg4: memref<256x512xf32, #tpu.memory_space<vmem>>, %arg5: memref<256x512xf32, #tpu.memory_space<vmem>>, %arg6: memref<512x256xf32, #tpu.memory_space<vmem>>, %arg7: memref<1x256xf32, #tpu.memory_space<vmem>>, %arg8: memref<512x256xf32, #tpu.memory_space<vmem>>, %arg9: memref<1x256xf32, #tpu.memory_space<vmem>>, %arg10: memref<256x256xf32, #tpu.memory_space<vmem>>, %arg11: memref<256x256xf32, #tpu.memory_space<vmem>>) attributes {dimension_semantics = [#tpu.dimension_semantics<arbitrary>], iteration_bounds = array<i64: 40>, scalar_prefetch = 0 : i64, scratch_operands = 0 : i64, tpu.core_type = #tpu.core_type<tc>, window_params = [{transform_indices = @transform_0, window_bounds = array<i64: 256, 512>}, {transform_indices = @transform_1, window_bounds = array<i64: 256, 512>}, {transform_indices = @transform_2, window_bounds = array<i64: 256, 512>}, {transform_indices = @transform_3, window_bounds = array<i64: 256, 512>}, {transform_indices = @transform_4, window_bounds = array<i64: 256, 512>}, {pipeline_mode = #tpu.pipeline_mode<synchronous>, transform_indices = @transform_5, window_bounds = array<i64: 512, 256>}, {pipeline_mode = #tpu.pipeline_mode<synchronous>, transform_indices = @transform_6, window_bounds = array<i64: 1, 256>}, {pipeline_mode = #tpu.pipeline_mode<synchronous>, transform_indices = @transform_7, window_bounds = array<i64: 512, 256>}, {pipeline_mode = #tpu.pipeline_mode<synchronous>, transform_indices = @transform_8, window_bounds = array<i64: 1, 256>}, {transform_indices = @transform_9, window_bounds = array<i64: 256, 256>}, {transform_indices = @transform_10, window_bounds = array<i64: 256, 256>}]} {
    %get3A = arith.constant 0 : index
    %get3A_0 = arith.constant 0 : index
    %get3A_1 = vector.load %arg1[%get3A, %get3A_0] : memref<256x512xf32, #tpu.memory_space<vmem>>, vector<256x512xf32>
    %mul3A = arith.constant 3.000000e-01 : f32
    %mul3A_2 = vector.broadcast %mul3A : f32 to vector<256x512xf32>
    %mul3A_3 = arith.mulf %mul3A_2, %get3A_1 : vector<256x512xf32>
    %get3A_4 = arith.constant 0 : index
    %get3A_5 = arith.constant 0 : index
    %get3A_6 = vector.load %arg2[%get3A_4, %get3A_5] : memref<256x512xf32, #tpu.memory_space<vmem>>, vector<256x512xf32>
    %add3A = arith.addf %mul3A_3, %get3A_6 : vector<256x512xf32>
    %get3A_7 = arith.constant 0 : index
    %get3A_8 = arith.constant 0 : index
    %get3A_9 = vector.load %arg3[%get3A_7, %get3A_8] : memref<256x512xf32, #tpu.memory_space<vmem>>, vector<256x512xf32>
    %add3A_10 = arith.addf %add3A, %get3A_9 : vector<256x512xf32>
    %get3A_11 = arith.constant 0 : index
    %get3A_12 = arith.constant 0 : index
    %get3A_13 = vector.load %arg6[%get3A_11, %get3A_12] : memref<512x256xf32, #tpu.memory_space<vmem>>, vector<512x256xf32>
    %dot_general3A = arith.constant dense<0.000000e+00> : vector<256x256xf32>
    %dot_general3A_14 = tpu.matmul %add3A_10, %get3A_13, %dot_general3A {dimension_numbers = #tpu.dot_dimension_numbers<[1], [0], [0], [1], [0, 0, 1, 1], [], []>, transpose_lhs_hint = false} : vector<256x512xf32>, vector<512x256xf32>, vector<256x256xf32> -> vector<256x256xf32>
    %get3A_15 = arith.constant 0 : index
    %get3A_16 = arith.constant 0 : index
    %get3A_17 = vector.load %arg7[%get3A_15, %get3A_16] : memref<1x256xf32, #tpu.memory_space<vmem>>, vector<1x256xf32>
    %add3A_18 = vector.broadcast %get3A_17 : vector<1x256xf32> to vector<256x256xf32>
    %add3A_19 = arith.addf %dot_general3A_14, %add3A_18 : vector<256x256xf32>
    %swap3A = arith.constant 0 : index
    %swap3A_20 = arith.constant 0 : index
    %swap3A_21 = vector.load %arg10[%swap3A, %swap3A_20] : memref<256x256xf32, #tpu.memory_space<vmem>>, vector<256x256xf32>
    tpu.vector_store %arg10[%swap3A, %swap3A_20], %add3A_19 {strides = array<i32>} : memref<256x256xf32, #tpu.memory_space<vmem>>, vector<256x256xf32>,
    %get3A_22 = arith.constant 0 : index
    %get3A_23 = arith.constant 0 : index
    %get3A_24 = vector.load %arg4[%get3A_22, %get3A_23] : memref<256x512xf32, #tpu.memory_space<vmem>>, vector<256x512xf32>
    %add3A_25 = arith.addf %mul3A_3, %get3A_24 : vector<256x512xf32>
    %get3A_26 = arith.constant 0 : index
    %get3A_27 = arith.constant 0 : index
    %get3A_28 = vector.load %arg5[%get3A_26, %get3A_27] : memref<256x512xf32, #tpu.memory_space<vmem>>, vector<256x512xf32>
    %add3A_29 = arith.addf %add3A_25, %get3A_28 : vector<256x512xf32>
    %get3A_30 = arith.constant 0 : index
    %get3A_31 = arith.constant 0 : index
    %get3A_32 = vector.load %arg8[%get3A_30, %get3A_31] : memref<512x256xf32, #tpu.memory_space<vmem>>, vector<512x256xf32>
    %dot_general3A_33 = arith.constant dense<0.000000e+00> : vector<256x256xf32>
    %dot_general3A_34 = tpu.matmul %add3A_29, %get3A_32, %dot_general3A_33 {dimension_numbers = #tpu.dot_dimension_numbers<[1], [0], [0], [1], [0, 0, 1, 1], [], []>, transpose_lhs_hint = false} : vector<256x512xf32>, vector<512x256xf32>, vector<256x256xf32> -> vector<256x256xf32>
    %get3A_35 = arith.constant 0 : index
    %get3A_36 = arith.constant 0 : index
    %get3A_37 = vector.load %arg9[%get3A_35, %get3A_36] : memref<1x256xf32, #tpu.memory_space<vmem>>, vector<1x256xf32>
    %add3A_38 = vector.broadcast %get3A_37 : vector<1x256xf32> to vector<256x256xf32>
    %add3A_39 = arith.addf %dot_general3A_34, %add3A_38 : vector<256x256xf32>
    %swap3A_40 = arith.constant 0 : index
    %swap3A_41 = arith.constant 0 : index
    %swap3A_42 = vector.load %arg11[%swap3A_40, %swap3A_41] : memref<256x256xf32, #tpu.memory_space<vmem>>, vector<256x256xf32>
    tpu.vector_store %arg11[%swap3A_40, %swap3A_41], %add3A_39 {strides = array<i32>} : memref<256x256xf32, #tpu.memory_space<vmem>>, vector<256x256xf32>,
    return
  }
  func.func @transform_0(%arg0: i32) -> (i32, i32) {
    %c0_i32 = arith.constant 0 : i32
    %c0_i32_0 = arith.constant 0 : i32
    return %arg0, %c0_i32 : i32, i32
  }
  func.func @transform_1(%arg0: i32) -> (i32, i32) {
    %c0_i32 = arith.constant 0 : i32
    %c0_i32_0 = arith.constant 0 : i32
    return %arg0, %c0_i32 : i32, i32
  }
  func.func @transform_2(%arg0: i32) -> (i32, i32) {
    %c0_i32 = arith.constant 0 : i32
    %c0_i32_0 = arith.constant 0 : i32
    return %arg0, %c0_i32 : i32, i32
  }
  func.func @transform_3(%arg0: i32) -> (i32, i32) {
    %c0_i32 = arith.constant 0 : i32
    %c0_i32_0 = arith.constant 0 : i32
    return %arg0, %c0_i32 : i32, i32
  }
  func.func @transform_4(%arg0: i32) -> (i32, i32) {
    %c0_i32 = arith.constant 0 : i32
    %c0_i32_0 = arith.constant 0 : i32
    return %arg0, %c0_i32 : i32, i32
  }
  func.func @transform_5(%arg0: i32) -> (i32, i32) {
    %c0_i32 = arith.constant 0 : i32
    %c0_i32_0 = arith.constant 0 : i32
    %c0_i32_1 = arith.constant 0 : i32
    return %c0_i32, %c0_i32_0 : i32, i32
  }
  func.func @transform_6(%arg0: i32) -> (i32, i32) {
    %c0_i32 = arith.constant 0 : i32
    %c0_i32_0 = arith.constant 0 : i32
    %c0_i32_1 = arith.constant 0 : i32
    return %c0_i32, %c0_i32_0 : i32, i32
  }
  func.func @transform_7(%arg0: i32) -> (i32, i32) {
    %c0_i32 = arith.constant 0 : i32
    %c0_i32_0 = arith.constant 0 : i32
    %c0_i32_1 = arith.constant 0 : i32
    return %c0_i32, %c0_i32_0 : i32, i32
  }
  func.func @transform_8(%arg0: i32) -> (i32, i32) {
    %c0_i32 = arith.constant 0 : i32
    %c0_i32_0 = arith.constant 0 : i32
    %c0_i32_1 = arith.constant 0 : i32
    return %c0_i32, %c0_i32_0 : i32, i32
  }
  func.func @transform_9(%arg0: i32) -> (i32, i32) {
    %c0_i32 = arith.constant 0 : i32
    %c0_i32_0 = arith.constant 0 : i32
    return %arg0, %c0_i32 : i32, i32
  }
  func.func @transform_10(%arg0: i32) -> (i32, i32) {
    %c0_i32 = arith.constant 0 : i32
    %c0_i32_0 = arith.constant 0 : i32
    return %arg0, %c0_i32 : i32, i32
  }
}

</mosaic_0001>

<sc_bundles>
// kernel: kernel.5.cloned.1.call-start
scs
__scs_entry_jumppad:
0x0: {  	(pc) =	sbr.rel $0x88, $3  }
0x1: {  	(tag) =	ssettag $0x0;
	lr =	simm.s32 $0x1  }
0x2: {  	[smem:$0x3F95] =	sst lr;
	_ =	strace $0xD0000000  }
0x3: {  	_ = 	snop  }
0x4: {  	_ = 	snop  }
0x5: {  	_ = 	snop  }
0x6: {  	_ = 	snop  }
0x7: {  	_ = 	snop  }
__scs_overlays_trampoline_lowered:
0x8: {  	[smem:$0x3FA4] =	sst s0  }
0x9: {  	[smem:$0x3FA5] =	sst s1  }
0xa: {  	[smem:$0x3FA6] =	sst s2  }
0xb: {  	[smem:$0x3FA7] =	sst s3  }
0xc: {  	[smem:$0x3FA8] =	sst s4  }
0xd: {  	[smem:$0x3FA9] =	sst s5  }
0xe: {  	[smem:$0x3FAA] =	sst s6  }
0xf: {  	[smem:$0x3FAB] =	sst s7  }
0x10: {  	[smem:$0x3FAC] =	sst s8  }
0x11: {  	[smem:$0x3FAD] =	sst s9;
	s0 =	simm.s32 @!p0 $0x0  }
0x12: {  	s1 =	sld [smem:$0x3F93];
	s0 =	simm.s32 @p0 $0x1  }
0x13: {  	[smem:$0x3FAE] =	sst s0;
	s0 =	simm.s32 @!p1 $0x0  }
0x14: {  	s2 =	sld [smem:$0x3F92];
	s0 =	simm.s32 @p1 $0x1  }
0x15: {  	[smem:$0x3FAF] =	sst s0;
	s0 =	simm.s32 @!p2 $0x0  }
0x16: {  	s3 =	sld [smem:$0x3FDB];
	s0 =	simm.s32 @p2 $0x1  }
0x17: {  	s4 =	simm.s32 $0x1BF5;
	[smem:$0x3FB1] =	sst s0  }
0x18: {  	s0 =	sld [smem:$0x3F94];
	_ =	swait.ge [sflag:s4], $0x0  }
0x19: {  	s7 =	sld [smem:$0x3F95]  }
0x1a: {  	s8 =	sadd.s32 $0xFFFFE003, lr  }
0x1b: {  	s9 =	sadd.s32 $0xFFFFFEF7, lr;
	s5 =	simm.s32 $0xFFFFFFFF;
	p2 =	slt.u32 s8, $0xFFFFF086  }
0x1c: {  	p1 =	slt.u32 s9, $0xF7A;
	s5 =	simm.s32 @!p2 $0x0  }
0x1d: {  	s5 =	simm.s32 @p1 $0x1;
	p0 =	seq.s32 s7, s2  }
0x1e: {  	s7 =	smul.u32 @!p0 $0xF7A, s2;
	p2 =	seq.s32 @!p0 s5, $0x0  }
0x1f: {  	s9 =	smul.u32 $0xF7A, s1;
	s8 =	simm.s32 @!p0 $0x1BF5;
	p2 =	por !p2, p0  }
0x20: {  	[sflag:s8] =	ssyncset.s32 @!p0 $0xFFFFF086;
	s6 =	sadd.s32 @!p0 s3, s7;
	s7 =	simm.s32 @!p0 $0x108  }
0x21: {  	s3 =	sadd.s32 s3, s9;
	s6 =	sadd.s32 @!p0 $0x88, s6;
	s7 =	simm.s32 @p2 $0x1082  }
0x22: {  	[simem:s7], [sflag:s8] =	dma.local @!p0 [hbm:s6], $0xF7A  }
0x23: {  	s9 =	sor.u32 $0xD0000000, s2;
	s6 =	simm.s32 $0x108;
	_ =	swait.ge @!p0 [sflag:s8], $0x0  }
0x24: {  	s3 =	sadd.s32 $0x88, s3;
	s6 =	simm.s32 @!p1 $0x1082;
	[sflag:s4] =	ssyncset.s32 $0xFFFFF086  }
0x25: {  	[simem:s6], [sflag:s4] =	dma.local [hbm:s3], $0xF7A  }
0x26: {  	[smem:$0x3F95] =	sst s1;
	(tag) =	ssettag s2;
	_ =	strace s9  }
0x27: {  	s1 =	sld [smem:$0x3FA5]  }
0x28: {  	s2 =	sld [smem:$0x3FA6]  }
0x29: {  	s4 =	sld [smem:$0x3FA8]  }
0x2a: {  	p0 =	seq.s32 s5, $0x0;
	s5 =	sld [smem:$0x3FA9]  }
0x2b: {  	s6 =	sld [smem:$0x3FAA]  }
0x2c: {  	s7 =	sld [smem:$0x3FAB]  }
0x2d: {  	s3 =	simm.s32 $0x108;
	s8 =	sld [smem:$0x3FAC]  }
0x2e: {  	s3 =	simm.s32 @!p0 $0x1082;
	s9 =	sld [smem:$0x3FAD]  }
0x2f: {  	lr =	sadd.s32 s0, s3;
	s0 =	sld [smem:$0x3FA4]  }
0x30: {  	s3 =	sld [smem:$0x3FA7]  }
0x31: {  	[smem:$0x3FB0] =	sst s10  }
0x32: {  	s10 =	sld [smem:$0x3FAE];
	_ =	sdelay $0x3  }
0x33: {  	p0 =	seq.s32 s10, $0x1;
	s10 =	sld [smem:$0x3FB0];
	_ =	sdelay $0x3  }
0x34: {  	[smem:$0x3FB0] =	sst s10  }
0x35: {  	s10 =	sld [smem:$0x3FAF];
	_ =	sdelay $0x3  }
0x36: {  	p1 =	seq.s32 s10, $0x1;
	s10 =	sld [smem:$0x3FB0];
	_ =	sdelay $0x3  }
0x37: {  	[smem:$0x3FB0] =	sst s10  }
0x38: {  	s10 =	sld [smem:$0x3FB1]  }
0x39: {  	_ = 	snop;
	(pc) =	sbr.ind lr, $3  }
0x3a: {  	_ = 	snop  }
0x3b: {  	_ = 	snop  }
0x3c: {  	p2 =	seq.s32 s10, $0x1;
	s10 =	sld [smem:$0x3FB0]  }
0x3d: {  	_ =	shalt  }
0x3e: {  	_ =	shalt  }
0x3f: {  	_ =	shalt  }
0x40: {  	_ =	shalt  }
0x41: {  	_ =	shalt  }
0x42: {  	_ =	shalt  }
0x43: {  	_ =	shalt  }
0x44: {  	_ =	shalt  }
0x45: {  	_ =	shalt  }
0x46: {  	_ =	shalt  }
0x47: {  	_ =	shalt  }
0x48: {  	_ =	shalt  }
0x49: {  	_ =	shalt  }
0x4a: {  	_ =	shalt  }
0x4b: {  	_ =	shalt  }
0x4c: {  	_ =	shalt  }
0x4d: {  	_ =	shalt  }
0x4e: {  	_ =	shalt  }
0x4f: {  	_ =	shalt  }
0x50: {  	_ =	shalt  }
0x51: {  	_ =	shalt  }
0x52: {  	_ =	shalt  }
0x53: {  	_ =	shalt  }
0x54: {  	_ =	shalt  }
0x55: {  	_ =	shalt  }
0x56: {  	_ =	shalt  }
0x57: {  	_ =	shalt  }
0x58: {  	_ =	shalt  }
0x59: {  	_ =	shalt  }
0x5a: {  	_ =	shalt  }
0x5b: {  	_ =	shalt  }
0x5c: {  	_ =	shalt  }
0x5d: {  	_ =	shalt  }
0x5e: {  	_ =	shalt  }
0x5f: {  	_ =	shalt  }
0x60: {  	_ =	shalt  }
0x61: {  	_ =	shalt  }
0x62: {  	_ =	shalt  }
0x63: {  	_ =	shalt  }
0x64: {  	_ =	shalt  }
0x65: {  	_ =	shalt  }
0x66: {  	_ =	shalt  }
0x67: {  	_ =	shalt  }
0x68: {  	_ =	shalt  }
0x69: {  	_ =	shalt  }
0x6a: {  	_ =	shalt  }
0x6b: {  	_ =	shalt  }
0x6c: {  	_ =	shalt  }
0x6d: {  	_ =	shalt  }
0x6e: {  	_ =	shalt  }
0x6f: {  	_ =	shalt  }
0x70: {  	_ =	shalt  }
0x71: {  	_ =	shalt  }
0x72: {  	_ =	shalt  }
0x73: {  	_ =	shalt  }
0x74: {  	_ =	shalt  }
0x75: {  	_ =	shalt  }
0x76: {  	_ =	shalt  }
0x77: {  	_ =	shalt  }
0x78: {  	_ =	shalt  }
0x79: {  	_ =	shalt  }
0x7a: {  	_ =	shalt  }
0x7b: {  	_ =	shalt  }
0x7c: {  	_ =	shalt  }
0x7d: {  	_ =	shalt  }
0x7e: {  	_ =	shalt  }
0x7f: {  	_ =	shalt  }
0x80: {  	_ =	shalt  }
0x81: {  	_ =	shalt  }
0x82: {  	_ =	shalt  }
0x83: {  	_ =	shalt  }
0x84: {  	_ =	shalt  }
0x85: {  	_ =	shalt  }
0x86: {  	_ =	shalt  }
0x87: {  	_ =	shalt  }
.Lfunc_end0:
.L_simem_size_0:
called_computation_lowered:
.L_overlay_start_0:
0x88: {  	s2 =	sld [smem:$0x3FD9]  }
0x89: {  	s3 =	sld [smem:$0x3FFE];
	_ =	sdelay $0x1  }
0x8a: {  	s1 =	srdreg.scid  }
0x8b: {  	s0 =	sand.u32 $0x1, s1  }
0x8c: {  	s14 =	sshll.u32 s0, $0xA;
	s2 =	sadd.s32 s3, s2  }
0x8d: {  	s2 =	sadd.s32 s2, s14  }
0x8e: {  	[smem:$0x3FBC] =	sst s2  }
0x8f: {  	_ = 	snop  }
0x90: {  	s2 =	sld [smem:$0x3FD0];
	_ =	sdelay $0x2  }
0x91: {  	s15 =	simm.s32 $0xA;
	s4 =	simm.s32 $0x10  }
0x92: {  	[smem:s4], [sflag:s15] =	dma.local [hbm:s2], $0x1  }
0x93: {  	_ =	swait.eq [sflag:s15], $0x1  }
0x94: {  	[sflag:s15] =	ssyncset.done $0x0  }
0x95: {  	s16 =	sld [smem:$0x10];
	[sflag:s15] =	ssyncadd.s32 $0xFFFFFFFF  }
0x96: {  	s17 =	sld [smem:$0x11];
	(tm) =	ssettm $0x1  }
0x97: {  	s18 =	sld [smem:$0x3FFB];
	_ =	sdelay $0x3  }
0x98: {  	_ =	strace s18  }
0x99: {  	s4 =	sld [smem:$0x3FFC];
	_ =	sdelay $0x3  }
0x9a: {  	_ =	strace s4  }
0x9b: {  	s4 =	sld [smem:$0x3FFD];
	_ =	sdelay $0x3  }
0x9c: {  	_ =	strace s4  }
0x9d: {  	_ =	strace $0x8FFFFFFF  }
0x9e: {  	s19 =	sld [smem:$0x3FDB];
	_ =	sdelay $0x1  }
0x9f: {  	s5 =	simm.s32 $_scs_section_size  }
0xa0: {  	s6 =	simm.s32 $_size__tile_overlayer_lowered;
	s7 =	simm.s32 $_tile_overlayer_lowered  }
0xa1: {  	s22 =	simm.s32 $0x1BFF;
	s21 =	sshll.u32 s7, $0x1;
	s4 =	sadd.s32 s5, s19  }
0xa2: {  	s8 =	simm.s32 $0x0;
	s20 =	sshll.u32 s6, $0x1;
	s6 =	sadd.s32 s21, s4  }
0xa3: {  	[timem:s8], [sflag:s22] =	dma.local [hbm:s6], s20  }
0xa4: {  	_ =	swait.ge [sflag:s22], s20  }
0xa5: {  	s5 =	ssub.s32 $0x0, s20;
	[sflag:s22] =	ssyncset.done $0x0  }
0xa6: {  	[sflag:s22] =	ssyncadd.s32 s5;
	_ =	sdelay $0x1  }
0xa7: {  	s23 =	simm.s32 $0x1B8B  }
0xa8: {  	_ =	swait.ge [sflag:s23], $0x1  }
0xa9: {  	[sflag:s23] =	ssyncset.done $0x0  }
0xaa: {  	s25 =	simm.s32 $0x1B8E;
	s24 =	sld [smem:$0x3FFE];
	[sflag:s23] =	ssyncadd.s32 $0xFFFFFFFF  }
0xab: {  	s26 =	simm.s32 $execute0_lowered;
	[smem:$0x3FD2] =	sst s25  }
0xac: {  	s6 =	sshll.u32 s26, $0x1;
	_ =	strace $0x80000046;
	[dreg:$0x1] =	wrdreg $0xFFFFFFFF  }
0xad: {  	s28 =	simm.s32 $_size_execute0_lowered;
	s4 =	sadd.s32 s4, s6;
	[dreg:$0x0] =	wrdreg $0x0  }
0xae: {  	s6 =	sshll.u32 s28, $0x1;
	[dreg:$0x2] =	wrdreg s4  }
0xaf: {  	[dreg:$0x3] =	wrdreg s6  }
0xb0: {  	[dreg:$0x4] =	wrdreg $0xC0  }
0xb1: {  	_ =	task [dreg:s8], $0x5FFFF  }
0xb2: {  	[dreg:$0x1] =	wrdreg $0xFFFFFFFF  }
0xb3: {  	[dreg:$0x0] =	wrdreg $0x60  }
0xb4: {  	[dreg:$0x2] =	wrdreg s17  }
0xb5: {  	[dreg:$0x3] =	wrdreg s16  }
0xb6: {  	[dreg:$0x4] =	wrdreg s24  }
0xb7: {  	[dreg:$0x5] =	wrdreg $0x1F3800  }
0xb8: {  	[dreg:$0x6] =	wrdreg $0x153800  }
0xb9: {  	[dreg:$0x7] =	wrdreg $0x9  }
0xba: {  	_ =	task.clear_ibuf [dreg:s8], $0x8FFFF;
	_ =	strace $0x90000046  }
0xbb: {  	s29 =	simm.s32 $0x9;
	_ =	strace $0x80000048  }
0xbc: {  	_ =	swait.ge [sflag:s29], $0x1  }
0xbd: {  	[sflag:s29] =	ssyncadd.s32 $0xFFFFFFFF  }
0xbe: {  	_ =	strace $0x90000048  }
0xbf: {  	_ =	sfence  }
0xc0: {  	s30 =	sld [smem:$0x0];
	_ =	sdelay $0x2  }
0xc1: {  	s31 =	sshll.u32 s1, $0xD;
	s1 =	sshrl.u32 s1, $0x2  }
0xc2: {  	s3 =	sand.u32 $0x4000, s31;
	s1 =	sadd.s32 s1, s30  }
0xc3: {  	s0 =	sor.u32 s3, s0;
	s1 =	sshll.u32 s1, $0x11  }
0xc4: {  	s0 =	sor.u32 s1, s0  }
0xc5: {  	s0 =	sadd.s32 $0x8F2B, s0  }
0xc6: {  	[sflag:s0] =	ssyncadd.remote.s32 $0x1  }
0xc7: {  	_ =	sfence.sel $0xFFFF  }
0xc8: {  	[dreg:$0x0] =	wrdreg $0xFFFFFFFF;
	(pc) =	sbr.abs _section_cstart, $3  }
0xc9: {  	[dreg:$0x1] =	wrdreg $0xFFFFFFFF  }
0xca: {  	_ =	task.clear_ibuf [dreg:s8], $0x2FFFF;
	_ =	strace $0x9FFFFFFF  }
0xcb: {  	(tm) =	ssettm $0x7FFFFFFF  }
tec
execute0_lowered:
.L_overlay_start_1:
0x0: {  	(tag) =	ssettag $0x1  }
0x1: {  	s0 =	rddreg [dreg:$0x0]  }
0x2: {  	s1 =	rddreg [dreg:$0x1]  }
0x3: {  	s4 =	rddreg [dreg:$0x2]  }
0x4: {  	s21 =	rddreg [dreg:$0x3]  }
0x5: {  	s2 =	rddreg [dreg:$0x4]  }
0x6: {  	s3 =	simm.s32 $0x0;
	s20 =	srdreg.scid;
	s13 =	stileid.u32  }
0x7: {  	s31 =	simm.s32 $0xB400;
	[smem:$0x7FF] =	sst s3;
	s7 =	smul.u32 $0x500, s13  }
0x8: {  	s5 =	sadd.s32 $0xA1200, s4;
	s6 =	sadd.s32 $0xA0C00, s4;
	s9 =	smul.u32 $0x2800, s13  }
0x9: {  	s22 =	sadd.s32 $0xA0600, s4;
	s10 =	sadd.s32 $0xA0000, s4;
	s25 =	smul.u32 $0x280, s13  }
0xa: {  	s26 =	smul.u32 $0x28000, s13;
	_ =	strace $0x80000047;
	[dreg:$0x6] =	wrdreg s5  }
0xb: {  	s17 =	sadd.s32 $0x321800, s4;
	s18 =	sadd.s32 $0xA1800, s4;
	[dreg:$0x7] =	wrdreg s6  }
0xc: {  	s19 =	sadd.s32 $0x1E1800, s4;
	p0 =	sne.s32 s13, $0x0;
	[dreg:$0x8] =	wrdreg s22  }
0xd: {  	s4 =	simm.s32 $0x10100;
	s5 =	sand.u32 $0x1, s20;
	[dreg:$0x9] =	wrdreg s10  }
0xe: {  	s20 =	smul.u32 $0x50000, s13;
	s23 =	sshll.u32 s5, $0x4;
	s8 =	ssub.s32 $0x2, s5  }
0xf: {  	s9 =	sshrl.u32 s9, $0x3;
	s7 =	sadd.s32 s1, s7;
	s14 =	smul.u32 $0x500000, s5  }
0x10: {  	s15 =	sadd.s32 $0x80, s25;
	s16 =	sadd.s32 $0x100, s25;
	s11 =	sadd.s32 $0x180, s25  }
0x11: {  	s10 =	sadd.s32 $0x200, s25;
	s26 =	sshrl.u32 s26, $0x2;
	s5 =	simm.s32 $0x5  }
0x12: {  	s6 =	sor.u32 s13, s23;
	s24 =	sshrl.u32 s8, $0x1;
	[dreg:$0xa] =	wrdreg s7  }
0x13: {  	s7 =	sadd.s32 s1, s9;
	s9 =	sshll.u32 s16, $0x6;
	s6 =	smul.u32 $0x280, s6  }
0x14: {  	s23 =	sshll.u32 s16, $0x9;
	s25 =	sshll.u32 s10, $0x9;
	s28 =	sadd.s32 s9, s2  }
0x15: {  	s13 =	simm.s32 $0x40;
	[dreg:$0x15] =	wrdreg s28;
	s0 =	sadd.s32 s0, s6  }
0x16: {  	s8 =	ssub.s32 s8, s24;
	s12 =	sadd.s32 s1, s6;
	[dreg:$0xb] =	wrdreg s0  }
0x17: {  	s24 =	sshll.u32 s11, $0x9;
	s6 =	sadd.s32 s20, s14;
	[dreg:$0xc] =	wrdreg s12  }
0x18: {  	s9 =	simm.s32 $0x13100;
	[dreg:$0xd] =	wrdreg s6;
	s6 =	sadd.s32 s14, s23  }
0x19: {  	s12 =	sshll.u32 s15, $0x9;
	s0 =	sadd.s32 s14, s25;
	[dreg:$0xf] =	wrdreg s6  }
0x1a: {  	s22 =	sadd.s32 s14, s12;
	s6 =	sadd.s32 s14, s24;
	[dreg:$0x11] =	wrdreg s0  }
0x1b: {  	s24 =	sadd.s32 s26, s2;
	s12 =	sshll.u32 s11, $0x6;
	s14 =	sshll.u32 s10, $0x6  }
0x1c: {  	s10 =	simm.s32 $0x2800;
	s11 =	simm.s32 $0x11100;
	[dreg:$0xe] =	wrdreg s22  }
0x1d: {  	[dreg:$0x10] =	wrdreg s6;
	s6 =	sadd.s32 $0x280, s7;
	s7 =	sshll.u32 s15, $0x6  }
0x1e: {  	s29 =	sadd.s32 s12, s2;
	s30 =	sadd.s32 s14, s2;
	[dreg:$0x13] =	wrdreg s24  }
0x1f: {  	s15 =	smax.u32 s8, $0x1;
	s16 =	sadd.s32 $0x20, s24;
	[dreg:$0x12] =	wrdreg s6  }
0x20: {  	s22 =	sadd.s32 $0x20, s28;
	s8 =	simm.s32 $0x80;
	[dreg:$0x18] =	wrdreg s15  }
0x21: {  	s14 =	simm.s32 $0x8;
	s12 =	simm.s32 $0x0;
	[dreg:$0x16] =	wrdreg s29  }
0x22: {  	s25 =	sadd.s32 s7, s2;
	s0 =	sshrl.u32 s16, $0x3;
	[dreg:$0x17] =	wrdreg s30  }
0x23: {  	s1 =	sadd.s32 $0x20, s29;
	[dreg:$0x19] =	wrdreg s0;
	s20 =	sadd.s32 $0x20, s25  }
.Ltmp0:
0x24: {  	s23 =	sshrl.u32 s1, $0x3;
	[dreg:$0x14] =	wrdreg s25;
	(pc) =	sbr.rel .LBB2_1-.Ltmp0, $4  }
0x25: {  	s26 =	sadd.s32 $0x20, s30;
	s0 =	sshrl.u32 s20, $0x3;
	[dreg:$0x1c] =	wrdreg s23  }
0x26: {  	s7 =	simm.s32 $0x5000;
	[dreg:$0x1a] =	wrdreg s0;
	s0 =	sshrl.u32 s22, $0x3  }
0x27: {  	s6 =	simm.s32 $0x2;
	[dreg:$0x1b] =	wrdreg s0;
	s0 =	sshrl.u32 s26, $0x3  }
0x28: {  	v0 =	vlaneseq.u32;
	v1 =	vimm.f32 $0.0e+00;
	v2 =	vimm.f32 $1.000000000e+00;
	s1 =	simm.s32 $0x1;
	s26 =	simm.s32 $0xF080;
	[dreg:$0x1d] =	wrdreg s0  }
.LBB2_29:
0x29: {  	s12 =	rddreg [dreg:$0x1e]  }
0x2a: {  	s0 =	rddreg [dreg:$0x18];
	s12 =	sadd.s32 $0x1, s12  }
0x2b: {  	p1 =	sne.s32 s12, s0  }
.Ltmp1:
0x2c: {  	_ = 	snop;
	(pc) =	sbr.rel @!p1 .LBB2_30-.Ltmp1, $2  }
0x2d: {  	_ =	sdelay $0x2  }
0x2e: {  	s21 =	rddreg [dreg:$0x3];
	s31 =	simm.s32 $0xB400  }
.LBB2_1:
0x2f: {  	s23 =	simm.s32 $0x60  }
0x30: {  	s0 =	simm.s32 $0x15140;
	s15 =	simm.s32 $0x0;
	v3 =	vor.u32 s23, v0  }
0x31: {  	v4 =	vor.u32 s15, v0;
	s15 =	simm.s32 $0x10;
	[tilespmem:s0+$0x20] =	vst v3  }
0x32: {  	s16 =	simm.s32 $0x20;
	[tilespmem:s0+$0xFFFFFFC0] =	vst v4;
	v3 =	vor.u32 s15, v0  }
0x33: {  	s20 =	simm.s32 $0x30;
	[tilespmem:s0+$0xFFFFFFD0] =	vst v3;
	v3 =	vor.u32 s16, v0  }
0x34: {  	s22 =	simm.s32 $0x40;
	[tilespmem:s0+$0xFFFFFFE0] =	vst v3;
	v3 =	vor.u32 s20, v0  }
0x35: {  	s23 =	simm.s32 $0x50;
	[tilespmem:s0+$0xFFFFFFF0] =	vst v3;
	v3 =	vor.u32 s22, v0  }
0x36: {  	[dreg:$0x1e] =	wrdreg s12;
	s20 =	simm.s32 $0x70;
	[tilespmem:s0+$0x0] =	vst v3;
	v3 =	vor.u32 s23, v0  }
0x37: {  	s12 =	simm.s32 $0xF0;
	s15 =	simm.s32 $0x170;
	s16 =	simm.s32 $0xE0;
	[tilespmem:s0+$0x10] =	vst v3;
	v3 =	vor.u32 s20, v0  }
.LBB2_2:
0x38: {  	p1 =	sne.s32 s15, $0x270;
	s20 =	sadd.s32 $0xFFFFFF90, s12;
	v4 =	vor.u32 s16, v0;
	[tilespmem:s0+$0x30] =	vst v3;
	s0 =	sadd.s32 $0x80, s0  }
0x39: {  	s16 =	sadd.s32 $0xFFFFFFA0, s12;
	v3 =	vor.u32 s20, v0;
	[tilespmem:s0+$0x20] =	vst v4  }
0x3a: {  	[tilespmem:s0+$0xFFFFFFC0] =	vst v3;
	v3 =	vor.u32 s16, v0;
	s16 =	sadd.s32 $0xFFFFFFB0, s12  }
.Ltmp2:
0x3b: {  	[tilespmem:s0+$0xFFFFFFD0] =	vst v3;
	v3 =	vor.u32 s16, v0;
	s16 =	sadd.s32 $0xFFFFFFC0, s12;
	(pc) =	sbr.rel @p1 .LBB2_2-.Ltmp2, $4  }
0x3c: {  	[tilespmem:s0+$0xFFFFFFE0] =	vst v3;
	v3 =	vor.u32 s16, v0;
	s16 =	sadd.s32 $0xFFFFFFD0, s12  }
0x3d: {  	[tilespmem:s0+$0xFFFFFFF0] =	vst v3;
	v3 =	vor.u32 s16, v0;
	s16 =	sadd.s32 $0xFFFFFFE0, s12  }
0x3e: {  	[tilespmem:s0+$0x0] =	vst v3;
	v3 =	vor.u32 s16, v0  }
0x3f: {  	s16 =	sadd.s32 $0xFFFFFFF0, s15;
	[tilespmem:s0+$0x10] =	vst v3;
	v3 =	vor.u32 s12, v0;
	s12 =	smov.u32 s15;
	s15 =	sadd.s32 $0x80, s15  }
0x40: {  	s15 =	sadd.s32 $0xFFFFFF90, s12;
	v4 =	vor.u32 s16, v0;
	[tilespmem:s0+$0x30] =	vst v3;
	s0 =	sadd.s32 $0x80, s0  }
0x41: {  	s23 =	sadd.s32 $0xFFFFFFA0, s12;
	v3 =	vor.u32 s15, v0;
	[tilespmem:s0+$0x20] =	vst v4  }
0x42: {  	s16 =	sadd.s32 $0xFFFFFFB0, s12;
	[tilespmem:s0+$0xFFFFFFC0] =	vst v3;
	v3 =	vor.u32 s23, v0  }
0x43: {  	s20 =	sadd.s32 $0xFFFFFFC0, s12;
	p1 =	por $0x1, $0x1;
	[tilespmem:s0+$0xFFFFFFD0] =	vst v3;
	v3 =	vor.u32 s16, v0  }
.Ltmp3:
0x44: {  	s22 =	sadd.s32 $0xFFFFFFD0, s12;
	[tilespmem:s0+$0xFFFFFFE0] =	vst v3;
	v3 =	vor.u32 s20, v0;
	(pc) =	sbr.rel @!p1 .LBB2_5-.Ltmp3, $4  }
0x45: {  	s23 =	sadd.s32 $0xFFFFFFE0, s12;
	[tilespmem:s0+$0xFFFFFFF0] =	vst v3;
	v3 =	vor.u32 s22, v0  }
0x46: {  	[tilespmem:s0+$0x0] =	vst v3;
	v3 =	vor.u32 s23, v0  }
0x47: {  	[tilespmem:s0+$0x10] =	vst v3;
	v3 =	vor.u32 s12, v0  }
0x48: {  	s15 =	simm.s32 $0x0;
	s12 =	simm.s32 $0x40;
	[tilespmem:s0+$0x30] =	vst v3;
	s0 =	simm.s32 $0x0  }
.LBB2_4:
0x49: {  	p2 =	sne.s32 s12, $0x9FC0;
	[tilespmem:s15+$0x5000] =	vst v1;
	s15 =	smov.u32 s12;
	s12 =	sadd.s32 $0x40, s12  }
.Ltmp4:
0x4a: {  	(pc) =	sbr.rel @p2 .LBB2_4-.Ltmp4, $2  }
0x4b: {  	_ =	sdelay $0x2  }
0x4c: {  	s15 =	sshra.s32 s15, $0x2  }
.LBB2_5:
.Ltmp5:
0x4d: {  	(pc) =	sbr.rel @!p1 .LBB2_7-.Ltmp5, $2  }
0x4e: {  	_ =	sdelay $0x2  }
0x4f: {  	[tilespmem:s15+$0x5000] =	vst v1;
	s12 =	simm.s32 $0x40  }
.LBB2_6:
0x50: {  	p1 =	sne.s32 s12, $0x9FC0;
	[tilespmem:s0+$0x7800] =	vst v1;
	s0 =	smov.u32 s12;
	s12 =	sadd.s32 $0x40, s12  }
.Ltmp6:
0x51: {  	(pc) =	sbr.rel @p1 .LBB2_6-.Ltmp6, $2  }
0x52: {  	_ =	sdelay $0x2  }
0x53: {  	s0 =	sshra.s32 s0, $0x2  }
.LBB2_7:
0x54: {  	[tilespmem:s0+$0x7800] =	vst v1;
	s0 =	simm.s32 @!p0 $0x7800  }
0x55: {  	[spmem:s21] =	stream.linear.scatter @!p0 [tilespmem:s0], [sflag:$0x5], $0x2800, $0x38;
	[tilespmem:$0x1F600] =	vst v63  }
0x56: {  	s0 =	simm.s32 @!p0 $0x5  }
0x57: {  	_ =	swait.ge @!p0 [sflag:s0], $0x2800  }
0x58: {  	[sflag:s0] =	ssyncset.done @!p0 $0x0  }
0x59: {  	[sflag:s0] =	ssyncadd.s32 @!p0 $0xFFFFD800  }
0x5a: {  	[bflag:$0x0] =	sbarrier.arrive $0xFFFF  }
0x5b: {  	s0 =	simm.s32 $0x0;
	s12 =	rddreg [dreg:$0xa]  }
0x5c: {  	[tilespmem:s31], [sflag:$0x5] =	stream.linear.gather [hbm4b:s12+s0], $0x1400, $0x38;
	[tilespmem:$0x1F600] =	vst v63  }
0x5d: {  	_ =	swait.ge [sflag:s5], $0x1400  }
0x5e: {  	[sflag:s5] =	ssyncset.done $0x0  }
0x5f: {  	[sflag:s5] =	ssyncadd.s32 $0xFFFFEC00  }
.LBB2_8:
0x60: {  	s12 =	sshra.s32 s0, $0x2  }
0x61: {  	v3 =	vld [tilespmem:s12+$0xB400];
	_ =	sdelay $0x7  }
0x62: {  	[tilespmem:v3+s7+$0x0] =	vst.idx.add.f32.msk $0xffff, v2  }
0x63: {  	v3 =	vld [tilespmem:s12+$0xB410];
	_ =	sdelay $0x7  }
0x64: {  	[tilespmem:v3+s7+$0x0] =	vst.idx.add.f32.msk $0xffff, v2  }
0x65: {  	v3 =	vld [tilespmem:s12+$0xB420];
	_ =	sdelay $0x7  }
0x66: {  	[tilespmem:v3+s7+$0x0] =	vst.idx.add.f32.msk $0xffff, v2  }
0x67: {  	v3 =	vld [tilespmem:s12+$0xB430];
	_ =	sdelay $0x7  }
0x68: {  	[tilespmem:v3+s7+$0x0] =	vst.idx.add.f32.msk $0xffff, v2  }
0x69: {  	v3 =	vld [tilespmem:s12+$0xB440];
	_ =	sdelay $0x7  }
0x6a: {  	[tilespmem:v3+s7+$0x0] =	vst.idx.add.f32.msk $0xffff, v2  }
0x6b: {  	v3 =	vld [tilespmem:s12+$0xB450];
	_ =	sdelay $0x7  }
0x6c: {  	[tilespmem:v3+s7+$0x0] =	vst.idx.add.f32.msk $0xffff, v2  }
0x6d: {  	v3 =	vld [tilespmem:s12+$0xB460];
	_ =	sdelay $0x7  }
0x6e: {  	[tilespmem:v3+s7+$0x0] =	vst.idx.add.f32.msk $0xffff, v2  }
0x6f: {  	v3 =	vld [tilespmem:s12+$0xB470];
	_ =	sdelay $0x2  }
0x70: {  	p1 =	sne.s32 s0, $0x4E00  }
.Ltmp7:
0x71: {  	_ = 	snop;
	(pc) =	sbr.rel @p1 .LBB2_8-.Ltmp7, $2  }
0x72: {  	_ =	sdelay $0x2  }
0x73: {  	s0 =	sadd.s32 $0x200, s0;
	[tilespmem:v3+s7+$0x0] =	vst.idx.add.f32.msk $0xffff, v2  }
0x74: {  	s0 =	simm.s32 $0x0;
	s12 =	rddreg [dreg:$0x12]  }
0x75: {  	[tilespmem:s31], [sflag:$0x5] =	stream.linear.gather [hbm4b:s12+s0], $0x1400, $0x38;
	[tilespmem:$0x1F600] =	vst v63  }
0x76: {  	_ =	swait.ge [sflag:s5], $0x1400  }
0x77: {  	[sflag:s5] =	ssyncset.done $0x0  }
0x78: {  	s12 =	simm.s32 $0x0;
	[sflag:s5] =	ssyncadd.s32 $0xFFFFEC00  }
.LBB2_10:
0x79: {  	s15 =	sshra.s32 s12, $0x2  }
0x7a: {  	v3 =	vld [tilespmem:s15+$0xB400];
	_ =	sdelay $0x7  }
0x7b: {  	[tilespmem:v3+s7+$0x0] =	vst.idx.add.f32.msk $0xffff, v2  }
0x7c: {  	v3 =	vld [tilespmem:s15+$0xB410];
	_ =	sdelay $0x7  }
0x7d: {  	[tilespmem:v3+s7+$0x0] =	vst.idx.add.f32.msk $0xffff, v2  }
0x7e: {  	v3 =	vld [tilespmem:s15+$0xB420];
	_ =	sdelay $0x7  }
0x7f: {  	[tilespmem:v3+s7+$0x0] =	vst.idx.add.f32.msk $0xffff, v2  }
0x80: {  	v3 =	vld [tilespmem:s15+$0xB430];
	_ =	sdelay $0x7  }
0x81: {  	[tilespmem:v3+s7+$0x0] =	vst.idx.add.f32.msk $0xffff, v2  }
0x82: {  	v3 =	vld [tilespmem:s15+$0xB440];
	_ =	sdelay $0x7  }
0x83: {  	[tilespmem:v3+s7+$0x0] =	vst.idx.add.f32.msk $0xffff, v2  }
0x84: {  	v3 =	vld [tilespmem:s15+$0xB450];
	_ =	sdelay $0x7  }
0x85: {  	[tilespmem:v3+s7+$0x0] =	vst.idx.add.f32.msk $0xffff, v2  }
0x86: {  	v3 =	vld [tilespmem:s15+$0xB460];
	_ =	sdelay $0x7  }
0x87: {  	[tilespmem:v3+s7+$0x0] =	vst.idx.add.f32.msk $0xffff, v2  }
0x88: {  	v3 =	vld [tilespmem:s15+$0xB470];
	_ =	sdelay $0x2  }
0x89: {  	p1 =	sne.s32 s12, $0x4E00  }
.Ltmp8:
0x8a: {  	_ = 	snop;
	(pc) =	sbr.rel @p1 .LBB2_10-.Ltmp8, $2  }
0x8b: {  	_ =	sdelay $0x2  }
0x8c: {  	s12 =	sadd.s32 $0x200, s12;
	[tilespmem:v3+s7+$0x0] =	vst.idx.add.f32.msk $0xffff, v2  }
0x8d: {  	s12 =	sshra.s32 s0, $0x2  }
0x8e: {  	s0 =	sadd.s32 $0x40, s0;
	v3 =	vld [tilespmem:s12+$0x5000]  }
.LBB2_12:
0x8f: {  	p1 =	sne.s32 s0, $0x9FC0  }
.Ltmp9:
0x90: {  	_ = 	snop;
	(pc) =	sbr.rel @p1 .LBB2_12-.Ltmp9, $3  }
0x91: {  	_ =	sdelay $0x1  }
0x92: {  	[tilespmem:s12+$0x7800] =	vst v3;
	s12 =	sshra.s32 s0, $0x2;
	s0 =	sadd.s32 $0x40, s0  }
0x93: {  	v3 =	vld [tilespmem:s12+$0x5000]  }
0x94: {  	_ =	sdelay $0x3  }
0x95: {  	s0 =	simm.s32 $0x15100;
	[tilespmem:s12+$0x7800] =	vst v3;
	s12 =	simm.s32 $0x7800  }
0x96: {  	[spmem:s21] =	stream.indirect.scatter.add.f32 [tilespmem:s12], [sflag:$0x5], $0x10, s0, s8, $0xb8;
	[tilespmem:$0x1F600] =	vst v63  }
0x97: {  	_ =	swait.ge [sflag:s5], $0x800  }
0x98: {  	[sflag:s5] =	ssyncset.done $0x0  }
0x99: {  	s20 =	simm.s32 $0x15180;
	s15 =	simm.s32 $0x8000;
	[sflag:s5] =	ssyncadd.s32 $0xFFFFF800  }
0x9a: {  	[spmem:s21] =	stream.indirect.scatter.add.f32 [tilespmem:s15], [sflag:$0x5], $0x10, s20, s8, $0xb8;
	[tilespmem:$0x1F600] =	vst v63  }
0x9b: {  	_ =	swait.ge [sflag:s5], $0x800  }
0x9c: {  	[sflag:s5] =	ssyncset.done $0x0  }
0x9d: {  	s22 =	simm.s32 $0x15200;
	s23 =	simm.s32 $0x8800;
	[sflag:s5] =	ssyncadd.s32 $0xFFFFF800  }
0x9e: {  	[spmem:s21] =	stream.indirect.scatter.add.f32 [tilespmem:s23], [sflag:$0x5], $0x10, s22, s8, $0xb8;
	[tilespmem:$0x1F600] =	vst v63  }
0x9f: {  	_ =	swait.ge [sflag:s5], $0x800  }
0xa0: {  	[sflag:s5] =	ssyncset.done $0x0  }
0xa1: {  	s16 =	simm.s32 $0x15280;
	s20 =	simm.s32 $0x9000;
	[sflag:s5] =	ssyncadd.s32 $0xFFFFF800  }
0xa2: {  	[spmem:s21] =	stream.indirect.scatter.add.f32 [tilespmem:s20], [sflag:$0x5], $0x10, s16, s8, $0xb8;
	[tilespmem:$0x1F600] =	vst v63  }
0xa3: {  	_ =	swait.ge [sflag:s5], $0x800  }
0xa4: {  	[sflag:s5] =	ssyncset.done $0x0  }
0xa5: {  	s22 =	simm.s32 $0x15300;
	s23 =	simm.s32 $0x9800;
	[sflag:s5] =	ssyncadd.s32 $0xFFFFF800  }
0xa6: {  	[spmem:s21] =	stream.indirect.scatter.add.f32 [tilespmem:s23], [sflag:$0x5], $0x10, s22, s8, $0xb8;
	[tilespmem:$0x1F600] =	vst v63  }
0xa7: {  	_ =	swait.ge [sflag:s5], $0x800  }
0xa8: {  	[sflag:s5] =	ssyncset.done $0x0  }
0xa9: {  	[sflag:s5] =	ssyncadd.s32 $0xFFFFF800  }
0xaa: {  	[bflag:$0x0] =	sbarrier.arrive $0xFFFF  }
0xab: {  	[tilespmem:s12], [sflag:$0x5] =	stream.linear.gather [spmem:s21], $0x2800, $0x38;
	[tilespmem:$0x1F600] =	vst v63  }
0xac: {  	_ =	swait.ge [sflag:s5], $0x2800  }
0xad: {  	[sflag:s5] =	ssyncset.done $0x0  }
0xae: {  	s12 =	simm.s32 $0x0;
	[sflag:s5] =	ssyncadd.s32 $0xFFFFD800  }
0xaf: {  	v8 =	vld [tilespmem:s12+$0x7800];
	_ =	sdelay $0x4  }
0xb0: {  	s0 =	simm.s32 $0x10;
	v4 =	vmax.f32 v8, $1.000000000e+00  }
0xb1: {  	v3 =	vld [tilespmem:s0+$0x7800];
	v5 =	vshrl.u32 v4, $0x1;
	v10 =	vmul.f32 $5.000000000e-01, v4  }
0xb2: {  	v5 =	vsub.s32 $0x5F3759DF, v5  }
0xb3: {  	v4 =	vmul.f32 v5, v10;
	_ =	sdelay $0x1  }
0xb4: {  	s16 =	simm.s32 $0x20;
	v6 =	vmul.f32 v5, v4  }
0xb5: {  	v7 =	vmax.f32 v3, $1.000000000e+00;
	v4 =	vld [tilespmem:s16+$0x7800]  }
0xb6: {  	v9 =	vshrl.u32 v7, $0x1;
	v14 =	vmul.f32 $5.000000000e-01, v7;
	v6 =	vsub.f32 $1.500000000e+00, v6  }
0xb7: {  	v9 =	vsub.s32 $0x5F3759DF, v9  }
0xb8: {  	v7 =	vmul.f32 v9, v14;
	v11 =	vmul.f32 v5, v6;
	_ =	sdelay $0x1  }
0xb9: {  	s15 =	simm.s32 $0x30;
	v12 =	vmul.f32 v9, v7;
	v6 =	vmax.f32 v4, $1.000000000e+00;
	v13 =	vmul.f32 v11, v10  }
0xba: {  	v5 =	vld [tilespmem:s15+$0x7800];
	v15 =	vshrl.u32 v6, $0x1;
	v7 =	vmul.f32 $5.000000000e-01, v6  }
0xbb: {  	v6 =	vsub.f32 $1.500000000e+00, v12;
	v12 =	vmul.f32 v13, v11;
	v13 =	vsub.s32 $0x5F3759DF, v15  }
0xbc: {  	v15 =	vmul.f32 v13, v7  }
0xbd: {  	v16 =	vmul.f32 v9, v6;
	v9 =	vsub.f32 $1.500000000e+00, v12  }
0xbe: {  	s20 =	simm.s32 $0x40;
	v12 =	vmul.f32 v13, v15  }
0xbf: {  	v6 =	vld [tilespmem:s20+$0x7800];
	v17 =	vmul.f32 v16, v14;
	v15 =	vmax.f32 v5, $1.000000000e+00;
	v18 =	vmul.f32 v9, v11  }
0xc0: {  	v11 =	vshrl.u32 v15, $0x1;
	v9 =	vmul.f32 $5.000000000e-01, v15;
	v12 =	vsub.f32 $1.500000000e+00, v12  }
0xc1: {  	v15 =	vmul.f32 v17, v16;
	v17 =	vsub.s32 $0x5F3759DF, v11;
	v10 =	vmul.f32 v18, v10  }
0xc2: {  	v11 =	vmul.f32 v17, v9;
	v12 =	vmul.f32 v13, v12  }
0xc3: {  	vm0 =	vgt.f32 v8, $0.0e+00;
	v13 =	vsub.f32 $1.500000000e+00, v15;
	v15 =	vmul.f32 v10, v18  }
0xc4: {  	v19 =	vmax.f32 v6, $1.000000000e+00;
	v20 =	vmul.f32 v17, v11;
	v21 =	vmul.f32 v12, v7  }
0xc5: {  	s21 =	simm.s32 $0x50;
	v22 =	vshrl.u32 v19, $0x1;
	v10 =	vmul.f32 v13, v16;
	v15 =	vsub.f32 $1.500000000e+00, v15  }
0xc6: {  	v8 =	vld [tilespmem:s21+$0x7800];
	v11 =	vmul.f32 $5.000000000e-01, v19;
	v16 =	vsub.f32 $1.500000000e+00, v20;
	v19 =	vmul.f32 v21, v12  }
0xc7: {  	v13 =	vsub.s32 $0x5F3759DF, v22;
	v20 =	vmul.f32 v10, v14;
	v15 =	vmul.f32 v15, v18  }
0xc8: {  	v18 =	vmul.f32 v13, v11;
	v14 =	vmul.f32 v17, v16  }
0xc9: {  	s22 =	simm.s32 $0x180;
	v17 =	vsub.f32 $1.500000000e+00, v19;
	v16 =	vmul.f32 v20, v10;
	v15 =	vnsel vm0, $0x0, v15  }
.LBB2_14:
0xca: {  	s23 =	sshra.s32 s22, $0x2  }
0xcb: {  	v19 =	vmax.f32 v8, $1.000000000e+00;
	v18 =	vmul.f32 v13, v18;
	v20 =	vmul.f32 v14, v9;
	[tilespmem:s12+$0x5000] =	vst v15;
	v21 =	vmovc v8;
	s12 =	smov.u32 s0;
	s0 =	smov.u32 s16;
	p1 =	sne.s32 s22, $0x9FC0  }
.Ltmp10:
0xcc: {  	v22 =	vmovc v9;
	v9 =	vmovc v11;
	s16 =	smov.u32 s15;
	s15 =	smov.u32 s20;
	v8 =	vld [tilespmem:s23+$0x7800];
	v15 =	vshrl.u32 v19, $0x1;
	v17 =	vmul.f32 v17, v12;
	v16 =	vsub.f32 $1.500000000e+00, v16;
	(pc) =	sbr.rel @p1 .LBB2_14-.Ltmp10, $4  }
0xcd: {  	s22 =	sadd.s32 $0x40, s22;
	v23 =	vmovc v13;
	s20 =	smov.u32 s21;
	v11 =	vmul.f32 $5.000000000e-01, v19;
	v12 =	vmovc v14;
	v19 =	vsub.f32 $1.500000000e+00, v18;
	v20 =	vmul.f32 v20, v14  }
0xce: {  	s21 =	smov.u32 s23;
	v13 =	vsub.s32 $0x5F3759DF, v15;
	v15 =	vmul.f32 v17, v7;
	v24 =	vmul.f32 v16, v10;
	v10 =	vmovc v17;
	v7 =	vmovc v22  }
0xcf: {  	vm0 =	vgt.f32 v3, $0.0e+00;
	v3 =	vmovc v4;
	v4 =	vmovc v5;
	v18 =	vmul.f32 v13, v11;
	v14 =	vmul.f32 v23, v19  }
0xd0: {  	v5 =	vmovc v6;
	v6 =	vmovc v21;
	v17 =	vsub.f32 $1.500000000e+00, v20;
	v16 =	vmul.f32 v15, v10;
	v15 =	vnsel vm0, $0x0, v24  }
0xd1: {  	v19 =	vmax.f32 v8, $1.000000000e+00  }
0xd2: {  	v20 =	vshrl.u32 v19, $0x1;
	v19 =	vmul.f32 $5.000000000e-01, v19  }
0xd3: {  	v20 =	vsub.s32 $0x5F3759DF, v20  }
0xd4: {  	v21 =	vmul.f32 v20, v19  }
0xd5: {  	v18 =	vmul.f32 v13, v18  }
0xd6: {  	v21 =	vmul.f32 v20, v21  }
0xd7: {  	v18 =	vsub.f32 $1.500000000e+00, v18  }
0xd8: {  	v21 =	vsub.f32 $1.500000000e+00, v21  }
0xd9: {  	v52 =	vmul.f32 v13, v18  }
0xda: {  	v53 =	vmul.f32 v14, v9;
	v20 =	vmul.f32 v20, v21  }
0xdb: {  	v54 =	vmul.f32 v52, v11  }
0xdc: {  	v18 =	vmul.f32 v53, v14;
	v22 =	vmul.f32 v20, v19  }
0xdd: {  	v21 =	vmul.f32 v54, v52  }
0xde: {  	v18 =	vsub.f32 $1.500000000e+00, v18;
	v22 =	vmul.f32 v22, v20  }
0xdf: {  	v12 =	vmul.f32 v17, v12;
	v55 =	vsub.f32 $1.500000000e+00, v21  }
0xe0: {  	v56 =	vmul.f32 v18, v14;
	v57 =	vsub.f32 $1.500000000e+00, v22  }
0xe1: {  	v7 =	vmul.f32 v12, v7;
	v13 =	vmul.f32 v55, v52  }
0xe2: {  	v58 =	vmul.f32 v56, v9;
	v59 =	vmul.f32 v57, v20  }
0xe3: {  	v7 =	vmul.f32 v7, v12;
	v60 =	vmul.f32 v13, v11  }
0xe4: {  	v16 =	vsub.f32 $1.500000000e+00, v16;
	v9 =	vmul.f32 v58, v56;
	v18 =	vmul.f32 v59, v19  }
0xe5: {  	vm0 =	vgt.f32 v3, $0.0e+00;
	v7 =	vsub.f32 $1.500000000e+00, v7;
	v11 =	vmul.f32 v60, v13  }
0xe6: {  	v10 =	vmul.f32 v16, v10;
	v3 =	vsub.f32 $1.500000000e+00, v9;
	v61 =	vmul.f32 v18, v59  }
0xe7: {  	vm12 =	vgt.f32 v4, $0.0e+00;
	v7 =	vmul.f32 v7, v12;
	v11 =	vsub.f32 $1.500000000e+00, v11  }
0xe8: {  	[tilespmem:s12+$0x5000] =	vst v15;
	v10 =	vnsel vm0, $0x0, v10;
	v3 =	vmul.f32 v3, v56;
	v62 =	vsub.f32 $1.500000000e+00, v61  }
0xe9: {  	vm13 =	vgt.f32 v5, $0.0e+00;
	[tilespmem:s0+$0x5000] =	vst v10;
	v7 =	vnsel vm12, $0x0, v7;
	v63 =	vmul.f32 v11, v13  }
0xea: {  	vm14 =	vgt.f32 v6, $0.0e+00;
	[tilespmem:s16+$0x5000] =	vst v7;
	v3 =	vnsel vm13, $0x0, v3;
	v4 =	vmul.f32 v62, v59  }
0xeb: {  	vm15 =	vgt.f32 v8, $0.0e+00;
	[tilespmem:s15+$0x5000] =	vst v3;
	v3 =	vnsel vm14, $0x0, v63  }
0xec: {  	[tilespmem:s20+$0x5000] =	vst v3;
	v3 =	vnsel vm15, $0x0, v4  }
0xed: {  	s0 =	simm.s32 $0x0;
	s20 =	rddreg [dreg:$0xb];
	[tilespmem:s21+$0x5000] =	vst v3;
	s21 =	simm.s32 $0xA000  }
0xee: {  	[tilespmem:s21], [sflag:$0x5] =	stream.linear.gather [hbm4b:s20+s0], $0x1400, $0x38;
	[tilespmem:$0x1F600] =	vst v63  }
0xef: {  	_ =	swait.ge [sflag:s5], $0x1400  }
0xf0: {  	[sflag:s5] =	ssyncset.done $0x0  }
0xf1: {  	s22 =	rddreg [dreg:$0xc];
	[sflag:s5] =	ssyncadd.s32 $0xFFFFEC00  }
0xf2: {  	[tilespmem:s31], [sflag:$0x5] =	stream.linear.gather [hbm4b:s22+s0], $0x1400, $0x38;
	[tilespmem:$0x1F600] =	vst v63  }
0xf3: {  	_ =	swait.ge [sflag:s5], $0x1400  }
0xf4: {  	[sflag:s5] =	ssyncset.done $0x0  }
0xf5: {  	s23 =	rddreg [dreg:$0x6];
	[sflag:s5] =	ssyncadd.s32 $0xFFFFEC00  }
0xf6: {  	[tilespmem:s0], [sflag:$0x5] =	stream.linear.gather [hbm4b:s23+s0], $0x2800, $0x38;
	[tilespmem:$0x1F600] =	vst v63  }
0xf7: {  	_ =	swait.ge [sflag:s5], $0x2800  }
0xf8: {  	[sflag:s5] =	ssyncset.done $0x0  }
0xf9: {  	s31 =	rddreg [dreg:$0x7];
	[sflag:s5] =	ssyncadd.s32 $0xFFFFD800  }
0xfa: {  	[tilespmem:s10], [sflag:$0x5] =	stream.linear.gather [hbm4b:s31+s0], $0x2800, $0x38;
	[tilespmem:$0x1F600] =	vst v63  }
0xfb: {  	_ =	swait.ge [sflag:s5], $0x2800  }
0xfc: {  	[sflag:s5] =	ssyncset.done $0x0  }
0xfd: {  	[sflag:s5] =	ssyncadd.s32 $0xFFFFD800  }
.LBB2_16:
0xfe: {  	s12 =	sshra.s32 s0, $0x2  }
0xff: {  	v3 =	vld [tilespmem:s12+$0xB400]  }
0x100: {  	v4 =	vld [tilespmem:s12+$0xA000];
	_ =	sdelay $0x6  }
0x101: {  	v5 =	vld.idx.msk [tilespmem:v3+s3+$0x0], $0xffff  }
0x102: {  	v6 =	vld.idx.msk [tilespmem:v4+s10+$0x0], $0xffff;
	_ =	sdelay $0x4  }
0x103: {  	v5 =	vadd.f32 v6, v5;
	_ =	sdelay $0x1  }
0x104: {  	v6 =	vand.u32 $0x7FFFFFFF, v5  }
0x105: {  	v6 =	vmul.f32 $-2.000000000e+00, v6;
	_ =	sdelay $0x1  }
0x106: {  	v6 =	vmul.f32 $1.442695020e+00, v6;
	_ =	sdelay $0x1  }
0x107: {  	(erf) = vpow2.f32 v6;
	_ =	sdelay $0x8  }
0x108: {  	v6 =	vpop (erf)  }
0x109: {  	v7 =	vadd.f32 $1.000000000e+00, v6;
	_ =	sdelay $0x1  }
0x10a: {  	(erf) = vrcp.f32 v7;
	_ =	sdelay $0x6  }
0x10b: {  	v4 =	vld.idx.msk [tilespmem:v4+s7+$0x0], $0xffff  }
0x10c: {  	v3 =	vld.idx.msk [tilespmem:v3+s7+$0x0], $0xffff;
	v6 =	vsub.f32 $1.000000000e+00, v6  }
0x10d: {  	v7 =	vpop (erf)  }
0x10e: {  	v63 =	vld [tilespmem:s12+$0xB410];
	v6 =	vmul.f32 v7, v6  }
0x10f: {  	v8 =	vld [tilespmem:s12+$0xA010]  }
0x110: {  	v9 =	vsub.f32 $0.0e+00, v6  }
0x111: {  	v3 =	vmul.f32 v3, v4;
	vm0 =	vlt.f32 v5, $0.0e+00  }
0x112: {  	v10 =	vsel vm0, v9, v6  }
0x113: {  	v3 =	vmul.f32 v10, v3;
	_ =	sdelay $0x1  }
0x114: {  	[tilespmem:s12+$0xC800] =	vst v3  }
0x115: {  	v3 =	vld.idx.msk [tilespmem:v63+s3+$0x0], $0xffff  }
0x116: {  	v11 =	vld.idx.msk [tilespmem:v8+s10+$0x0], $0xffff;
	_ =	sdelay $0x4  }
0x117: {  	v3 =	vadd.f32 v11, v3;
	_ =	sdelay $0x1  }
0x118: {  	v4 =	vand.u32 $0x7FFFFFFF, v3  }
0x119: {  	v4 =	vmul.f32 $-2.000000000e+00, v4;
	_ =	sdelay $0x1  }
0x11a: {  	v4 =	vmul.f32 $1.442695020e+00, v4;
	_ =	sdelay $0x1  }
0x11b: {  	(erf) = vpow2.f32 v4;
	_ =	sdelay $0x8  }
0x11c: {  	v4 =	vpop (erf)  }
0x11d: {  	v12 =	vadd.f32 $1.000000000e+00, v4;
	_ =	sdelay $0x1  }
0x11e: {  	(erf) = vrcp.f32 v12;
	_ =	sdelay $0x6  }
0x11f: {  	v13 =	vld.idx.msk [tilespmem:v8+s7+$0x0], $0xffff  }
0x120: {  	v14 =	vld.idx.msk [tilespmem:v63+s7+$0x0], $0xffff;
	v4 =	vsub.f32 $1.000000000e+00, v4  }
0x121: {  	v15 =	vpop (erf)  }
0x122: {  	v16 =	vld [tilespmem:s12+$0xB420];
	v4 =	vmul.f32 v15, v4  }
0x123: {  	v17 =	vld [tilespmem:s12+$0xA020]  }
0x124: {  	v18 =	vsub.f32 $0.0e+00, v4  }
0x125: {  	v5 =	vmul.f32 v14, v13;
	vm9 =	vlt.f32 v3, $0.0e+00  }
0x126: {  	v3 =	vsel vm9, v18, v4  }
0x127: {  	v3 =	vmul.f32 v3, v5;
	_ =	sdelay $0x1  }
0x128: {  	[tilespmem:s12+$0xC810] =	vst v3  }
0x129: {  	v3 =	vld.idx.msk [tilespmem:v16+s3+$0x0], $0xffff  }
0x12a: {  	v19 =	vld.idx.msk [tilespmem:v17+s10+$0x0], $0xffff;
	_ =	sdelay $0x4  }
0x12b: {  	v3 =	vadd.f32 v19, v3;
	_ =	sdelay $0x1  }
0x12c: {  	v4 =	vand.u32 $0x7FFFFFFF, v3  }
0x12d: {  	v4 =	vmul.f32 $-2.000000000e+00, v4;
	_ =	sdelay $0x1  }
0x12e: {  	v4 =	vmul.f32 $1.442695020e+00, v4;
	_ =	sdelay $0x1  }
0x12f: {  	(erf) = vpow2.f32 v4;
	_ =	sdelay $0x8  }
0x130: {  	v4 =	vpop (erf)  }
0x131: {  	v20 =	vadd.f32 $1.000000000e+00, v4;
	_ =	sdelay $0x1  }
0x132: {  	(erf) = vrcp.f32 v20;
	_ =	sdelay $0x6  }
0x133: {  	v21 =	vld.idx.msk [tilespmem:v17+s7+$0x0], $0xffff  }
0x134: {  	v22 =	vld.idx.msk [tilespmem:v16+s7+$0x0], $0xffff;
	v4 =	vsub.f32 $1.000000000e+00, v4  }
0x135: {  	v23 =	vpop (erf)  }
0x136: {  	v24 =	vld [tilespmem:s12+$0xB430];
	v4 =	vmul.f32 v23, v4  }
0x137: {  	v25 =	vld [tilespmem:s12+$0xA030]  }
0x138: {  	v26 =	vsub.f32 $0.0e+00, v4  }
0x139: {  	v5 =	vmul.f32 v22, v21;
	vm10 =	vlt.f32 v3, $0.0e+00  }
0x13a: {  	v3 =	vsel vm10, v26, v4  }
0x13b: {  	v3 =	vmul.f32 v3, v5;
	_ =	sdelay $0x1  }
0x13c: {  	[tilespmem:s12+$0xC820] =	vst v3  }
0x13d: {  	v3 =	vld.idx.msk [tilespmem:v24+s3+$0x0], $0xffff  }
0x13e: {  	v27 =	vld.idx.msk [tilespmem:v25+s10+$0x0], $0xffff;
	_ =	sdelay $0x4  }
0x13f: {  	v3 =	vadd.f32 v27, v3;
	_ =	sdelay $0x1  }
0x140: {  	v4 =	vand.u32 $0x7FFFFFFF, v3  }
0x141: {  	v4 =	vmul.f32 $-2.000000000e+00, v4;
	_ =	sdelay $0x1  }
0x142: {  	v4 =	vmul.f32 $1.442695020e+00, v4;
	_ =	sdelay $0x1  }
0x143: {  	(erf) = vpow2.f32 v4;
	_ =	sdelay $0x8  }
0x144: {  	v4 =	vpop (erf)  }
0x145: {  	v28 =	vadd.f32 $1.000000000e+00, v4;
	_ =	sdelay $0x1  }
0x146: {  	(erf) = vrcp.f32 v28;
	_ =	sdelay $0x6  }
0x147: {  	v29 =	vld.idx.msk [tilespmem:v25+s7+$0x0], $0xffff  }
0x148: {  	v30 =	vld.idx.msk [tilespmem:v24+s7+$0x0], $0xffff;
	v4 =	vsub.f32 $1.000000000e+00, v4  }
0x149: {  	v31 =	vpop (erf)  }
0x14a: {  	v32 =	vld [tilespmem:s12+$0xB440];
	v4 =	vmul.f32 v31, v4  }
0x14b: {  	v33 =	vld [tilespmem:s12+$0xA040]  }
0x14c: {  	v34 =	vsub.f32 $0.0e+00, v4  }
0x14d: {  	v5 =	vmul.f32 v30, v29;
	vm11 =	vlt.f32 v3, $0.0e+00  }
0x14e: {  	v3 =	vsel vm11, v34, v4  }
0x14f: {  	v3 =	vmul.f32 v3, v5;
	_ =	sdelay $0x1  }
0x150: {  	[tilespmem:s12+$0xC830] =	vst v3  }
0x151: {  	v3 =	vld.idx.msk [tilespmem:v32+s3+$0x0], $0xffff  }
0x152: {  	v35 =	vld.idx.msk [tilespmem:v33+s10+$0x0], $0xffff;
	_ =	sdelay $0x4  }
0x153: {  	v3 =	vadd.f32 v35, v3;
	_ =	sdelay $0x1  }
0x154: {  	v4 =	vand.u32 $0x7FFFFFFF, v3  }
0x155: {  	v4 =	vmul.f32 $-2.000000000e+00, v4;
	_ =	sdelay $0x1  }
0x156: {  	v4 =	vmul.f32 $1.442695020e+00, v4;
	_ =	sdelay $0x1  }
0x157: {  	(erf) = vpow2.f32 v4;
	_ =	sdelay $0x8  }
0x158: {  	v4 =	vpop (erf)  }
0x159: {  	v36 =	vadd.f32 $1.000000000e+00, v4;
	_ =	sdelay $0x1  }
0x15a: {  	(erf) = vrcp.f32 v36;
	_ =	sdelay $0x6  }
0x15b: {  	v37 =	vld.idx.msk [tilespmem:v33+s7+$0x0], $0xffff  }
0x15c: {  	v38 =	vld.idx.msk [tilespmem:v32+s7+$0x0], $0xffff;
	v4 =	vsub.f32 $1.000000000e+00, v4  }
0x15d: {  	v39 =	vpop (erf)  }
0x15e: {  	v40 =	vld [tilespmem:s12+$0xB450];
	v4 =	vmul.f32 v39, v4  }
0x15f: {  	v41 =	vld [tilespmem:s12+$0xA050]  }
0x160: {  	v42 =	vsub.f32 $0.0e+00, v4  }
0x161: {  	v5 =	vmul.f32 v38, v37;
	vm12 =	vlt.f32 v3, $0.0e+00  }
0x162: {  	v3 =	vsel vm12, v42, v4  }
0x163: {  	v3 =	vmul.f32 v3, v5;
	_ =	sdelay $0x1  }
0x164: {  	[tilespmem:s12+$0xC840] =	vst v3  }
0x165: {  	v3 =	vld.idx.msk [tilespmem:v40+s3+$0x0], $0xffff  }
0x166: {  	v43 =	vld.idx.msk [tilespmem:v41+s10+$0x0], $0xffff;
	_ =	sdelay $0x4  }
0x167: {  	v3 =	vadd.f32 v43, v3;
	_ =	sdelay $0x1  }
0x168: {  	v4 =	vand.u32 $0x7FFFFFFF, v3  }
0x169: {  	v4 =	vmul.f32 $-2.000000000e+00, v4;
	_ =	sdelay $0x1  }
0x16a: {  	v4 =	vmul.f32 $1.442695020e+00, v4;
	_ =	sdelay $0x1  }
0x16b: {  	(erf) = vpow2.f32 v4;
	_ =	sdelay $0x8  }
0x16c: {  	v4 =	vpop (erf)  }
0x16d: {  	v44 =	vadd.f32 $1.000000000e+00, v4;
	_ =	sdelay $0x1  }
0x16e: {  	(erf) = vrcp.f32 v44;
	_ =	sdelay $0x6  }
0x16f: {  	v45 =	vld.idx.msk [tilespmem:v41+s7+$0x0], $0xffff  }
0x170: {  	v46 =	vld.idx.msk [tilespmem:v40+s7+$0x0], $0xffff;
	v4 =	vsub.f32 $1.000000000e+00, v4  }
0x171: {  	v47 =	vpop (erf)  }
0x172: {  	v48 =	vld [tilespmem:s12+$0xB460];
	v4 =	vmul.f32 v47, v4  }
0x173: {  	v49 =	vld [tilespmem:s12+$0xA060]  }
0x174: {  	v50 =	vsub.f32 $0.0e+00, v4  }
0x175: {  	v5 =	vmul.f32 v46, v45;
	vm13 =	vlt.f32 v3, $0.0e+00  }
0x176: {  	v3 =	vsel vm13, v50, v4  }
0x177: {  	v3 =	vmul.f32 v3, v5;
	_ =	sdelay $0x1  }
0x178: {  	[tilespmem:s12+$0xC850] =	vst v3  }
0x179: {  	v3 =	vld.idx.msk [tilespmem:v48+s3+$0x0], $0xffff  }
0x17a: {  	v51 =	vld.idx.msk [tilespmem:v49+s10+$0x0], $0xffff;
	_ =	sdelay $0x4  }
0x17b: {  	v3 =	vadd.f32 v51, v3;
	_ =	sdelay $0x1  }
0x17c: {  	v4 =	vand.u32 $0x7FFFFFFF, v3  }
0x17d: {  	v4 =	vmul.f32 $-2.000000000e+00, v4;
	_ =	sdelay $0x1  }
0x17e: {  	v4 =	vmul.f32 $1.442695020e+00, v4;
	_ =	sdelay $0x1  }
0x17f: {  	(erf) = vpow2.f32 v4;
	_ =	sdelay $0x8  }
0x180: {  	v4 =	vpop (erf)  }
0x181: {  	v52 =	vadd.f32 $1.000000000e+00, v4;
	_ =	sdelay $0x1  }
0x182: {  	(erf) = vrcp.f32 v52;
	_ =	sdelay $0x6  }
0x183: {  	v53 =	vld.idx.msk [tilespmem:v49+s7+$0x0], $0xffff  }
0x184: {  	v54 =	vld.idx.msk [tilespmem:v48+s7+$0x0], $0xffff;
	v4 =	vsub.f32 $1.000000000e+00, v4  }
0x185: {  	v55 =	vpop (erf)  }
0x186: {  	v56 =	vld [tilespmem:s12+$0xB470];
	v4 =	vmul.f32 v55, v4  }
0x187: {  	v57 =	vld [tilespmem:s12+$0xA070]  }
0x188: {  	v58 =	vsub.f32 $0.0e+00, v4  }
0x189: {  	v5 =	vmul.f32 v54, v53;
	vm14 =	vlt.f32 v3, $0.0e+00  }
0x18a: {  	v3 =	vsel vm14, v58, v4  }
0x18b: {  	v3 =	vmul.f32 v3, v5;
	_ =	sdelay $0x1  }
0x18c: {  	[tilespmem:s12+$0xC860] =	vst v3  }
0x18d: {  	v3 =	vld.idx.msk [tilespmem:v56+s3+$0x0], $0xffff  }
0x18e: {  	v59 =	vld.idx.msk [tilespmem:v57+s10+$0x0], $0xffff;
	_ =	sdelay $0x4  }
0x18f: {  	v3 =	vadd.f32 v59, v3;
	_ =	sdelay $0x1  }
0x190: {  	v4 =	vand.u32 $0x7FFFFFFF, v3  }
0x191: {  	v4 =	vmul.f32 $-2.000000000e+00, v4;
	_ =	sdelay $0x1  }
0x192: {  	v4 =	vmul.f32 $1.442695020e+00, v4;
	_ =	sdelay $0x1  }
0x193: {  	(erf) = vpow2.f32 v4;
	_ =	sdelay $0x8  }
0x194: {  	v4 =	vpop (erf)  }
0x195: {  	v60 =	vadd.f32 $1.000000000e+00, v4;
	_ =	sdelay $0x1  }
0x196: {  	(erf) = vrcp.f32 v60;
	_ =	sdelay $0x6  }
0x197: {  	v61 =	vld.idx.msk [tilespmem:v57+s7+$0x0], $0xffff  }
0x198: {  	v62 =	vld.idx.msk [tilespmem:v56+s7+$0x0], $0xffff;
	v4 =	vsub.f32 $1.000000000e+00, v4  }
0x199: {  	v63 =	vpop (erf)  }
0x19a: {  	v4 =	vmul.f32 v63, v4;
	_ =	sdelay $0x1  }
0x19b: {  	p1 =	sne.s32 s0, $0x4E00;
	v7 =	vsub.f32 $0.0e+00, v4  }
.Ltmp11:
0x19c: {  	v5 =	vmul.f32 v62, v61;
	vm15 =	vlt.f32 v3, $0.0e+00;
	(pc) =	sbr.rel @p1 .LBB2_16-.Ltmp11, $3  }
0x19d: {  	v3 =	vsel vm15, v7, v4  }
0x19e: {  	v3 =	vmul.f32 v3, v5;
	_ =	sdelay $0x1  }
0x19f: {  	s0 =	sadd.s32 $0x200, s0;
	[tilespmem:s12+$0xC870] =	vst v3  }
0x1a0: {  	s15 =	simm.s32 $0x0;
	s0 =	rddreg [dreg:$0x8]  }
0x1a1: {  	[tilespmem:s15], [sflag:$0x5] =	stream.linear.gather [hbm4b:s0+s15], $0x2800, $0x38;
	[tilespmem:$0x1F600] =	vst v63  }
0x1a2: {  	_ =	swait.ge [sflag:s5], $0x2800  }
0x1a3: {  	[sflag:s5] =	ssyncset.done $0x0  }
0x1a4: {  	s31 =	rddreg [dreg:$0x9];
	[sflag:s5] =	ssyncadd.s32 $0xFFFFD800  }
0x1a5: {  	[tilespmem:s10], [sflag:$0x5] =	stream.linear.gather [hbm4b:s31+s15], $0x2800, $0x38;
	[tilespmem:$0x1F600] =	vst v63  }
0x1a6: {  	_ =	swait.ge [sflag:s5], $0x2800  }
0x1a7: {  	[sflag:s5] =	ssyncset.done $0x0  }
0x1a8: {  	s0 =	simm.s32 $0x0;
	[sflag:s5] =	ssyncadd.s32 $0xFFFFD800  }
.LBB2_18:
0x1a9: {  	s12 =	sshra.s32 s0, $0x2  }
0x1aa: {  	v3 =	vld [tilespmem:s12+$0xB400]  }
0x1ab: {  	v4 =	vld [tilespmem:s12+$0xA000];
	_ =	sdelay $0x6  }
0x1ac: {  	v5 =	vld.idx.msk [tilespmem:v3+s15+$0x0], $0xffff  }
0x1ad: {  	v6 =	vld.idx.msk [tilespmem:v4+s10+$0x0], $0xffff;
	_ =	sdelay $0x4  }
0x1ae: {  	v5 =	vadd.f32 v6, v5;
	_ =	sdelay $0x1  }
0x1af: {  	v6 =	vand.u32 $0x7FFFFFFF, v5  }
0x1b0: {  	v6 =	vmul.f32 $-2.000000000e+00, v6;
	_ =	sdelay $0x1  }
0x1b1: {  	v6 =	vmul.f32 $1.442695020e+00, v6;
	_ =	sdelay $0x1  }
0x1b2: {  	(erf) = vpow2.f32 v6;
	_ =	sdelay $0x8  }
0x1b3: {  	v6 =	vpop (erf)  }
0x1b4: {  	v7 =	vadd.f32 $1.000000000e+00, v6;
	_ =	sdelay $0x1  }
0x1b5: {  	(erf) = vrcp.f32 v7;
	_ =	sdelay $0x6  }
0x1b6: {  	v4 =	vld.idx.msk [tilespmem:v4+s7+$0x0], $0xffff  }
0x1b7: {  	v3 =	vld.idx.msk [tilespmem:v3+s7+$0x0], $0xffff;
	v6 =	vsub.f32 $1.000000000e+00, v6  }
0x1b8: {  	v7 =	vpop (erf)  }
0x1b9: {  	v63 =	vld [tilespmem:s12+$0xB410];
	v6 =	vmul.f32 v7, v6  }
0x1ba: {  	v8 =	vld [tilespmem:s12+$0xA010]  }
0x1bb: {  	v9 =	vsub.f32 $0.0e+00, v6  }
0x1bc: {  	v3 =	vmul.f32 v3, v4;
	vm0 =	vlt.f32 v5, $0.0e+00  }
0x1bd: {  	v10 =	vsel vm0, v9, v6  }
0x1be: {  	v3 =	vmul.f32 v10, v3;
	_ =	sdelay $0x1  }
0x1bf: {  	[tilespmem:s12+$0xDC00] =	vst v3  }
0x1c0: {  	v3 =	vld.idx.msk [tilespmem:v63+s15+$0x0], $0xffff  }
0x1c1: {  	v11 =	vld.idx.msk [tilespmem:v8+s10+$0x0], $0xffff;
	_ =	sdelay $0x4  }
0x1c2: {  	v3 =	vadd.f32 v11, v3;
	_ =	sdelay $0x1  }
0x1c3: {  	v4 =	vand.u32 $0x7FFFFFFF, v3  }
0x1c4: {  	v4 =	vmul.f32 $-2.000000000e+00, v4;
	_ =	sdelay $0x1  }
0x1c5: {  	v4 =	vmul.f32 $1.442695020e+00, v4;
	_ =	sdelay $0x1  }
0x1c6: {  	(erf) = vpow2.f32 v4;
	_ =	sdelay $0x8  }
0x1c7: {  	v4 =	vpop (erf)  }
0x1c8: {  	v12 =	vadd.f32 $1.000000000e+00, v4;
	_ =	sdelay $0x1  }
0x1c9: {  	(erf) = vrcp.f32 v12;
	_ =	sdelay $0x6  }
0x1ca: {  	v13 =	vld.idx.msk [tilespmem:v8+s7+$0x0], $0xffff  }
0x1cb: {  	v14 =	vld.idx.msk [tilespmem:v63+s7+$0x0], $0xffff;
	v4 =	vsub.f32 $1.000000000e+00, v4  }
0x1cc: {  	v15 =	vpop (erf)  }
0x1cd: {  	v16 =	vld [tilespmem:s12+$0xB420];
	v4 =	vmul.f32 v15, v4  }
0x1ce: {  	v17 =	vld [tilespmem:s12+$0xA020]  }
0x1cf: {  	v18 =	vsub.f32 $0.0e+00, v4  }
0x1d0: {  	v5 =	vmul.f32 v14, v13;
	vm9 =	vlt.f32 v3, $0.0e+00  }
0x1d1: {  	v3 =	vsel vm9, v18, v4  }
0x1d2: {  	v3 =	vmul.f32 v3, v5;
	_ =	sdelay $0x1  }
0x1d3: {  	[tilespmem:s12+$0xDC10] =	vst v3  }
0x1d4: {  	v3 =	vld.idx.msk [tilespmem:v16+s15+$0x0], $0xffff  }
0x1d5: {  	v19 =	vld.idx.msk [tilespmem:v17+s10+$0x0], $0xffff;
	_ =	sdelay $0x4  }
0x1d6: {  	v3 =	vadd.f32 v19, v3;
	_ =	sdelay $0x1  }
0x1d7: {  	v4 =	vand.u32 $0x7FFFFFFF, v3  }
0x1d8: {  	v4 =	vmul.f32 $-2.000000000e+00, v4;
	_ =	sdelay $0x1  }
0x1d9: {  	v4 =	vmul.f32 $1.442695020e+00, v4;
	_ =	sdelay $0x1  }
0x1da: {  	(erf) = vpow2.f32 v4;
	_ =	sdelay $0x8  }
0x1db: {  	v4 =	vpop (erf)  }
0x1dc: {  	v20 =	vadd.f32 $1.000000000e+00, v4;
	_ =	sdelay $0x1  }
0x1dd: {  	(erf) = vrcp.f32 v20;
	_ =	sdelay $0x6  }
0x1de: {  	v21 =	vld.idx.msk [tilespmem:v17+s7+$0x0], $0xffff  }
0x1df: {  	v22 =	vld.idx.msk [tilespmem:v16+s7+$0x0], $0xffff;
	v4 =	vsub.f32 $1.000000000e+00, v4  }
0x1e0: {  	v23 =	vpop (erf)  }
0x1e1: {  	v24 =	vld [tilespmem:s12+$0xB430];
	v4 =	vmul.f32 v23, v4  }
0x1e2: {  	v25 =	vld [tilespmem:s12+$0xA030]  }
0x1e3: {  	v26 =	vsub.f32 $0.0e+00, v4  }
0x1e4: {  	v5 =	vmul.f32 v22, v21;
	vm10 =	vlt.f32 v3, $0.0e+00  }
0x1e5: {  	v3 =	vsel vm10, v26, v4  }
0x1e6: {  	v3 =	vmul.f32 v3, v5;
	_ =	sdelay $0x1  }
0x1e7: {  	[tilespmem:s12+$0xDC20] =	vst v3  }
0x1e8: {  	v3 =	vld.idx.msk [tilespmem:v24+s15+$0x0], $0xffff  }
0x1e9: {  	v27 =	vld.idx.msk [tilespmem:v25+s10+$0x0], $0xffff;
	_ =	sdelay $0x4  }
0x1ea: {  	v3 =	vadd.f32 v27, v3;
	_ =	sdelay $0x1  }
0x1eb: {  	v4 =	vand.u32 $0x7FFFFFFF, v3  }
0x1ec: {  	v4 =	vmul.f32 $-2.000000000e+00, v4;
	_ =	sdelay $0x1  }
0x1ed: {  	v4 =	vmul.f32 $1.442695020e+00, v4;
	_ =	sdelay $0x1  }
0x1ee: {  	(erf) = vpow2.f32 v4;
	_ =	sdelay $0x8  }
0x1ef: {  	v4 =	vpop (erf)  }
0x1f0: {  	v28 =	vadd.f32 $1.000000000e+00, v4;
	_ =	sdelay $0x1  }
0x1f1: {  	(erf) = vrcp.f32 v28;
	_ =	sdelay $0x6  }
0x1f2: {  	v29 =	vld.idx.msk [tilespmem:v25+s7+$0x0], $0xffff  }
0x1f3: {  	v30 =	vld.idx.msk [tilespmem:v24+s7+$0x0], $0xffff;
	v4 =	vsub.f32 $1.000000000e+00, v4  }
0x1f4: {  	v31 =	vpop (erf)  }
0x1f5: {  	v32 =	vld [tilespmem:s12+$0xB440];
	v4 =	vmul.f32 v31, v4  }
0x1f6: {  	v33 =	vld [tilespmem:s12+$0xA040]  }
0x1f7: {  	v34 =	vsub.f32 $0.0e+00, v4  }
0x1f8: {  	v5 =	vmul.f32 v30, v29;
	vm11 =	vlt.f32 v3, $0.0e+00  }
0x1f9: {  	v3 =	vsel vm11, v34, v4  }
0x1fa: {  	v3 =	vmul.f32 v3, v5;
	_ =	sdelay $0x1  }
0x1fb: {  	[tilespmem:s12+$0xDC30] =	vst v3  }
0x1fc: {  	v3 =	vld.idx.msk [tilespmem:v32+s15+$0x0], $0xffff  }
0x1fd: {  	v35 =	vld.idx.msk [tilespmem:v33+s10+$0x0], $0xffff;
	_ =	sdelay $0x4  }
0x1fe: {  	v3 =	vadd.f32 v35, v3;
	_ =	sdelay $0x1  }
0x1ff: {  	v4 =	vand.u32 $0x7FFFFFFF, v3  }
0x200: {  	v4 =	vmul.f32 $-2.000000000e+00, v4;
	_ =	sdelay $0x1  }
0x201: {  	v4 =	vmul.f32 $1.442695020e+00, v4;
	_ =	sdelay $0x1  }
0x202: {  	(erf) = vpow2.f32 v4;
	_ =	sdelay $0x8  }
0x203: {  	v4 =	vpop (erf)  }
0x204: {  	v36 =	vadd.f32 $1.000000000e+00, v4;
	_ =	sdelay $0x1  }
0x205: {  	(erf) = vrcp.f32 v36;
	_ =	sdelay $0x6  }
0x206: {  	v37 =	vld.idx.msk [tilespmem:v33+s7+$0x0], $0xffff  }
0x207: {  	v38 =	vld.idx.msk [tilespmem:v32+s7+$0x0], $0xffff;
	v4 =	vsub.f32 $1.000000000e+00, v4  }
0x208: {  	v39 =	vpop (erf)  }
0x209: {  	v40 =	vld [tilespmem:s12+$0xB450];
	v4 =	vmul.f32 v39, v4  }
0x20a: {  	v41 =	vld [tilespmem:s12+$0xA050]  }
0x20b: {  	v42 =	vsub.f32 $0.0e+00, v4  }
0x20c: {  	v5 =	vmul.f32 v38, v37;
	vm12 =	vlt.f32 v3, $0.0e+00  }
0x20d: {  	v3 =	vsel vm12, v42, v4  }
0x20e: {  	v3 =	vmul.f32 v3, v5;
	_ =	sdelay $0x1  }
0x20f: {  	[tilespmem:s12+$0xDC40] =	vst v3  }
0x210: {  	v3 =	vld.idx.msk [tilespmem:v40+s15+$0x0], $0xffff  }
0x211: {  	v43 =	vld.idx.msk [tilespmem:v41+s10+$0x0], $0xffff;
	_ =	sdelay $0x4  }
0x212: {  	v3 =	vadd.f32 v43, v3;
	_ =	sdelay $0x1  }
0x213: {  	v4 =	vand.u32 $0x7FFFFFFF, v3  }
0x214: {  	v4 =	vmul.f32 $-2.000000000e+00, v4;
	_ =	sdelay $0x1  }
0x215: {  	v4 =	vmul.f32 $1.442695020e+00, v4;
	_ =	sdelay $0x1  }
0x216: {  	(erf) = vpow2.f32 v4;
	_ =	sdelay $0x8  }
0x217: {  	v4 =	vpop (erf)  }
0x218: {  	v44 =	vadd.f32 $1.000000000e+00, v4;
	_ =	sdelay $0x1  }
0x219: {  	(erf) = vrcp.f32 v44;
	_ =	sdelay $0x6  }
0x21a: {  	v45 =	vld.idx.msk [tilespmem:v41+s7+$0x0], $0xffff  }
0x21b: {  	v46 =	vld.idx.msk [tilespmem:v40+s7+$0x0], $0xffff;
	v4 =	vsub.f32 $1.000000000e+00, v4  }
0x21c: {  	v47 =	vpop (erf)  }
0x21d: {  	v48 =	vld [tilespmem:s12+$0xB460];
	v4 =	vmul.f32 v47, v4  }
0x21e: {  	v49 =	vld [tilespmem:s12+$0xA060]  }
0x21f: {  	v50 =	vsub.f32 $0.0e+00, v4  }
0x220: {  	v5 =	vmul.f32 v46, v45;
	vm13 =	vlt.f32 v3, $0.0e+00  }
0x221: {  	v3 =	vsel vm13, v50, v4  }
0x222: {  	v3 =	vmul.f32 v3, v5;
	_ =	sdelay $0x1  }
0x223: {  	[tilespmem:s12+$0xDC50] =	vst v3  }
0x224: {  	v3 =	vld.idx.msk [tilespmem:v48+s15+$0x0], $0xffff  }
0x225: {  	v51 =	vld.idx.msk [tilespmem:v49+s10+$0x0], $0xffff;
	_ =	sdelay $0x4  }
0x226: {  	v3 =	vadd.f32 v51, v3;
	_ =	sdelay $0x1  }
0x227: {  	v4 =	vand.u32 $0x7FFFFFFF, v3  }
0x228: {  	v4 =	vmul.f32 $-2.000000000e+00, v4;
	_ =	sdelay $0x1  }
0x229: {  	v4 =	vmul.f32 $1.442695020e+00, v4;
	_ =	sdelay $0x1  }
0x22a: {  	(erf) = vpow2.f32 v4;
	_ =	sdelay $0x8  }
0x22b: {  	v4 =	vpop (erf)  }
0x22c: {  	v52 =	vadd.f32 $1.000000000e+00, v4;
	_ =	sdelay $0x1  }
0x22d: {  	(erf) = vrcp.f32 v52;
	_ =	sdelay $0x6  }
0x22e: {  	v53 =	vld.idx.msk [tilespmem:v49+s7+$0x0], $0xffff  }
0x22f: {  	v54 =	vld.idx.msk [tilespmem:v48+s7+$0x0], $0xffff;
	v4 =	vsub.f32 $1.000000000e+00, v4  }
0x230: {  	v55 =	vpop (erf)  }
0x231: {  	v56 =	vld [tilespmem:s12+$0xB470];
	v4 =	vmul.f32 v55, v4  }
0x232: {  	v57 =	vld [tilespmem:s12+$0xA070]  }
0x233: {  	v58 =	vsub.f32 $0.0e+00, v4  }
0x234: {  	v5 =	vmul.f32 v54, v53;
	vm14 =	vlt.f32 v3, $0.0e+00  }
0x235: {  	v3 =	vsel vm14, v58, v4  }
0x236: {  	v3 =	vmul.f32 v3, v5;
	_ =	sdelay $0x1  }
0x237: {  	[tilespmem:s12+$0xDC60] =	vst v3  }
0x238: {  	v3 =	vld.idx.msk [tilespmem:v56+s15+$0x0], $0xffff  }
0x239: {  	v59 =	vld.idx.msk [tilespmem:v57+s10+$0x0], $0xffff;
	_ =	sdelay $0x4  }
0x23a: {  	v3 =	vadd.f32 v59, v3;
	_ =	sdelay $0x1  }
0x23b: {  	v4 =	vand.u32 $0x7FFFFFFF, v3  }
0x23c: {  	v4 =	vmul.f32 $-2.000000000e+00, v4;
	_ =	sdelay $0x1  }
0x23d: {  	v4 =	vmul.f32 $1.442695020e+00, v4;
	_ =	sdelay $0x1  }
0x23e: {  	(erf) = vpow2.f32 v4;
	_ =	sdelay $0x8  }
0x23f: {  	v4 =	vpop (erf)  }
0x240: {  	v60 =	vadd.f32 $1.000000000e+00, v4;
	_ =	sdelay $0x1  }
0x241: {  	(erf) = vrcp.f32 v60;
	_ =	sdelay $0x6  }
0x242: {  	v61 =	vld.idx.msk [tilespmem:v57+s7+$0x0], $0xffff  }
0x243: {  	v62 =	vld.idx.msk [tilespmem:v56+s7+$0x0], $0xffff;
	v4 =	vsub.f32 $1.000000000e+00, v4  }
0x244: {  	v63 =	vpop (erf)  }
0x245: {  	v4 =	vmul.f32 v63, v4;
	_ =	sdelay $0x1  }
0x246: {  	p1 =	sne.s32 s0, $0x4E00;
	v7 =	vsub.f32 $0.0e+00, v4  }
.Ltmp12:
0x247: {  	v5 =	vmul.f32 v62, v61;
	vm15 =	vlt.f32 v3, $0.0e+00;
	(pc) =	sbr.rel @p1 .LBB2_18-.Ltmp12, $3  }
0x248: {  	v3 =	vsel vm15, v7, v4  }
0x249: {  	v3 =	vmul.f32 v3, v5;
	_ =	sdelay $0x1  }
0x24a: {  	s0 =	sadd.s32 $0x200, s0;
	[tilespmem:s12+$0xDC70] =	vst v3  }
.Ltmp13:
0x24b: {  	_ = 	snop;
	(pc) =	sbr.rel .LBB2_19-.Ltmp13, $1  }
0x24c: {  	_ =	sdelay $0x3  }
.LBB2_28:
0x24d: {  	s0 =	simm.s32 $0x3  }
0x24e: {  	_ =	swait.ge [sflag:s0], $0x2000  }
0x24f: {  	[sflag:s0] =	ssyncset.done $0x0  }
0x250: {  	s12 =	simm.s32 $0x4;
	[sflag:s0] =	ssyncadd.s32 $0xFFFFE000  }
0x251: {  	_ =	swait.ge [sflag:s12], $0x2000  }
0x252: {  	[sflag:s12] =	ssyncset.done $0x0  }
0x253: {  	s0 =	sshll.u32 s15, $0x5;
	s25 =	rddreg [dreg:$0xd];
	[sflag:s12] =	ssyncadd.s32 $0xFFFFE000  }
0x254: {  	s16 =	stileid.u32;
	s12 =	sadd.s32 s25, s0;
	[bflag:$0x0] =	sbarrier.arrive $0xFFFF  }
0x255: {  	s16 =	sshll.u32 s16, $0x6;
	s12 =	sshrl.u32 s12, $0x3;
	s24 =	rddreg [dreg:$0x13]  }
0x256: {  	s16 =	sor.u32 $0x1C05, s16;
	s20 =	sadd.s32 s18, s12;
	s21 =	sshrl.u32 s24, $0x3  }
0x257: {  	[hbm:s20@s13], [sflag:s16] =	dma.strided [spmem:s21@s14], $0x200, s1, $0x4   }
0x258: {  	_ =	swait.ge [sflag:s5], $0x200  }
0x259: {  	[sflag:s5] =	ssyncset.done $0x0  }
0x25a: {  	s12 =	sadd.s32 s19, s12;
	s31 =	rddreg [dreg:$0x19];
	[sflag:s5] =	ssyncadd.s32 $0xFFFFFE00  }
0x25b: {  	[hbm:s12@s13], [sflag:s16] =	dma.strided [spmem:s31@s14], $0x200, s1, $0x4   }
0x25c: {  	_ =	swait.ge [sflag:s5], $0x200  }
0x25d: {  	s21 =	rddreg [dreg:$0xe]  }
0x25e: {  	s12 =	sadd.s32 s21, s0  }
0x25f: {  	[sflag:s5] =	ssyncset.done $0x0;
	s25 =	rddreg [dreg:$0x14];
	s12 =	sshrl.u32 s12, $0x3  }
0x260: {  	[sflag:s5] =	ssyncadd.s32 $0xFFFFFE00;
	s23 =	sshrl.u32 s25, $0x3;
	s22 =	sadd.s32 s18, s12  }
0x261: {  	[hbm:s22@s13], [sflag:s16] =	dma.strided [spmem:s23@s14], $0x200, s1, $0x4   }
0x262: {  	_ =	swait.ge [sflag:s5], $0x200  }
0x263: {  	[sflag:s5] =	ssyncset.done $0x0  }
0x264: {  	s12 =	sadd.s32 s19, s12;
	s31 =	rddreg [dreg:$0x1a];
	[sflag:s5] =	ssyncadd.s32 $0xFFFFFE00  }
0x265: {  	[hbm:s12@s13], [sflag:s16] =	dma.strided [spmem:s31@s14], $0x200, s1, $0x4   }
0x266: {  	_ =	swait.ge [sflag:s5], $0x200  }
0x267: {  	s21 =	rddreg [dreg:$0xf]  }
0x268: {  	s12 =	sadd.s32 s21, s0  }
0x269: {  	[sflag:s5] =	ssyncset.done $0x0;
	s28 =	rddreg [dreg:$0x15];
	s12 =	sshrl.u32 s12, $0x3  }
0x26a: {  	[sflag:s5] =	ssyncadd.s32 $0xFFFFFE00;
	s23 =	sshrl.u32 s28, $0x3;
	s22 =	sadd.s32 s18, s12  }
0x26b: {  	[hbm:s22@s13], [sflag:s16] =	dma.strided [spmem:s23@s14], $0x200, s1, $0x4   }
0x26c: {  	_ =	swait.ge [sflag:s5], $0x200  }
0x26d: {  	[sflag:s5] =	ssyncset.done $0x0  }
0x26e: {  	s12 =	sadd.s32 s19, s12;
	s31 =	rddreg [dreg:$0x1b];
	[sflag:s5] =	ssyncadd.s32 $0xFFFFFE00  }
0x26f: {  	[hbm:s12@s13], [sflag:s16] =	dma.strided [spmem:s31@s14], $0x200, s1, $0x4   }
0x270: {  	_ =	swait.ge [sflag:s5], $0x200  }
0x271: {  	s21 =	rddreg [dreg:$0x10]  }
0x272: {  	s12 =	sadd.s32 s21, s0  }
0x273: {  	[sflag:s5] =	ssyncset.done $0x0;
	s29 =	rddreg [dreg:$0x16];
	s12 =	sshrl.u32 s12, $0x3  }
0x274: {  	[sflag:s5] =	ssyncadd.s32 $0xFFFFFE00;
	s23 =	sshrl.u32 s29, $0x3;
	s22 =	sadd.s32 s18, s12  }
0x275: {  	[hbm:s22@s13], [sflag:s16] =	dma.strided [spmem:s23@s14], $0x200, s1, $0x4   }
0x276: {  	_ =	swait.ge [sflag:s5], $0x200  }
0x277: {  	[sflag:s5] =	ssyncset.done $0x0  }
0x278: {  	s12 =	sadd.s32 s19, s12;
	s31 =	rddreg [dreg:$0x1c];
	[sflag:s5] =	ssyncadd.s32 $0xFFFFFE00  }
0x279: {  	[hbm:s12@s13], [sflag:s16] =	dma.strided [spmem:s31@s14], $0x200, s1, $0x4   }
0x27a: {  	_ =	swait.ge [sflag:s5], $0x200  }
0x27b: {  	s21 =	rddreg [dreg:$0x11]  }
0x27c: {  	s0 =	sadd.s32 s21, s0  }
0x27d: {  	[sflag:s5] =	ssyncset.done $0x0;
	s30 =	rddreg [dreg:$0x17];
	s0 =	sshrl.u32 s0, $0x3  }
0x27e: {  	[sflag:s5] =	ssyncadd.s32 $0xFFFFFE00;
	s23 =	sshrl.u32 s30, $0x3;
	s22 =	sadd.s32 s18, s0  }
0x27f: {  	[hbm:s22@s13], [sflag:s16] =	dma.strided [spmem:s23@s14], $0x200, s1, $0x4   }
0x280: {  	s15 =	sadd.s32 $0x1, s15;
	_ =	swait.ge [sflag:s5], $0x200  }
0x281: {  	p1 =	sne.s32 s15, $0x10;
	[sflag:s5] =	ssyncset.done $0x0  }
0x282: {  	s0 =	sadd.s32 s19, s0;
	s31 =	rddreg [dreg:$0x1d];
	[sflag:s5] =	ssyncadd.s32 $0xFFFFFE00  }
0x283: {  	[hbm:s0@s13], [sflag:s16] =	dma.strided [spmem:s31@s14], $0x200, s1, $0x4   }
.Ltmp14:
0x284: {  	_ =	swait.ge [sflag:s5], $0x200;
	(pc) =	sbr.rel @!p1 .LBB2_29-.Ltmp14, $3  }
0x285: {  	[sflag:s5] =	ssyncset.done $0x0  }
0x286: {  	[sflag:s5] =	ssyncadd.s32 $0xFFFFFE00  }
0x287: {  	[bflag:$0x0] =	sbarrier.arrive $0xFFFF;
	_ =	sdelay $0x1  }
.LBB2_19:
0x288: {  	s0 =	simm.s32 $0x11180  }
0x289: {  	[tilespmem:s0+$0xFFFFFF80] =	vst v1  }
0x28a: {  	[tilespmem:s0+$0x70] =	vst v1  }
0x28b: {  	[tilespmem:s0+$0x60] =	vst v1  }
0x28c: {  	[tilespmem:s0+$0x50] =	vst v1  }
0x28d: {  	[tilespmem:s0+$0x40] =	vst v1  }
0x28e: {  	[tilespmem:s0+$0x30] =	vst v1  }
0x28f: {  	[tilespmem:s0+$0x20] =	vst v1  }
0x290: {  	[tilespmem:s0+$0x10] =	vst v1  }
0x291: {  	[tilespmem:s0+$0x0] =	vst v1  }
0x292: {  	[tilespmem:s0+$0xFFFFFFF0] =	vst v1  }
0x293: {  	[tilespmem:s0+$0xFFFFFFE0] =	vst v1  }
0x294: {  	[tilespmem:s0+$0xFFFFFFD0] =	vst v1  }
0x295: {  	[tilespmem:s0+$0xFFFFFFC0] =	vst v1  }
0x296: {  	[tilespmem:s0+$0xFFFFFFB0] =	vst v1  }
0x297: {  	s12 =	simm.s32 $0x0;
	[tilespmem:s0+$0xFFFFFFA0] =	vst v1  }
.LBB2_20:
0x298: {  	s12 =	sadd.s32 $0x4, s12;
	[tilespmem:s0+$0xFFFFFF90] =	vst v1;
	s0 =	sadd.s32 $0x100, s0  }
0x299: {  	[tilespmem:s0+$0xFFFFFF80] =	vst v1;
	p1 =	slt.u32 s12, $0x7C  }
0x29a: {  	[tilespmem:s0+$0x70] =	vst v1  }
0x29b: {  	[tilespmem:s0+$0x60] =	vst v1  }
0x29c: {  	[tilespmem:s0+$0x50] =	vst v1  }
0x29d: {  	[tilespmem:s0+$0x40] =	vst v1  }
0x29e: {  	[tilespmem:s0+$0x30] =	vst v1  }
0x29f: {  	[tilespmem:s0+$0x20] =	vst v1  }
0x2a0: {  	[tilespmem:s0+$0x10] =	vst v1  }
0x2a1: {  	[tilespmem:s0+$0x0] =	vst v1  }
0x2a2: {  	[tilespmem:s0+$0xFFFFFFF0] =	vst v1  }
.Ltmp15:
0x2a3: {  	[tilespmem:s0+$0xFFFFFFE0] =	vst v1;
	(pc) =	sbr.rel @p1 .LBB2_20-.Ltmp15, $4  }
0x2a4: {  	[tilespmem:s0+$0xFFFFFFD0] =	vst v1  }
0x2a5: {  	[tilespmem:s0+$0xFFFFFFC0] =	vst v1  }
0x2a6: {  	[tilespmem:s0+$0xFFFFFFB0] =	vst v1  }
0x2a7: {  	[tilespmem:s0+$0xFFFFFFA0] =	vst v1  }
0x2a8: {  	[tilespmem:s0+$0xFFFFFF90] =	vst v1  }
0x2a9: {  	[spmem:s24] =	stream.linear.scatter [tilespmem:s11], [sflag:$0x5], $0x2000, $0x38;
	[tilespmem:$0x1F600] =	vst v63  }
0x2aa: {  	_ =	swait.ge [sflag:s5], $0x2000  }
0x2ab: {  	[sflag:s5] =	ssyncset.done $0x0  }
0x2ac: {  	[sflag:s5] =	ssyncadd.s32 $0xFFFFE000  }
0x2ad: {  	[spmem:s25] =	stream.linear.scatter [tilespmem:s11], [sflag:$0x5], $0x2000, $0x38;
	[tilespmem:$0x1F600] =	vst v63  }
0x2ae: {  	_ =	swait.ge [sflag:s5], $0x2000  }
0x2af: {  	[sflag:s5] =	ssyncset.done $0x0  }
0x2b0: {  	[sflag:s5] =	ssyncadd.s32 $0xFFFFE000  }
0x2b1: {  	[spmem:s28] =	stream.linear.scatter [tilespmem:s11], [sflag:$0x5], $0x2000, $0x38;
	[tilespmem:$0x1F600] =	vst v63  }
0x2b2: {  	_ =	swait.ge [sflag:s5], $0x2000  }
0x2b3: {  	[sflag:s5] =	ssyncset.done $0x0  }
0x2b4: {  	[sflag:s5] =	ssyncadd.s32 $0xFFFFE000  }
0x2b5: {  	[spmem:s29] =	stream.linear.scatter [tilespmem:s11], [sflag:$0x5], $0x2000, $0x38;
	[tilespmem:$0x1F600] =	vst v63  }
0x2b6: {  	_ =	swait.ge [sflag:s5], $0x2000  }
0x2b7: {  	[sflag:s5] =	ssyncset.done $0x0  }
0x2b8: {  	[sflag:s5] =	ssyncadd.s32 $0xFFFFE000  }
0x2b9: {  	[spmem:s30] =	stream.linear.scatter [tilespmem:s11], [sflag:$0x5], $0x2000, $0x38;
	[tilespmem:$0x1F600] =	vst v63  }
0x2ba: {  	_ =	swait.ge [sflag:s5], $0x2000  }
0x2bb: {  	[sflag:s5] =	ssyncset.done $0x0  }
0x2bc: {  	[sflag:s5] =	ssyncadd.s32 $0xFFFFE000  }
0x2bd: {  	[bflag:$0x0] =	sbarrier.arrive $0xFFFF  }
0x2be: {  	v3 =	vld [tilespmem:$0xA000]  }
0x2bf: {  	v4 =	vld [tilespmem:$0xA010]  }
0x2c0: {  	v5 =	vld [tilespmem:$0xA020]  }
0x2c1: {  	s25 =	smul.u32 $0x2800, s15;
	v6 =	vld [tilespmem:$0xA030]  }
0x2c2: {  	v7 =	vld [tilespmem:$0xA040]  }
0x2c3: {  	v8 =	vld [tilespmem:$0xA050];
	v3 =	vadd.s32 s25, v3  }
0x2c4: {  	[tilespmem:$0xF000] =	vst v3;
	v3 =	vadd.s32 s25, v4;
	v4 =	vld [tilespmem:$0xA060]  }
0x2c5: {  	[tilespmem:$0xF010] =	vst v3;
	v3 =	vadd.s32 s25, v5;
	v5 =	vld [tilespmem:$0xA070]  }
0x2c6: {  	[tilespmem:$0xF020] =	vst v3;
	v3 =	vadd.s32 s25, v6  }
0x2c7: {  	[tilespmem:$0xF030] =	vst v3;
	v3 =	vadd.s32 s25, v7  }
0x2c8: {  	[tilespmem:$0xF040] =	vst v3;
	v3 =	vadd.s32 s25, v8  }
0x2c9: {  	[tilespmem:$0xF050] =	vst v3;
	v3 =	vadd.s32 s25, v4  }
0x2ca: {  	[tilespmem:$0xF060] =	vst v3;
	v3 =	vadd.s32 s25, v5  }
0x2cb: {  	s12 =	simm.s32 $0xF000;
	s16 =	simm.s32 $0xF100;
	[tilespmem:$0xF070] =	vst v3  }
0x2cc: {  	[tilespmem:s16], [sflag:$0x1] =	stream.indirect.gather [hbm4b:s17+s8], $0x20, s12, s8, $0xb8;
	[tilespmem:$0x1F600] =	vst v63  }
0x2cd: {  	v3 =	vld [tilespmem:$0xA080]  }
0x2ce: {  	v4 =	vld [tilespmem:$0xA090]  }
0x2cf: {  	v5 =	vld [tilespmem:$0xA0A0]  }
0x2d0: {  	v61 =	vld [tilespmem:$0xA0B0]  }
0x2d1: {  	v62 =	vld [tilespmem:$0xA0C0]  }
0x2d2: {  	v63 =	vld [tilespmem:$0xA0D0];
	v3 =	vadd.s32 s25, v3  }
0x2d3: {  	[tilespmem:$0xF080] =	vst v3;
	v3 =	vadd.s32 s25, v4;
	v4 =	vld [tilespmem:$0xA0E0]  }
0x2d4: {  	[tilespmem:$0xF090] =	vst v3;
	v3 =	vadd.s32 s25, v5;
	v5 =	vld [tilespmem:$0xA0F0]  }
0x2d5: {  	[tilespmem:$0xF0A0] =	vst v3;
	v3 =	vadd.s32 s25, v61  }
0x2d6: {  	[tilespmem:$0xF0B0] =	vst v3;
	v3 =	vadd.s32 s25, v62  }
0x2d7: {  	[tilespmem:$0xF0C0] =	vst v3;
	v3 =	vadd.s32 s25, v63  }
0x2d8: {  	[tilespmem:$0xF0D0] =	vst v3;
	v3 =	vadd.s32 s25, v4  }
0x2d9: {  	s31 =	simm.s32 $0xDC80;
	s28 =	simm.s32 $0xC800;
	[tilespmem:$0xF0E0] =	vst v3;
	v3 =	vadd.s32 s25, v5  }
0x2da: {  	s29 =	simm.s32 $0xDC00;
	s30 =	simm.s32 $0xC880;
	s16 =	simm.s32 $0x0;
	[tilespmem:$0xF0F0] =	vst v3  }
0x2db: {  	v3 =	vmov s25;
	[tilespmem:s4], [sflag:$0x2] =	stream.indirect.gather [hbm4b:s17+s8], $0x20, s26, s8, $0xb8;
	[tilespmem:$0x1F600] =	vst v63  }
.LBB2_22:
0x2dc: {  	_ =	swait.ge [sflag:s1], $0x1000  }
0x2dd: {  	p1 =	seq.s32 s16, $0x0;
	v4 =	vmov s28;
	[sflag:s1] =	ssyncset.done $0x0  }
0x2de: {  	v5 =	vmov s29;
	s0 =	simm.s32 @!p1 $0x3;
	[sflag:s1] =	ssyncadd.s32 $0xFFFFF000  }
0x2df: {  	_ =	swait.ge @!p1 [sflag:s0], $0x2000  }
0x2e0: {  	[sflag:s0] =	ssyncset.done @!p1 $0x0  }
0x2e1: {  	s12 =	simm.s32 $0x0;
	[sflag:s0] =	ssyncadd.s32 @!p1 $0xFFFFE000  }
0x2e2: {  	v6 =	vld.idx.msk [tilespmem:v4+s12+$0x0 ss:$0x1], $0xffff  }
0x2e3: {  	s0 =	simm.s32 $0xF200;
	v7 =	vld.idx.msk [tilespmem:v5+s12+$0x0 ss:$0x1], $0xffff  }
0x2e4: {  	v8 =	vld [tilespmem:s0+$0xFFFFFF00];
	_ =	sdelay $0x2  }
0x2e5: {  	v9 =	vbroadcast v6, $0x0  }
0x2e6: {  	v10 =	vbroadcast v7, $0x0  }
0x2e7: {  	v11 =	vmul.f32 v8, v9  }
0x2e8: {  	s12 =	simm.s32 $0x11300;
	v8 =	vmul.f32 v10, v8  }
0x2e9: {  	[tilespmem:s12+$0xFFFFFE00] =	vst v11  }
0x2ea: {  	[tilespmem:s12+$0xFFFFFE20] =	vst v8  }
0x2eb: {  	v8 =	vld [tilespmem:s0+$0xFFFFFF10];
	_ =	sdelay $0x4  }
0x2ec: {  	v9 =	vmul.f32 v8, v9  }
0x2ed: {  	v8 =	vmul.f32 v8, v10  }
0x2ee: {  	[tilespmem:s12+$0xFFFFFE10] =	vst v9  }
0x2ef: {  	[tilespmem:s12+$0xFFFFFE30] =	vst v8  }
0x2f0: {  	v8 =	vld [tilespmem:s0+$0xFFFFFF20];
	_ =	sdelay $0x2  }
0x2f1: {  	v9 =	vbroadcast v6, $0x1  }
0x2f2: {  	v10 =	vbroadcast v7, $0x1  }
0x2f3: {  	v11 =	vmul.f32 v8, v9  }
0x2f4: {  	v8 =	vmul.f32 v8, v10  }
0x2f5: {  	[tilespmem:s12+$0xFFFFFE40] =	vst v11  }
0x2f6: {  	[tilespmem:s12+$0xFFFFFE60] =	vst v8  }
0x2f7: {  	v8 =	vld [tilespmem:s0+$0xFFFFFF30];
	_ =	sdelay $0x4  }
0x2f8: {  	v9 =	vmul.f32 v8, v9  }
0x2f9: {  	v8 =	vmul.f32 v8, v10  }
0x2fa: {  	[tilespmem:s12+$0xFFFFFE50] =	vst v9  }
0x2fb: {  	[tilespmem:s12+$0xFFFFFE70] =	vst v8  }
0x2fc: {  	v8 =	vld [tilespmem:s0+$0xFFFFFF40];
	_ =	sdelay $0x2  }
0x2fd: {  	v9 =	vbroadcast v6, $0x2  }
0x2fe: {  	v10 =	vbroadcast v7, $0x2  }
0x2ff: {  	v11 =	vmul.f32 v8, v9  }
0x300: {  	v8 =	vmul.f32 v8, v10  }
0x301: {  	[tilespmem:s12+$0xFFFFFE80] =	vst v11  }
0x302: {  	[tilespmem:s12+$0xFFFFFEA0] =	vst v8  }
0x303: {  	v8 =	vld [tilespmem:s0+$0xFFFFFF50];
	_ =	sdelay $0x4  }
0x304: {  	v9 =	vmul.f32 v8, v9  }
0x305: {  	v8 =	vmul.f32 v8, v10  }
0x306: {  	[tilespmem:s12+$0xFFFFFE90] =	vst v9  }
0x307: {  	[tilespmem:s12+$0xFFFFFEB0] =	vst v8  }
0x308: {  	v8 =	vld [tilespmem:s0+$0xFFFFFF60];
	_ =	sdelay $0x2  }
0x309: {  	v9 =	vbroadcast v6, $0x3  }
0x30a: {  	v10 =	vbroadcast v7, $0x3  }
0x30b: {  	v11 =	vmul.f32 v8, v9  }
0x30c: {  	v8 =	vmul.f32 v8, v10  }
0x30d: {  	[tilespmem:s12+$0xFFFFFEC0] =	vst v11  }
0x30e: {  	[tilespmem:s12+$0xFFFFFEE0] =	vst v8  }
0x30f: {  	v8 =	vld [tilespmem:s0+$0xFFFFFF70];
	_ =	sdelay $0x4  }
0x310: {  	v9 =	vmul.f32 v8, v9  }
0x311: {  	v8 =	vmul.f32 v8, v10  }
0x312: {  	[tilespmem:s12+$0xFFFFFED0] =	vst v9  }
0x313: {  	[tilespmem:s12+$0xFFFFFEF0] =	vst v8  }
0x314: {  	v8 =	vld [tilespmem:s0+$0xFFFFFF80];
	_ =	sdelay $0x2  }
0x315: {  	v9 =	vbroadcast v6, $0x4  }
0x316: {  	v10 =	vbroadcast v7, $0x4  }
0x317: {  	v11 =	vmul.f32 v8, v9  }
0x318: {  	v8 =	vmul.f32 v8, v10  }
0x319: {  	[tilespmem:s12+$0xFFFFFF00] =	vst v11  }
0x31a: {  	[tilespmem:s12+$0xFFFFFF20] =	vst v8  }
0x31b: {  	v8 =	vld [tilespmem:s0+$0xFFFFFF90];
	_ =	sdelay $0x4  }
0x31c: {  	v9 =	vmul.f32 v8, v9  }
0x31d: {  	v8 =	vmul.f32 v8, v10  }
0x31e: {  	[tilespmem:s12+$0xFFFFFF10] =	vst v9  }
0x31f: {  	[tilespmem:s12+$0xFFFFFF30] =	vst v8  }
0x320: {  	v8 =	vld [tilespmem:s0+$0xFFFFFFA0];
	_ =	sdelay $0x2  }
0x321: {  	v9 =	vbroadcast v6, $0x5  }
0x322: {  	v10 =	vbroadcast v7, $0x5  }
0x323: {  	v11 =	vmul.f32 v8, v9  }
0x324: {  	v8 =	vmul.f32 v8, v10  }
0x325: {  	[tilespmem:s12+$0xFFFFFF40] =	vst v11  }
0x326: {  	[tilespmem:s12+$0xFFFFFF60] =	vst v8  }
0x327: {  	v8 =	vld [tilespmem:s0+$0xFFFFFFB0];
	_ =	sdelay $0x4  }
0x328: {  	v9 =	vmul.f32 v8, v9  }
0x329: {  	v8 =	vmul.f32 v8, v10  }
0x32a: {  	[tilespmem:s12+$0xFFFFFF50] =	vst v9  }
0x32b: {  	[tilespmem:s12+$0xFFFFFF70] =	vst v8  }
0x32c: {  	v8 =	vld [tilespmem:s0+$0xFFFFFFC0];
	_ =	sdelay $0x2  }
0x32d: {  	v9 =	vbroadcast v6, $0x6  }
0x32e: {  	v10 =	vbroadcast v7, $0x6  }
0x32f: {  	v11 =	vmul.f32 v8, v9  }
0x330: {  	v8 =	vmul.f32 v8, v10  }
0x331: {  	[tilespmem:s12+$0xFFFFFF80] =	vst v11  }
0x332: {  	[tilespmem:s12+$0xFFFFFFA0] =	vst v8  }
0x333: {  	v8 =	vld [tilespmem:s0+$0xFFFFFFD0];
	_ =	sdelay $0x4  }
0x334: {  	v9 =	vmul.f32 v8, v9  }
0x335: {  	v8 =	vmul.f32 v8, v10  }
0x336: {  	[tilespmem:s12+$0xFFFFFF90] =	vst v9  }
0x337: {  	[tilespmem:s12+$0xFFFFFFB0] =	vst v8  }
0x338: {  	v8 =	vld [tilespmem:s0+$0xFFFFFFE0];
	_ =	sdelay $0x2  }
0x339: {  	v9 =	vbroadcast v6, $0x7  }
0x33a: {  	v10 =	vbroadcast v7, $0x7  }
0x33b: {  	v11 =	vmul.f32 v8, v9  }
0x33c: {  	v8 =	vmul.f32 v8, v10  }
0x33d: {  	[tilespmem:s12+$0xFFFFFFC0] =	vst v11  }
0x33e: {  	[tilespmem:s12+$0xFFFFFFE0] =	vst v8  }
0x33f: {  	v8 =	vld [tilespmem:s0+$0xFFFFFFF0];
	_ =	sdelay $0x4  }
0x340: {  	v9 =	vmul.f32 v8, v9  }
0x341: {  	v8 =	vmul.f32 v8, v10  }
0x342: {  	[tilespmem:s12+$0xFFFFFFD0] =	vst v9  }
0x343: {  	[tilespmem:s12+$0xFFFFFFF0] =	vst v8  }
0x344: {  	v8 =	vld [tilespmem:s0+$0x0];
	_ =	sdelay $0x2  }
0x345: {  	v9 =	vbroadcast v6, $0x8  }
0x346: {  	v10 =	vbroadcast v7, $0x8  }
0x347: {  	v11 =	vmul.f32 v8, v9  }
0x348: {  	v8 =	vmul.f32 v8, v10  }
0x349: {  	[tilespmem:s12+$0x0] =	vst v11  }
0x34a: {  	[tilespmem:s12+$0x20] =	vst v8  }
0x34b: {  	v8 =	vld [tilespmem:s0+$0x10];
	_ =	sdelay $0x4  }
0x34c: {  	v9 =	vmul.f32 v8, v9  }
0x34d: {  	v8 =	vmul.f32 v8, v10  }
0x34e: {  	[tilespmem:s12+$0x10] =	vst v9  }
0x34f: {  	[tilespmem:s12+$0x30] =	vst v8  }
0x350: {  	v8 =	vld [tilespmem:s0+$0x20];
	_ =	sdelay $0x2  }
0x351: {  	v9 =	vbroadcast v6, $0x9  }
0x352: {  	v10 =	vbroadcast v7, $0x9  }
0x353: {  	v11 =	vmul.f32 v8, v9  }
0x354: {  	v8 =	vmul.f32 v8, v10  }
0x355: {  	[tilespmem:s12+$0x40] =	vst v11  }
0x356: {  	[tilespmem:s12+$0x60] =	vst v8  }
0x357: {  	v8 =	vld [tilespmem:s0+$0x30];
	_ =	sdelay $0x4  }
0x358: {  	v9 =	vmul.f32 v8, v9  }
0x359: {  	v8 =	vmul.f32 v8, v10  }
0x35a: {  	[tilespmem:s12+$0x50] =	vst v9  }
0x35b: {  	[tilespmem:s12+$0x70] =	vst v8  }
0x35c: {  	v8 =	vld [tilespmem:s0+$0x40];
	_ =	sdelay $0x2  }
0x35d: {  	v9 =	vbroadcast v6, $0xA  }
0x35e: {  	v10 =	vbroadcast v7, $0xA  }
0x35f: {  	v11 =	vmul.f32 v8, v9  }
0x360: {  	v8 =	vmul.f32 v8, v10  }
0x361: {  	[tilespmem:s12+$0x80] =	vst v11  }
0x362: {  	[tilespmem:s12+$0xA0] =	vst v8  }
0x363: {  	v8 =	vld [tilespmem:s0+$0x50];
	_ =	sdelay $0x4  }
0x364: {  	v9 =	vmul.f32 v8, v9  }
0x365: {  	v8 =	vmul.f32 v8, v10  }
0x366: {  	[tilespmem:s12+$0x90] =	vst v9  }
0x367: {  	[tilespmem:s12+$0xB0] =	vst v8  }
0x368: {  	v8 =	vld [tilespmem:s0+$0x60];
	_ =	sdelay $0x2  }
0x369: {  	v9 =	vbroadcast v6, $0xB  }
0x36a: {  	v10 =	vbroadcast v7, $0xB  }
0x36b: {  	v11 =	vmul.f32 v8, v9  }
0x36c: {  	v8 =	vmul.f32 v8, v10  }
0x36d: {  	[tilespmem:s12+$0xC0] =	vst v11  }
0x36e: {  	[tilespmem:s12+$0xE0] =	vst v8  }
0x36f: {  	v8 =	vld [tilespmem:s0+$0x70];
	_ =	sdelay $0x4  }
0x370: {  	v9 =	vmul.f32 v8, v9  }
0x371: {  	v8 =	vmul.f32 v8, v10  }
0x372: {  	[tilespmem:s12+$0xD0] =	vst v9  }
0x373: {  	[tilespmem:s12+$0xF0] =	vst v8  }
0x374: {  	v8 =	vld [tilespmem:s0+$0x80];
	_ =	sdelay $0x2  }
0x375: {  	v9 =	vbroadcast v6, $0xC  }
0x376: {  	v10 =	vbroadcast v7, $0xC  }
0x377: {  	v11 =	vmul.f32 v8, v9  }
0x378: {  	v8 =	vmul.f32 v8, v10  }
0x379: {  	[tilespmem:s12+$0x100] =	vst v11  }
0x37a: {  	[tilespmem:s12+$0x120] =	vst v8  }
0x37b: {  	v8 =	vld [tilespmem:s0+$0x90];
	_ =	sdelay $0x4  }
0x37c: {  	v9 =	vmul.f32 v8, v9  }
0x37d: {  	v8 =	vmul.f32 v8, v10  }
0x37e: {  	[tilespmem:s12+$0x110] =	vst v9  }
0x37f: {  	[tilespmem:s12+$0x130] =	vst v8  }
0x380: {  	v8 =	vld [tilespmem:s0+$0xA0];
	_ =	sdelay $0x2  }
0x381: {  	v9 =	vbroadcast v6, $0xD  }
0x382: {  	v10 =	vbroadcast v7, $0xD  }
0x383: {  	v11 =	vmul.f32 v8, v9  }
0x384: {  	v8 =	vmul.f32 v8, v10  }
0x385: {  	[tilespmem:s12+$0x140] =	vst v11  }
0x386: {  	[tilespmem:s12+$0x160] =	vst v8  }
0x387: {  	v8 =	vld [tilespmem:s0+$0xB0];
	_ =	sdelay $0x4  }
0x388: {  	v9 =	vmul.f32 v8, v9  }
0x389: {  	v10 =	vmul.f32 v8, v10  }
0x38a: {  	[tilespmem:s12+$0x150] =	vst v9  }
0x38b: {  	s20 =	sshll.u32 s16, $0x1;
	v8 =	vbroadcast v6, $0xE;
	v6 =	vbroadcast v6, $0xF;
	[tilespmem:s12+$0x170] =	vst v10  }
0x38c: {  	s23 =	simm.s32 $0x40;
	s21 =	simm.s32 $0x11300;
	s22 =	simm.s32 $0xF200;
	v9 =	vbroadcast v7, $0xE;
	v7 =	vbroadcast v7, $0xF;
	v10 =	vld [tilespmem:s0+$0xC0]  }
.LBB2_23:
0x38d: {  	_ =	sdelay $0x1  }
0x38e: {  	p2 =	sne.s32 s23, $0x1C0;
	s0 =	sadd.s32 $0x200, s0;
	s12 =	sadd.s32 $0x400, s12  }
0x38f: {  	s24 =	smov.u32 s23;
	s23 =	sadd.s32 $0x40, s23  }
0x390: {  	v11 =	vmul.f32 v10, v8;
	v10 =	vmul.f32 v10, v9;
	_ =	sdelay $0x1  }
0x391: {  	[tilespmem:s21+$0x180] =	vst v11  }
0x392: {  	[tilespmem:s21+$0x1A0] =	vst v10  }
0x393: {  	v10 =	vld [tilespmem:s22+$0xD0];
	_ =	sdelay $0x4  }
0x394: {  	v8 =	vmul.f32 v10, v8;
	v9 =	vmul.f32 v10, v9;
	_ =	sdelay $0x1  }
0x395: {  	[tilespmem:s21+$0x190] =	vst v8  }
0x396: {  	[tilespmem:s21+$0x1B0] =	vst v9  }
0x397: {  	v8 =	vld [tilespmem:s22+$0xE0];
	_ =	sdelay $0x4  }
0x398: {  	v9 =	vmul.f32 v8, v6;
	v8 =	vmul.f32 v8, v7;
	_ =	sdelay $0x1  }
0x399: {  	[tilespmem:s21+$0x1C0] =	vst v9  }
0x39a: {  	[tilespmem:s21+$0x1E0] =	vst v8  }
0x39b: {  	v8 =	vld [tilespmem:s22+$0xF0];
	s22 =	smov.u32 s0;
	_ =	sdelay $0x4  }
0x39c: {  	v6 =	vmul.f32 v8, v6;
	v7 =	vmul.f32 v8, v7;
	_ =	sdelay $0x1  }
0x39d: {  	[tilespmem:s21+$0x1D0] =	vst v6  }
0x39e: {  	s24 =	sshra.s32 s24, $0x2;
	[tilespmem:s21+$0x1F0] =	vst v7;
	s21 =	smov.u32 s12  }
0x39f: {  	v6 =	vld.idx.msk [tilespmem:v4+s24+$0x0 ss:$0x1], $0xffff  }
0x3a0: {  	v7 =	vld.idx.msk [tilespmem:v5+s24+$0x0 ss:$0x1], $0xffff;
	_ =	sdelay $0x1  }
0x3a1: {  	v8 =	vld [tilespmem:s0+$0xFFFFFF00];
	_ =	sdelay $0x2  }
0x3a2: {  	v9 =	vbroadcast v6, $0x0  }
0x3a3: {  	v10 =	vbroadcast v7, $0x0  }
0x3a4: {  	v11 =	vmul.f32 v8, v9  }
0x3a5: {  	v8 =	vmul.f32 v10, v8  }
0x3a6: {  	[tilespmem:s12+$0xFFFFFE00] =	vst v11  }
0x3a7: {  	[tilespmem:s12+$0xFFFFFE20] =	vst v8  }
0x3a8: {  	v8 =	vld [tilespmem:s0+$0xFFFFFF10];
	_ =	sdelay $0x4  }
0x3a9: {  	v9 =	vmul.f32 v8, v9;
	v8 =	vmul.f32 v8, v10;
	_ =	sdelay $0x1  }
0x3aa: {  	[tilespmem:s12+$0xFFFFFE10] =	vst v9  }
0x3ab: {  	[tilespmem:s12+$0xFFFFFE30] =	vst v8  }
0x3ac: {  	v8 =	vld [tilespmem:s0+$0xFFFFFF20]  }
0x3ad: {  	v10 =	vbroadcast v7, $0x1;
	v9 =	vbroadcast v6, $0x1;
	_ =	sdelay $0x3  }
0x3ae: {  	v11 =	vmul.f32 v8, v9;
	v8 =	vmul.f32 v8, v10;
	_ =	sdelay $0x1  }
0x3af: {  	[tilespmem:s12+$0xFFFFFE40] =	vst v11  }
0x3b0: {  	[tilespmem:s12+$0xFFFFFE60] =	vst v8  }
0x3b1: {  	v8 =	vld [tilespmem:s0+$0xFFFFFF30];
	_ =	sdelay $0x4  }
0x3b2: {  	v9 =	vmul.f32 v8, v9;
	v8 =	vmul.f32 v8, v10;
	_ =	sdelay $0x1  }
0x3b3: {  	[tilespmem:s12+$0xFFFFFE50] =	vst v9  }
0x3b4: {  	v9 =	vbroadcast v7, $0x2;
	[tilespmem:s12+$0xFFFFFE70] =	vst v8;
	v8 =	vbroadcast v6, $0x2  }
0x3b5: {  	v10 =	vld [tilespmem:s0+$0xFFFFFF40];
	_ =	sdelay $0x4  }
0x3b6: {  	v11 =	vmul.f32 v10, v8;
	v10 =	vmul.f32 v10, v9;
	_ =	sdelay $0x1  }
0x3b7: {  	[tilespmem:s12+$0xFFFFFE80] =	vst v11  }
0x3b8: {  	[tilespmem:s12+$0xFFFFFEA0] =	vst v10  }
0x3b9: {  	v10 =	vld [tilespmem:s0+$0xFFFFFF50];
	_ =	sdelay $0x4  }
0x3ba: {  	v8 =	vmul.f32 v10, v8;
	v9 =	vmul.f32 v10, v9  }
0x3bb: {  	v11 =	vbroadcast v7, $0x3;
	v10 =	vbroadcast v6, $0x3  }
0x3bc: {  	[tilespmem:s12+$0xFFFFFE90] =	vst v8  }
0x3bd: {  	[tilespmem:s12+$0xFFFFFEB0] =	vst v9  }
0x3be: {  	v8 =	vld [tilespmem:s0+$0xFFFFFF60];
	_ =	sdelay $0x4  }
0x3bf: {  	v9 =	vmul.f32 v8, v10;
	v8 =	vmul.f32 v8, v11;
	_ =	sdelay $0x1  }
0x3c0: {  	[tilespmem:s12+$0xFFFFFEC0] =	vst v9  }
0x3c1: {  	[tilespmem:s12+$0xFFFFFEE0] =	vst v8  }
0x3c2: {  	v8 =	vld [tilespmem:s0+$0xFFFFFF70];
	_ =	sdelay $0x3  }
0x3c3: {  	v12 =	vbroadcast v7, $0x4;
	v9 =	vbroadcast v6, $0x4  }
0x3c4: {  	v10 =	vmul.f32 v8, v10;
	v8 =	vmul.f32 v8, v11;
	_ =	sdelay $0x1  }
0x3c5: {  	[tilespmem:s12+$0xFFFFFED0] =	vst v10  }
0x3c6: {  	[tilespmem:s12+$0xFFFFFEF0] =	vst v8  }
0x3c7: {  	v8 =	vld [tilespmem:s0+$0xFFFFFF80];
	_ =	sdelay $0x4  }
0x3c8: {  	v10 =	vmul.f32 v8, v9;
	v8 =	vmul.f32 v8, v12;
	_ =	sdelay $0x1  }
0x3c9: {  	[tilespmem:s12+$0xFFFFFF00] =	vst v10  }
0x3ca: {  	[tilespmem:s12+$0xFFFFFF20] =	vst v8  }
0x3cb: {  	v8 =	vld [tilespmem:s0+$0xFFFFFF90];
	_ =	sdelay $0x1  }
0x3cc: {  	v11 =	vbroadcast v7, $0x5;
	v10 =	vbroadcast v6, $0x5;
	_ =	sdelay $0x2  }
0x3cd: {  	v9 =	vmul.f32 v8, v9;
	v8 =	vmul.f32 v8, v12;
	_ =	sdelay $0x1  }
0x3ce: {  	[tilespmem:s12+$0xFFFFFF10] =	vst v9  }
0x3cf: {  	[tilespmem:s12+$0xFFFFFF30] =	vst v8  }
0x3d0: {  	v8 =	vld [tilespmem:s0+$0xFFFFFFA0];
	_ =	sdelay $0x4  }
0x3d1: {  	v9 =	vmul.f32 v8, v10;
	v8 =	vmul.f32 v8, v11;
	_ =	sdelay $0x1  }
0x3d2: {  	[tilespmem:s12+$0xFFFFFF40] =	vst v9  }
0x3d3: {  	[tilespmem:s12+$0xFFFFFF60] =	vst v8  }
0x3d4: {  	v12 =	vbroadcast v7, $0x6;
	v9 =	vbroadcast v6, $0x6;
	v8 =	vld [tilespmem:s0+$0xFFFFFFB0];
	_ =	sdelay $0x4  }
0x3d5: {  	v10 =	vmul.f32 v8, v10;
	v8 =	vmul.f32 v8, v11;
	_ =	sdelay $0x1  }
0x3d6: {  	[tilespmem:s12+$0xFFFFFF50] =	vst v10  }
0x3d7: {  	[tilespmem:s12+$0xFFFFFF70] =	vst v8  }
0x3d8: {  	v8 =	vld [tilespmem:s0+$0xFFFFFFC0];
	_ =	sdelay $0x4  }
0x3d9: {  	v10 =	vmul.f32 v8, v9;
	v8 =	vmul.f32 v8, v12;
	_ =	sdelay $0x1  }
0x3da: {  	v11 =	vbroadcast v7, $0x7;
	[tilespmem:s12+$0xFFFFFF80] =	vst v10;
	v10 =	vbroadcast v6, $0x7  }
0x3db: {  	[tilespmem:s12+$0xFFFFFFA0] =	vst v8  }
0x3dc: {  	v8 =	vld [tilespmem:s0+$0xFFFFFFD0];
	_ =	sdelay $0x4  }
0x3dd: {  	v9 =	vmul.f32 v8, v9;
	v8 =	vmul.f32 v8, v12;
	_ =	sdelay $0x1  }
0x3de: {  	[tilespmem:s12+$0xFFFFFF90] =	vst v9  }
0x3df: {  	[tilespmem:s12+$0xFFFFFFB0] =	vst v8  }
0x3e0: {  	v8 =	vld [tilespmem:s0+$0xFFFFFFE0];
	_ =	sdelay $0x3  }
0x3e1: {  	v12 =	vbroadcast v7, $0x8;
	v9 =	vbroadcast v6, $0x8  }
0x3e2: {  	v13 =	vmul.f32 v8, v10;
	v8 =	vmul.f32 v8, v11;
	_ =	sdelay $0x1  }
0x3e3: {  	[tilespmem:s12+$0xFFFFFFC0] =	vst v13  }
0x3e4: {  	[tilespmem:s12+$0xFFFFFFE0] =	vst v8  }
0x3e5: {  	v8 =	vld [tilespmem:s0+$0xFFFFFFF0];
	_ =	sdelay $0x4  }
0x3e6: {  	v10 =	vmul.f32 v8, v10;
	v8 =	vmul.f32 v8, v11;
	_ =	sdelay $0x1  }
0x3e7: {  	[tilespmem:s12+$0xFFFFFFD0] =	vst v10  }
0x3e8: {  	[tilespmem:s12+$0xFFFFFFF0] =	vst v8  }
0x3e9: {  	v8 =	vld [tilespmem:s0+$0x0];
	_ =	sdelay $0x2  }
0x3ea: {  	v11 =	vbroadcast v7, $0x9;
	v10 =	vbroadcast v6, $0x9;
	_ =	sdelay $0x1  }
0x3eb: {  	v13 =	vmul.f32 v8, v9;
	v8 =	vmul.f32 v8, v12;
	_ =	sdelay $0x1  }
0x3ec: {  	[tilespmem:s12+$0x0] =	vst v13  }
0x3ed: {  	[tilespmem:s12+$0x20] =	vst v8  }
0x3ee: {  	v8 =	vld [tilespmem:s0+$0x10];
	_ =	sdelay $0x4  }
0x3ef: {  	v9 =	vmul.f32 v8, v9;
	v8 =	vmul.f32 v8, v12;
	_ =	sdelay $0x1  }
0x3f0: {  	[tilespmem:s12+$0x10] =	vst v9  }
0x3f1: {  	[tilespmem:s12+$0x30] =	vst v8  }
0x3f2: {  	v8 =	vld [tilespmem:s0+$0x20]  }
0x3f3: {  	v12 =	vbroadcast v7, $0xA;
	v9 =	vbroadcast v6, $0xA;
	_ =	sdelay $0x3  }
0x3f4: {  	v13 =	vmul.f32 v8, v10;
	v8 =	vmul.f32 v8, v11;
	_ =	sdelay $0x1  }
0x3f5: {  	[tilespmem:s12+$0x40] =	vst v13  }
0x3f6: {  	[tilespmem:s12+$0x60] =	vst v8  }
0x3f7: {  	v8 =	vld [tilespmem:s0+$0x30];
	_ =	sdelay $0x4  }
0x3f8: {  	v10 =	vmul.f32 v8, v10;
	v8 =	vmul.f32 v8, v11;
	_ =	sdelay $0x1  }
0x3f9: {  	[tilespmem:s12+$0x50] =	vst v10  }
0x3fa: {  	v10 =	vbroadcast v7, $0xB;
	[tilespmem:s12+$0x70] =	vst v8;
	v8 =	vbroadcast v6, $0xB  }
0x3fb: {  	v11 =	vld [tilespmem:s0+$0x40];
	_ =	sdelay $0x4  }
0x3fc: {  	v13 =	vmul.f32 v11, v9;
	v11 =	vmul.f32 v11, v12;
	_ =	sdelay $0x1  }
0x3fd: {  	[tilespmem:s12+$0x80] =	vst v13  }
0x3fe: {  	[tilespmem:s12+$0xA0] =	vst v11  }
0x3ff: {  	v11 =	vld [tilespmem:s0+$0x50];
	_ =	sdelay $0x4  }
0x400: {  	v9 =	vmul.f32 v11, v9;
	v11 =	vmul.f32 v11, v12  }
0x401: {  	v13 =	vbroadcast v7, $0xC;
	v12 =	vbroadcast v6, $0xC  }
0x402: {  	[tilespmem:s12+$0x90] =	vst v9  }
0x403: {  	[tilespmem:s12+$0xB0] =	vst v11  }
0x404: {  	v9 =	vld [tilespmem:s0+$0x60];
	_ =	sdelay $0x4  }
0x405: {  	v11 =	vmul.f32 v9, v8;
	v9 =	vmul.f32 v9, v10;
	_ =	sdelay $0x1  }
0x406: {  	[tilespmem:s12+$0xC0] =	vst v11  }
0x407: {  	[tilespmem:s12+$0xE0] =	vst v9  }
0x408: {  	v9 =	vld [tilespmem:s0+$0x70];
	_ =	sdelay $0x3  }
0x409: {  	v14 =	vbroadcast v7, $0xD;
	v11 =	vbroadcast v6, $0xD  }
0x40a: {  	v8 =	vmul.f32 v9, v8;
	v9 =	vmul.f32 v9, v10;
	_ =	sdelay $0x1  }
0x40b: {  	[tilespmem:s12+$0xD0] =	vst v8  }
0x40c: {  	[tilespmem:s12+$0xF0] =	vst v9  }
0x40d: {  	v8 =	vld [tilespmem:s0+$0x80];
	_ =	sdelay $0x4  }
0x40e: {  	v9 =	vmul.f32 v8, v12;
	v8 =	vmul.f32 v8, v13;
	_ =	sdelay $0x1  }
0x40f: {  	[tilespmem:s12+$0x100] =	vst v9  }
0x410: {  	[tilespmem:s12+$0x120] =	vst v8  }
0x411: {  	v10 =	vld [tilespmem:s0+$0x90];
	_ =	sdelay $0x1  }
0x412: {  	v9 =	vbroadcast v7, $0xE;
	v8 =	vbroadcast v6, $0xE;
	_ =	sdelay $0x2  }
0x413: {  	v12 =	vmul.f32 v10, v12;
	v10 =	vmul.f32 v10, v13;
	_ =	sdelay $0x1  }
0x414: {  	[tilespmem:s12+$0x110] =	vst v12  }
0x415: {  	[tilespmem:s12+$0x130] =	vst v10  }
0x416: {  	v10 =	vld [tilespmem:s0+$0xA0];
	_ =	sdelay $0x4  }
0x417: {  	v12 =	vmul.f32 v10, v11;
	v10 =	vmul.f32 v10, v14;
	_ =	sdelay $0x1  }
0x418: {  	[tilespmem:s12+$0x140] =	vst v12  }
0x419: {  	[tilespmem:s12+$0x160] =	vst v10  }
0x41a: {  	v7 =	vbroadcast v7, $0xF;
	v6 =	vbroadcast v6, $0xF;
	v10 =	vld [tilespmem:s0+$0xB0];
	_ =	sdelay $0x4  }
.Ltmp16:
0x41b: {  	v11 =	vmul.f32 v10, v11;
	v10 =	vmul.f32 v10, v14;
	(pc) =	sbr.rel @p2 .LBB2_23-.Ltmp16, $4  }
0x41c: {  	_ = 	snop  }
0x41d: {  	[tilespmem:s12+$0x150] =	vst v11  }
0x41e: {  	[tilespmem:s12+$0x170] =	vst v10  }
0x41f: {  	v10 =	vld [tilespmem:s0+$0xC0]  }
0x420: {  	_ =	sdelay $0x3  }
0x421: {  	v4 =	vmul.f32 v10, v8  }
0x422: {  	v5 =	vmul.f32 v10, v9  }
0x423: {  	[tilespmem:s21+$0x180] =	vst v4  }
0x424: {  	[tilespmem:s21+$0x1A0] =	vst v5  }
0x425: {  	v4 =	vld [tilespmem:s22+$0xD0];
	_ =	sdelay $0x4  }
0x426: {  	v5 =	vmul.f32 v4, v8  }
0x427: {  	v4 =	vmul.f32 v4, v9  }
0x428: {  	[tilespmem:s21+$0x190] =	vst v5  }
0x429: {  	[tilespmem:s21+$0x1B0] =	vst v4  }
0x42a: {  	v4 =	vld [tilespmem:s22+$0xE0];
	_ =	sdelay $0x4  }
0x42b: {  	v5 =	vmul.f32 v4, v6  }
0x42c: {  	v4 =	vmul.f32 v4, v7  }
0x42d: {  	[tilespmem:s21+$0x1C0] =	vst v5  }
0x42e: {  	[tilespmem:s21+$0x1E0] =	vst v4  }
0x42f: {  	v4 =	vld [tilespmem:s22+$0xF0];
	_ =	sdelay $0x4  }
0x430: {  	v5 =	vmul.f32 v4, v6  }
0x431: {  	s12 =	sshll.u32 s16, $0xA;
	v4 =	vmul.f32 v4, v7  }
0x432: {  	p2 =	seq.s32 s16, $0x13;
	s0 =	sshrl.u32 s12, $0x2;
	[tilespmem:s21+$0x1D0] =	vst v5  }
0x433: {  	s12 =	sshrl.u32 @!p2 s12, $0x2;
	s24 =	sadd.s32 $0xB400, s0;
	[tilespmem:s21+$0x1F0] =	vst v4  }
0x434: {  	[spmem:s2] =	stream.indirect.scatter.add.f32 [tilespmem:s11], [sflag:$0x3], $0x40, s24, s8, $0xb8;
	[tilespmem:$0x1F600] =	vst v63  }
0x435: {  	v4 =	vld @!p2 [tilespmem:s12+$0xA100];
	_ =	sdelay $0x4  }
0x436: {  	v4 =	vadd.s32 @!p2 v3, v4  }
0x437: {  	[tilespmem:$0xF000] =	vst @!p2 v4  }
0x438: {  	v4 =	vld @!p2 [tilespmem:s12+$0xA110];
	_ =	sdelay $0x4  }
0x439: {  	v4 =	vadd.s32 @!p2 v3, v4  }
0x43a: {  	[tilespmem:$0xF010] =	vst @!p2 v4  }
0x43b: {  	v4 =	vld @!p2 [tilespmem:s12+$0xA120];
	_ =	sdelay $0x4  }
0x43c: {  	v4 =	vadd.s32 @!p2 v3, v4  }
0x43d: {  	[tilespmem:$0xF020] =	vst @!p2 v4  }
0x43e: {  	v4 =	vld @!p2 [tilespmem:s12+$0xA130];
	_ =	sdelay $0x4  }
0x43f: {  	v4 =	vadd.s32 @!p2 v3, v4  }
0x440: {  	[tilespmem:$0xF030] =	vst @!p2 v4  }
0x441: {  	v4 =	vld @!p2 [tilespmem:s12+$0xA140];
	_ =	sdelay $0x4  }
0x442: {  	v4 =	vadd.s32 @!p2 v3, v4  }
0x443: {  	[tilespmem:$0xF040] =	vst @!p2 v4  }
0x444: {  	v4 =	vld @!p2 [tilespmem:s12+$0xA150];
	_ =	sdelay $0x4  }
0x445: {  	v4 =	vadd.s32 @!p2 v3, v4  }
0x446: {  	[tilespmem:$0xF050] =	vst @!p2 v4  }
0x447: {  	v4 =	vld @!p2 [tilespmem:s12+$0xA160];
	_ =	sdelay $0x4  }
0x448: {  	v4 =	vadd.s32 @!p2 v3, v4  }
0x449: {  	[tilespmem:$0xF060] =	vst @!p2 v4  }
0x44a: {  	v4 =	vld @!p2 [tilespmem:s12+$0xA170];
	_ =	sdelay $0x4  }
0x44b: {  	v4 =	vadd.s32 @!p2 v3, v4  }
0x44c: {  	s22 =	simm.s32 @!p2 $0xF100;
	s21 =	simm.s32 @!p2 $0xF000;
	s12 =	simm.s32 @!p2 $0x80;
	[tilespmem:$0xF070] =	vst @!p2 v4  }
0x44d: {  	[tilespmem:s22], [sflag:$0x1] =	stream.indirect.gather @!p2 [hbm4b:s17+s12], $0x20, s21, s12, $0xb8;
	[tilespmem:$0x1F600] =	vst v63  }
0x44e: {  	_ =	swait.ge [sflag:s6], $0x1000  }
0x44f: {  	v4 =	vmov s30;
	[sflag:s6] =	ssyncset.done $0x0  }
0x450: {  	v5 =	vmov s31;
	s12 =	simm.s32 @!p1 $0x4;
	[sflag:s6] =	ssyncadd.s32 $0xFFFFF000  }
0x451: {  	_ =	swait.ge @!p1 [sflag:s12], $0x2000  }
0x452: {  	[sflag:s12] =	ssyncset.done @!p1 $0x0  }
0x453: {  	s25 =	simm.s32 $0x0;
	[sflag:s12] =	ssyncadd.s32 @!p1 $0xFFFFE000  }
0x454: {  	v6 =	vld.idx.msk [tilespmem:v4+s25+$0x0 ss:$0x1], $0xffff  }
0x455: {  	s12 =	simm.s32 $0x10200;
	v7 =	vld.idx.msk [tilespmem:v5+s25+$0x0 ss:$0x1], $0xffff  }
0x456: {  	v8 =	vld [tilespmem:s12+$0xFFFFFF00];
	_ =	sdelay $0x2  }
0x457: {  	v9 =	vbroadcast v6, $0x0  }
0x458: {  	v10 =	vbroadcast v7, $0x0  }
0x459: {  	v11 =	vmul.f32 v8, v9  }
0x45a: {  	s21 =	simm.s32 $0x13300;
	v8 =	vmul.f32 v10, v8  }
0x45b: {  	[tilespmem:s21+$0xFFFFFE00] =	vst v11  }
0x45c: {  	[tilespmem:s21+$0xFFFFFE20] =	vst v8  }
0x45d: {  	v8 =	vld [tilespmem:s12+$0xFFFFFF10];
	_ =	sdelay $0x4  }
0x45e: {  	v9 =	vmul.f32 v8, v9  }
0x45f: {  	v8 =	vmul.f32 v8, v10  }
0x460: {  	[tilespmem:s21+$0xFFFFFE10] =	vst v9  }
0x461: {  	[tilespmem:s21+$0xFFFFFE30] =	vst v8  }
0x462: {  	v8 =	vld [tilespmem:s12+$0xFFFFFF20];
	_ =	sdelay $0x2  }
0x463: {  	v9 =	vbroadcast v6, $0x1  }
0x464: {  	v10 =	vbroadcast v7, $0x1  }
0x465: {  	v11 =	vmul.f32 v8, v9  }
0x466: {  	v8 =	vmul.f32 v8, v10  }
0x467: {  	[tilespmem:s21+$0xFFFFFE40] =	vst v11  }
0x468: {  	[tilespmem:s21+$0xFFFFFE60] =	vst v8  }
0x469: {  	v8 =	vld [tilespmem:s12+$0xFFFFFF30];
	_ =	sdelay $0x4  }
0x46a: {  	v9 =	vmul.f32 v8, v9  }
0x46b: {  	v8 =	vmul.f32 v8, v10  }
0x46c: {  	[tilespmem:s21+$0xFFFFFE50] =	vst v9  }
0x46d: {  	[tilespmem:s21+$0xFFFFFE70] =	vst v8  }
0x46e: {  	v8 =	vld [tilespmem:s12+$0xFFFFFF40];
	_ =	sdelay $0x2  }
0x46f: {  	v9 =	vbroadcast v6, $0x2  }
0x470: {  	v10 =	vbroadcast v7, $0x2  }
0x471: {  	v11 =	vmul.f32 v8, v9  }
0x472: {  	v8 =	vmul.f32 v8, v10  }
0x473: {  	[tilespmem:s21+$0xFFFFFE80] =	vst v11  }
0x474: {  	[tilespmem:s21+$0xFFFFFEA0] =	vst v8  }
0x475: {  	v8 =	vld [tilespmem:s12+$0xFFFFFF50];
	_ =	sdelay $0x4  }
0x476: {  	v9 =	vmul.f32 v8, v9  }
0x477: {  	v8 =	vmul.f32 v8, v10  }
0x478: {  	[tilespmem:s21+$0xFFFFFE90] =	vst v9  }
0x479: {  	[tilespmem:s21+$0xFFFFFEB0] =	vst v8  }
0x47a: {  	v8 =	vld [tilespmem:s12+$0xFFFFFF60];
	_ =	sdelay $0x2  }
0x47b: {  	v9 =	vbroadcast v6, $0x3  }
0x47c: {  	v10 =	vbroadcast v7, $0x3  }
0x47d: {  	v11 =	vmul.f32 v8, v9  }
0x47e: {  	v8 =	vmul.f32 v8, v10  }
0x47f: {  	[tilespmem:s21+$0xFFFFFEC0] =	vst v11  }
0x480: {  	[tilespmem:s21+$0xFFFFFEE0] =	vst v8  }
0x481: {  	v8 =	vld [tilespmem:s12+$0xFFFFFF70];
	_ =	sdelay $0x4  }
0x482: {  	v9 =	vmul.f32 v8, v9  }
0x483: {  	v8 =	vmul.f32 v8, v10  }
0x484: {  	[tilespmem:s21+$0xFFFFFED0] =	vst v9  }
0x485: {  	[tilespmem:s21+$0xFFFFFEF0] =	vst v8  }
0x486: {  	v8 =	vld [tilespmem:s12+$0xFFFFFF80];
	_ =	sdelay $0x2  }
0x487: {  	v9 =	vbroadcast v6, $0x4  }
0x488: {  	v10 =	vbroadcast v7, $0x4  }
0x489: {  	v11 =	vmul.f32 v8, v9  }
0x48a: {  	v8 =	vmul.f32 v8, v10  }
0x48b: {  	[tilespmem:s21+$0xFFFFFF00] =	vst v11  }
0x48c: {  	[tilespmem:s21+$0xFFFFFF20] =	vst v8  }
0x48d: {  	v8 =	vld [tilespmem:s12+$0xFFFFFF90];
	_ =	sdelay $0x4  }
0x48e: {  	v9 =	vmul.f32 v8, v9  }
0x48f: {  	v8 =	vmul.f32 v8, v10  }
0x490: {  	[tilespmem:s21+$0xFFFFFF10] =	vst v9  }
0x491: {  	[tilespmem:s21+$0xFFFFFF30] =	vst v8  }
0x492: {  	v8 =	vld [tilespmem:s12+$0xFFFFFFA0];
	_ =	sdelay $0x2  }
0x493: {  	v9 =	vbroadcast v6, $0x5  }
0x494: {  	v10 =	vbroadcast v7, $0x5  }
0x495: {  	v11 =	vmul.f32 v8, v9  }
0x496: {  	v8 =	vmul.f32 v8, v10  }
0x497: {  	[tilespmem:s21+$0xFFFFFF40] =	vst v11  }
0x498: {  	[tilespmem:s21+$0xFFFFFF60] =	vst v8  }
0x499: {  	v8 =	vld [tilespmem:s12+$0xFFFFFFB0];
	_ =	sdelay $0x4  }
0x49a: {  	v9 =	vmul.f32 v8, v9  }
0x49b: {  	v8 =	vmul.f32 v8, v10  }
0x49c: {  	[tilespmem:s21+$0xFFFFFF50] =	vst v9  }
0x49d: {  	[tilespmem:s21+$0xFFFFFF70] =	vst v8  }
0x49e: {  	v8 =	vld [tilespmem:s12+$0xFFFFFFC0];
	_ =	sdelay $0x2  }
0x49f: {  	v9 =	vbroadcast v6, $0x6  }
0x4a0: {  	v10 =	vbroadcast v7, $0x6  }
0x4a1: {  	v11 =	vmul.f32 v8, v9  }
0x4a2: {  	v8 =	vmul.f32 v8, v10  }
0x4a3: {  	[tilespmem:s21+$0xFFFFFF80] =	vst v11  }
0x4a4: {  	[tilespmem:s21+$0xFFFFFFA0] =	vst v8  }
0x4a5: {  	v8 =	vld [tilespmem:s12+$0xFFFFFFD0];
	_ =	sdelay $0x4  }
0x4a6: {  	v9 =	vmul.f32 v8, v9  }
0x4a7: {  	v8 =	vmul.f32 v8, v10  }
0x4a8: {  	[tilespmem:s21+$0xFFFFFF90] =	vst v9  }
0x4a9: {  	[tilespmem:s21+$0xFFFFFFB0] =	vst v8  }
0x4aa: {  	v8 =	vld [tilespmem:s12+$0xFFFFFFE0];
	_ =	sdelay $0x2  }
0x4ab: {  	v9 =	vbroadcast v6, $0x7  }
0x4ac: {  	v10 =	vbroadcast v7, $0x7  }
0x4ad: {  	v11 =	vmul.f32 v8, v9  }
0x4ae: {  	v8 =	vmul.f32 v8, v10  }
0x4af: {  	[tilespmem:s21+$0xFFFFFFC0] =	vst v11  }
0x4b0: {  	[tilespmem:s21+$0xFFFFFFE0] =	vst v8  }
0x4b1: {  	v8 =	vld [tilespmem:s12+$0xFFFFFFF0];
	_ =	sdelay $0x4  }
0x4b2: {  	v9 =	vmul.f32 v8, v9  }
0x4b3: {  	v8 =	vmul.f32 v8, v10  }
0x4b4: {  	[tilespmem:s21+$0xFFFFFFD0] =	vst v9  }
0x4b5: {  	[tilespmem:s21+$0xFFFFFFF0] =	vst v8  }
0x4b6: {  	v8 =	vld [tilespmem:s12+$0x0];
	_ =	sdelay $0x2  }
0x4b7: {  	v9 =	vbroadcast v6, $0x8  }
0x4b8: {  	v10 =	vbroadcast v7, $0x8  }
0x4b9: {  	v11 =	vmul.f32 v8, v9  }
0x4ba: {  	v8 =	vmul.f32 v8, v10  }
0x4bb: {  	[tilespmem:s21+$0x0] =	vst v11  }
0x4bc: {  	[tilespmem:s21+$0x20] =	vst v8  }
0x4bd: {  	v8 =	vld [tilespmem:s12+$0x10];
	_ =	sdelay $0x4  }
0x4be: {  	v9 =	vmul.f32 v8, v9  }
0x4bf: {  	v8 =	vmul.f32 v8, v10  }
0x4c0: {  	[tilespmem:s21+$0x10] =	vst v9  }
0x4c1: {  	[tilespmem:s21+$0x30] =	vst v8  }
0x4c2: {  	v8 =	vld [tilespmem:s12+$0x20];
	_ =	sdelay $0x2  }
0x4c3: {  	v9 =	vbroadcast v6, $0x9  }
0x4c4: {  	v10 =	vbroadcast v7, $0x9  }
0x4c5: {  	v11 =	vmul.f32 v8, v9  }
0x4c6: {  	v8 =	vmul.f32 v8, v10  }
0x4c7: {  	[tilespmem:s21+$0x40] =	vst v11  }
0x4c8: {  	[tilespmem:s21+$0x60] =	vst v8  }
0x4c9: {  	v8 =	vld [tilespmem:s12+$0x30];
	_ =	sdelay $0x4  }
0x4ca: {  	v9 =	vmul.f32 v8, v9  }
0x4cb: {  	v8 =	vmul.f32 v8, v10  }
0x4cc: {  	[tilespmem:s21+$0x50] =	vst v9  }
0x4cd: {  	[tilespmem:s21+$0x70] =	vst v8  }
0x4ce: {  	v8 =	vld [tilespmem:s12+$0x40];
	_ =	sdelay $0x2  }
0x4cf: {  	v9 =	vbroadcast v6, $0xA  }
0x4d0: {  	v10 =	vbroadcast v7, $0xA  }
0x4d1: {  	v11 =	vmul.f32 v8, v9  }
0x4d2: {  	v8 =	vmul.f32 v8, v10  }
0x4d3: {  	[tilespmem:s21+$0x80] =	vst v11  }
0x4d4: {  	[tilespmem:s21+$0xA0] =	vst v8  }
0x4d5: {  	v8 =	vld [tilespmem:s12+$0x50];
	_ =	sdelay $0x4  }
0x4d6: {  	v9 =	vmul.f32 v8, v9  }
0x4d7: {  	v8 =	vmul.f32 v8, v10  }
0x4d8: {  	[tilespmem:s21+$0x90] =	vst v9  }
0x4d9: {  	[tilespmem:s21+$0xB0] =	vst v8  }
0x4da: {  	v8 =	vld [tilespmem:s12+$0x60];
	_ =	sdelay $0x2  }
0x4db: {  	v9 =	vbroadcast v6, $0xB  }
0x4dc: {  	v10 =	vbroadcast v7, $0xB  }
0x4dd: {  	v11 =	vmul.f32 v8, v9  }
0x4de: {  	v8 =	vmul.f32 v8, v10  }
0x4df: {  	[tilespmem:s21+$0xC0] =	vst v11  }
0x4e0: {  	[tilespmem:s21+$0xE0] =	vst v8  }
0x4e1: {  	v8 =	vld [tilespmem:s12+$0x70];
	_ =	sdelay $0x4  }
0x4e2: {  	v9 =	vmul.f32 v8, v9  }
0x4e3: {  	v8 =	vmul.f32 v8, v10  }
0x4e4: {  	[tilespmem:s21+$0xD0] =	vst v9  }
0x4e5: {  	[tilespmem:s21+$0xF0] =	vst v8  }
0x4e6: {  	v8 =	vld [tilespmem:s12+$0x80];
	_ =	sdelay $0x2  }
0x4e7: {  	v9 =	vbroadcast v6, $0xC  }
0x4e8: {  	v10 =	vbroadcast v7, $0xC  }
0x4e9: {  	v11 =	vmul.f32 v8, v9  }
0x4ea: {  	v8 =	vmul.f32 v8, v10  }
0x4eb: {  	[tilespmem:s21+$0x100] =	vst v11  }
0x4ec: {  	[tilespmem:s21+$0x120] =	vst v8  }
0x4ed: {  	v8 =	vld [tilespmem:s12+$0x90];
	_ =	sdelay $0x4  }
0x4ee: {  	v9 =	vmul.f32 v8, v9  }
0x4ef: {  	v8 =	vmul.f32 v8, v10  }
0x4f0: {  	[tilespmem:s21+$0x110] =	vst v9  }
0x4f1: {  	[tilespmem:s21+$0x130] =	vst v8  }
0x4f2: {  	v8 =	vld [tilespmem:s12+$0xA0];
	_ =	sdelay $0x2  }
0x4f3: {  	v9 =	vbroadcast v6, $0xD  }
0x4f4: {  	v10 =	vbroadcast v7, $0xD  }
0x4f5: {  	v11 =	vmul.f32 v8, v9  }
0x4f6: {  	v8 =	vmul.f32 v8, v10  }
0x4f7: {  	[tilespmem:s21+$0x140] =	vst v11  }
0x4f8: {  	[tilespmem:s21+$0x160] =	vst v8  }
0x4f9: {  	v8 =	vld [tilespmem:s12+$0xB0];
	_ =	sdelay $0x4  }
0x4fa: {  	v9 =	vmul.f32 v8, v9  }
0x4fb: {  	v10 =	vmul.f32 v8, v10  }
0x4fc: {  	[tilespmem:s21+$0x150] =	vst v9  }
0x4fd: {  	s20 =	sor.u32 $0x1, s20;
	v8 =	vbroadcast v6, $0xE;
	v6 =	vbroadcast v6, $0xF;
	[tilespmem:s21+$0x170] =	vst v10  }
0x4fe: {  	s23 =	simm.s32 $0x10200;
	s24 =	simm.s32 $0x40;
	s22 =	simm.s32 $0x13300;
	v9 =	vbroadcast v7, $0xE;
	v7 =	vbroadcast v7, $0xF;
	v10 =	vld [tilespmem:s12+$0xC0]  }
.LBB2_25:
0x4ff: {  	_ =	sdelay $0x1  }
0x500: {  	p1 =	sne.s32 s24, $0x1C0;
	s12 =	sadd.s32 $0x200, s12;
	s21 =	sadd.s32 $0x400, s21  }
0x501: {  	s25 =	smov.u32 s24;
	s24 =	sadd.s32 $0x40, s24  }
0x502: {  	v11 =	vmul.f32 v10, v8;
	v10 =	vmul.f32 v10, v9;
	_ =	sdelay $0x1  }
0x503: {  	[tilespmem:s22+$0x180] =	vst v11  }
0x504: {  	[tilespmem:s22+$0x1A0] =	vst v10  }
0x505: {  	v10 =	vld [tilespmem:s23+$0xD0];
	_ =	sdelay $0x4  }
0x506: {  	v8 =	vmul.f32 v10, v8;
	v9 =	vmul.f32 v10, v9;
	_ =	sdelay $0x1  }
0x507: {  	[tilespmem:s22+$0x190] =	vst v8  }
0x508: {  	[tilespmem:s22+$0x1B0] =	vst v9  }
0x509: {  	v8 =	vld [tilespmem:s23+$0xE0];
	_ =	sdelay $0x4  }
0x50a: {  	v9 =	vmul.f32 v8, v6;
	v8 =	vmul.f32 v8, v7;
	_ =	sdelay $0x1  }
0x50b: {  	[tilespmem:s22+$0x1C0] =	vst v9  }
0x50c: {  	[tilespmem:s22+$0x1E0] =	vst v8  }
0x50d: {  	v8 =	vld [tilespmem:s23+$0xF0];
	s23 =	smov.u32 s12;
	_ =	sdelay $0x4  }
0x50e: {  	v6 =	vmul.f32 v8, v6;
	v7 =	vmul.f32 v8, v7;
	_ =	sdelay $0x1  }
0x50f: {  	[tilespmem:s22+$0x1D0] =	vst v6  }
0x510: {  	s25 =	sshra.s32 s25, $0x2;
	[tilespmem:s22+$0x1F0] =	vst v7;
	s22 =	smov.u32 s21  }
0x511: {  	v6 =	vld.idx.msk [tilespmem:v4+s25+$0x0 ss:$0x1], $0xffff  }
0x512: {  	v7 =	vld.idx.msk [tilespmem:v5+s25+$0x0 ss:$0x1], $0xffff;
	_ =	sdelay $0x1  }
0x513: {  	v8 =	vld [tilespmem:s12+$0xFFFFFF00];
	_ =	sdelay $0x2  }
0x514: {  	v9 =	vbroadcast v6, $0x0  }
0x515: {  	v10 =	vbroadcast v7, $0x0  }
0x516: {  	v11 =	vmul.f32 v8, v9  }
0x517: {  	v8 =	vmul.f32 v10, v8  }
0x518: {  	[tilespmem:s21+$0xFFFFFE00] =	vst v11  }
0x519: {  	[tilespmem:s21+$0xFFFFFE20] =	vst v8  }
0x51a: {  	v8 =	vld [tilespmem:s12+$0xFFFFFF10];
	_ =	sdelay $0x4  }
0x51b: {  	v9 =	vmul.f32 v8, v9;
	v8 =	vmul.f32 v8, v10;
	_ =	sdelay $0x1  }
0x51c: {  	[tilespmem:s21+$0xFFFFFE10] =	vst v9  }
0x51d: {  	[tilespmem:s21+$0xFFFFFE30] =	vst v8  }
0x51e: {  	v8 =	vld [tilespmem:s12+$0xFFFFFF20]  }
0x51f: {  	v10 =	vbroadcast v7, $0x1;
	v9 =	vbroadcast v6, $0x1;
	_ =	sdelay $0x3  }
0x520: {  	v11 =	vmul.f32 v8, v9;
	v8 =	vmul.f32 v8, v10;
	_ =	sdelay $0x1  }
0x521: {  	[tilespmem:s21+$0xFFFFFE40] =	vst v11  }
0x522: {  	[tilespmem:s21+$0xFFFFFE60] =	vst v8  }
0x523: {  	v8 =	vld [tilespmem:s12+$0xFFFFFF30];
	_ =	sdelay $0x4  }
0x524: {  	v9 =	vmul.f32 v8, v9;
	v8 =	vmul.f32 v8, v10;
	_ =	sdelay $0x1  }
0x525: {  	[tilespmem:s21+$0xFFFFFE50] =	vst v9  }
0x526: {  	v9 =	vbroadcast v7, $0x2;
	[tilespmem:s21+$0xFFFFFE70] =	vst v8;
	v8 =	vbroadcast v6, $0x2  }
0x527: {  	v10 =	vld [tilespmem:s12+$0xFFFFFF40];
	_ =	sdelay $0x4  }
0x528: {  	v11 =	vmul.f32 v10, v8;
	v10 =	vmul.f32 v10, v9;
	_ =	sdelay $0x1  }
0x529: {  	[tilespmem:s21+$0xFFFFFE80] =	vst v11  }
0x52a: {  	[tilespmem:s21+$0xFFFFFEA0] =	vst v10  }
0x52b: {  	v10 =	vld [tilespmem:s12+$0xFFFFFF50];
	_ =	sdelay $0x4  }
0x52c: {  	v8 =	vmul.f32 v10, v8;
	v9 =	vmul.f32 v10, v9  }
0x52d: {  	v11 =	vbroadcast v7, $0x3;
	v10 =	vbroadcast v6, $0x3  }
0x52e: {  	[tilespmem:s21+$0xFFFFFE90] =	vst v8  }
0x52f: {  	[tilespmem:s21+$0xFFFFFEB0] =	vst v9  }
0x530: {  	v8 =	vld [tilespmem:s12+$0xFFFFFF60];
	_ =	sdelay $0x4  }
0x531: {  	v9 =	vmul.f32 v8, v10;
	v8 =	vmul.f32 v8, v11;
	_ =	sdelay $0x1  }
0x532: {  	[tilespmem:s21+$0xFFFFFEC0] =	vst v9  }
0x533: {  	[tilespmem:s21+$0xFFFFFEE0] =	vst v8  }
0x534: {  	v8 =	vld [tilespmem:s12+$0xFFFFFF70];
	_ =	sdelay $0x3  }
0x535: {  	v12 =	vbroadcast v7, $0x4;
	v9 =	vbroadcast v6, $0x4  }
0x536: {  	v10 =	vmul.f32 v8, v10;
	v8 =	vmul.f32 v8, v11;
	_ =	sdelay $0x1  }
0x537: {  	[tilespmem:s21+$0xFFFFFED0] =	vst v10  }
0x538: {  	[tilespmem:s21+$0xFFFFFEF0] =	vst v8  }
0x539: {  	v8 =	vld [tilespmem:s12+$0xFFFFFF80];
	_ =	sdelay $0x4  }
0x53a: {  	v10 =	vmul.f32 v8, v9;
	v8 =	vmul.f32 v8, v12;
	_ =	sdelay $0x1  }
0x53b: {  	[tilespmem:s21+$0xFFFFFF00] =	vst v10  }
0x53c: {  	[tilespmem:s21+$0xFFFFFF20] =	vst v8  }
0x53d: {  	v8 =	vld [tilespmem:s12+$0xFFFFFF90];
	_ =	sdelay $0x1  }
0x53e: {  	v11 =	vbroadcast v7, $0x5;
	v10 =	vbroadcast v6, $0x5;
	_ =	sdelay $0x2  }
0x53f: {  	v9 =	vmul.f32 v8, v9;
	v8 =	vmul.f32 v8, v12;
	_ =	sdelay $0x1  }
0x540: {  	[tilespmem:s21+$0xFFFFFF10] =	vst v9  }
0x541: {  	[tilespmem:s21+$0xFFFFFF30] =	vst v8  }
0x542: {  	v8 =	vld [tilespmem:s12+$0xFFFFFFA0];
	_ =	sdelay $0x4  }
0x543: {  	v9 =	vmul.f32 v8, v10;
	v8 =	vmul.f32 v8, v11;
	_ =	sdelay $0x1  }
0x544: {  	[tilespmem:s21+$0xFFFFFF40] =	vst v9  }
0x545: {  	[tilespmem:s21+$0xFFFFFF60] =	vst v8  }
0x546: {  	v12 =	vbroadcast v7, $0x6;
	v9 =	vbroadcast v6, $0x6;
	v8 =	vld [tilespmem:s12+$0xFFFFFFB0];
	_ =	sdelay $0x4  }
0x547: {  	v10 =	vmul.f32 v8, v10;
	v8 =	vmul.f32 v8, v11;
	_ =	sdelay $0x1  }
0x548: {  	[tilespmem:s21+$0xFFFFFF50] =	vst v10  }
0x549: {  	[tilespmem:s21+$0xFFFFFF70] =	vst v8  }
0x54a: {  	v8 =	vld [tilespmem:s12+$0xFFFFFFC0];
	_ =	sdelay $0x4  }
0x54b: {  	v10 =	vmul.f32 v8, v9;
	v8 =	vmul.f32 v8, v12;
	_ =	sdelay $0x1  }
0x54c: {  	v11 =	vbroadcast v7, $0x7;
	[tilespmem:s21+$0xFFFFFF80] =	vst v10;
	v10 =	vbroadcast v6, $0x7  }
0x54d: {  	[tilespmem:s21+$0xFFFFFFA0] =	vst v8  }
0x54e: {  	v8 =	vld [tilespmem:s12+$0xFFFFFFD0];
	_ =	sdelay $0x4  }
0x54f: {  	v9 =	vmul.f32 v8, v9;
	v8 =	vmul.f32 v8, v12;
	_ =	sdelay $0x1  }
0x550: {  	[tilespmem:s21+$0xFFFFFF90] =	vst v9  }
0x551: {  	[tilespmem:s21+$0xFFFFFFB0] =	vst v8  }
0x552: {  	v8 =	vld [tilespmem:s12+$0xFFFFFFE0];
	_ =	sdelay $0x3  }
0x553: {  	v12 =	vbroadcast v7, $0x8;
	v9 =	vbroadcast v6, $0x8  }
0x554: {  	v13 =	vmul.f32 v8, v10;
	v8 =	vmul.f32 v8, v11;
	_ =	sdelay $0x1  }
0x555: {  	[tilespmem:s21+$0xFFFFFFC0] =	vst v13  }
0x556: {  	[tilespmem:s21+$0xFFFFFFE0] =	vst v8  }
0x557: {  	v8 =	vld [tilespmem:s12+$0xFFFFFFF0];
	_ =	sdelay $0x4  }
0x558: {  	v10 =	vmul.f32 v8, v10;
	v8 =	vmul.f32 v8, v11;
	_ =	sdelay $0x1  }
0x559: {  	[tilespmem:s21+$0xFFFFFFD0] =	vst v10  }
0x55a: {  	[tilespmem:s21+$0xFFFFFFF0] =	vst v8  }
0x55b: {  	v8 =	vld [tilespmem:s12+$0x0];
	_ =	sdelay $0x2  }
0x55c: {  	v11 =	vbroadcast v7, $0x9;
	v10 =	vbroadcast v6, $0x9;
	_ =	sdelay $0x1  }
0x55d: {  	v13 =	vmul.f32 v8, v9;
	v8 =	vmul.f32 v8, v12;
	_ =	sdelay $0x1  }
0x55e: {  	[tilespmem:s21+$0x0] =	vst v13  }
0x55f: {  	[tilespmem:s21+$0x20] =	vst v8  }
0x560: {  	v8 =	vld [tilespmem:s12+$0x10];
	_ =	sdelay $0x4  }
0x561: {  	v9 =	vmul.f32 v8, v9;
	v8 =	vmul.f32 v8, v12;
	_ =	sdelay $0x1  }
0x562: {  	[tilespmem:s21+$0x10] =	vst v9  }
0x563: {  	[tilespmem:s21+$0x30] =	vst v8  }
0x564: {  	v8 =	vld [tilespmem:s12+$0x20]  }
0x565: {  	v12 =	vbroadcast v7, $0xA;
	v9 =	vbroadcast v6, $0xA;
	_ =	sdelay $0x3  }
0x566: {  	v13 =	vmul.f32 v8, v10;
	v8 =	vmul.f32 v8, v11;
	_ =	sdelay $0x1  }
0x567: {  	[tilespmem:s21+$0x40] =	vst v13  }
0x568: {  	[tilespmem:s21+$0x60] =	vst v8  }
0x569: {  	v8 =	vld [tilespmem:s12+$0x30];
	_ =	sdelay $0x4  }
0x56a: {  	v10 =	vmul.f32 v8, v10;
	v8 =	vmul.f32 v8, v11;
	_ =	sdelay $0x1  }
0x56b: {  	[tilespmem:s21+$0x50] =	vst v10  }
0x56c: {  	v10 =	vbroadcast v7, $0xB;
	[tilespmem:s21+$0x70] =	vst v8;
	v8 =	vbroadcast v6, $0xB  }
0x56d: {  	v11 =	vld [tilespmem:s12+$0x40];
	_ =	sdelay $0x4  }
0x56e: {  	v13 =	vmul.f32 v11, v9;
	v11 =	vmul.f32 v11, v12;
	_ =	sdelay $0x1  }
0x56f: {  	[tilespmem:s21+$0x80] =	vst v13  }
0x570: {  	[tilespmem:s21+$0xA0] =	vst v11  }
0x571: {  	v11 =	vld [tilespmem:s12+$0x50];
	_ =	sdelay $0x4  }
0x572: {  	v9 =	vmul.f32 v11, v9;
	v11 =	vmul.f32 v11, v12  }
0x573: {  	v13 =	vbroadcast v7, $0xC;
	v12 =	vbroadcast v6, $0xC  }
0x574: {  	[tilespmem:s21+$0x90] =	vst v9  }
0x575: {  	[tilespmem:s21+$0xB0] =	vst v11  }
0x576: {  	v9 =	vld [tilespmem:s12+$0x60];
	_ =	sdelay $0x4  }
0x577: {  	v11 =	vmul.f32 v9, v8;
	v9 =	vmul.f32 v9, v10;
	_ =	sdelay $0x1  }
0x578: {  	[tilespmem:s21+$0xC0] =	vst v11  }
0x579: {  	[tilespmem:s21+$0xE0] =	vst v9  }
0x57a: {  	v9 =	vld [tilespmem:s12+$0x70];
	_ =	sdelay $0x3  }
0x57b: {  	v14 =	vbroadcast v7, $0xD;
	v11 =	vbroadcast v6, $0xD  }
0x57c: {  	v8 =	vmul.f32 v9, v8;
	v9 =	vmul.f32 v9, v10;
	_ =	sdelay $0x1  }
0x57d: {  	[tilespmem:s21+$0xD0] =	vst v8  }
0x57e: {  	[tilespmem:s21+$0xF0] =	vst v9  }
0x57f: {  	v8 =	vld [tilespmem:s12+$0x80];
	_ =	sdelay $0x4  }
0x580: {  	v9 =	vmul.f32 v8, v12;
	v8 =	vmul.f32 v8, v13;
	_ =	sdelay $0x1  }
0x581: {  	[tilespmem:s21+$0x100] =	vst v9  }
0x582: {  	[tilespmem:s21+$0x120] =	vst v8  }
0x583: {  	v10 =	vld [tilespmem:s12+$0x90];
	_ =	sdelay $0x1  }
0x584: {  	v9 =	vbroadcast v7, $0xE;
	v8 =	vbroadcast v6, $0xE;
	_ =	sdelay $0x2  }
0x585: {  	v12 =	vmul.f32 v10, v12;
	v10 =	vmul.f32 v10, v13;
	_ =	sdelay $0x1  }
0x586: {  	[tilespmem:s21+$0x110] =	vst v12  }
0x587: {  	[tilespmem:s21+$0x130] =	vst v10  }
0x588: {  	v10 =	vld [tilespmem:s12+$0xA0];
	_ =	sdelay $0x4  }
0x589: {  	v12 =	vmul.f32 v10, v11;
	v10 =	vmul.f32 v10, v14;
	_ =	sdelay $0x1  }
0x58a: {  	[tilespmem:s21+$0x140] =	vst v12  }
0x58b: {  	[tilespmem:s21+$0x160] =	vst v10  }
0x58c: {  	v7 =	vbroadcast v7, $0xF;
	v6 =	vbroadcast v6, $0xF;
	v10 =	vld [tilespmem:s12+$0xB0];
	_ =	sdelay $0x4  }
.Ltmp17:
0x58d: {  	v11 =	vmul.f32 v10, v11;
	v10 =	vmul.f32 v10, v14;
	(pc) =	sbr.rel @p1 .LBB2_25-.Ltmp17, $4  }
0x58e: {  	_ = 	snop  }
0x58f: {  	[tilespmem:s21+$0x150] =	vst v11  }
0x590: {  	[tilespmem:s21+$0x170] =	vst v10  }
0x591: {  	v10 =	vld [tilespmem:s12+$0xC0]  }
0x592: {  	_ =	sdelay $0x3  }
0x593: {  	v4 =	vmul.f32 v10, v8  }
0x594: {  	v5 =	vmul.f32 v10, v9  }
0x595: {  	[tilespmem:s22+$0x180] =	vst v4  }
0x596: {  	[tilespmem:s22+$0x1A0] =	vst v5  }
0x597: {  	v4 =	vld [tilespmem:s23+$0xD0];
	_ =	sdelay $0x4  }
0x598: {  	v5 =	vmul.f32 v4, v8  }
0x599: {  	v4 =	vmul.f32 v4, v9  }
0x59a: {  	[tilespmem:s22+$0x190] =	vst v5  }
0x59b: {  	[tilespmem:s22+$0x1B0] =	vst v4  }
0x59c: {  	v4 =	vld [tilespmem:s23+$0xE0];
	_ =	sdelay $0x4  }
0x59d: {  	v5 =	vmul.f32 v4, v6  }
0x59e: {  	v4 =	vmul.f32 v4, v7  }
0x59f: {  	[tilespmem:s22+$0x1C0] =	vst v5  }
0x5a0: {  	[tilespmem:s22+$0x1E0] =	vst v4  }
0x5a1: {  	v4 =	vld [tilespmem:s23+$0xF0];
	_ =	sdelay $0x4  }
.Ltmp18:
0x5a2: {  	v5 =	vmul.f32 v4, v6;
	(pc) =	sbr.rel @p2 .LBB2_28-.Ltmp18, $4  }
0x5a3: {  	s12 =	sshll.u32 s20, $0x7;
	v4 =	vmul.f32 v4, v7  }
0x5a4: {  	s12 =	sand.u32 $0x3FFFFF80, s12;
	[tilespmem:s22+$0x1D0] =	vst v5  }
0x5a5: {  	s12 =	sadd.s32 $0xB400, s12;
	[tilespmem:s22+$0x1F0] =	vst v4  }
0x5a6: {  	[spmem:s2] =	stream.indirect.scatter.add.f32 [tilespmem:s9], [sflag:$0x4], $0x40, s12, s8, $0xb8;
	[tilespmem:$0x1F600] =	vst v63  }
0x5a7: {  	v4 =	vld [tilespmem:s0+$0xA180];
	_ =	sdelay $0x4  }
0x5a8: {  	v4 =	vadd.s32 v3, v4  }
0x5a9: {  	[tilespmem:$0xF080] =	vst v4  }
0x5aa: {  	v4 =	vld [tilespmem:s0+$0xA190];
	_ =	sdelay $0x4  }
0x5ab: {  	v4 =	vadd.s32 v3, v4  }
0x5ac: {  	[tilespmem:$0xF090] =	vst v4  }
0x5ad: {  	v4 =	vld [tilespmem:s0+$0xA1A0];
	_ =	sdelay $0x4  }
0x5ae: {  	v4 =	vadd.s32 v3, v4  }
0x5af: {  	[tilespmem:$0xF0A0] =	vst v4  }
0x5b0: {  	v4 =	vld [tilespmem:s0+$0xA1B0];
	_ =	sdelay $0x4  }
0x5b1: {  	v4 =	vadd.s32 v3, v4  }
0x5b2: {  	[tilespmem:$0xF0B0] =	vst v4  }
0x5b3: {  	v4 =	vld [tilespmem:s0+$0xA1C0];
	_ =	sdelay $0x4  }
0x5b4: {  	v4 =	vadd.s32 v3, v4  }
0x5b5: {  	[tilespmem:$0xF0C0] =	vst v4  }
0x5b6: {  	v4 =	vld [tilespmem:s0+$0xA1D0];
	_ =	sdelay $0x4  }
0x5b7: {  	v4 =	vadd.s32 v3, v4  }
0x5b8: {  	[tilespmem:$0xF0D0] =	vst v4  }
0x5b9: {  	v4 =	vld [tilespmem:s0+$0xA1E0];
	_ =	sdelay $0x4  }
0x5ba: {  	v4 =	vadd.s32 v3, v4  }
0x5bb: {  	[tilespmem:$0xF0E0] =	vst v4  }
0x5bc: {  	v4 =	vld [tilespmem:s0+$0xA1F0];
	_ =	sdelay $0x2  }
.Ltmp19:
0x5bd: {  	_ = 	snop;
	(pc) =	sbr.rel .LBB2_22-.Ltmp19, $4  }
0x5be: {  	_ = 	snop  }
0x5bf: {  	s16 =	sadd.s32 $0x1, s16;
	s28 =	sadd.s32 $0x100, s28;
	v4 =	vadd.s32 v3, v4  }
0x5c0: {  	s29 =	sadd.s32 $0x100, s29;
	s30 =	sadd.s32 $0x100, s30;
	s31 =	sadd.s32 $0x100, s31;
	[tilespmem:$0xF0F0] =	vst v4  }
0x5c1: {  	[tilespmem:s4], [sflag:$0x2] =	stream.indirect.gather [hbm4b:s17+s8], $0x20, s26, s8, $0xb8;
	[tilespmem:$0x1F600] =	vst v63  }
.LBB2_30:
0x5c2: {  	_ =	sfence.sel $0x180000  }
0x5c3: {  	[bflag:$0x0] =	sbarrier.arrive $0xFFFF  }
0x5c4: {  	_ =	strace $0x90000047  }
0x5c5: {  	[bflag:$0x2] =	sbarrier.arrive $0xFFFF  }
0x5c6: {  	s0 =	rddreg [dreg:$0x5]  }
0x5c7: {  	s0 =	sadd.s32 @!p0 $0x100000, s0  }
0x5c8: {  	[sflag:s0] =	ssyncadd.tile.s32 @!p0 $0x1;
	_ =	shalt  }
.Lfunc_end2:
_tile_overlayer_lowered:
.L_overlay_start_2:
0x5c9: {  	(tag) =	ssettag $0x2  }
0x5ca: {  	s0 =	rddreg [dreg:$0x0];
	s2 =	stileid.u32  }
0x5cb: {  	s1 =	rddreg [dreg:$0x1];
	p0 =	sne.s32 s2, $0x0  }
0x5cc: {  	s3 =	rddreg [dreg:$0x2];
	[bflag:$0x3] =	sbarrier.arrive $0xFFFF;
	s2 =	simm.s32 @!p0 $0x1C05  }
0x5cd: {  	[timem:s3], [sflag:s2] =	dma.local @!p0 [hbm:s0], s1  }
0x5ce: {  	s0 =	simm.s32 @!p0 $0x5  }
0x5cf: {  	_ =	swait.ge @!p0 [sflag:s0], s1  }
0x5d0: {  	s1 =	ssub.s32 @!p0 $0x0, s1;
	[sflag:s0] =	ssyncset.done @!p0 $0x0  }
0x5d1: {  	[sflag:s0] =	ssyncadd.s32 @!p0 s1  }
0x5d2: {  	[bflag:$0x3] =	sbarrier.arrive $0xFFFF  }
0x5d3: {  	_ =	shalt  }

</sc_bundles>
